<compile_context>
chip_gen: v7x
topology: tpu7x:2x2x1
jax: 0.10.2.dev20260603
libtpu: 0.0.44.dev20260713+nightly
codegen_flags: <defaults>
</compile_context>

<pallas_src>
import functools

import jax
import jax.numpy as jnp
from jax import lax
from jax.experimental import pallas as pl
from jax.experimental.pallas import tpu as pltpu
from jax.experimental.pallas import tpu_sc as plsc

_K = 5
_LOCAL_BINS = 10
_TOTAL_BINS = _LOCAL_BINS * 2 * 2 * 2

_INF = float("inf")
_BIG_I = 2**31 - 1


def _knn_body(rowb_ref, colb_ref, idx_ref, bval, bidx, *, ncol, blk_c):
    j = pl.program_id(1)

    @pl.when(j == 0)
    def _init():
        bval[...] = jnp.full(bval.shape, _INF, jnp.float32)
        bidx[...] = jnp.full(bidx.shape, _BIG_I, jnp.int32)

    def _rb(v):
        return v.astype(jnp.bfloat16).astype(jnp.float32)

    xr = _rb(rowb_ref[:, 0:1])
    yr = _rb(rowb_ref[:, 1:2])
    zr = _rb(rowb_ref[:, 2:3])
    pr = rowb_ref[:, 3:4]
    xc = _rb(colb_ref[0:1, :])
    yc = _rb(colb_ref[1:2, :])
    zc = _rb(colb_ref[2:3, :])
    pc = colb_ref[3:4, :]
    d = (pr + pc) - 2.0 * (xr * xc + yr * yc + zr * zc)

    cols = jax.lax.broadcasted_iota(jnp.int32, (1, blk_c), 1) + j * blk_c

    bv = []
    bi = []
    for _ in range(_K):
        m = jnp.min(d, axis=1, keepdims=True)
        am = jnp.min(jnp.where(d == m, cols, _BIG_I), axis=1, keepdims=True)
        bv.append(m)
        bi.append(am)
        d = jnp.where(cols == am, jnp.inf, d)

    cv = jnp.concatenate([bval[...]] + bv, axis=1)
    ci = jnp.concatenate([bidx[...]] + bi, axis=1)
    nv = []
    ni = []
    for _ in range(_K):
        m = jnp.min(cv, axis=1, keepdims=True)
        am = jnp.min(jnp.where(cv == m, ci, _BIG_I), axis=1, keepdims=True)
        nv.append(m)
        ni.append(am)
        cv = jnp.where(ci == am, jnp.inf, cv)
    bval[...] = jnp.concatenate(nv, axis=1)
    bidx[...] = jnp.concatenate(ni, axis=1)

    @pl.when(j == ncol - 1)
    def _flush():
        idx_ref[...] = bidx[...]


def _knn_pallas(points, interpret=False, blk_r=256, blk_c=8192):
    n = points.shape[0]
    blk_r = min(blk_r, n)
    blk_c = min(blk_c, n)
    nrow = n // blk_r
    ncol = n // blk_c
    pn = jnp.sum(points * points, axis=-1)
    rowb = jnp.concatenate([points, pn[:, None]], axis=1)
    colb = jnp.concatenate([points.T, pn[None, :]], axis=0)
    body = functools.partial(_knn_body, ncol=ncol, blk_c=blk_c)
    return pl.pallas_call(
        body,
        grid=(nrow, ncol),
        in_specs=[
            pl.BlockSpec((blk_r, 4), lambda i, j: (i, 0)),
            pl.BlockSpec((4, blk_c), lambda i, j: (0, j)),
        ],
        out_specs=pl.BlockSpec((blk_r, _K), lambda i, j: (i, 0)),
        out_shape=jax.ShapeDtypeStruct((n, _K), jnp.int32),
        scratch_shapes=[
            pltpu.VMEM((blk_r, _K), jnp.float32),
            pltpu.VMEM((blk_r, _K), jnp.int32),
        ],
        interpret=interpret,
    )(rowb, colb)


_SWEEPS = 6
_JACOBI_PAIRS = [(0, 2), (2, 1), (0, 1)]


def _eigh3_body(cin_ref, vout_ref):
    A = [[None] * 3 for _ in range(3)]
    A[0][0] = cin_ref[0]
    A[0][1] = A[1][0] = cin_ref[1]
    A[0][2] = A[2][0] = cin_ref[2]
    A[1][1] = cin_ref[3]
    A[1][2] = A[2][1] = cin_ref[4]
    A[2][2] = cin_ref[5]
    one = jnp.ones_like(A[0][0])
    zero = jnp.zeros_like(A[0][0])
    V = [[one if i == j else zero for j in range(3)] for i in range(3)]

    for _ in range(_SWEEPS):
        for (p, q) in _JACOBI_PAIRS:
            r = 3 - p - q
            wpp, wqq, wpq = A[p][p], A[q][q], A[p][q]
            tau = (wqq - wpp) / (2.0 * wpq)
            t = jnp.sign(tau) / (jnp.abs(tau) + jnp.sqrt(1.0 + tau * tau))
            c = jax.lax.rsqrt(1.0 + t * t)
            s = t * c
            c = jnp.where(wpq == 0.0, 1.0, c)
            s = jnp.where(wpq == 0.0, 0.0, s)
            cc, ss, cs = c * c, s * s, c * s
            apr, aqr = A[p][r], A[q][r]
            new_pp = cc * wpp - 2.0 * cs * wpq + ss * wqq
            new_qq = ss * wpp + 2.0 * cs * wpq + cc * wqq
            new_pq = (cc - ss) * wpq + cs * (wpp - wqq)
            new_pr = c * apr - s * aqr
            new_qr = s * apr + c * aqr
            A[p][p] = new_pp
            A[q][q] = new_qq
            A[p][q] = A[q][p] = new_pq
            A[p][r] = A[r][p] = new_pr
            A[q][r] = A[r][q] = new_qr
            for i in range(3):
                vip, viq = V[i][p], V[i][q]
                V[i][p] = c * vip - s * viq
                V[i][q] = s * vip + c * viq

    e0, e1, e2 = A[0][0], A[1][1], A[2][2]
    evs = [e0, e1, e2]
    m01 = jnp.where(e1 < e0, 1, 0)
    em01 = jnp.where(e1 < e0, e1, e0)
    first = jnp.where(e2 < em01, 2, m01)
    m21 = jnp.where(e1 > e2, 1, 2)
    em21 = jnp.where(e1 > e2, e1, e2)
    last = jnp.where(e0 > em21, 0, m21)
    middle = 3 - first - last
    for j, ordj in enumerate((first, middle, last)):
        for i in range(3):
            col = jnp.where(ordj == 0, V[i][0],
                            jnp.where(ordj == 1, V[i][1], V[i][2]))
            vout_ref[3 * i + j] = col


def _eigh3_planes_pallas(planes, interpret=False):
    _, rows, _ = planes.shape
    vp = pl.pallas_call(
        _eigh3_body,
        out_shape=jax.ShapeDtypeStruct((9, rows, 128), jnp.float32),
        interpret=interpret,
    )(planes)
    return vp.reshape(9, rows * 128)


def _eigh3_pallas(cov, interpret=False):
    n = cov.shape[0]
    planes = jnp.stack([
        cov[:, 0, 0], cov[:, 0, 1], cov[:, 0, 2],
        cov[:, 1, 1], cov[:, 1, 2], cov[:, 2, 2],
    ]).reshape(6, n // 128, 128)
    return _eigh3_planes_pallas(planes, interpret).T.reshape(n, 3, 3)


def _sc_workers():
    try:
        info = plsc.get_sparse_core_info()
        return info.num_cores, info.num_subcores
    except Exception:
        return 2, 16


def _rb16(v):
    u = plsc.bitcast(v, jnp.int32)
    r = (u + 0x7FFF + ((u >> 16) & 1)) & jnp.int32(-65536)
    return plsc.bitcast(r, jnp.float32)


def _cov_sc(points, idx_sh):
    n = points.shape[0]
    nc, ns = _sc_workers()
    nw = nc * ns
    npts = n // nw
    nchunks = npts // 16
    pts_flat = points.T.reshape(3 * n)
    mesh = plsc.VectorSubcoreMesh(core_axis_name="c", subcore_axis_name="s")

    @functools.partial(
        pl.kernel, mesh=mesh,
        compiler_params=pltpu.CompilerParams(needs_layout_passes=False),
        out_type=(jax.ShapeDtypeStruct((nw * 6 * npts,), jnp.float32),
                  jax.ShapeDtypeStruct((nw * 15 * npts,), jnp.float32)),
        scratch_types=[
            pltpu.VMEM((n,), jnp.float32),
            pltpu.VMEM((n,), jnp.float32),
            pltpu.VMEM((n,), jnp.float32),
            pltpu.VMEM((5 * npts,), jnp.int32),
            pltpu.VMEM((6 * npts,), jnp.float32),
            pltpu.VMEM((15 * npts,), jnp.float32),
        ],
    )
    def k(pts_hbm, idx_hbm, cov_hbm, nbh_hbm, px, py, pz, idx_v, cov_v, nbh_v):
        wid = lax.axis_index("s") * nc + lax.axis_index("c")
        pltpu.sync_copy(pts_hbm.at[pl.ds(0, n)], px)
        pltpu.sync_copy(pts_hbm.at[pl.ds(n, n)], py)
        pltpu.sync_copy(pts_hbm.at[pl.ds(2 * n, n)], pz)
        pltpu.sync_copy(idx_hbm.at[pl.ds(wid * 5 * npts, 5 * npts)], idx_v)

        def chunk(ci, carry):
            o = ci * 16
            xs, ys, zs = [], [], []
            for kk in range(_K):
                idxk = idx_v[pl.ds(kk * npts + o, 16)]
                xk = plsc.load_gather(px, [idxk])
                yk = plsc.load_gather(py, [idxk])
                zk = plsc.load_gather(pz, [idxk])
                nbh_v[pl.ds((3 * kk + 0) * npts + o, 16)] = xk
                nbh_v[pl.ds((3 * kk + 1) * npts + o, 16)] = yk
                nbh_v[pl.ds((3 * kk + 2) * npts + o, 16)] = zk
                xs.append(xk)
                ys.append(yk)
                zs.append(zk)
            mx = (((xs[0] + xs[4]) + xs[2]) + (xs[1] + xs[3])) * 0.2
            my = (((ys[0] + ys[4]) + ys[2]) + (ys[1] + ys[3])) * 0.2
            mz = (((zs[0] + zs[4]) + zs[2]) + (zs[1] + zs[3])) * 0.2
            dx = [_rb16(x - mx) for x in xs]
            dy = [_rb16(y - my) for y in ys]
            dz = [_rb16(z - mz) for z in zs]

            def dot5(a, b):
                p = [a[i] * b[i] for i in range(_K)]
                return (((p[0] + p[1]) + (p[2] + p[3])) + p[4]) * 0.2

            cov_v[pl.ds(0 * npts + o, 16)] = dot5(dx, dx)
            cov_v[pl.ds(1 * npts + o, 16)] = dot5(dx, dy)
            cov_v[pl.ds(2 * npts + o, 16)] = dot5(dx, dz)
            cov_v[pl.ds(3 * npts + o, 16)] = dot5(dy, dy)
            cov_v[pl.ds(4 * npts + o, 16)] = dot5(dy, dz)
            cov_v[pl.ds(5 * npts + o, 16)] = dot5(dz, dz)
            return carry

        lax.fori_loop(0, nchunks, chunk, 0)
        pltpu.sync_copy(cov_v, cov_hbm.at[pl.ds(wid * 6 * npts, 6 * npts)])
        pltpu.sync_copy(nbh_v, nbh_hbm.at[pl.ds(wid * 15 * npts, 15 * npts)])

    return k(pts_flat, idx_sh.reshape(-1))


def _hist_sc(nbh_flat, idx_flat, lrfp):
    nc, ns = _sc_workers()
    nw = nc * ns
    npts = nbh_flat.shape[0] // (15 * nw)
    n = nw * npts
    nchunks = npts // 16
    nrm_flat = jnp.concatenate([lrfp[0], lrfp[3], lrfp[6]], axis=0)
    lrf_flat = lrfp.reshape(9, nw, npts).transpose(1, 0, 2).reshape(-1)
    mesh = plsc.VectorSubcoreMesh(core_axis_name="c", subcore_axis_name="s")

    @functools.partial(
        pl.kernel, mesh=mesh,
        compiler_params=pltpu.CompilerParams(needs_layout_passes=False),
        out_type=jax.ShapeDtypeStruct((n * _TOTAL_BINS,), jnp.float32),
        scratch_types=[
            pltpu.VMEM((n,), jnp.float32),
            pltpu.VMEM((n,), jnp.float32),
            pltpu.VMEM((n,), jnp.float32),
            pltpu.VMEM((5 * npts,), jnp.int32),
            pltpu.VMEM((15 * npts,), jnp.float32),
            pltpu.VMEM((9 * npts,), jnp.float32),
            pltpu.VMEM((16 * _TOTAL_BINS,), jnp.float32),
        ],
    )
    def k(nbh_hbm, idx_hbm, nrm_hbm, lrf_hbm, out_hbm,
          n0, n1, n2, idx_v, nbh_v, lrf_v, hist_v):
        wid = lax.axis_index("s") * nc + lax.axis_index("c")
        pltpu.sync_copy(nrm_hbm.at[pl.ds(0, n)], n0)
        pltpu.sync_copy(nrm_hbm.at[pl.ds(n, n)], n1)
        pltpu.sync_copy(nrm_hbm.at[pl.ds(2 * n, n)], n2)
        pltpu.sync_copy(idx_hbm.at[pl.ds(wid * 5 * npts, 5 * npts)], idx_v)
        pltpu.sync_copy(nbh_hbm.at[pl.ds(wid * 15 * npts, 15 * npts)], nbh_v)
        pltpu.sync_copy(lrf_hbm.at[pl.ds(wid * 9 * npts, 9 * npts)], lrf_v)

        zeros = jnp.zeros((16,), jnp.float32)
        ones = jnp.ones((16,), jnp.float32)
        lane = lax.iota(jnp.int32, 16)

        def chunk(ci, carry):
            o = ci * 16
            for b in range(_TOTAL_BINS):
                hist_v[pl.ds(b * 16, 16)] = zeros
            l = [lrf_v[pl.ds(p * npts + o, 16)] for p in range(9)]
            n0s = l[0]
            n1s = l[3]
            n2s = l[6]
            lb = [_rb16(v) for v in l]
            for kk in range(_K):
                idxk = idx_v[pl.ds(kk * npts + o, 16)]
                xk = _rb16(nbh_v[pl.ds((3 * kk + 0) * npts + o, 16)])
                yk = _rb16(nbh_v[pl.ds((3 * kk + 1) * npts + o, 16)])
                zk = _rb16(nbh_v[pl.ds((3 * kk + 2) * npts + o, 16)])
                p0 = xk * lb[0] + yk * lb[3] + zk * lb[6]
                p1 = xk * lb[1] + yk * lb[4] + zk * lb[7]
                p2 = xk * lb[2] + yk * lb[5] + zk * lb[8]
                ux = jnp.where(p0 >= 0.0, 4, 0)
                uy = jnp.where(p1 >= 0.0, 2, 0)
                uz = jnp.where(p2 >= 0.0, 1, 0)
                spatial = ux + uy + uz
                g0 = plsc.load_gather(n0, [idxk])
                g1 = plsc.load_gather(n1, [idxk])
                g2 = plsc.load_gather(n2, [idxk])
                cos = n0s * g0 + n1s * g1 + n2s * g2
                tval = _LOCAL_BINS * (cos + 1.0) / 2.0
                nid = tval.astype(jnp.int32)
                nid = jnp.minimum(jnp.maximum(nid, 0), _LOCAL_BINS - 1)
                binv = spatial * _LOCAL_BINS + nid
                flat = lane * _TOTAL_BINS + binv
                plsc.addupdate_scatter(hist_v, [flat], ones)
            pltpu.sync_copy(
                hist_v,
                out_hbm.at[pl.ds((wid * npts + o) * _TOTAL_BINS,
                                 16 * _TOTAL_BINS)])
            return carry

        lax.fori_loop(0, nchunks, chunk, 0)

    out = k(nbh_flat, idx_flat, nrm_flat, lrf_flat)
    return out.reshape(n, _TOTAL_BINS)


def kernel(points, batch):
    n = points.shape[0]
    nc, ns = _sc_workers()
    nw = nc * ns
    npts = n // nw
    nbh_idx = _knn_pallas(points)
    idx_sh = nbh_idx.T.reshape(_K, nw, npts).transpose(1, 0, 2).reshape(-1)
    cov_flat, nbh_flat = _cov_sc(points, idx_sh)
    covp = (cov_flat.reshape(nw, 6, npts).transpose(1, 0, 2)
            .reshape(6, n // 128, 128))
    lrfp = _eigh3_planes_pallas(covp)
    return _hist_sc(nbh_flat, idx_sh, lrfp)

# --- scband reference (transcript-rebuilt; emitter-appended) ---
"""Pipeline reference for scband-shotdescriptor-75041668596326 (READ-ONLY COPY).

The authoritative reference and input builder live on the scoring server;
editing this copy changes nothing except your own understanding.
"""

import jax, jax.numpy as jnp
import numpy as np

N = 32768
K = 5
LOCAL_BINS = 10
TOTAL_BINS = LOCAL_BINS * 2 * 2 * 2  # 80


def _knn_idx(points, k, chunk=1024):
    # mimics pytorch3d knn_points: self point included, ascending distance order
    n = points.shape[0]
    pn = jnp.sum(points * points, axis=-1)
    idx_list = []
    for s in range(0, n, chunk):
        block = points[s:s + chunk]
        d2 = pn[s:s + chunk][:, None] + pn[None, :] - 2.0 * (block @ points.T)
        _, ni = jax.lax.top_k(-d2, k)
        idx_list.append(ni)
    return jnp.concatenate(idx_list, axis=0)


def _local_coord_frames(points, nbh_idx):
    # mimics pytorch3d estimate_pointcloud_local_coord_frames:
    # covariance of K-NN neighborhood, eigh ascending -> columns are eigenvectors,
    # column 0 (smallest eigenvalue) is the normal direction
    nbh = points[nbh_idx]                      # [N, K, 3]
    mean = jnp.mean(nbh, axis=1, keepdims=True)
    diffs = nbh - mean
    cov = jnp.einsum('nki,nkj->nij', diffs, diffs) / nbh.shape[1]
    _, evecs = jnp.linalg.eigh(cov)            # [N, 3, 3], ascending eigenvalues
    return evecs


def setup_inputs(seed: int = 0):
    key = jax.random.key(seed)
    points = jax.random.normal(jax.random.fold_in(key, 0), (N, 3), dtype=jnp.float32)
    batch = jnp.zeros((N,), dtype=jnp.int32)   # single cloud
    return {"points": points, "batch": batch}


def reference(points, batch):
    # batch is all zeros -> exactly one point cloud; the per-cloud loop runs once
    nbh_idx = _knn_idx(points, K)              # [N, K]
    lrfs = _local_coord_frames(points, nbh_idx)  # [N, 3, 3]
    normals = lrfs[:, :, 0]                    # [N, 3]
    nbh = points[nbh_idx]                      # [N, K, 3]
    # torch.bmm(nbh, lrfs): project (uncentered) neighbor coords onto local frame
    nbh_proj = jnp.einsum('nki,nij->nkj', nbh, lrfs)  # [N, K, 3]
    upper_x = (nbh_proj[:, :, 0] >= 0).astype(jnp.int32)
    upper_y = (nbh_proj[:, :, 1] >= 0).astype(jnp.int32)
    upper_z = (nbh_proj[:, :, 2] >= 0).astype(jnp.int32)
    spatial_id = (upper_x << 2) + (upper_y << 1) + upper_z  # [N, K] in 0..7
    cos = jnp.sum(normals[:, None, :] * normals[nbh_idx], axis=-1)  # [N, K]
    normal_id = jnp.floor(LOCAL_BINS * (cos + 1.0) / 2.0)
    normal_id = jnp.clip(normal_id, 0, LOCAL_BINS - 1)
    bin_id = spatial_id.astype(jnp.float32) * LOCAL_BINS + normal_id  # [N, K]
    bin_idx = bin_id.astype(jnp.int32)
    rows = jnp.broadcast_to(jnp.arange(points.shape[0])[:, None], bin_idx.shape)
    # scatter_add(ones, bin_id, dim=-1, dim_size=TOTAL_BINS) -> per-point histogram
    shot = jnp.zeros((points.shape[0], TOTAL_BINS), jnp.float32).at[rows, bin_idx].add(1.0)
    return shot

if __name__ == "__main__":
    import jax
    _d = setup_inputs()
    print(jax.jit(kernel)(*tuple(_d.values())))

</pallas_src>

<mosaic_0001>
#map = affine_map<(d0, d1) -> (0)>
module attributes {stable_mosaic.version = 14 : i64} {
  func.func @k(%arg0: i32, %arg1: i32, %arg2: memref<98304xf32, #tpu.memory_space<hbm>>, %arg3: memref<163840xi32, #tpu.memory_space<hbm>>, %arg4: memref<196608xf32, #tpu.memory_space<hbm>>, %arg5: memref<491520xf32, #tpu.memory_space<hbm>>, %arg6: memref<32768xf32, #tpu.memory_space<vmem>>, %arg7: memref<32768xf32, #tpu.memory_space<vmem>>, %arg8: memref<32768xf32, #tpu.memory_space<vmem>>, %arg9: memref<5120xi32, #tpu.memory_space<vmem>>, %arg10: memref<6144xf32, #tpu.memory_space<vmem>>, %arg11: memref<15360xf32, #tpu.memory_space<vmem>>) attributes {dimension_semantics = [#tpu.dimension_semantics<core_parallel>, #tpu.dimension_semantics<subcore_parallel>], iteration_bounds = array<i64: 2, 16>, scalar_prefetch = 0 : i64, scratch_operands = 6 : i64, tpu.core_type = #tpu.core_type<sc_vector_subcore>, window_params = [{transform_indices = #map}, {transform_indices = #map}, {transform_indices = #map}, {transform_indices = #map}]} {
    %mul3A = arith.constant 2 : i32
    %mul3A_0 = arith.muli %arg1, %mul3A : i32
    %add3A = arith.addi %mul3A_0, %arg0 : i32
    "tpu.region"() ({
      %run_scoped3A = tpu.sem_alloc : memref<!tpu.dma_semaphore, #tpu.memory_space<semaphore_mem>>
      %dma_start3A = arith.constant 0 : i32
      %dma_start3A_18 = tpu.memref_slice %arg2[%dma_start3A] : memref<98304xf32, #tpu.memory_space<hbm>> -> memref<32768xf32, #tpu.memory_space<hbm>>
      %dma_start3A_19 = arith.constant 0 : i32
      %dma_start3A_20 = tpu.memref_slice %arg2[%dma_start3A_19] : memref<98304xf32, #tpu.memory_space<hbm>> -> memref<32768xf32, #tpu.memory_space<hbm>>
      tpu.enqueue_dma source(%dma_start3A_20 : memref<32768xf32, #tpu.memory_space<hbm>>) target(%arg6 : memref<32768xf32, #tpu.memory_space<vmem>>) target_semaphore(%run_scoped3A : memref<!tpu.dma_semaphore, #tpu.memory_space<semaphore_mem>>)
      %dma_wait3A = arith.constant 0 : i32
      %dma_wait3A_21 = tpu.memref_slice %arg2[%dma_wait3A] : memref<98304xf32, #tpu.memory_space<hbm>> -> memref<32768xf32, #tpu.memory_space<hbm>>
      %dma_wait3A_22 = arith.constant 0 : i32
      %dma_wait3A_23 = tpu.memref_slice %arg2[%dma_wait3A_22] : memref<98304xf32, #tpu.memory_space<hbm>> -> memref<32768xf32, #tpu.memory_space<hbm>>
      tpu.wait_dma2 semaphore(%run_scoped3A : memref<!tpu.dma_semaphore, #tpu.memory_space<semaphore_mem>>) src(%dma_wait3A_23 : memref<32768xf32, #tpu.memory_space<hbm>>) dst(%arg6 : memref<32768xf32, #tpu.memory_space<vmem>>)
      tpu.yield
    }) : () -> ()
    "tpu.region"() ({
      %run_scoped3A = tpu.sem_alloc : memref<!tpu.dma_semaphore, #tpu.memory_space<semaphore_mem>>
      %dma_start3A = arith.constant 32768 : i32
      %dma_start3A_18 = tpu.memref_slice %arg2[%dma_start3A] : memref<98304xf32, #tpu.memory_space<hbm>> -> memref<32768xf32, #tpu.memory_space<hbm>>
      %dma_start3A_19 = arith.constant 32768 : i32
      %dma_start3A_20 = tpu.memref_slice %arg2[%dma_start3A_19] : memref<98304xf32, #tpu.memory_space<hbm>> -> memref<32768xf32, #tpu.memory_space<hbm>>
      tpu.enqueue_dma source(%dma_start3A_20 : memref<32768xf32, #tpu.memory_space<hbm>>) target(%arg7 : memref<32768xf32, #tpu.memory_space<vmem>>) target_semaphore(%run_scoped3A : memref<!tpu.dma_semaphore, #tpu.memory_space<semaphore_mem>>)
      %dma_wait3A = arith.constant 32768 : i32
      %dma_wait3A_21 = tpu.memref_slice %arg2[%dma_wait3A] : memref<98304xf32, #tpu.memory_space<hbm>> -> memref<32768xf32, #tpu.memory_space<hbm>>
      %dma_wait3A_22 = arith.constant 32768 : i32
      %dma_wait3A_23 = tpu.memref_slice %arg2[%dma_wait3A_22] : memref<98304xf32, #tpu.memory_space<hbm>> -> memref<32768xf32, #tpu.memory_space<hbm>>
      tpu.wait_dma2 semaphore(%run_scoped3A : memref<!tpu.dma_semaphore, #tpu.memory_space<semaphore_mem>>) src(%dma_wait3A_23 : memref<32768xf32, #tpu.memory_space<hbm>>) dst(%arg7 : memref<32768xf32, #tpu.memory_space<vmem>>)
      tpu.yield
    }) : () -> ()
    "tpu.region"() ({
      %run_scoped3A = tpu.sem_alloc : memref<!tpu.dma_semaphore, #tpu.memory_space<semaphore_mem>>
      %dma_start3A = arith.constant 65536 : i32
      %dma_start3A_18 = tpu.memref_slice %arg2[%dma_start3A] : memref<98304xf32, #tpu.memory_space<hbm>> -> memref<32768xf32, #tpu.memory_space<hbm>>
      %dma_start3A_19 = arith.constant 65536 : i32
      %dma_start3A_20 = tpu.memref_slice %arg2[%dma_start3A_19] : memref<98304xf32, #tpu.memory_space<hbm>> -> memref<32768xf32, #tpu.memory_space<hbm>>
      tpu.enqueue_dma source(%dma_start3A_20 : memref<32768xf32, #tpu.memory_space<hbm>>) target(%arg8 : memref<32768xf32, #tpu.memory_space<vmem>>) target_semaphore(%run_scoped3A : memref<!tpu.dma_semaphore, #tpu.memory_space<semaphore_mem>>)
      %dma_wait3A = arith.constant 65536 : i32
      %dma_wait3A_21 = tpu.memref_slice %arg2[%dma_wait3A] : memref<98304xf32, #tpu.memory_space<hbm>> -> memref<32768xf32, #tpu.memory_space<hbm>>
      %dma_wait3A_22 = arith.constant 65536 : i32
      %dma_wait3A_23 = tpu.memref_slice %arg2[%dma_wait3A_22] : memref<98304xf32, #tpu.memory_space<hbm>> -> memref<32768xf32, #tpu.memory_space<hbm>>
      tpu.wait_dma2 semaphore(%run_scoped3A : memref<!tpu.dma_semaphore, #tpu.memory_space<semaphore_mem>>) src(%dma_wait3A_23 : memref<32768xf32, #tpu.memory_space<hbm>>) dst(%arg8 : memref<32768xf32, #tpu.memory_space<vmem>>)
      tpu.yield
    }) : () -> ()
    %mul3A_1 = arith.constant 5 : i32
    %mul3A_2 = arith.muli %add3A, %mul3A_1 : i32
    %mul3A_3 = arith.constant 1024 : i32
    %mul3A_4 = arith.muli %mul3A_2, %mul3A_3 : i32
    "tpu.region"() ({
      %run_scoped3A = tpu.sem_alloc : memref<!tpu.dma_semaphore, #tpu.memory_space<semaphore_mem>>
      %dma_start3A = tpu.memref_slice %arg3[%mul3A_4] : memref<163840xi32, #tpu.memory_space<hbm>> -> memref<5120xi32, #tpu.memory_space<hbm>>
      %dma_start3A_18 = tpu.memref_slice %arg3[%mul3A_4] : memref<163840xi32, #tpu.memory_space<hbm>> -> memref<5120xi32, #tpu.memory_space<hbm>>
      tpu.enqueue_dma source(%dma_start3A_18 : memref<5120xi32, #tpu.memory_space<hbm>>) target(%arg9 : memref<5120xi32, #tpu.memory_space<vmem>>) target_semaphore(%run_scoped3A : memref<!tpu.dma_semaphore, #tpu.memory_space<semaphore_mem>>)
      %dma_wait3A = tpu.memref_slice %arg3[%mul3A_4] : memref<163840xi32, #tpu.memory_space<hbm>> -> memref<5120xi32, #tpu.memory_space<hbm>>
      %dma_wait3A_19 = tpu.memref_slice %arg3[%mul3A_4] : memref<163840xi32, #tpu.memory_space<hbm>> -> memref<5120xi32, #tpu.memory_space<hbm>>
      tpu.wait_dma2 semaphore(%run_scoped3A : memref<!tpu.dma_semaphore, #tpu.memory_space<semaphore_mem>>) src(%dma_wait3A_19 : memref<5120xi32, #tpu.memory_space<hbm>>) dst(%arg9 : memref<5120xi32, #tpu.memory_space<vmem>>)
      tpu.yield
    }) : () -> ()
    %scan3A = arith.constant 0 : i32
    %scan3A_5 = arith.constant 0 : i32
    %scan3A_6 = arith.constant 64 : i32
    %scan3A_7 = arith.addi %scan3A_5, %scan3A_6 : i32
    %scan3A_8 = arith.constant 1 : i32
    scf.for %scan3A_18 = %scan3A_5 to %scan3A_7 step %scan3A_8  : i32 {
      %mul3A_19 = arith.constant 16 : i32
      %mul3A_20 = arith.muli %scan3A_18, %mul3A_19 : i32
      %add3A_21 = arith.constant 0 : i32
      %add3A_22 = arith.addi %add3A_21, %mul3A_20 : i32
      %get3A = arith.index_cast %add3A_22 : i32 to index
      %get3A_23 = tpu.vector_load %arg9[%get3A] {strides = array<i32>} : memref<5120xi32, #tpu.memory_space<vmem>>, vector<16xi32>,
      %gather3A = tpu.vector_load_idx %arg6[%get3A_23] : memref<32768xf32, #tpu.memory_space<vmem>>[vector<16xi32>], vector<16xf32>,
      %gather3A_24 = tpu.vector_load_idx %arg7[%get3A_23] : memref<32768xf32, #tpu.memory_space<vmem>>[vector<16xi32>], vector<16xf32>,
      %gather3A_25 = tpu.vector_load_idx %arg8[%get3A_23] : memref<32768xf32, #tpu.memory_space<vmem>>[vector<16xi32>], vector<16xf32>,
      %add3A_26 = arith.constant 0 : i32
      %add3A_27 = arith.addi %add3A_26, %mul3A_20 : i32
      %swap3A = arith.index_cast %add3A_27 : i32 to index
      %swap3A_28 = tpu.vector_load %arg11[%swap3A] {strides = array<i32>} : memref<15360xf32, #tpu.memory_space<vmem>>, vector<16xf32>,
      tpu.vector_store %arg11[%swap3A], %gather3A {strides = array<i32>} : memref<15360xf32, #tpu.memory_space<vmem>>, vector<16xf32>,
      %add3A_29 = arith.constant 1024 : i32
      %add3A_30 = arith.addi %add3A_29, %mul3A_20 : i32
      %swap3A_31 = arith.index_cast %add3A_30 : i32 to index
      %swap3A_32 = tpu.vector_load %arg11[%swap3A_31] {strides = array<i32>} : memref<15360xf32, #tpu.memory_space<vmem>>, vector<16xf32>,
      tpu.vector_store %arg11[%swap3A_31], %gather3A_24 {strides = array<i32>} : memref<15360xf32, #tpu.memory_space<vmem>>, vector<16xf32>,
      %add3A_33 = arith.constant 2048 : i32
      %add3A_34 = arith.addi %add3A_33, %mul3A_20 : i32
      %swap3A_35 = arith.index_cast %add3A_34 : i32 to index
      %swap3A_36 = tpu.vector_load %arg11[%swap3A_35] {strides = array<i32>} : memref<15360xf32, #tpu.memory_space<vmem>>, vector<16xf32>,
      tpu.vector_store %arg11[%swap3A_35], %gather3A_25 {strides = array<i32>} : memref<15360xf32, #tpu.memory_space<vmem>>, vector<16xf32>,
      %add3A_37 = arith.constant 1024 : i32
      %add3A_38 = arith.addi %add3A_37, %mul3A_20 : i32
      %get3A_39 = arith.index_cast %add3A_38 : i32 to index
      %get3A_40 = tpu.vector_load %arg9[%get3A_39] {strides = array<i32>} : memref<5120xi32, #tpu.memory_space<vmem>>, vector<16xi32>,
      %gather3A_41 = tpu.vector_load_idx %arg6[%get3A_40] : memref<32768xf32, #tpu.memory_space<vmem>>[vector<16xi32>], vector<16xf32>,
      %gather3A_42 = tpu.vector_load_idx %arg7[%get3A_40] : memref<32768xf32, #tpu.memory_space<vmem>>[vector<16xi32>], vector<16xf32>,
      %gather3A_43 = tpu.vector_load_idx %arg8[%get3A_40] : memref<32768xf32, #tpu.memory_space<vmem>>[vector<16xi32>], vector<16xf32>,
      %add3A_44 = arith.constant 3072 : i32
      %add3A_45 = arith.addi %add3A_44, %mul3A_20 : i32
      %swap3A_46 = arith.index_cast %add3A_45 : i32 to index
      %swap3A_47 = tpu.vector_load %arg11[%swap3A_46] {strides = array<i32>} : memref<15360xf32, #tpu.memory_space<vmem>>, vector<16xf32>,
      tpu.vector_store %arg11[%swap3A_46], %gather3A_41 {strides = array<i32>} : memref<15360xf32, #tpu.memory_space<vmem>>, vector<16xf32>,
      %add3A_48 = arith.constant 4096 : i32
      %add3A_49 = arith.addi %add3A_48, %mul3A_20 : i32
      %swap3A_50 = arith.index_cast %add3A_49 : i32 to index
      %swap3A_51 = tpu.vector_load %arg11[%swap3A_50] {strides = array<i32>} : memref<15360xf32, #tpu.memory_space<vmem>>, vector<16xf32>,
      tpu.vector_store %arg11[%swap3A_50], %gather3A_42 {strides = array<i32>} : memref<15360xf32, #tpu.memory_space<vmem>>, vector<16xf32>,
      %add3A_52 = arith.constant 5120 : i32
      %add3A_53 = arith.addi %add3A_52, %mul3A_20 : i32
      %swap3A_54 = arith.index_cast %add3A_53 : i32 to index
      %swap3A_55 = tpu.vector_load %arg11[%swap3A_54] {strides = array<i32>} : memref<15360xf32, #tpu.memory_space<vmem>>, vector<16xf32>,
      tpu.vector_store %arg11[%swap3A_54], %gather3A_43 {strides = array<i32>} : memref<15360xf32, #tpu.memory_space<vmem>>, vector<16xf32>,
      %add3A_56 = arith.constant 2048 : i32
      %add3A_57 = arith.addi %add3A_56, %mul3A_20 : i32
      %get3A_58 = arith.index_cast %add3A_57 : i32 to index
      %get3A_59 = tpu.vector_load %arg9[%get3A_58] {strides = array<i32>} : memref<5120xi32, #tpu.memory_space<vmem>>, vector<16xi32>,
      %gather3A_60 = tpu.vector_load_idx %arg6[%get3A_59] : memref<32768xf32, #tpu.memory_space<vmem>>[vector<16xi32>], vector<16xf32>,
      %gather3A_61 = tpu.vector_load_idx %arg7[%get3A_59] : memref<32768xf32, #tpu.memory_space<vmem>>[vector<16xi32>], vector<16xf32>,
      %gather3A_62 = tpu.vector_load_idx %arg8[%get3A_59] : memref<32768xf32, #tpu.memory_space<vmem>>[vector<16xi32>], vector<16xf32>,
      %add3A_63 = arith.constant 6144 : i32
      %add3A_64 = arith.addi %add3A_63, %mul3A_20 : i32
      %swap3A_65 = arith.index_cast %add3A_64 : i32 to index
      %swap3A_66 = tpu.vector_load %arg11[%swap3A_65] {strides = array<i32>} : memref<15360xf32, #tpu.memory_space<vmem>>, vector<16xf32>,
      tpu.vector_store %arg11[%swap3A_65], %gather3A_60 {strides = array<i32>} : memref<15360xf32, #tpu.memory_space<vmem>>, vector<16xf32>,
      %add3A_67 = arith.constant 7168 : i32
      %add3A_68 = arith.addi %add3A_67, %mul3A_20 : i32
      %swap3A_69 = arith.index_cast %add3A_68 : i32 to index
      %swap3A_70 = tpu.vector_load %arg11[%swap3A_69] {strides = array<i32>} : memref<15360xf32, #tpu.memory_space<vmem>>, vector<16xf32>,
      tpu.vector_store %arg11[%swap3A_69], %gather3A_61 {strides = array<i32>} : memref<15360xf32, #tpu.memory_space<vmem>>, vector<16xf32>,
      %add3A_71 = arith.constant 8192 : i32
      %add3A_72 = arith.addi %add3A_71, %mul3A_20 : i32
      %swap3A_73 = arith.index_cast %add3A_72 : i32 to index
      %swap3A_74 = tpu.vector_load %arg11[%swap3A_73] {strides = array<i32>} : memref<15360xf32, #tpu.memory_space<vmem>>, vector<16xf32>,
      tpu.vector_store %arg11[%swap3A_73], %gather3A_62 {strides = array<i32>} : memref<15360xf32, #tpu.memory_space<vmem>>, vector<16xf32>,
      %add3A_75 = arith.constant 3072 : i32
      %add3A_76 = arith.addi %add3A_75, %mul3A_20 : i32
      %get3A_77 = arith.index_cast %add3A_76 : i32 to index
      %get3A_78 = tpu.vector_load %arg9[%get3A_77] {strides = array<i32>} : memref<5120xi32, #tpu.memory_space<vmem>>, vector<16xi32>,
      %gather3A_79 = tpu.vector_load_idx %arg6[%get3A_78] : memref<32768xf32, #tpu.memory_space<vmem>>[vector<16xi32>], vector<16xf32>,
      %gather3A_80 = tpu.vector_load_idx %arg7[%get3A_78] : memref<32768xf32, #tpu.memory_space<vmem>>[vector<16xi32>], vector<16xf32>,
      %gather3A_81 = tpu.vector_load_idx %arg8[%get3A_78] : memref<32768xf32, #tpu.memory_space<vmem>>[vector<16xi32>], vector<16xf32>,
      %add3A_82 = arith.constant 9216 : i32
      %add3A_83 = arith.addi %add3A_82, %mul3A_20 : i32
      %swap3A_84 = arith.index_cast %add3A_83 : i32 to index
      %swap3A_85 = tpu.vector_load %arg11[%swap3A_84] {strides = array<i32>} : memref<15360xf32, #tpu.memory_space<vmem>>, vector<16xf32>,
      tpu.vector_store %arg11[%swap3A_84], %gather3A_79 {strides = array<i32>} : memref<15360xf32, #tpu.memory_space<vmem>>, vector<16xf32>,
      %add3A_86 = arith.constant 10240 : i32
      %add3A_87 = arith.addi %add3A_86, %mul3A_20 : i32
      %swap3A_88 = arith.index_cast %add3A_87 : i32 to index
      %swap3A_89 = tpu.vector_load %arg11[%swap3A_88] {strides = array<i32>} : memref<15360xf32, #tpu.memory_space<vmem>>, vector<16xf32>,
      tpu.vector_store %arg11[%swap3A_88], %gather3A_80 {strides = array<i32>} : memref<15360xf32, #tpu.memory_space<vmem>>, vector<16xf32>,
      %add3A_90 = arith.constant 11264 : i32
      %add3A_91 = arith.addi %add3A_90, %mul3A_20 : i32
      %swap3A_92 = arith.index_cast %add3A_91 : i32 to index
      %swap3A_93 = tpu.vector_load %arg11[%swap3A_92] {strides = array<i32>} : memref<15360xf32, #tpu.memory_space<vmem>>, vector<16xf32>,
      tpu.vector_store %arg11[%swap3A_92], %gather3A_81 {strides = array<i32>} : memref<15360xf32, #tpu.memory_space<vmem>>, vector<16xf32>,
      %add3A_94 = arith.constant 4096 : i32
      %add3A_95 = arith.addi %add3A_94, %mul3A_20 : i32
      %get3A_96 = arith.index_cast %add3A_95 : i32 to index
      %get3A_97 = tpu.vector_load %arg9[%get3A_96] {strides = array<i32>} : memref<5120xi32, #tpu.memory_space<vmem>>, vector<16xi32>,
      %gather3A_98 = tpu.vector_load_idx %arg6[%get3A_97] : memref<32768xf32, #tpu.memory_space<vmem>>[vector<16xi32>], vector<16xf32>,
      %gather3A_99 = tpu.vector_load_idx %arg7[%get3A_97] : memref<32768xf32, #tpu.memory_space<vmem>>[vector<16xi32>], vector<16xf32>,
      %gather3A_100 = tpu.vector_load_idx %arg8[%get3A_97] : memref<32768xf32, #tpu.memory_space<vmem>>[vector<16xi32>], vector<16xf32>,
      %add3A_101 = arith.constant 12288 : i32
      %add3A_102 = arith.addi %add3A_101, %mul3A_20 : i32
      %swap3A_103 = arith.index_cast %add3A_102 : i32 to index
      %swap3A_104 = tpu.vector_load %arg11[%swap3A_103] {strides = array<i32>} : memref<15360xf32, #tpu.memory_space<vmem>>, vector<16xf32>,
      tpu.vector_store %arg11[%swap3A_103], %gather3A_98 {strides = array<i32>} : memref<15360xf32, #tpu.memory_space<vmem>>, vector<16xf32>,
      %add3A_105 = arith.constant 13312 : i32
      %add3A_106 = arith.addi %add3A_105, %mul3A_20 : i32
      %swap3A_107 = arith.index_cast %add3A_106 : i32 to index
      %swap3A_108 = tpu.vector_load %arg11[%swap3A_107] {strides = array<i32>} : memref<15360xf32, #tpu.memory_space<vmem>>, vector<16xf32>,
      tpu.vector_store %arg11[%swap3A_107], %gather3A_99 {strides = array<i32>} : memref<15360xf32, #tpu.memory_space<vmem>>, vector<16xf32>,
      %add3A_109 = arith.constant 14336 : i32
      %add3A_110 = arith.addi %add3A_109, %mul3A_20 : i32
      %swap3A_111 = arith.index_cast %add3A_110 : i32 to index
      %swap3A_112 = tpu.vector_load %arg11[%swap3A_111] {strides = array<i32>} : memref<15360xf32, #tpu.memory_space<vmem>>, vector<16xf32>,
      tpu.vector_store %arg11[%swap3A_111], %gather3A_100 {strides = array<i32>} : memref<15360xf32, #tpu.memory_space<vmem>>, vector<16xf32>,
      %add3A_113 = arith.addf %gather3A, %gather3A_98 : vector<16xf32>
      %add3A_114 = arith.addf %add3A_113, %gather3A_60 : vector<16xf32>
      %add3A_115 = arith.addf %gather3A_41, %gather3A_79 : vector<16xf32>
      %add3A_116 = arith.addf %add3A_114, %add3A_115 : vector<16xf32>
      %mul3A_117 = arith.constant 2.000000e-01 : f32
      %mul3A_118 = vector.broadcast %mul3A_117 : f32 to vector<16xf32>
      %mul3A_119 = arith.mulf %add3A_116, %mul3A_118 : vector<16xf32>
      %add3A_120 = arith.addf %gather3A_24, %gather3A_99 : vector<16xf32>
      %add3A_121 = arith.addf %add3A_120, %gather3A_61 : vector<16xf32>
      %add3A_122 = arith.addf %gather3A_42, %gather3A_80 : vector<16xf32>
      %add3A_123 = arith.addf %add3A_121, %add3A_122 : vector<16xf32>
      %mul3A_124 = arith.constant 2.000000e-01 : f32
      %mul3A_125 = vector.broadcast %mul3A_124 : f32 to vector<16xf32>
      %mul3A_126 = arith.mulf %add3A_123, %mul3A_125 : vector<16xf32>
      %add3A_127 = arith.addf %gather3A_25, %gather3A_100 : vector<16xf32>
      %add3A_128 = arith.addf %add3A_127, %gather3A_62 : vector<16xf32>
      %add3A_129 = arith.addf %gather3A_43, %gather3A_81 : vector<16xf32>
      %add3A_130 = arith.addf %add3A_128, %add3A_129 : vector<16xf32>
      %mul3A_131 = arith.constant 2.000000e-01 : f32
      %mul3A_132 = vector.broadcast %mul3A_131 : f32 to vector<16xf32>
      %mul3A_133 = arith.mulf %add3A_130, %mul3A_132 : vector<16xf32>
      %sub3A = arith.subf %gather3A, %mul3A_119 : vector<16xf32>
      %bitcast3A = vector.bitcast %sub3A : vector<16xf32> to vector<16xi32>
      %add3A_134 = arith.constant 32767 : i32
      %add3A_135 = vector.broadcast %add3A_134 : i32 to vector<16xi32>
      %add3A_136 = arith.addi %bitcast3A, %add3A_135 : vector<16xi32>
      %shift_right_arithmetic3A = arith.constant 16 : i32
      %shift_right_arithmetic3A_137 = vector.broadcast %shift_right_arithmetic3A : i32 to vector<16xi32>
      %shift_right_arithmetic3A_138 = arith.shrsi %bitcast3A, %shift_right_arithmetic3A_137 : vector<16xi32>
      %and3A = arith.constant 1 : i32
      %and3A_139 = vector.broadcast %and3A : i32 to vector<16xi32>
      %and3A_140 = arith.andi %shift_right_arithmetic3A_138, %and3A_139 : vector<16xi32>
      %add3A_141 = arith.addi %add3A_136, %and3A_140 : vector<16xi32>
      %and3A_142 = arith.constant -65536 : i32
      %and3A_143 = vector.broadcast %and3A_142 : i32 to vector<16xi32>
      %and3A_144 = arith.andi %add3A_141, %and3A_143 : vector<16xi32>
      %bitcast3A_145 = vector.bitcast %and3A_144 : vector<16xi32> to vector<16xf32>
      %sub3A_146 = arith.subf %gather3A_41, %mul3A_119 : vector<16xf32>
      %bitcast3A_147 = vector.bitcast %sub3A_146 : vector<16xf32> to vector<16xi32>
      %add3A_148 = arith.constant 32767 : i32
      %add3A_149 = vector.broadcast %add3A_148 : i32 to vector<16xi32>
      %add3A_150 = arith.addi %bitcast3A_147, %add3A_149 : vector<16xi32>
      %shift_right_arithmetic3A_151 = arith.constant 16 : i32
      %shift_right_arithmetic3A_152 = vector.broadcast %shift_right_arithmetic3A_151 : i32 to vector<16xi32>
      %shift_right_arithmetic3A_153 = arith.shrsi %bitcast3A_147, %shift_right_arithmetic3A_152 : vector<16xi32>
      %and3A_154 = arith.constant 1 : i32
      %and3A_155 = vector.broadcast %and3A_154 : i32 to vector<16xi32>
      %and3A_156 = arith.andi %shift_right_arithmetic3A_153, %and3A_155 : vector<16xi32>
      %add3A_157 = arith.addi %add3A_150, %and3A_156 : vector<16xi32>
      %and3A_158 = arith.constant -65536 : i32
      %and3A_159 = vector.broadcast %and3A_158 : i32 to vector<16xi32>
      %and3A_160 = arith.andi %add3A_157, %and3A_159 : vector<16xi32>
      %bitcast3A_161 = vector.bitcast %and3A_160 : vector<16xi32> to vector<16xf32>
      %sub3A_162 = arith.subf %gather3A_60, %mul3A_119 : vector<16xf32>
      %bitcast3A_163 = vector.bitcast %sub3A_162 : vector<16xf32> to vector<16xi32>
      %add3A_164 = arith.constant 32767 : i32
      %add3A_165 = vector.broadcast %add3A_164 : i32 to vector<16xi32>
      %add3A_166 = arith.addi %bitcast3A_163, %add3A_165 : vector<16xi32>
      %shift_right_arithmetic3A_167 = arith.constant 16 : i32
      %shift_right_arithmetic3A_168 = vector.broadcast %shift_right_arithmetic3A_167 : i32 to vector<16xi32>
      %shift_right_arithmetic3A_169 = arith.shrsi %bitcast3A_163, %shift_right_arithmetic3A_168 : vector<16xi32>
      %and3A_170 = arith.constant 1 : i32
      %and3A_171 = vector.broadcast %and3A_170 : i32 to vector<16xi32>
      %and3A_172 = arith.andi %shift_right_arithmetic3A_169, %and3A_171 : vector<16xi32>
      %add3A_173 = arith.addi %add3A_166, %and3A_172 : vector<16xi32>
      %and3A_174 = arith.constant -65536 : i32
      %and3A_175 = vector.broadcast %and3A_174 : i32 to vector<16xi32>
      %and3A_176 = arith.andi %add3A_173, %and3A_175 : vector<16xi32>
      %bitcast3A_177 = vector.bitcast %and3A_176 : vector<16xi32> to vector<16xf32>
      %sub3A_178 = arith.subf %gather3A_79, %mul3A_119 : vector<16xf32>
      %bitcast3A_179 = vector.bitcast %sub3A_178 : vector<16xf32> to vector<16xi32>
      %add3A_180 = arith.constant 32767 : i32
      %add3A_181 = vector.broadcast %add3A_180 : i32 to vector<16xi32>
      %add3A_182 = arith.addi %bitcast3A_179, %add3A_181 : vector<16xi32>
      %shift_right_arithmetic3A_183 = arith.constant 16 : i32
      %shift_right_arithmetic3A_184 = vector.broadcast %shift_right_arithmetic3A_183 : i32 to vector<16xi32>
      %shift_right_arithmetic3A_185 = arith.shrsi %bitcast3A_179, %shift_right_arithmetic3A_184 : vector<16xi32>
      %and3A_186 = arith.constant 1 : i32
      %and3A_187 = vector.broadcast %and3A_186 : i32 to vector<16xi32>
      %and3A_188 = arith.andi %shift_right_arithmetic3A_185, %and3A_187 : vector<16xi32>
      %add3A_189 = arith.addi %add3A_182, %and3A_188 : vector<16xi32>
      %and3A_190 = arith.constant -65536 : i32
      %and3A_191 = vector.broadcast %and3A_190 : i32 to vector<16xi32>
      %and3A_192 = arith.andi %add3A_189, %and3A_191 : vector<16xi32>
      %bitcast3A_193 = vector.bitcast %and3A_192 : vector<16xi32> to vector<16xf32>
      %sub3A_194 = arith.subf %gather3A_98, %mul3A_119 : vector<16xf32>
      %bitcast3A_195 = vector.bitcast %sub3A_194 : vector<16xf32> to vector<16xi32>
      %add3A_196 = arith.constant 32767 : i32
      %add3A_197 = vector.broadcast %add3A_196 : i32 to vector<16xi32>
      %add3A_198 = arith.addi %bitcast3A_195, %add3A_197 : vector<16xi32>
      %shift_right_arithmetic3A_199 = arith.constant 16 : i32
      %shift_right_arithmetic3A_200 = vector.broadcast %shift_right_arithmetic3A_199 : i32 to vector<16xi32>
      %shift_right_arithmetic3A_201 = arith.shrsi %bitcast3A_195, %shift_right_arithmetic3A_200 : vector<16xi32>
      %and3A_202 = arith.constant 1 : i32
      %and3A_203 = vector.broadcast %and3A_202 : i32 to vector<16xi32>
      %and3A_204 = arith.andi %shift_right_arithmetic3A_201, %and3A_203 : vector<16xi32>
      %add3A_205 = arith.addi %add3A_198, %and3A_204 : vector<16xi32>
      %and3A_206 = arith.constant -65536 : i32
      %and3A_207 = vector.broadcast %and3A_206 : i32 to vector<16xi32>
      %and3A_208 = arith.andi %add3A_205, %and3A_207 : vector<16xi32>
      %bitcast3A_209 = vector.bitcast %and3A_208 : vector<16xi32> to vector<16xf32>
      %sub3A_210 = arith.subf %gather3A_24, %mul3A_126 : vector<16xf32>
      %bitcast3A_211 = vector.bitcast %sub3A_210 : vector<16xf32> to vector<16xi32>
      %add3A_212 = arith.constant 32767 : i32
      %add3A_213 = vector.broadcast %add3A_212 : i32 to vector<16xi32>
      %add3A_214 = arith.addi %bitcast3A_211, %add3A_213 : vector<16xi32>
      %shift_right_arithmetic3A_215 = arith.constant 16 : i32
      %shift_right_arithmetic3A_216 = vector.broadcast %shift_right_arithmetic3A_215 : i32 to vector<16xi32>
      %shift_right_arithmetic3A_217 = arith.shrsi %bitcast3A_211, %shift_right_arithmetic3A_216 : vector<16xi32>
      %and3A_218 = arith.constant 1 : i32
      %and3A_219 = vector.broadcast %and3A_218 : i32 to vector<16xi32>
      %and3A_220 = arith.andi %shift_right_arithmetic3A_217, %and3A_219 : vector<16xi32>
      %add3A_221 = arith.addi %add3A_214, %and3A_220 : vector<16xi32>
      %and3A_222 = arith.constant -65536 : i32
      %and3A_223 = vector.broadcast %and3A_222 : i32 to vector<16xi32>
      %and3A_224 = arith.andi %add3A_221, %and3A_223 : vector<16xi32>
      %bitcast3A_225 = vector.bitcast %and3A_224 : vector<16xi32> to vector<16xf32>
      %sub3A_226 = arith.subf %gather3A_42, %mul3A_126 : vector<16xf32>
      %bitcast3A_227 = vector.bitcast %sub3A_226 : vector<16xf32> to vector<16xi32>
      %add3A_228 = arith.constant 32767 : i32
      %add3A_229 = vector.broadcast %add3A_228 : i32 to vector<16xi32>
      %add3A_230 = arith.addi %bitcast3A_227, %add3A_229 : vector<16xi32>
      %shift_right_arithmetic3A_231 = arith.constant 16 : i32
      %shift_right_arithmetic3A_232 = vector.broadcast %shift_right_arithmetic3A_231 : i32 to vector<16xi32>
      %shift_right_arithmetic3A_233 = arith.shrsi %bitcast3A_227, %shift_right_arithmetic3A_232 : vector<16xi32>
      %and3A_234 = arith.constant 1 : i32
      %and3A_235 = vector.broadcast %and3A_234 : i32 to vector<16xi32>
      %and3A_236 = arith.andi %shift_right_arithmetic3A_233, %and3A_235 : vector<16xi32>
      %add3A_237 = arith.addi %add3A_230, %and3A_236 : vector<16xi32>
      %and3A_238 = arith.constant -65536 : i32
      %and3A_239 = vector.broadcast %and3A_238 : i32 to vector<16xi32>
      %and3A_240 = arith.andi %add3A_237, %and3A_239 : vector<16xi32>
      %bitcast3A_241 = vector.bitcast %and3A_240 : vector<16xi32> to vector<16xf32>
      %sub3A_242 = arith.subf %gather3A_61, %mul3A_126 : vector<16xf32>
      %bitcast3A_243 = vector.bitcast %sub3A_242 : vector<16xf32> to vector<16xi32>
      %add3A_244 = arith.constant 32767 : i32
      %add3A_245 = vector.broadcast %add3A_244 : i32 to vector<16xi32>
      %add3A_246 = arith.addi %bitcast3A_243, %add3A_245 : vector<16xi32>
      %shift_right_arithmetic3A_247 = arith.constant 16 : i32
      %shift_right_arithmetic3A_248 = vector.broadcast %shift_right_arithmetic3A_247 : i32 to vector<16xi32>
      %shift_right_arithmetic3A_249 = arith.shrsi %bitcast3A_243, %shift_right_arithmetic3A_248 : vector<16xi32>
      %and3A_250 = arith.constant 1 : i32
      %and3A_251 = vector.broadcast %and3A_250 : i32 to vector<16xi32>
      %and3A_252 = arith.andi %shift_right_arithmetic3A_249, %and3A_251 : vector<16xi32>
      %add3A_253 = arith.addi %add3A_246, %and3A_252 : vector<16xi32>
      %and3A_254 = arith.constant -65536 : i32
      %and3A_255 = vector.broadcast %and3A_254 : i32 to vector<16xi32>
      %and3A_256 = arith.andi %add3A_253, %and3A_255 : vector<16xi32>
      %bitcast3A_257 = vector.bitcast %and3A_256 : vector<16xi32> to vector<16xf32>
      %sub3A_258 = arith.subf %gather3A_80, %mul3A_126 : vector<16xf32>
      %bitcast3A_259 = vector.bitcast %sub3A_258 : vector<16xf32> to vector<16xi32>
      %add3A_260 = arith.constant 32767 : i32
      %add3A_261 = vector.broadcast %add3A_260 : i32 to vector<16xi32>
      %add3A_262 = arith.addi %bitcast3A_259, %add3A_261 : vector<16xi32>
      %shift_right_arithmetic3A_263 = arith.constant 16 : i32
      %shift_right_arithmetic3A_264 = vector.broadcast %shift_right_arithmetic3A_263 : i32 to vector<16xi32>
      %shift_right_arithmetic3A_265 = arith.shrsi %bitcast3A_259, %shift_right_arithmetic3A_264 : vector<16xi32>
      %and3A_266 = arith.constant 1 : i32
      %and3A_267 = vector.broadcast %and3A_266 : i32 to vector<16xi32>
      %and3A_268 = arith.andi %shift_right_arithmetic3A_265, %and3A_267 : vector<16xi32>
      %add3A_269 = arith.addi %add3A_262, %and3A_268 : vector<16xi32>
      %and3A_270 = arith.constant -65536 : i32
      %and3A_271 = vector.broadcast %and3A_270 : i32 to vector<16xi32>
      %and3A_272 = arith.andi %add3A_269, %and3A_271 : vector<16xi32>
      %bitcast3A_273 = vector.bitcast %and3A_272 : vector<16xi32> to vector<16xf32>
      %sub3A_274 = arith.subf %gather3A_99, %mul3A_126 : vector<16xf32>
      %bitcast3A_275 = vector.bitcast %sub3A_274 : vector<16xf32> to vector<16xi32>
      %add3A_276 = arith.constant 32767 : i32
      %add3A_277 = vector.broadcast %add3A_276 : i32 to vector<16xi32>
      %add3A_278 = arith.addi %bitcast3A_275, %add3A_277 : vector<16xi32>
      %shift_right_arithmetic3A_279 = arith.constant 16 : i32
      %shift_right_arithmetic3A_280 = vector.broadcast %shift_right_arithmetic3A_279 : i32 to vector<16xi32>
      %shift_right_arithmetic3A_281 = arith.shrsi %bitcast3A_275, %shift_right_arithmetic3A_280 : vector<16xi32>
      %and3A_282 = arith.constant 1 : i32
      %and3A_283 = vector.broadcast %and3A_282 : i32 to vector<16xi32>
      %and3A_284 = arith.andi %shift_right_arithmetic3A_281, %and3A_283 : vector<16xi32>
      %add3A_285 = arith.addi %add3A_278, %and3A_284 : vector<16xi32>
      %and3A_286 = arith.constant -65536 : i32
      %and3A_287 = vector.broadcast %and3A_286 : i32 to vector<16xi32>
      %and3A_288 = arith.andi %add3A_285, %and3A_287 : vector<16xi32>
      %bitcast3A_289 = vector.bitcast %and3A_288 : vector<16xi32> to vector<16xf32>
      %sub3A_290 = arith.subf %gather3A_25, %mul3A_133 : vector<16xf32>
      %bitcast3A_291 = vector.bitcast %sub3A_290 : vector<16xf32> to vector<16xi32>
      %add3A_292 = arith.constant 32767 : i32
      %add3A_293 = vector.broadcast %add3A_292 : i32 to vector<16xi32>
      %add3A_294 = arith.addi %bitcast3A_291, %add3A_293 : vector<16xi32>
      %shift_right_arithmetic3A_295 = arith.constant 16 : i32
      %shift_right_arithmetic3A_296 = vector.broadcast %shift_right_arithmetic3A_295 : i32 to vector<16xi32>
      %shift_right_arithmetic3A_297 = arith.shrsi %bitcast3A_291, %shift_right_arithmetic3A_296 : vector<16xi32>
      %and3A_298 = arith.constant 1 : i32
      %and3A_299 = vector.broadcast %and3A_298 : i32 to vector<16xi32>
      %and3A_300 = arith.andi %shift_right_arithmetic3A_297, %and3A_299 : vector<16xi32>
      %add3A_301 = arith.addi %add3A_294, %and3A_300 : vector<16xi32>
      %and3A_302 = arith.constant -65536 : i32
      %and3A_303 = vector.broadcast %and3A_302 : i32 to vector<16xi32>
      %and3A_304 = arith.andi %add3A_301, %and3A_303 : vector<16xi32>
      %bitcast3A_305 = vector.bitcast %and3A_304 : vector<16xi32> to vector<16xf32>
      %sub3A_306 = arith.subf %gather3A_43, %mul3A_133 : vector<16xf32>
      %bitcast3A_307 = vector.bitcast %sub3A_306 : vector<16xf32> to vector<16xi32>
      %add3A_308 = arith.constant 32767 : i32
      %add3A_309 = vector.broadcast %add3A_308 : i32 to vector<16xi32>
      %add3A_310 = arith.addi %bitcast3A_307, %add3A_309 : vector<16xi32>
      %shift_right_arithmetic3A_311 = arith.constant 16 : i32
      %shift_right_arithmetic3A_312 = vector.broadcast %shift_right_arithmetic3A_311 : i32 to vector<16xi32>
      %shift_right_arithmetic3A_313 = arith.shrsi %bitcast3A_307, %shift_right_arithmetic3A_312 : vector<16xi32>
      %and3A_314 = arith.constant 1 : i32
      %and3A_315 = vector.broadcast %and3A_314 : i32 to vector<16xi32>
      %and3A_316 = arith.andi %shift_right_arithmetic3A_313, %and3A_315 : vector<16xi32>
      %add3A_317 = arith.addi %add3A_310, %and3A_316 : vector<16xi32>
      %and3A_318 = arith.constant -65536 : i32
      %and3A_319 = vector.broadcast %and3A_318 : i32 to vector<16xi32>
      %and3A_320 = arith.andi %add3A_317, %and3A_319 : vector<16xi32>
      %bitcast3A_321 = vector.bitcast %and3A_320 : vector<16xi32> to vector<16xf32>
      %sub3A_322 = arith.subf %gather3A_62, %mul3A_133 : vector<16xf32>
      %bitcast3A_323 = vector.bitcast %sub3A_322 : vector<16xf32> to vector<16xi32>
      %add3A_324 = arith.constant 32767 : i32
      %add3A_325 = vector.broadcast %add3A_324 : i32 to vector<16xi32>
      %add3A_326 = arith.addi %bitcast3A_323, %add3A_325 : vector<16xi32>
      %shift_right_arithmetic3A_327 = arith.constant 16 : i32
      %shift_right_arithmetic3A_328 = vector.broadcast %shift_right_arithmetic3A_327 : i32 to vector<16xi32>
      %shift_right_arithmetic3A_329 = arith.shrsi %bitcast3A_323, %shift_right_arithmetic3A_328 : vector<16xi32>
      %and3A_330 = arith.constant 1 : i32
      %and3A_331 = vector.broadcast %and3A_330 : i32 to vector<16xi32>
      %and3A_332 = arith.andi %shift_right_arithmetic3A_329, %and3A_331 : vector<16xi32>
      %add3A_333 = arith.addi %add3A_326, %and3A_332 : vector<16xi32>
      %and3A_334 = arith.constant -65536 : i32
      %and3A_335 = vector.broadcast %and3A_334 : i32 to vector<16xi32>
      %and3A_336 = arith.andi %add3A_333, %and3A_335 : vector<16xi32>
      %bitcast3A_337 = vector.bitcast %and3A_336 : vector<16xi32> to vector<16xf32>
      %sub3A_338 = arith.subf %gather3A_81, %mul3A_133 : vector<16xf32>
      %bitcast3A_339 = vector.bitcast %sub3A_338 : vector<16xf32> to vector<16xi32>
      %add3A_340 = arith.constant 32767 : i32
      %add3A_341 = vector.broadcast %add3A_340 : i32 to vector<16xi32>
      %add3A_342 = arith.addi %bitcast3A_339, %add3A_341 : vector<16xi32>
      %shift_right_arithmetic3A_343 = arith.constant 16 : i32
      %shift_right_arithmetic3A_344 = vector.broadcast %shift_right_arithmetic3A_343 : i32 to vector<16xi32>
      %shift_right_arithmetic3A_345 = arith.shrsi %bitcast3A_339, %shift_right_arithmetic3A_344 : vector<16xi32>
      %and3A_346 = arith.constant 1 : i32
      %and3A_347 = vector.broadcast %and3A_346 : i32 to vector<16xi32>
      %and3A_348 = arith.andi %shift_right_arithmetic3A_345, %and3A_347 : vector<16xi32>
      %add3A_349 = arith.addi %add3A_342, %and3A_348 : vector<16xi32>
      %and3A_350 = arith.constant -65536 : i32
      %and3A_351 = vector.broadcast %and3A_350 : i32 to vector<16xi32>
      %and3A_352 = arith.andi %add3A_349, %and3A_351 : vector<16xi32>
      %bitcast3A_353 = vector.bitcast %and3A_352 : vector<16xi32> to vector<16xf32>
      %sub3A_354 = arith.subf %gather3A_100, %mul3A_133 : vector<16xf32>
      %bitcast3A_355 = vector.bitcast %sub3A_354 : vector<16xf32> to vector<16xi32>
      %add3A_356 = arith.constant 32767 : i32
      %add3A_357 = vector.broadcast %add3A_356 : i32 to vector<16xi32>
      %add3A_358 = arith.addi %bitcast3A_355, %add3A_357 : vector<16xi32>
      %shift_right_arithmetic3A_359 = arith.constant 16 : i32
      %shift_right_arithmetic3A_360 = vector.broadcast %shift_right_arithmetic3A_359 : i32 to vector<16xi32>
      %shift_right_arithmetic3A_361 = arith.shrsi %bitcast3A_355, %shift_right_arithmetic3A_360 : vector<16xi32>
      %and3A_362 = arith.constant 1 : i32
      %and3A_363 = vector.broadcast %and3A_362 : i32 to vector<16xi32>
      %and3A_364 = arith.andi %shift_right_arithmetic3A_361, %and3A_363 : vector<16xi32>
      %add3A_365 = arith.addi %add3A_358, %and3A_364 : vector<16xi32>
      %and3A_366 = arith.constant -65536 : i32
      %and3A_367 = vector.broadcast %and3A_366 : i32 to vector<16xi32>
      %and3A_368 = arith.andi %add3A_365, %and3A_367 : vector<16xi32>
      %bitcast3A_369 = vector.bitcast %and3A_368 : vector<16xi32> to vector<16xf32>
      %mul3A_370 = arith.mulf %bitcast3A_145, %bitcast3A_145 : vector<16xf32>
      %mul3A_371 = arith.mulf %bitcast3A_161, %bitcast3A_161 : vector<16xf32>
      %mul3A_372 = arith.mulf %bitcast3A_177, %bitcast3A_177 : vector<16xf32>
      %mul3A_373 = arith.mulf %bitcast3A_193, %bitcast3A_193 : vector<16xf32>
      %mul3A_374 = arith.mulf %bitcast3A_209, %bitcast3A_209 : vector<16xf32>
      %add3A_375 = arith.addf %mul3A_370, %mul3A_371 : vector<16xf32>
      %add3A_376 = arith.addf %mul3A_372, %mul3A_373 : vector<16xf32>
      %add3A_377 = arith.addf %add3A_375, %add3A_376 : vector<16xf32>
      %add3A_378 = arith.addf %add3A_377, %mul3A_374 : vector<16xf32>
      %mul3A_379 = arith.constant 2.000000e-01 : f32
      %mul3A_380 = vector.broadcast %mul3A_379 : f32 to vector<16xf32>
      %mul3A_381 = arith.mulf %add3A_378, %mul3A_380 : vector<16xf32>
      %add3A_382 = arith.constant 0 : i32
      %add3A_383 = arith.addi %add3A_382, %mul3A_20 : i32
      %swap3A_384 = arith.index_cast %add3A_383 : i32 to index
      %swap3A_385 = tpu.vector_load %arg10[%swap3A_384] {strides = array<i32>} : memref<6144xf32, #tpu.memory_space<vmem>>, vector<16xf32>,
      tpu.vector_store %arg10[%swap3A_384], %mul3A_381 {strides = array<i32>} : memref<6144xf32, #tpu.memory_space<vmem>>, vector<16xf32>,
      %mul3A_386 = arith.mulf %bitcast3A_145, %bitcast3A_225 : vector<16xf32>
      %mul3A_387 = arith.mulf %bitcast3A_161, %bitcast3A_241 : vector<16xf32>
      %mul3A_388 = arith.mulf %bitcast3A_177, %bitcast3A_257 : vector<16xf32>
      %mul3A_389 = arith.mulf %bitcast3A_193, %bitcast3A_273 : vector<16xf32>
      %mul3A_390 = arith.mulf %bitcast3A_209, %bitcast3A_289 : vector<16xf32>
      %add3A_391 = arith.addf %mul3A_386, %mul3A_387 : vector<16xf32>
      %add3A_392 = arith.addf %mul3A_388, %mul3A_389 : vector<16xf32>
      %add3A_393 = arith.addf %add3A_391, %add3A_392 : vector<16xf32>
      %add3A_394 = arith.addf %add3A_393, %mul3A_390 : vector<16xf32>
      %mul3A_395 = arith.constant 2.000000e-01 : f32
      %mul3A_396 = vector.broadcast %mul3A_395 : f32 to vector<16xf32>
      %mul3A_397 = arith.mulf %add3A_394, %mul3A_396 : vector<16xf32>
      %add3A_398 = arith.constant 1024 : i32
      %add3A_399 = arith.addi %add3A_398, %mul3A_20 : i32
      %swap3A_400 = arith.index_cast %add3A_399 : i32 to index
      %swap3A_401 = tpu.vector_load %arg10[%swap3A_400] {strides = array<i32>} : memref<6144xf32, #tpu.memory_space<vmem>>, vector<16xf32>,
      tpu.vector_store %arg10[%swap3A_400], %mul3A_397 {strides = array<i32>} : memref<6144xf32, #tpu.memory_space<vmem>>, vector<16xf32>,
      %mul3A_402 = arith.mulf %bitcast3A_145, %bitcast3A_305 : vector<16xf32>
      %mul3A_403 = arith.mulf %bitcast3A_161, %bitcast3A_321 : vector<16xf32>
      %mul3A_404 = arith.mulf %bitcast3A_177, %bitcast3A_337 : vector<16xf32>
      %mul3A_405 = arith.mulf %bitcast3A_193, %bitcast3A_353 : vector<16xf32>
      %mul3A_406 = arith.mulf %bitcast3A_209, %bitcast3A_369 : vector<16xf32>
      %add3A_407 = arith.addf %mul3A_402, %mul3A_403 : vector<16xf32>
      %add3A_408 = arith.addf %mul3A_404, %mul3A_405 : vector<16xf32>
      %add3A_409 = arith.addf %add3A_407, %add3A_408 : vector<16xf32>
      %add3A_410 = arith.addf %add3A_409, %mul3A_406 : vector<16xf32>
      %mul3A_411 = arith.constant 2.000000e-01 : f32
      %mul3A_412 = vector.broadcast %mul3A_411 : f32 to vector<16xf32>
      %mul3A_413 = arith.mulf %add3A_410, %mul3A_412 : vector<16xf32>
      %add3A_414 = arith.constant 2048 : i32
      %add3A_415 = arith.addi %add3A_414, %mul3A_20 : i32
      %swap3A_416 = arith.index_cast %add3A_415 : i32 to index
      %swap3A_417 = tpu.vector_load %arg10[%swap3A_416] {strides = array<i32>} : memref<6144xf32, #tpu.memory_space<vmem>>, vector<16xf32>,
      tpu.vector_store %arg10[%swap3A_416], %mul3A_413 {strides = array<i32>} : memref<6144xf32, #tpu.memory_space<vmem>>, vector<16xf32>,
      %mul3A_418 = arith.mulf %bitcast3A_225, %bitcast3A_225 : vector<16xf32>
      %mul3A_419 = arith.mulf %bitcast3A_241, %bitcast3A_241 : vector<16xf32>
      %mul3A_420 = arith.mulf %bitcast3A_257, %bitcast3A_257 : vector<16xf32>
      %mul3A_421 = arith.mulf %bitcast3A_273, %bitcast3A_273 : vector<16xf32>
      %mul3A_422 = arith.mulf %bitcast3A_289, %bitcast3A_289 : vector<16xf32>
      %add3A_423 = arith.addf %mul3A_418, %mul3A_419 : vector<16xf32>
      %add3A_424 = arith.addf %mul3A_420, %mul3A_421 : vector<16xf32>
      %add3A_425 = arith.addf %add3A_423, %add3A_424 : vector<16xf32>
      %add3A_426 = arith.addf %add3A_425, %mul3A_422 : vector<16xf32>
      %mul3A_427 = arith.constant 2.000000e-01 : f32
      %mul3A_428 = vector.broadcast %mul3A_427 : f32 to vector<16xf32>
      %mul3A_429 = arith.mulf %add3A_426, %mul3A_428 : vector<16xf32>
      %add3A_430 = arith.constant 3072 : i32
      %add3A_431 = arith.addi %add3A_430, %mul3A_20 : i32
      %swap3A_432 = arith.index_cast %add3A_431 : i32 to index
      %swap3A_433 = tpu.vector_load %arg10[%swap3A_432] {strides = array<i32>} : memref<6144xf32, #tpu.memory_space<vmem>>, vector<16xf32>,
      tpu.vector_store %arg10[%swap3A_432], %mul3A_429 {strides = array<i32>} : memref<6144xf32, #tpu.memory_space<vmem>>, vector<16xf32>,
      %mul3A_434 = arith.mulf %bitcast3A_225, %bitcast3A_305 : vector<16xf32>
      %mul3A_435 = arith.mulf %bitcast3A_241, %bitcast3A_321 : vector<16xf32>
      %mul3A_436 = arith.mulf %bitcast3A_257, %bitcast3A_337 : vector<16xf32>
      %mul3A_437 = arith.mulf %bitcast3A_273, %bitcast3A_353 : vector<16xf32>
      %mul3A_438 = arith.mulf %bitcast3A_289, %bitcast3A_369 : vector<16xf32>
      %add3A_439 = arith.addf %mul3A_434, %mul3A_435 : vector<16xf32>
      %add3A_440 = arith.addf %mul3A_436, %mul3A_437 : vector<16xf32>
      %add3A_441 = arith.addf %add3A_439, %add3A_440 : vector<16xf32>
      %add3A_442 = arith.addf %add3A_441, %mul3A_438 : vector<16xf32>
      %mul3A_443 = arith.constant 2.000000e-01 : f32
      %mul3A_444 = vector.broadcast %mul3A_443 : f32 to vector<16xf32>
      %mul3A_445 = arith.mulf %add3A_442, %mul3A_444 : vector<16xf32>
      %add3A_446 = arith.constant 4096 : i32
      %add3A_447 = arith.addi %add3A_446, %mul3A_20 : i32
      %swap3A_448 = arith.index_cast %add3A_447 : i32 to index
      %swap3A_449 = tpu.vector_load %arg10[%swap3A_448] {strides = array<i32>} : memref<6144xf32, #tpu.memory_space<vmem>>, vector<16xf32>,
      tpu.vector_store %arg10[%swap3A_448], %mul3A_445 {strides = array<i32>} : memref<6144xf32, #tpu.memory_space<vmem>>, vector<16xf32>,
      %mul3A_450 = arith.mulf %bitcast3A_305, %bitcast3A_305 : vector<16xf32>
      %mul3A_451 = arith.mulf %bitcast3A_321, %bitcast3A_321 : vector<16xf32>
      %mul3A_452 = arith.mulf %bitcast3A_337, %bitcast3A_337 : vector<16xf32>
      %mul3A_453 = arith.mulf %bitcast3A_353, %bitcast3A_353 : vector<16xf32>
      %mul3A_454 = arith.mulf %bitcast3A_369, %bitcast3A_369 : vector<16xf32>
      %add3A_455 = arith.addf %mul3A_450, %mul3A_451 : vector<16xf32>
      %add3A_456 = arith.addf %mul3A_452, %mul3A_453 : vector<16xf32>
      %add3A_457 = arith.addf %add3A_455, %add3A_456 : vector<16xf32>
      %add3A_458 = arith.addf %add3A_457, %mul3A_454 : vector<16xf32>
      %mul3A_459 = arith.constant 2.000000e-01 : f32
      %mul3A_460 = vector.broadcast %mul3A_459 : f32 to vector<16xf32>
      %mul3A_461 = arith.mulf %add3A_458, %mul3A_460 : vector<16xf32>
      %add3A_462 = arith.constant 5120 : i32
      %add3A_463 = arith.addi %add3A_462, %mul3A_20 : i32
      %swap3A_464 = arith.index_cast %add3A_463 : i32 to index
      %swap3A_465 = tpu.vector_load %arg10[%swap3A_464] {strides = array<i32>} : memref<6144xf32, #tpu.memory_space<vmem>>, vector<16xf32>,
      tpu.vector_store %arg10[%swap3A_464], %mul3A_461 {strides = array<i32>} : memref<6144xf32, #tpu.memory_space<vmem>>, vector<16xf32>,
    }
    %scan3A_9 = arith.constant 64 : i32
    %mul3A_10 = arith.constant 6 : i32
    %mul3A_11 = arith.muli %add3A, %mul3A_10 : i32
    %mul3A_12 = arith.constant 1024 : i32
    %mul3A_13 = arith.muli %mul3A_11, %mul3A_12 : i32
    "tpu.region"() ({
      %run_scoped3A = tpu.sem_alloc : memref<!tpu.dma_semaphore, #tpu.memory_space<semaphore_mem>>
      %dma_start3A = tpu.memref_slice %arg4[%mul3A_13] : memref<196608xf32, #tpu.memory_space<hbm>> -> memref<6144xf32, #tpu.memory_space<hbm>>
      %dma_start3A_18 = tpu.memref_slice %arg4[%mul3A_13] : memref<196608xf32, #tpu.memory_space<hbm>> -> memref<6144xf32, #tpu.memory_space<hbm>>
      tpu.enqueue_dma source(%arg10 : memref<6144xf32, #tpu.memory_space<vmem>>) target(%dma_start3A_18 : memref<6144xf32, #tpu.memory_space<hbm>>) target_semaphore(%run_scoped3A : memref<!tpu.dma_semaphore, #tpu.memory_space<semaphore_mem>>)
      %dma_wait3A = tpu.memref_slice %arg4[%mul3A_13] : memref<196608xf32, #tpu.memory_space<hbm>> -> memref<6144xf32, #tpu.memory_space<hbm>>
      %dma_wait3A_19 = tpu.memref_slice %arg4[%mul3A_13] : memref<196608xf32, #tpu.memory_space<hbm>> -> memref<6144xf32, #tpu.memory_space<hbm>>
      tpu.wait_dma2 semaphore(%run_scoped3A : memref<!tpu.dma_semaphore, #tpu.memory_space<semaphore_mem>>) src(%arg10 : memref<6144xf32, #tpu.memory_space<vmem>>) dst(%dma_wait3A_19 : memref<6144xf32, #tpu.memory_space<hbm>>)
      tpu.yield
    }) : () -> ()
    %mul3A_14 = arith.constant 15 : i32
    %mul3A_15 = arith.muli %add3A, %mul3A_14 : i32
    %mul3A_16 = arith.constant 1024 : i32
    %mul3A_17 = arith.muli %mul3A_15, %mul3A_16 : i32
    "tpu.region"() ({
      %run_scoped3A = tpu.sem_alloc : memref<!tpu.dma_semaphore, #tpu.memory_space<semaphore_mem>>
      %dma_start3A = tpu.memref_slice %arg5[%mul3A_17] : memref<491520xf32, #tpu.memory_space<hbm>> -> memref<15360xf32, #tpu.memory_space<hbm>>
      %dma_start3A_18 = tpu.memref_slice %arg5[%mul3A_17] : memref<491520xf32, #tpu.memory_space<hbm>> -> memref<15360xf32, #tpu.memory_space<hbm>>
      tpu.enqueue_dma source(%arg11 : memref<15360xf32, #tpu.memory_space<vmem>>) target(%dma_start3A_18 : memref<15360xf32, #tpu.memory_space<hbm>>) target_semaphore(%run_scoped3A : memref<!tpu.dma_semaphore, #tpu.memory_space<semaphore_mem>>)
      %dma_wait3A = tpu.memref_slice %arg5[%mul3A_17] : memref<491520xf32, #tpu.memory_space<hbm>> -> memref<15360xf32, #tpu.memory_space<hbm>>
      %dma_wait3A_19 = tpu.memref_slice %arg5[%mul3A_17] : memref<491520xf32, #tpu.memory_space<hbm>> -> memref<15360xf32, #tpu.memory_space<hbm>>
      tpu.wait_dma2 semaphore(%run_scoped3A : memref<!tpu.dma_semaphore, #tpu.memory_space<semaphore_mem>>) src(%arg11 : memref<15360xf32, #tpu.memory_space<vmem>>) dst(%dma_wait3A_19 : memref<15360xf32, #tpu.memory_space<hbm>>)
      tpu.yield
    }) : () -> ()
    return
  }
}

#map = affine_map<(d0, d1) -> (0)>
module attributes {stable_mosaic.version = 14 : i64} {
  func.func @k(%arg0: i32, %arg1: i32, %arg2: memref<491520xf32, #tpu.memory_space<hbm>>, %arg3: memref<163840xi32, #tpu.memory_space<hbm>>, %arg4: memref<98304xf32, #tpu.memory_space<hbm>>, %arg5: memref<294912xf32, #tpu.memory_space<hbm>>, %arg6: memref<2621440xf32, #tpu.memory_space<hbm>>, %arg7: memref<32768xf32, #tpu.memory_space<vmem>>, %arg8: memref<32768xf32, #tpu.memory_space<vmem>>, %arg9: memref<32768xf32, #tpu.memory_space<vmem>>, %arg10: memref<5120xi32, #tpu.memory_space<vmem>>, %arg11: memref<15360xf32, #tpu.memory_space<vmem>>, %arg12: memref<9216xf32, #tpu.memory_space<vmem>>, %arg13: memref<1280xf32, #tpu.memory_space<vmem>>) attributes {dimension_semantics = [#tpu.dimension_semantics<core_parallel>, #tpu.dimension_semantics<subcore_parallel>], iteration_bounds = array<i64: 2, 16>, scalar_prefetch = 0 : i64, scratch_operands = 7 : i64, tpu.core_type = #tpu.core_type<sc_vector_subcore>, window_params = [{transform_indices = #map}, {transform_indices = #map}, {transform_indices = #map}, {transform_indices = #map}, {transform_indices = #map}]} {
    %mul3A = arith.constant 2 : i32
    %mul3A_0 = arith.muli %arg1, %mul3A : i32
    %add3A = arith.addi %mul3A_0, %arg0 : i32
    "tpu.region"() ({
      %run_scoped3A = tpu.sem_alloc : memref<!tpu.dma_semaphore, #tpu.memory_space<semaphore_mem>>
      %dma_start3A = arith.constant 0 : i32
      %dma_start3A_21 = tpu.memref_slice %arg4[%dma_start3A] : memref<98304xf32, #tpu.memory_space<hbm>> -> memref<32768xf32, #tpu.memory_space<hbm>>
      %dma_start3A_22 = arith.constant 0 : i32
      %dma_start3A_23 = tpu.memref_slice %arg4[%dma_start3A_22] : memref<98304xf32, #tpu.memory_space<hbm>> -> memref<32768xf32, #tpu.memory_space<hbm>>
      tpu.enqueue_dma source(%dma_start3A_23 : memref<32768xf32, #tpu.memory_space<hbm>>) target(%arg7 : memref<32768xf32, #tpu.memory_space<vmem>>) target_semaphore(%run_scoped3A : memref<!tpu.dma_semaphore, #tpu.memory_space<semaphore_mem>>)
      %dma_wait3A = arith.constant 0 : i32
      %dma_wait3A_24 = tpu.memref_slice %arg4[%dma_wait3A] : memref<98304xf32, #tpu.memory_space<hbm>> -> memref<32768xf32, #tpu.memory_space<hbm>>
      %dma_wait3A_25 = arith.constant 0 : i32
      %dma_wait3A_26 = tpu.memref_slice %arg4[%dma_wait3A_25] : memref<98304xf32, #tpu.memory_space<hbm>> -> memref<32768xf32, #tpu.memory_space<hbm>>
      tpu.wait_dma2 semaphore(%run_scoped3A : memref<!tpu.dma_semaphore, #tpu.memory_space<semaphore_mem>>) src(%dma_wait3A_26 : memref<32768xf32, #tpu.memory_space<hbm>>) dst(%arg7 : memref<32768xf32, #tpu.memory_space<vmem>>)
      tpu.yield
    }) : () -> ()
    "tpu.region"() ({
      %run_scoped3A = tpu.sem_alloc : memref<!tpu.dma_semaphore, #tpu.memory_space<semaphore_mem>>
      %dma_start3A = arith.constant 32768 : i32
      %dma_start3A_21 = tpu.memref_slice %arg4[%dma_start3A] : memref<98304xf32, #tpu.memory_space<hbm>> -> memref<32768xf32, #tpu.memory_space<hbm>>
      %dma_start3A_22 = arith.constant 32768 : i32
      %dma_start3A_23 = tpu.memref_slice %arg4[%dma_start3A_22] : memref<98304xf32, #tpu.memory_space<hbm>> -> memref<32768xf32, #tpu.memory_space<hbm>>
      tpu.enqueue_dma source(%dma_start3A_23 : memref<32768xf32, #tpu.memory_space<hbm>>) target(%arg8 : memref<32768xf32, #tpu.memory_space<vmem>>) target_semaphore(%run_scoped3A : memref<!tpu.dma_semaphore, #tpu.memory_space<semaphore_mem>>)
      %dma_wait3A = arith.constant 32768 : i32
      %dma_wait3A_24 = tpu.memref_slice %arg4[%dma_wait3A] : memref<98304xf32, #tpu.memory_space<hbm>> -> memref<32768xf32, #tpu.memory_space<hbm>>
      %dma_wait3A_25 = arith.constant 32768 : i32
      %dma_wait3A_26 = tpu.memref_slice %arg4[%dma_wait3A_25] : memref<98304xf32, #tpu.memory_space<hbm>> -> memref<32768xf32, #tpu.memory_space<hbm>>
      tpu.wait_dma2 semaphore(%run_scoped3A : memref<!tpu.dma_semaphore, #tpu.memory_space<semaphore_mem>>) src(%dma_wait3A_26 : memref<32768xf32, #tpu.memory_space<hbm>>) dst(%arg8 : memref<32768xf32, #tpu.memory_space<vmem>>)
      tpu.yield
    }) : () -> ()
    "tpu.region"() ({
      %run_scoped3A = tpu.sem_alloc : memref<!tpu.dma_semaphore, #tpu.memory_space<semaphore_mem>>
      %dma_start3A = arith.constant 65536 : i32
      %dma_start3A_21 = tpu.memref_slice %arg4[%dma_start3A] : memref<98304xf32, #tpu.memory_space<hbm>> -> memref<32768xf32, #tpu.memory_space<hbm>>
      %dma_start3A_22 = arith.constant 65536 : i32
      %dma_start3A_23 = tpu.memref_slice %arg4[%dma_start3A_22] : memref<98304xf32, #tpu.memory_space<hbm>> -> memref<32768xf32, #tpu.memory_space<hbm>>
      tpu.enqueue_dma source(%dma_start3A_23 : memref<32768xf32, #tpu.memory_space<hbm>>) target(%arg9 : memref<32768xf32, #tpu.memory_space<vmem>>) target_semaphore(%run_scoped3A : memref<!tpu.dma_semaphore, #tpu.memory_space<semaphore_mem>>)
      %dma_wait3A = arith.constant 65536 : i32
      %dma_wait3A_24 = tpu.memref_slice %arg4[%dma_wait3A] : memref<98304xf32, #tpu.memory_space<hbm>> -> memref<32768xf32, #tpu.memory_space<hbm>>
      %dma_wait3A_25 = arith.constant 65536 : i32
      %dma_wait3A_26 = tpu.memref_slice %arg4[%dma_wait3A_25] : memref<98304xf32, #tpu.memory_space<hbm>> -> memref<32768xf32, #tpu.memory_space<hbm>>
      tpu.wait_dma2 semaphore(%run_scoped3A : memref<!tpu.dma_semaphore, #tpu.memory_space<semaphore_mem>>) src(%dma_wait3A_26 : memref<32768xf32, #tpu.memory_space<hbm>>) dst(%arg9 : memref<32768xf32, #tpu.memory_space<vmem>>)
      tpu.yield
    }) : () -> ()
    %mul3A_1 = arith.constant 5 : i32
    %mul3A_2 = arith.muli %add3A, %mul3A_1 : i32
    %mul3A_3 = arith.constant 1024 : i32
    %mul3A_4 = arith.muli %mul3A_2, %mul3A_3 : i32
    "tpu.region"() ({
      %run_scoped3A = tpu.sem_alloc : memref<!tpu.dma_semaphore, #tpu.memory_space<semaphore_mem>>
      %dma_start3A = tpu.memref_slice %arg3[%mul3A_4] : memref<163840xi32, #tpu.memory_space<hbm>> -> memref<5120xi32, #tpu.memory_space<hbm>>
      %dma_start3A_21 = tpu.memref_slice %arg3[%mul3A_4] : memref<163840xi32, #tpu.memory_space<hbm>> -> memref<5120xi32, #tpu.memory_space<hbm>>
      tpu.enqueue_dma source(%dma_start3A_21 : memref<5120xi32, #tpu.memory_space<hbm>>) target(%arg10 : memref<5120xi32, #tpu.memory_space<vmem>>) target_semaphore(%run_scoped3A : memref<!tpu.dma_semaphore, #tpu.memory_space<semaphore_mem>>)
      %dma_wait3A = tpu.memref_slice %arg3[%mul3A_4] : memref<163840xi32, #tpu.memory_space<hbm>> -> memref<5120xi32, #tpu.memory_space<hbm>>
      %dma_wait3A_22 = tpu.memref_slice %arg3[%mul3A_4] : memref<163840xi32, #tpu.memory_space<hbm>> -> memref<5120xi32, #tpu.memory_space<hbm>>
      tpu.wait_dma2 semaphore(%run_scoped3A : memref<!tpu.dma_semaphore, #tpu.memory_space<semaphore_mem>>) src(%dma_wait3A_22 : memref<5120xi32, #tpu.memory_space<hbm>>) dst(%arg10 : memref<5120xi32, #tpu.memory_space<vmem>>)
      tpu.yield
    }) : () -> ()
    %mul3A_5 = arith.constant 15 : i32
    %mul3A_6 = arith.muli %add3A, %mul3A_5 : i32
    %mul3A_7 = arith.constant 1024 : i32
    %mul3A_8 = arith.muli %mul3A_6, %mul3A_7 : i32
    "tpu.region"() ({
      %run_scoped3A = tpu.sem_alloc : memref<!tpu.dma_semaphore, #tpu.memory_space<semaphore_mem>>
      %dma_start3A = tpu.memref_slice %arg2[%mul3A_8] : memref<491520xf32, #tpu.memory_space<hbm>> -> memref<15360xf32, #tpu.memory_space<hbm>>
      %dma_start3A_21 = tpu.memref_slice %arg2[%mul3A_8] : memref<491520xf32, #tpu.memory_space<hbm>> -> memref<15360xf32, #tpu.memory_space<hbm>>
      tpu.enqueue_dma source(%dma_start3A_21 : memref<15360xf32, #tpu.memory_space<hbm>>) target(%arg11 : memref<15360xf32, #tpu.memory_space<vmem>>) target_semaphore(%run_scoped3A : memref<!tpu.dma_semaphore, #tpu.memory_space<semaphore_mem>>)
      %dma_wait3A = tpu.memref_slice %arg2[%mul3A_8] : memref<491520xf32, #tpu.memory_space<hbm>> -> memref<15360xf32, #tpu.memory_space<hbm>>
      %dma_wait3A_22 = tpu.memref_slice %arg2[%mul3A_8] : memref<491520xf32, #tpu.memory_space<hbm>> -> memref<15360xf32, #tpu.memory_space<hbm>>
      tpu.wait_dma2 semaphore(%run_scoped3A : memref<!tpu.dma_semaphore, #tpu.memory_space<semaphore_mem>>) src(%dma_wait3A_22 : memref<15360xf32, #tpu.memory_space<hbm>>) dst(%arg11 : memref<15360xf32, #tpu.memory_space<vmem>>)
      tpu.yield
    }) : () -> ()
    %mul3A_9 = arith.constant 9 : i32
    %mul3A_10 = arith.muli %add3A, %mul3A_9 : i32
    %mul3A_11 = arith.constant 1024 : i32
    %mul3A_12 = arith.muli %mul3A_10, %mul3A_11 : i32
    "tpu.region"() ({
      %run_scoped3A = tpu.sem_alloc : memref<!tpu.dma_semaphore, #tpu.memory_space<semaphore_mem>>
      %dma_start3A = tpu.memref_slice %arg5[%mul3A_12] : memref<294912xf32, #tpu.memory_space<hbm>> -> memref<9216xf32, #tpu.memory_space<hbm>>
      %dma_start3A_21 = tpu.memref_slice %arg5[%mul3A_12] : memref<294912xf32, #tpu.memory_space<hbm>> -> memref<9216xf32, #tpu.memory_space<hbm>>
      tpu.enqueue_dma source(%dma_start3A_21 : memref<9216xf32, #tpu.memory_space<hbm>>) target(%arg12 : memref<9216xf32, #tpu.memory_space<vmem>>) target_semaphore(%run_scoped3A : memref<!tpu.dma_semaphore, #tpu.memory_space<semaphore_mem>>)
      %dma_wait3A = tpu.memref_slice %arg5[%mul3A_12] : memref<294912xf32, #tpu.memory_space<hbm>> -> memref<9216xf32, #tpu.memory_space<hbm>>
      %dma_wait3A_22 = tpu.memref_slice %arg5[%mul3A_12] : memref<294912xf32, #tpu.memory_space<hbm>> -> memref<9216xf32, #tpu.memory_space<hbm>>
      tpu.wait_dma2 semaphore(%run_scoped3A : memref<!tpu.dma_semaphore, #tpu.memory_space<semaphore_mem>>) src(%dma_wait3A_22 : memref<9216xf32, #tpu.memory_space<hbm>>) dst(%arg12 : memref<9216xf32, #tpu.memory_space<vmem>>)
      tpu.yield
    }) : () -> ()
    %broadcast_in_dim3A = arith.constant 0.000000e+00 : f32
    %broadcast_in_dim3A_13 = vector.broadcast %broadcast_in_dim3A : f32 to vector<16xf32>
    %broadcast_in_dim3A_14 = arith.constant 1.000000e+00 : f32
    %broadcast_in_dim3A_15 = vector.broadcast %broadcast_in_dim3A_14 : f32 to vector<16xf32>
    %iota3A = tpu.iota {dimensions = array<i32: 0>} : vector<16xi32>
    %scan3A = arith.constant 0 : i32
    %scan3A_16 = arith.constant 0 : i32
    %scan3A_17 = arith.constant 64 : i32
    %scan3A_18 = arith.addi %scan3A_16, %scan3A_17 : i32
    %scan3A_19 = arith.constant 1 : i32
    scf.for %scan3A_21 = %scan3A_16 to %scan3A_18 step %scan3A_19  : i32 {
      %mul3A_22 = arith.constant 16 : i32
      %mul3A_23 = arith.muli %scan3A_21, %mul3A_22 : i32
      %swap3A = arith.constant 0 : index
      %swap3A_24 = tpu.vector_load %arg13[%swap3A] {strides = array<i32>} : memref<1280xf32, #tpu.memory_space<vmem>>, vector<16xf32>,
      tpu.vector_store %arg13[%swap3A], %broadcast_in_dim3A_13 {strides = array<i32>} : memref<1280xf32, #tpu.memory_space<vmem>>, vector<16xf32>,
      %swap3A_25 = arith.constant 16 : index
      %swap3A_26 = tpu.vector_load %arg13[%swap3A_25] {strides = array<i32>} : memref<1280xf32, #tpu.memory_space<vmem>>, vector<16xf32>,
      tpu.vector_store %arg13[%swap3A_25], %broadcast_in_dim3A_13 {strides = array<i32>} : memref<1280xf32, #tpu.memory_space<vmem>>, vector<16xf32>,
      %swap3A_27 = arith.constant 32 : index
      %swap3A_28 = tpu.vector_load %arg13[%swap3A_27] {strides = array<i32>} : memref<1280xf32, #tpu.memory_space<vmem>>, vector<16xf32>,
      tpu.vector_store %arg13[%swap3A_27], %broadcast_in_dim3A_13 {strides = array<i32>} : memref<1280xf32, #tpu.memory_space<vmem>>, vector<16xf32>,
      %swap3A_29 = arith.constant 48 : index
      %swap3A_30 = tpu.vector_load %arg13[%swap3A_29] {strides = array<i32>} : memref<1280xf32, #tpu.memory_space<vmem>>, vector<16xf32>,
      tpu.vector_store %arg13[%swap3A_29], %broadcast_in_dim3A_13 {strides = array<i32>} : memref<1280xf32, #tpu.memory_space<vmem>>, vector<16xf32>,
      %swap3A_31 = arith.constant 64 : index
      %swap3A_32 = tpu.vector_load %arg13[%swap3A_31] {strides = array<i32>} : memref<1280xf32, #tpu.memory_space<vmem>>, vector<16xf32>,
      tpu.vector_store %arg13[%swap3A_31], %broadcast_in_dim3A_13 {strides = array<i32>} : memref<1280xf32, #tpu.memory_space<vmem>>, vector<16xf32>,
      %swap3A_33 = arith.constant 80 : index
      %swap3A_34 = tpu.vector_load %arg13[%swap3A_33] {strides = array<i32>} : memref<1280xf32, #tpu.memory_space<vmem>>, vector<16xf32>,
      tpu.vector_store %arg13[%swap3A_33], %broadcast_in_dim3A_13 {strides = array<i32>} : memref<1280xf32, #tpu.memory_space<vmem>>, vector<16xf32>,
      %swap3A_35 = arith.constant 96 : index
      %swap3A_36 = tpu.vector_load %arg13[%swap3A_35] {strides = array<i32>} : memref<1280xf32, #tpu.memory_space<vmem>>, vector<16xf32>,
      tpu.vector_store %arg13[%swap3A_35], %broadcast_in_dim3A_13 {strides = array<i32>} : memref<1280xf32, #tpu.memory_space<vmem>>, vector<16xf32>,
      %swap3A_37 = arith.constant 112 : index
      %swap3A_38 = tpu.vector_load %arg13[%swap3A_37] {strides = array<i32>} : memref<1280xf32, #tpu.memory_space<vmem>>, vector<16xf32>,
      tpu.vector_store %arg13[%swap3A_37], %broadcast_in_dim3A_13 {strides = array<i32>} : memref<1280xf32, #tpu.memory_space<vmem>>, vector<16xf32>,
      %swap3A_39 = arith.constant 128 : index
      %swap3A_40 = tpu.vector_load %arg13[%swap3A_39] {strides = array<i32>} : memref<1280xf32, #tpu.memory_space<vmem>>, vector<16xf32>,
      tpu.vector_store %arg13[%swap3A_39], %broadcast_in_dim3A_13 {strides = array<i32>} : memref<1280xf32, #tpu.memory_space<vmem>>, vector<16xf32>,
      %swap3A_41 = arith.constant 144 : index
      %swap3A_42 = tpu.vector_load %arg13[%swap3A_41] {strides = array<i32>} : memref<1280xf32, #tpu.memory_space<vmem>>, vector<16xf32>,
      tpu.vector_store %arg13[%swap3A_41], %broadcast_in_dim3A_13 {strides = array<i32>} : memref<1280xf32, #tpu.memory_space<vmem>>, vector<16xf32>,
      %swap3A_43 = arith.constant 160 : index
      %swap3A_44 = tpu.vector_load %arg13[%swap3A_43] {strides = array<i32>} : memref<1280xf32, #tpu.memory_space<vmem>>, vector<16xf32>,
      tpu.vector_store %arg13[%swap3A_43], %broadcast_in_dim3A_13 {strides = array<i32>} : memref<1280xf32, #tpu.memory_space<vmem>>, vector<16xf32>,
      %swap3A_45 = arith.constant 176 : index
      %swap3A_46 = tpu.vector_load %arg13[%swap3A_45] {strides = array<i32>} : memref<1280xf32, #tpu.memory_space<vmem>>, vector<16xf32>,
      tpu.vector_store %arg13[%swap3A_45], %broadcast_in_dim3A_13 {strides = array<i32>} : memref<1280xf32, #tpu.memory_space<vmem>>, vector<16xf32>,
      %swap3A_47 = arith.constant 192 : index
      %swap3A_48 = tpu.vector_load %arg13[%swap3A_47] {strides = array<i32>} : memref<1280xf32, #tpu.memory_space<vmem>>, vector<16xf32>,
      tpu.vector_store %arg13[%swap3A_47], %broadcast_in_dim3A_13 {strides = array<i32>} : memref<1280xf32, #tpu.memory_space<vmem>>, vector<16xf32>,
      %swap3A_49 = arith.constant 208 : index
      %swap3A_50 = tpu.vector_load %arg13[%swap3A_49] {strides = array<i32>} : memref<1280xf32, #tpu.memory_space<vmem>>, vector<16xf32>,
      tpu.vector_store %arg13[%swap3A_49], %broadcast_in_dim3A_13 {strides = array<i32>} : memref<1280xf32, #tpu.memory_space<vmem>>, vector<16xf32>,
      %swap3A_51 = arith.constant 224 : index
      %swap3A_52 = tpu.vector_load %arg13[%swap3A_51] {strides = array<i32>} : memref<1280xf32, #tpu.memory_space<vmem>>, vector<16xf32>,
      tpu.vector_store %arg13[%swap3A_51], %broadcast_in_dim3A_13 {strides = array<i32>} : memref<1280xf32, #tpu.memory_space<vmem>>, vector<16xf32>,
      %swap3A_53 = arith.constant 240 : index
      %swap3A_54 = tpu.vector_load %arg13[%swap3A_53] {strides = array<i32>} : memref<1280xf32, #tpu.memory_space<vmem>>, vector<16xf32>,
      tpu.vector_store %arg13[%swap3A_53], %broadcast_in_dim3A_13 {strides = array<i32>} : memref<1280xf32, #tpu.memory_space<vmem>>, vector<16xf32>,
      %swap3A_55 = arith.constant 256 : index
      %swap3A_56 = tpu.vector_load %arg13[%swap3A_55] {strides = array<i32>} : memref<1280xf32, #tpu.memory_space<vmem>>, vector<16xf32>,
      tpu.vector_store %arg13[%swap3A_55], %broadcast_in_dim3A_13 {strides = array<i32>} : memref<1280xf32, #tpu.memory_space<vmem>>, vector<16xf32>,
      %swap3A_57 = arith.constant 272 : index
      %swap3A_58 = tpu.vector_load %arg13[%swap3A_57] {strides = array<i32>} : memref<1280xf32, #tpu.memory_space<vmem>>, vector<16xf32>,
      tpu.vector_store %arg13[%swap3A_57], %broadcast_in_dim3A_13 {strides = array<i32>} : memref<1280xf32, #tpu.memory_space<vmem>>, vector<16xf32>,
      %swap3A_59 = arith.constant 288 : index
      %swap3A_60 = tpu.vector_load %arg13[%swap3A_59] {strides = array<i32>} : memref<1280xf32, #tpu.memory_space<vmem>>, vector<16xf32>,
      tpu.vector_store %arg13[%swap3A_59], %broadcast_in_dim3A_13 {strides = array<i32>} : memref<1280xf32, #tpu.memory_space<vmem>>, vector<16xf32>,
      %swap3A_61 = arith.constant 304 : index
      %swap3A_62 = tpu.vector_load %arg13[%swap3A_61] {strides = array<i32>} : memref<1280xf32, #tpu.memory_space<vmem>>, vector<16xf32>,
      tpu.vector_store %arg13[%swap3A_61], %broadcast_in_dim3A_13 {strides = array<i32>} : memref<1280xf32, #tpu.memory_space<vmem>>, vector<16xf32>,
      %swap3A_63 = arith.constant 320 : index
      %swap3A_64 = tpu.vector_load %arg13[%swap3A_63] {strides = array<i32>} : memref<1280xf32, #tpu.memory_space<vmem>>, vector<16xf32>,
      tpu.vector_store %arg13[%swap3A_63], %broadcast_in_dim3A_13 {strides = array<i32>} : memref<1280xf32, #tpu.memory_space<vmem>>, vector<16xf32>,
      %swap3A_65 = arith.constant 336 : index
      %swap3A_66 = tpu.vector_load %arg13[%swap3A_65] {strides = array<i32>} : memref<1280xf32, #tpu.memory_space<vmem>>, vector<16xf32>,
      tpu.vector_store %arg13[%swap3A_65], %broadcast_in_dim3A_13 {strides = array<i32>} : memref<1280xf32, #tpu.memory_space<vmem>>, vector<16xf32>,
      %swap3A_67 = arith.constant 352 : index
      %swap3A_68 = tpu.vector_load %arg13[%swap3A_67] {strides = array<i32>} : memref<1280xf32, #tpu.memory_space<vmem>>, vector<16xf32>,
      tpu.vector_store %arg13[%swap3A_67], %broadcast_in_dim3A_13 {strides = array<i32>} : memref<1280xf32, #tpu.memory_space<vmem>>, vector<16xf32>,
      %swap3A_69 = arith.constant 368 : index
      %swap3A_70 = tpu.vector_load %arg13[%swap3A_69] {strides = array<i32>} : memref<1280xf32, #tpu.memory_space<vmem>>, vector<16xf32>,
      tpu.vector_store %arg13[%swap3A_69], %broadcast_in_dim3A_13 {strides = array<i32>} : memref<1280xf32, #tpu.memory_space<vmem>>, vector<16xf32>,
      %swap3A_71 = arith.constant 384 : index
      %swap3A_72 = tpu.vector_load %arg13[%swap3A_71] {strides = array<i32>} : memref<1280xf32, #tpu.memory_space<vmem>>, vector<16xf32>,
      tpu.vector_store %arg13[%swap3A_71], %broadcast_in_dim3A_13 {strides = array<i32>} : memref<1280xf32, #tpu.memory_space<vmem>>, vector<16xf32>,
      %swap3A_73 = arith.constant 400 : index
      %swap3A_74 = tpu.vector_load %arg13[%swap3A_73] {strides = array<i32>} : memref<1280xf32, #tpu.memory_space<vmem>>, vector<16xf32>,
      tpu.vector_store %arg13[%swap3A_73], %broadcast_in_dim3A_13 {strides = array<i32>} : memref<1280xf32, #tpu.memory_space<vmem>>, vector<16xf32>,
      %swap3A_75 = arith.constant 416 : index
      %swap3A_76 = tpu.vector_load %arg13[%swap3A_75] {strides = array<i32>} : memref<1280xf32, #tpu.memory_space<vmem>>, vector<16xf32>,
      tpu.vector_store %arg13[%swap3A_75], %broadcast_in_dim3A_13 {strides = array<i32>} : memref<1280xf32, #tpu.memory_space<vmem>>, vector<16xf32>,
      %swap3A_77 = arith.constant 432 : index
      %swap3A_78 = tpu.vector_load %arg13[%swap3A_77] {strides = array<i32>} : memref<1280xf32, #tpu.memory_space<vmem>>, vector<16xf32>,
      tpu.vector_store %arg13[%swap3A_77], %broadcast_in_dim3A_13 {strides = array<i32>} : memref<1280xf32, #tpu.memory_space<vmem>>, vector<16xf32>,
      %swap3A_79 = arith.constant 448 : index
      %swap3A_80 = tpu.vector_load %arg13[%swap3A_79] {strides = array<i32>} : memref<1280xf32, #tpu.memory_space<vmem>>, vector<16xf32>,
      tpu.vector_store %arg13[%swap3A_79], %broadcast_in_dim3A_13 {strides = array<i32>} : memref<1280xf32, #tpu.memory_space<vmem>>, vector<16xf32>,
      %swap3A_81 = arith.constant 464 : index
      %swap3A_82 = tpu.vector_load %arg13[%swap3A_81] {strides = array<i32>} : memref<1280xf32, #tpu.memory_space<vmem>>, vector<16xf32>,
      tpu.vector_store %arg13[%swap3A_81], %broadcast_in_dim3A_13 {strides = array<i32>} : memref<1280xf32, #tpu.memory_space<vmem>>, vector<16xf32>,
      %swap3A_83 = arith.constant 480 : index
      %swap3A_84 = tpu.vector_load %arg13[%swap3A_83] {strides = array<i32>} : memref<1280xf32, #tpu.memory_space<vmem>>, vector<16xf32>,
      tpu.vector_store %arg13[%swap3A_83], %broadcast_in_dim3A_13 {strides = array<i32>} : memref<1280xf32, #tpu.memory_space<vmem>>, vector<16xf32>,
      %swap3A_85 = arith.constant 496 : index
      %swap3A_86 = tpu.vector_load %arg13[%swap3A_85] {strides = array<i32>} : memref<1280xf32, #tpu.memory_space<vmem>>, vector<16xf32>,
      tpu.vector_store %arg13[%swap3A_85], %broadcast_in_dim3A_13 {strides = array<i32>} : memref<1280xf32, #tpu.memory_space<vmem>>, vector<16xf32>,
      %swap3A_87 = arith.constant 512 : index
      %swap3A_88 = tpu.vector_load %arg13[%swap3A_87] {strides = array<i32>} : memref<1280xf32, #tpu.memory_space<vmem>>, vector<16xf32>,
      tpu.vector_store %arg13[%swap3A_87], %broadcast_in_dim3A_13 {strides = array<i32>} : memref<1280xf32, #tpu.memory_space<vmem>>, vector<16xf32>,
      %swap3A_89 = arith.constant 528 : index
      %swap3A_90 = tpu.vector_load %arg13[%swap3A_89] {strides = array<i32>} : memref<1280xf32, #tpu.memory_space<vmem>>, vector<16xf32>,
      tpu.vector_store %arg13[%swap3A_89], %broadcast_in_dim3A_13 {strides = array<i32>} : memref<1280xf32, #tpu.memory_space<vmem>>, vector<16xf32>,
      %swap3A_91 = arith.constant 544 : index
      %swap3A_92 = tpu.vector_load %arg13[%swap3A_91] {strides = array<i32>} : memref<1280xf32, #tpu.memory_space<vmem>>, vector<16xf32>,
      tpu.vector_store %arg13[%swap3A_91], %broadcast_in_dim3A_13 {strides = array<i32>} : memref<1280xf32, #tpu.memory_space<vmem>>, vector<16xf32>,
      %swap3A_93 = arith.constant 560 : index
      %swap3A_94 = tpu.vector_load %arg13[%swap3A_93] {strides = array<i32>} : memref<1280xf32, #tpu.memory_space<vmem>>, vector<16xf32>,
      tpu.vector_store %arg13[%swap3A_93], %broadcast_in_dim3A_13 {strides = array<i32>} : memref<1280xf32, #tpu.memory_space<vmem>>, vector<16xf32>,
      %swap3A_95 = arith.constant 576 : index
      %swap3A_96 = tpu.vector_load %arg13[%swap3A_95] {strides = array<i32>} : memref<1280xf32, #tpu.memory_space<vmem>>, vector<16xf32>,
      tpu.vector_store %arg13[%swap3A_95], %broadcast_in_dim3A_13 {strides = array<i32>} : memref<1280xf32, #tpu.memory_space<vmem>>, vector<16xf32>,
      %swap3A_97 = arith.constant 592 : index
      %swap3A_98 = tpu.vector_load %arg13[%swap3A_97] {strides = array<i32>} : memref<1280xf32, #tpu.memory_space<vmem>>, vector<16xf32>,
      tpu.vector_store %arg13[%swap3A_97], %broadcast_in_dim3A_13 {strides = array<i32>} : memref<1280xf32, #tpu.memory_space<vmem>>, vector<16xf32>,
      %swap3A_99 = arith.constant 608 : index
      %swap3A_100 = tpu.vector_load %arg13[%swap3A_99] {strides = array<i32>} : memref<1280xf32, #tpu.memory_space<vmem>>, vector<16xf32>,
      tpu.vector_store %arg13[%swap3A_99], %broadcast_in_dim3A_13 {strides = array<i32>} : memref<1280xf32, #tpu.memory_space<vmem>>, vector<16xf32>,
      %swap3A_101 = arith.constant 624 : index
      %swap3A_102 = tpu.vector_load %arg13[%swap3A_101] {strides = array<i32>} : memref<1280xf32, #tpu.memory_space<vmem>>, vector<16xf32>,
      tpu.vector_store %arg13[%swap3A_101], %broadcast_in_dim3A_13 {strides = array<i32>} : memref<1280xf32, #tpu.memory_space<vmem>>, vector<16xf32>,
      %swap3A_103 = arith.constant 640 : index
      %swap3A_104 = tpu.vector_load %arg13[%swap3A_103] {strides = array<i32>} : memref<1280xf32, #tpu.memory_space<vmem>>, vector<16xf32>,
      tpu.vector_store %arg13[%swap3A_103], %broadcast_in_dim3A_13 {strides = array<i32>} : memref<1280xf32, #tpu.memory_space<vmem>>, vector<16xf32>,
      %swap3A_105 = arith.constant 656 : index
      %swap3A_106 = tpu.vector_load %arg13[%swap3A_105] {strides = array<i32>} : memref<1280xf32, #tpu.memory_space<vmem>>, vector<16xf32>,
      tpu.vector_store %arg13[%swap3A_105], %broadcast_in_dim3A_13 {strides = array<i32>} : memref<1280xf32, #tpu.memory_space<vmem>>, vector<16xf32>,
      %swap3A_107 = arith.constant 672 : index
      %swap3A_108 = tpu.vector_load %arg13[%swap3A_107] {strides = array<i32>} : memref<1280xf32, #tpu.memory_space<vmem>>, vector<16xf32>,
      tpu.vector_store %arg13[%swap3A_107], %broadcast_in_dim3A_13 {strides = array<i32>} : memref<1280xf32, #tpu.memory_space<vmem>>, vector<16xf32>,
      %swap3A_109 = arith.constant 688 : index
      %swap3A_110 = tpu.vector_load %arg13[%swap3A_109] {strides = array<i32>} : memref<1280xf32, #tpu.memory_space<vmem>>, vector<16xf32>,
      tpu.vector_store %arg13[%swap3A_109], %broadcast_in_dim3A_13 {strides = array<i32>} : memref<1280xf32, #tpu.memory_space<vmem>>, vector<16xf32>,
      %swap3A_111 = arith.constant 704 : index
      %swap3A_112 = tpu.vector_load %arg13[%swap3A_111] {strides = array<i32>} : memref<1280xf32, #tpu.memory_space<vmem>>, vector<16xf32>,
      tpu.vector_store %arg13[%swap3A_111], %broadcast_in_dim3A_13 {strides = array<i32>} : memref<1280xf32, #tpu.memory_space<vmem>>, vector<16xf32>,
      %swap3A_113 = arith.constant 720 : index
      %swap3A_114 = tpu.vector_load %arg13[%swap3A_113] {strides = array<i32>} : memref<1280xf32, #tpu.memory_space<vmem>>, vector<16xf32>,
      tpu.vector_store %arg13[%swap3A_113], %broadcast_in_dim3A_13 {strides = array<i32>} : memref<1280xf32, #tpu.memory_space<vmem>>, vector<16xf32>,
      %swap3A_115 = arith.constant 736 : index
      %swap3A_116 = tpu.vector_load %arg13[%swap3A_115] {strides = array<i32>} : memref<1280xf32, #tpu.memory_space<vmem>>, vector<16xf32>,
      tpu.vector_store %arg13[%swap3A_115], %broadcast_in_dim3A_13 {strides = array<i32>} : memref<1280xf32, #tpu.memory_space<vmem>>, vector<16xf32>,
      %swap3A_117 = arith.constant 752 : index
      %swap3A_118 = tpu.vector_load %arg13[%swap3A_117] {strides = array<i32>} : memref<1280xf32, #tpu.memory_space<vmem>>, vector<16xf32>,
      tpu.vector_store %arg13[%swap3A_117], %broadcast_in_dim3A_13 {strides = array<i32>} : memref<1280xf32, #tpu.memory_space<vmem>>, vector<16xf32>,
      %swap3A_119 = arith.constant 768 : index
      %swap3A_120 = tpu.vector_load %arg13[%swap3A_119] {strides = array<i32>} : memref<1280xf32, #tpu.memory_space<vmem>>, vector<16xf32>,
      tpu.vector_store %arg13[%swap3A_119], %broadcast_in_dim3A_13 {strides = array<i32>} : memref<1280xf32, #tpu.memory_space<vmem>>, vector<16xf32>,
      %swap3A_121 = arith.constant 784 : index
      %swap3A_122 = tpu.vector_load %arg13[%swap3A_121] {strides = array<i32>} : memref<1280xf32, #tpu.memory_space<vmem>>, vector<16xf32>,
      tpu.vector_store %arg13[%swap3A_121], %broadcast_in_dim3A_13 {strides = array<i32>} : memref<1280xf32, #tpu.memory_space<vmem>>, vector<16xf32>,
      %swap3A_123 = arith.constant 800 : index
      %swap3A_124 = tpu.vector_load %arg13[%swap3A_123] {strides = array<i32>} : memref<1280xf32, #tpu.memory_space<vmem>>, vector<16xf32>,
      tpu.vector_store %arg13[%swap3A_123], %broadcast_in_dim3A_13 {strides = array<i32>} : memref<1280xf32, #tpu.memory_space<vmem>>, vector<16xf32>,
      %swap3A_125 = arith.constant 816 : index
      %swap3A_126 = tpu.vector_load %arg13[%swap3A_125] {strides = array<i32>} : memref<1280xf32, #tpu.memory_space<vmem>>, vector<16xf32>,
      tpu.vector_store %arg13[%swap3A_125], %broadcast_in_dim3A_13 {strides = array<i32>} : memref<1280xf32, #tpu.memory_space<vmem>>, vector<16xf32>,
      %swap3A_127 = arith.constant 832 : index
      %swap3A_128 = tpu.vector_load %arg13[%swap3A_127] {strides = array<i32>} : memref<1280xf32, #tpu.memory_space<vmem>>, vector<16xf32>,
      tpu.vector_store %arg13[%swap3A_127], %broadcast_in_dim3A_13 {strides = array<i32>} : memref<1280xf32, #tpu.memory_space<vmem>>, vector<16xf32>,
      %swap3A_129 = arith.constant 848 : index
      %swap3A_130 = tpu.vector_load %arg13[%swap3A_129] {strides = array<i32>} : memref<1280xf32, #tpu.memory_space<vmem>>, vector<16xf32>,
      tpu.vector_store %arg13[%swap3A_129], %broadcast_in_dim3A_13 {strides = array<i32>} : memref<1280xf32, #tpu.memory_space<vmem>>, vector<16xf32>,
      %swap3A_131 = arith.constant 864 : index
      %swap3A_132 = tpu.vector_load %arg13[%swap3A_131] {strides = array<i32>} : memref<1280xf32, #tpu.memory_space<vmem>>, vector<16xf32>,
      tpu.vector_store %arg13[%swap3A_131], %broadcast_in_dim3A_13 {strides = array<i32>} : memref<1280xf32, #tpu.memory_space<vmem>>, vector<16xf32>,
      %swap3A_133 = arith.constant 880 : index
      %swap3A_134 = tpu.vector_load %arg13[%swap3A_133] {strides = array<i32>} : memref<1280xf32, #tpu.memory_space<vmem>>, vector<16xf32>,
      tpu.vector_store %arg13[%swap3A_133], %broadcast_in_dim3A_13 {strides = array<i32>} : memref<1280xf32, #tpu.memory_space<vmem>>, vector<16xf32>,
      %swap3A_135 = arith.constant 896 : index
      %swap3A_136 = tpu.vector_load %arg13[%swap3A_135] {strides = array<i32>} : memref<1280xf32, #tpu.memory_space<vmem>>, vector<16xf32>,
      tpu.vector_store %arg13[%swap3A_135], %broadcast_in_dim3A_13 {strides = array<i32>} : memref<1280xf32, #tpu.memory_space<vmem>>, vector<16xf32>,
      %swap3A_137 = arith.constant 912 : index
      %swap3A_138 = tpu.vector_load %arg13[%swap3A_137] {strides = array<i32>} : memref<1280xf32, #tpu.memory_space<vmem>>, vector<16xf32>,
      tpu.vector_store %arg13[%swap3A_137], %broadcast_in_dim3A_13 {strides = array<i32>} : memref<1280xf32, #tpu.memory_space<vmem>>, vector<16xf32>,
      %swap3A_139 = arith.constant 928 : index
      %swap3A_140 = tpu.vector_load %arg13[%swap3A_139] {strides = array<i32>} : memref<1280xf32, #tpu.memory_space<vmem>>, vector<16xf32>,
      tpu.vector_store %arg13[%swap3A_139], %broadcast_in_dim3A_13 {strides = array<i32>} : memref<1280xf32, #tpu.memory_space<vmem>>, vector<16xf32>,
      %swap3A_141 = arith.constant 944 : index
      %swap3A_142 = tpu.vector_load %arg13[%swap3A_141] {strides = array<i32>} : memref<1280xf32, #tpu.memory_space<vmem>>, vector<16xf32>,
      tpu.vector_store %arg13[%swap3A_141], %broadcast_in_dim3A_13 {strides = array<i32>} : memref<1280xf32, #tpu.memory_space<vmem>>, vector<16xf32>,
      %swap3A_143 = arith.constant 960 : index
      %swap3A_144 = tpu.vector_load %arg13[%swap3A_143] {strides = array<i32>} : memref<1280xf32, #tpu.memory_space<vmem>>, vector<16xf32>,
      tpu.vector_store %arg13[%swap3A_143], %broadcast_in_dim3A_13 {strides = array<i32>} : memref<1280xf32, #tpu.memory_space<vmem>>, vector<16xf32>,
      %swap3A_145 = arith.constant 976 : index
      %swap3A_146 = tpu.vector_load %arg13[%swap3A_145] {strides = array<i32>} : memref<1280xf32, #tpu.memory_space<vmem>>, vector<16xf32>,
      tpu.vector_store %arg13[%swap3A_145], %broadcast_in_dim3A_13 {strides = array<i32>} : memref<1280xf32, #tpu.memory_space<vmem>>, vector<16xf32>,
      %swap3A_147 = arith.constant 992 : index
      %swap3A_148 = tpu.vector_load %arg13[%swap3A_147] {strides = array<i32>} : memref<1280xf32, #tpu.memory_space<vmem>>, vector<16xf32>,
      tpu.vector_store %arg13[%swap3A_147], %broadcast_in_dim3A_13 {strides = array<i32>} : memref<1280xf32, #tpu.memory_space<vmem>>, vector<16xf32>,
      %swap3A_149 = arith.constant 1008 : index
      %swap3A_150 = tpu.vector_load %arg13[%swap3A_149] {strides = array<i32>} : memref<1280xf32, #tpu.memory_space<vmem>>, vector<16xf32>,
      tpu.vector_store %arg13[%swap3A_149], %broadcast_in_dim3A_13 {strides = array<i32>} : memref<1280xf32, #tpu.memory_space<vmem>>, vector<16xf32>,
      %swap3A_151 = arith.constant 1024 : index
      %swap3A_152 = tpu.vector_load %arg13[%swap3A_151] {strides = array<i32>} : memref<1280xf32, #tpu.memory_space<vmem>>, vector<16xf32>,
      tpu.vector_store %arg13[%swap3A_151], %broadcast_in_dim3A_13 {strides = array<i32>} : memref<1280xf32, #tpu.memory_space<vmem>>, vector<16xf32>,
      %swap3A_153 = arith.constant 1040 : index
      %swap3A_154 = tpu.vector_load %arg13[%swap3A_153] {strides = array<i32>} : memref<1280xf32, #tpu.memory_space<vmem>>, vector<16xf32>,
      tpu.vector_store %arg13[%swap3A_153], %broadcast_in_dim3A_13 {strides = array<i32>} : memref<1280xf32, #tpu.memory_space<vmem>>, vector<16xf32>,
      %swap3A_155 = arith.constant 1056 : index
      %swap3A_156 = tpu.vector_load %arg13[%swap3A_155] {strides = array<i32>} : memref<1280xf32, #tpu.memory_space<vmem>>, vector<16xf32>,
      tpu.vector_store %arg13[%swap3A_155], %broadcast_in_dim3A_13 {strides = array<i32>} : memref<1280xf32, #tpu.memory_space<vmem>>, vector<16xf32>,
      %swap3A_157 = arith.constant 1072 : index
      %swap3A_158 = tpu.vector_load %arg13[%swap3A_157] {strides = array<i32>} : memref<1280xf32, #tpu.memory_space<vmem>>, vector<16xf32>,
      tpu.vector_store %arg13[%swap3A_157], %broadcast_in_dim3A_13 {strides = array<i32>} : memref<1280xf32, #tpu.memory_space<vmem>>, vector<16xf32>,
      %swap3A_159 = arith.constant 1088 : index
      %swap3A_160 = tpu.vector_load %arg13[%swap3A_159] {strides = array<i32>} : memref<1280xf32, #tpu.memory_space<vmem>>, vector<16xf32>,
      tpu.vector_store %arg13[%swap3A_159], %broadcast_in_dim3A_13 {strides = array<i32>} : memref<1280xf32, #tpu.memory_space<vmem>>, vector<16xf32>,
      %swap3A_161 = arith.constant 1104 : index
      %swap3A_162 = tpu.vector_load %arg13[%swap3A_161] {strides = array<i32>} : memref<1280xf32, #tpu.memory_space<vmem>>, vector<16xf32>,
      tpu.vector_store %arg13[%swap3A_161], %broadcast_in_dim3A_13 {strides = array<i32>} : memref<1280xf32, #tpu.memory_space<vmem>>, vector<16xf32>,
      %swap3A_163 = arith.constant 1120 : index
      %swap3A_164 = tpu.vector_load %arg13[%swap3A_163] {strides = array<i32>} : memref<1280xf32, #tpu.memory_space<vmem>>, vector<16xf32>,
      tpu.vector_store %arg13[%swap3A_163], %broadcast_in_dim3A_13 {strides = array<i32>} : memref<1280xf32, #tpu.memory_space<vmem>>, vector<16xf32>,
      %swap3A_165 = arith.constant 1136 : index
      %swap3A_166 = tpu.vector_load %arg13[%swap3A_165] {strides = array<i32>} : memref<1280xf32, #tpu.memory_space<vmem>>, vector<16xf32>,
      tpu.vector_store %arg13[%swap3A_165], %broadcast_in_dim3A_13 {strides = array<i32>} : memref<1280xf32, #tpu.memory_space<vmem>>, vector<16xf32>,
      %swap3A_167 = arith.constant 1152 : index
      %swap3A_168 = tpu.vector_load %arg13[%swap3A_167] {strides = array<i32>} : memref<1280xf32, #tpu.memory_space<vmem>>, vector<16xf32>,
      tpu.vector_store %arg13[%swap3A_167], %broadcast_in_dim3A_13 {strides = array<i32>} : memref<1280xf32, #tpu.memory_space<vmem>>, vector<16xf32>,
      %swap3A_169 = arith.constant 1168 : index
      %swap3A_170 = tpu.vector_load %arg13[%swap3A_169] {strides = array<i32>} : memref<1280xf32, #tpu.memory_space<vmem>>, vector<16xf32>,
      tpu.vector_store %arg13[%swap3A_169], %broadcast_in_dim3A_13 {strides = array<i32>} : memref<1280xf32, #tpu.memory_space<vmem>>, vector<16xf32>,
      %swap3A_171 = arith.constant 1184 : index
      %swap3A_172 = tpu.vector_load %arg13[%swap3A_171] {strides = array<i32>} : memref<1280xf32, #tpu.memory_space<vmem>>, vector<16xf32>,
      tpu.vector_store %arg13[%swap3A_171], %broadcast_in_dim3A_13 {strides = array<i32>} : memref<1280xf32, #tpu.memory_space<vmem>>, vector<16xf32>,
      %swap3A_173 = arith.constant 1200 : index
      %swap3A_174 = tpu.vector_load %arg13[%swap3A_173] {strides = array<i32>} : memref<1280xf32, #tpu.memory_space<vmem>>, vector<16xf32>,
      tpu.vector_store %arg13[%swap3A_173], %broadcast_in_dim3A_13 {strides = array<i32>} : memref<1280xf32, #tpu.memory_space<vmem>>, vector<16xf32>,
      %swap3A_175 = arith.constant 1216 : index
      %swap3A_176 = tpu.vector_load %arg13[%swap3A_175] {strides = array<i32>} : memref<1280xf32, #tpu.memory_space<vmem>>, vector<16xf32>,
      tpu.vector_store %arg13[%swap3A_175], %broadcast_in_dim3A_13 {strides = array<i32>} : memref<1280xf32, #tpu.memory_space<vmem>>, vector<16xf32>,
      %swap3A_177 = arith.constant 1232 : index
      %swap3A_178 = tpu.vector_load %arg13[%swap3A_177] {strides = array<i32>} : memref<1280xf32, #tpu.memory_space<vmem>>, vector<16xf32>,
      tpu.vector_store %arg13[%swap3A_177], %broadcast_in_dim3A_13 {strides = array<i32>} : memref<1280xf32, #tpu.memory_space<vmem>>, vector<16xf32>,
      %swap3A_179 = arith.constant 1248 : index
      %swap3A_180 = tpu.vector_load %arg13[%swap3A_179] {strides = array<i32>} : memref<1280xf32, #tpu.memory_space<vmem>>, vector<16xf32>,
      tpu.vector_store %arg13[%swap3A_179], %broadcast_in_dim3A_13 {strides = array<i32>} : memref<1280xf32, #tpu.memory_space<vmem>>, vector<16xf32>,
      %swap3A_181 = arith.constant 1264 : index
      %swap3A_182 = tpu.vector_load %arg13[%swap3A_181] {strides = array<i32>} : memref<1280xf32, #tpu.memory_space<vmem>>, vector<16xf32>,
      tpu.vector_store %arg13[%swap3A_181], %broadcast_in_dim3A_13 {strides = array<i32>} : memref<1280xf32, #tpu.memory_space<vmem>>, vector<16xf32>,
      %add3A_183 = arith.constant 0 : i32
      %add3A_184 = arith.addi %add3A_183, %mul3A_23 : i32
      %get3A = arith.index_cast %add3A_184 : i32 to index
      %get3A_185 = tpu.vector_load %arg12[%get3A] {strides = array<i32>} : memref<9216xf32, #tpu.memory_space<vmem>>, vector<16xf32>,
      %add3A_186 = arith.constant 1024 : i32
      %add3A_187 = arith.addi %add3A_186, %mul3A_23 : i32
      %get3A_188 = arith.index_cast %add3A_187 : i32 to index
      %get3A_189 = tpu.vector_load %arg12[%get3A_188] {strides = array<i32>} : memref<9216xf32, #tpu.memory_space<vmem>>, vector<16xf32>,
      %add3A_190 = arith.constant 2048 : i32
      %add3A_191 = arith.addi %add3A_190, %mul3A_23 : i32
      %get3A_192 = arith.index_cast %add3A_191 : i32 to index
      %get3A_193 = tpu.vector_load %arg12[%get3A_192] {strides = array<i32>} : memref<9216xf32, #tpu.memory_space<vmem>>, vector<16xf32>,
      %add3A_194 = arith.constant 3072 : i32
      %add3A_195 = arith.addi %add3A_194, %mul3A_23 : i32
      %get3A_196 = arith.index_cast %add3A_195 : i32 to index
      %get3A_197 = tpu.vector_load %arg12[%get3A_196] {strides = array<i32>} : memref<9216xf32, #tpu.memory_space<vmem>>, vector<16xf32>,
      %add3A_198 = arith.constant 4096 : i32
      %add3A_199 = arith.addi %add3A_198, %mul3A_23 : i32
      %get3A_200 = arith.index_cast %add3A_199 : i32 to index
      %get3A_201 = tpu.vector_load %arg12[%get3A_200] {strides = array<i32>} : memref<9216xf32, #tpu.memory_space<vmem>>, vector<16xf32>,
      %add3A_202 = arith.constant 5120 : i32
      %add3A_203 = arith.addi %add3A_202, %mul3A_23 : i32
      %get3A_204 = arith.index_cast %add3A_203 : i32 to index
      %get3A_205 = tpu.vector_load %arg12[%get3A_204] {strides = array<i32>} : memref<9216xf32, #tpu.memory_space<vmem>>, vector<16xf32>,
      %add3A_206 = arith.constant 6144 : i32
      %add3A_207 = arith.addi %add3A_206, %mul3A_23 : i32
      %get3A_208 = arith.index_cast %add3A_207 : i32 to index
      %get3A_209 = tpu.vector_load %arg12[%get3A_208] {strides = array<i32>} : memref<9216xf32, #tpu.memory_space<vmem>>, vector<16xf32>,
      %add3A_210 = arith.constant 7168 : i32
      %add3A_211 = arith.addi %add3A_210, %mul3A_23 : i32
      %get3A_212 = arith.index_cast %add3A_211 : i32 to index
      %get3A_213 = tpu.vector_load %arg12[%get3A_212] {strides = array<i32>} : memref<9216xf32, #tpu.memory_space<vmem>>, vector<16xf32>,
      %add3A_214 = arith.constant 8192 : i32
      %add3A_215 = arith.addi %add3A_214, %mul3A_23 : i32
      %get3A_216 = arith.index_cast %add3A_215 : i32 to index
      %get3A_217 = tpu.vector_load %arg12[%get3A_216] {strides = array<i32>} : memref<9216xf32, #tpu.memory_space<vmem>>, vector<16xf32>,
      %bitcast3A = vector.bitcast %get3A_185 : vector<16xf32> to vector<16xi32>
      %add3A_218 = arith.constant 32767 : i32
      %add3A_219 = vector.broadcast %add3A_218 : i32 to vector<16xi32>
      %add3A_220 = arith.addi %bitcast3A, %add3A_219 : vector<16xi32>
      %shift_right_arithmetic3A = arith.constant 16 : i32
      %shift_right_arithmetic3A_221 = vector.broadcast %shift_right_arithmetic3A : i32 to vector<16xi32>
      %shift_right_arithmetic3A_222 = arith.shrsi %bitcast3A, %shift_right_arithmetic3A_221 : vector<16xi32>
      %and3A = arith.constant 1 : i32
      %and3A_223 = vector.broadcast %and3A : i32 to vector<16xi32>
      %and3A_224 = arith.andi %shift_right_arithmetic3A_222, %and3A_223 : vector<16xi32>
      %add3A_225 = arith.addi %add3A_220, %and3A_224 : vector<16xi32>
      %and3A_226 = arith.constant -65536 : i32
      %and3A_227 = vector.broadcast %and3A_226 : i32 to vector<16xi32>
      %and3A_228 = arith.andi %add3A_225, %and3A_227 : vector<16xi32>
      %bitcast3A_229 = vector.bitcast %and3A_228 : vector<16xi32> to vector<16xf32>
      %bitcast3A_230 = vector.bitcast %get3A_189 : vector<16xf32> to vector<16xi32>
      %add3A_231 = arith.constant 32767 : i32
      %add3A_232 = vector.broadcast %add3A_231 : i32 to vector<16xi32>
      %add3A_233 = arith.addi %bitcast3A_230, %add3A_232 : vector<16xi32>
      %shift_right_arithmetic3A_234 = arith.constant 16 : i32
      %shift_right_arithmetic3A_235 = vector.broadcast %shift_right_arithmetic3A_234 : i32 to vector<16xi32>
      %shift_right_arithmetic3A_236 = arith.shrsi %bitcast3A_230, %shift_right_arithmetic3A_235 : vector<16xi32>
      %and3A_237 = arith.constant 1 : i32
      %and3A_238 = vector.broadcast %and3A_237 : i32 to vector<16xi32>
      %and3A_239 = arith.andi %shift_right_arithmetic3A_236, %and3A_238 : vector<16xi32>
      %add3A_240 = arith.addi %add3A_233, %and3A_239 : vector<16xi32>
      %and3A_241 = arith.constant -65536 : i32
      %and3A_242 = vector.broadcast %and3A_241 : i32 to vector<16xi32>
      %and3A_243 = arith.andi %add3A_240, %and3A_242 : vector<16xi32>
      %bitcast3A_244 = vector.bitcast %and3A_243 : vector<16xi32> to vector<16xf32>
      %bitcast3A_245 = vector.bitcast %get3A_193 : vector<16xf32> to vector<16xi32>
      %add3A_246 = arith.constant 32767 : i32
      %add3A_247 = vector.broadcast %add3A_246 : i32 to vector<16xi32>
      %add3A_248 = arith.addi %bitcast3A_245, %add3A_247 : vector<16xi32>
      %shift_right_arithmetic3A_249 = arith.constant 16 : i32
      %shift_right_arithmetic3A_250 = vector.broadcast %shift_right_arithmetic3A_249 : i32 to vector<16xi32>
      %shift_right_arithmetic3A_251 = arith.shrsi %bitcast3A_245, %shift_right_arithmetic3A_250 : vector<16xi32>
      %and3A_252 = arith.constant 1 : i32
      %and3A_253 = vector.broadcast %and3A_252 : i32 to vector<16xi32>
      %and3A_254 = arith.andi %shift_right_arithmetic3A_251, %and3A_253 : vector<16xi32>
      %add3A_255 = arith.addi %add3A_248, %and3A_254 : vector<16xi32>
      %and3A_256 = arith.constant -65536 : i32
      %and3A_257 = vector.broadcast %and3A_256 : i32 to vector<16xi32>
      %and3A_258 = arith.andi %add3A_255, %and3A_257 : vector<16xi32>
      %bitcast3A_259 = vector.bitcast %and3A_258 : vector<16xi32> to vector<16xf32>
      %bitcast3A_260 = vector.bitcast %get3A_197 : vector<16xf32> to vector<16xi32>
      %add3A_261 = arith.constant 32767 : i32
      %add3A_262 = vector.broadcast %add3A_261 : i32 to vector<16xi32>
      %add3A_263 = arith.addi %bitcast3A_260, %add3A_262 : vector<16xi32>
      %shift_right_arithmetic3A_264 = arith.constant 16 : i32
      %shift_right_arithmetic3A_265 = vector.broadcast %shift_right_arithmetic3A_264 : i32 to vector<16xi32>
      %shift_right_arithmetic3A_266 = arith.shrsi %bitcast3A_260, %shift_right_arithmetic3A_265 : vector<16xi32>
      %and3A_267 = arith.constant 1 : i32
      %and3A_268 = vector.broadcast %and3A_267 : i32 to vector<16xi32>
      %and3A_269 = arith.andi %shift_right_arithmetic3A_266, %and3A_268 : vector<16xi32>
      %add3A_270 = arith.addi %add3A_263, %and3A_269 : vector<16xi32>
      %and3A_271 = arith.constant -65536 : i32
      %and3A_272 = vector.broadcast %and3A_271 : i32 to vector<16xi32>
      %and3A_273 = arith.andi %add3A_270, %and3A_272 : vector<16xi32>
      %bitcast3A_274 = vector.bitcast %and3A_273 : vector<16xi32> to vector<16xf32>
      %bitcast3A_275 = vector.bitcast %get3A_201 : vector<16xf32> to vector<16xi32>
      %add3A_276 = arith.constant 32767 : i32
      %add3A_277 = vector.broadcast %add3A_276 : i32 to vector<16xi32>
      %add3A_278 = arith.addi %bitcast3A_275, %add3A_277 : vector<16xi32>
      %shift_right_arithmetic3A_279 = arith.constant 16 : i32
      %shift_right_arithmetic3A_280 = vector.broadcast %shift_right_arithmetic3A_279 : i32 to vector<16xi32>
      %shift_right_arithmetic3A_281 = arith.shrsi %bitcast3A_275, %shift_right_arithmetic3A_280 : vector<16xi32>
      %and3A_282 = arith.constant 1 : i32
      %and3A_283 = vector.broadcast %and3A_282 : i32 to vector<16xi32>
      %and3A_284 = arith.andi %shift_right_arithmetic3A_281, %and3A_283 : vector<16xi32>
      %add3A_285 = arith.addi %add3A_278, %and3A_284 : vector<16xi32>
      %and3A_286 = arith.constant -65536 : i32
      %and3A_287 = vector.broadcast %and3A_286 : i32 to vector<16xi32>
      %and3A_288 = arith.andi %add3A_285, %and3A_287 : vector<16xi32>
      %bitcast3A_289 = vector.bitcast %and3A_288 : vector<16xi32> to vector<16xf32>
      %bitcast3A_290 = vector.bitcast %get3A_205 : vector<16xf32> to vector<16xi32>
      %add3A_291 = arith.constant 32767 : i32
      %add3A_292 = vector.broadcast %add3A_291 : i32 to vector<16xi32>
      %add3A_293 = arith.addi %bitcast3A_290, %add3A_292 : vector<16xi32>
      %shift_right_arithmetic3A_294 = arith.constant 16 : i32
      %shift_right_arithmetic3A_295 = vector.broadcast %shift_right_arithmetic3A_294 : i32 to vector<16xi32>
      %shift_right_arithmetic3A_296 = arith.shrsi %bitcast3A_290, %shift_right_arithmetic3A_295 : vector<16xi32>
      %and3A_297 = arith.constant 1 : i32
      %and3A_298 = vector.broadcast %and3A_297 : i32 to vector<16xi32>
      %and3A_299 = arith.andi %shift_right_arithmetic3A_296, %and3A_298 : vector<16xi32>
      %add3A_300 = arith.addi %add3A_293, %and3A_299 : vector<16xi32>
      %and3A_301 = arith.constant -65536 : i32
      %and3A_302 = vector.broadcast %and3A_301 : i32 to vector<16xi32>
      %and3A_303 = arith.andi %add3A_300, %and3A_302 : vector<16xi32>
      %bitcast3A_304 = vector.bitcast %and3A_303 : vector<16xi32> to vector<16xf32>
      %bitcast3A_305 = vector.bitcast %get3A_209 : vector<16xf32> to vector<16xi32>
      %add3A_306 = arith.constant 32767 : i32
      %add3A_307 = vector.broadcast %add3A_306 : i32 to vector<16xi32>
      %add3A_308 = arith.addi %bitcast3A_305, %add3A_307 : vector<16xi32>
      %shift_right_arithmetic3A_309 = arith.constant 16 : i32
      %shift_right_arithmetic3A_310 = vector.broadcast %shift_right_arithmetic3A_309 : i32 to vector<16xi32>
      %shift_right_arithmetic3A_311 = arith.shrsi %bitcast3A_305, %shift_right_arithmetic3A_310 : vector<16xi32>
      %and3A_312 = arith.constant 1 : i32
      %and3A_313 = vector.broadcast %and3A_312 : i32 to vector<16xi32>
      %and3A_314 = arith.andi %shift_right_arithmetic3A_311, %and3A_313 : vector<16xi32>
      %add3A_315 = arith.addi %add3A_308, %and3A_314 : vector<16xi32>
      %and3A_316 = arith.constant -65536 : i32
      %and3A_317 = vector.broadcast %and3A_316 : i32 to vector<16xi32>
      %and3A_318 = arith.andi %add3A_315, %and3A_317 : vector<16xi32>
      %bitcast3A_319 = vector.bitcast %and3A_318 : vector<16xi32> to vector<16xf32>
      %bitcast3A_320 = vector.bitcast %get3A_213 : vector<16xf32> to vector<16xi32>
      %add3A_321 = arith.constant 32767 : i32
      %add3A_322 = vector.broadcast %add3A_321 : i32 to vector<16xi32>
      %add3A_323 = arith.addi %bitcast3A_320, %add3A_322 : vector<16xi32>
      %shift_right_arithmetic3A_324 = arith.constant 16 : i32
      %shift_right_arithmetic3A_325 = vector.broadcast %shift_right_arithmetic3A_324 : i32 to vector<16xi32>
      %shift_right_arithmetic3A_326 = arith.shrsi %bitcast3A_320, %shift_right_arithmetic3A_325 : vector<16xi32>
      %and3A_327 = arith.constant 1 : i32
      %and3A_328 = vector.broadcast %and3A_327 : i32 to vector<16xi32>
      %and3A_329 = arith.andi %shift_right_arithmetic3A_326, %and3A_328 : vector<16xi32>
      %add3A_330 = arith.addi %add3A_323, %and3A_329 : vector<16xi32>
      %and3A_331 = arith.constant -65536 : i32
      %and3A_332 = vector.broadcast %and3A_331 : i32 to vector<16xi32>
      %and3A_333 = arith.andi %add3A_330, %and3A_332 : vector<16xi32>
      %bitcast3A_334 = vector.bitcast %and3A_333 : vector<16xi32> to vector<16xf32>
      %bitcast3A_335 = vector.bitcast %get3A_217 : vector<16xf32> to vector<16xi32>
      %add3A_336 = arith.constant 32767 : i32
      %add3A_337 = vector.broadcast %add3A_336 : i32 to vector<16xi32>
      %add3A_338 = arith.addi %bitcast3A_335, %add3A_337 : vector<16xi32>
      %shift_right_arithmetic3A_339 = arith.constant 16 : i32
      %shift_right_arithmetic3A_340 = vector.broadcast %shift_right_arithmetic3A_339 : i32 to vector<16xi32>
      %shift_right_arithmetic3A_341 = arith.shrsi %bitcast3A_335, %shift_right_arithmetic3A_340 : vector<16xi32>
      %and3A_342 = arith.constant 1 : i32
      %and3A_343 = vector.broadcast %and3A_342 : i32 to vector<16xi32>
      %and3A_344 = arith.andi %shift_right_arithmetic3A_341, %and3A_343 : vector<16xi32>
      %add3A_345 = arith.addi %add3A_338, %and3A_344 : vector<16xi32>
      %and3A_346 = arith.constant -65536 : i32
      %and3A_347 = vector.broadcast %and3A_346 : i32 to vector<16xi32>
      %and3A_348 = arith.andi %add3A_345, %and3A_347 : vector<16xi32>
      %bitcast3A_349 = vector.bitcast %and3A_348 : vector<16xi32> to vector<16xf32>
      %add3A_350 = arith.constant 0 : i32
      %add3A_351 = arith.addi %add3A_350, %mul3A_23 : i32
      %get3A_352 = arith.index_cast %add3A_351 : i32 to index
      %get3A_353 = tpu.vector_load %arg10[%get3A_352] {strides = array<i32>} : memref<5120xi32, #tpu.memory_space<vmem>>, vector<16xi32>,
      %add3A_354 = arith.constant 0 : i32
      %add3A_355 = arith.addi %add3A_354, %mul3A_23 : i32
      %get3A_356 = arith.index_cast %add3A_355 : i32 to index
      %get3A_357 = tpu.vector_load %arg11[%get3A_356] {strides = array<i32>} : memref<15360xf32, #tpu.memory_space<vmem>>, vector<16xf32>,
      %bitcast3A_358 = vector.bitcast %get3A_357 : vector<16xf32> to vector<16xi32>
      %add3A_359 = arith.constant 32767 : i32
      %add3A_360 = vector.broadcast %add3A_359 : i32 to vector<16xi32>
      %add3A_361 = arith.addi %bitcast3A_358, %add3A_360 : vector<16xi32>
      %shift_right_arithmetic3A_362 = arith.constant 16 : i32
      %shift_right_arithmetic3A_363 = vector.broadcast %shift_right_arithmetic3A_362 : i32 to vector<16xi32>
      %shift_right_arithmetic3A_364 = arith.shrsi %bitcast3A_358, %shift_right_arithmetic3A_363 : vector<16xi32>
      %and3A_365 = arith.constant 1 : i32
      %and3A_366 = vector.broadcast %and3A_365 : i32 to vector<16xi32>
      %and3A_367 = arith.andi %shift_right_arithmetic3A_364, %and3A_366 : vector<16xi32>
      %add3A_368 = arith.addi %add3A_361, %and3A_367 : vector<16xi32>
      %and3A_369 = arith.constant -65536 : i32
      %and3A_370 = vector.broadcast %and3A_369 : i32 to vector<16xi32>
      %and3A_371 = arith.andi %add3A_368, %and3A_370 : vector<16xi32>
      %bitcast3A_372 = vector.bitcast %and3A_371 : vector<16xi32> to vector<16xf32>
      %add3A_373 = arith.constant 1024 : i32
      %add3A_374 = arith.addi %add3A_373, %mul3A_23 : i32
      %get3A_375 = arith.index_cast %add3A_374 : i32 to index
      %get3A_376 = tpu.vector_load %arg11[%get3A_375] {strides = array<i32>} : memref<15360xf32, #tpu.memory_space<vmem>>, vector<16xf32>,
      %bitcast3A_377 = vector.bitcast %get3A_376 : vector<16xf32> to vector<16xi32>
      %add3A_378 = arith.constant 32767 : i32
      %add3A_379 = vector.broadcast %add3A_378 : i32 to vector<16xi32>
      %add3A_380 = arith.addi %bitcast3A_377, %add3A_379 : vector<16xi32>
      %shift_right_arithmetic3A_381 = arith.constant 16 : i32
      %shift_right_arithmetic3A_382 = vector.broadcast %shift_right_arithmetic3A_381 : i32 to vector<16xi32>
      %shift_right_arithmetic3A_383 = arith.shrsi %bitcast3A_377, %shift_right_arithmetic3A_382 : vector<16xi32>
      %and3A_384 = arith.constant 1 : i32
      %and3A_385 = vector.broadcast %and3A_384 : i32 to vector<16xi32>
      %and3A_386 = arith.andi %shift_right_arithmetic3A_383, %and3A_385 : vector<16xi32>
      %add3A_387 = arith.addi %add3A_380, %and3A_386 : vector<16xi32>
      %and3A_388 = arith.constant -65536 : i32
      %and3A_389 = vector.broadcast %and3A_388 : i32 to vector<16xi32>
      %and3A_390 = arith.andi %add3A_387, %and3A_389 : vector<16xi32>
      %bitcast3A_391 = vector.bitcast %and3A_390 : vector<16xi32> to vector<16xf32>
      %add3A_392 = arith.constant 2048 : i32
      %add3A_393 = arith.addi %add3A_392, %mul3A_23 : i32
      %get3A_394 = arith.index_cast %add3A_393 : i32 to index
      %get3A_395 = tpu.vector_load %arg11[%get3A_394] {strides = array<i32>} : memref<15360xf32, #tpu.memory_space<vmem>>, vector<16xf32>,
      %bitcast3A_396 = vector.bitcast %get3A_395 : vector<16xf32> to vector<16xi32>
      %add3A_397 = arith.constant 32767 : i32
      %add3A_398 = vector.broadcast %add3A_397 : i32 to vector<16xi32>
      %add3A_399 = arith.addi %bitcast3A_396, %add3A_398 : vector<16xi32>
      %shift_right_arithmetic3A_400 = arith.constant 16 : i32
      %shift_right_arithmetic3A_401 = vector.broadcast %shift_right_arithmetic3A_400 : i32 to vector<16xi32>
      %shift_right_arithmetic3A_402 = arith.shrsi %bitcast3A_396, %shift_right_arithmetic3A_401 : vector<16xi32>
      %and3A_403 = arith.constant 1 : i32
      %and3A_404 = vector.broadcast %and3A_403 : i32 to vector<16xi32>
      %and3A_405 = arith.andi %shift_right_arithmetic3A_402, %and3A_404 : vector<16xi32>
      %add3A_406 = arith.addi %add3A_399, %and3A_405 : vector<16xi32>
      %and3A_407 = arith.constant -65536 : i32
      %and3A_408 = vector.broadcast %and3A_407 : i32 to vector<16xi32>
      %and3A_409 = arith.andi %add3A_406, %and3A_408 : vector<16xi32>
      %bitcast3A_410 = vector.bitcast %and3A_409 : vector<16xi32> to vector<16xf32>
      %mul3A_411 = arith.mulf %bitcast3A_372, %bitcast3A_229 : vector<16xf32>
      %mul3A_412 = arith.mulf %bitcast3A_391, %bitcast3A_274 : vector<16xf32>
      %add3A_413 = arith.addf %mul3A_411, %mul3A_412 : vector<16xf32>
      %mul3A_414 = arith.mulf %bitcast3A_410, %bitcast3A_319 : vector<16xf32>
      %add3A_415 = arith.addf %add3A_413, %mul3A_414 : vector<16xf32>
      %mul3A_416 = arith.mulf %bitcast3A_372, %bitcast3A_244 : vector<16xf32>
      %mul3A_417 = arith.mulf %bitcast3A_391, %bitcast3A_289 : vector<16xf32>
      %add3A_418 = arith.addf %mul3A_416, %mul3A_417 : vector<16xf32>
      %mul3A_419 = arith.mulf %bitcast3A_410, %bitcast3A_334 : vector<16xf32>
      %add3A_420 = arith.addf %add3A_418, %mul3A_419 : vector<16xf32>
      %mul3A_421 = arith.mulf %bitcast3A_372, %bitcast3A_259 : vector<16xf32>
      %mul3A_422 = arith.mulf %bitcast3A_391, %bitcast3A_304 : vector<16xf32>
      %add3A_423 = arith.addf %mul3A_421, %mul3A_422 : vector<16xf32>
      %mul3A_424 = arith.mulf %bitcast3A_410, %bitcast3A_349 : vector<16xf32>
      %add3A_425 = arith.addf %add3A_423, %mul3A_424 : vector<16xf32>
      %ge3A = arith.constant 0.000000e+00 : f32
      %ge3A_426 = vector.broadcast %ge3A : f32 to vector<16xf32>
      %ge3A_427 = arith.cmpf oge, %add3A_415, %ge3A_426 : vector<16xf32>
      %jit3A = arith.constant 4 : i32
      %jit3A_428 = arith.constant 0 : i32
      %broadcast_in_dim3A_429 = vector.broadcast %jit3A : i32 to vector<16xi32>
      %broadcast_in_dim3A_430 = vector.broadcast %jit3A_428 : i32 to vector<16xi32>
      %select_n3A = arith.select %ge3A_427, %broadcast_in_dim3A_429, %broadcast_in_dim3A_430 : vector<16xi1>, vector<16xi32>
      %ge3A_431 = arith.constant 0.000000e+00 : f32
      %ge3A_432 = vector.broadcast %ge3A_431 : f32 to vector<16xf32>
      %ge3A_433 = arith.cmpf oge, %add3A_420, %ge3A_432 : vector<16xf32>
      %jit3A_434 = arith.constant 2 : i32
      %jit3A_435 = arith.constant 0 : i32
      %broadcast_in_dim3A_436 = vector.broadcast %jit3A_434 : i32 to vector<16xi32>
      %broadcast_in_dim3A_437 = vector.broadcast %jit3A_435 : i32 to vector<16xi32>
      %select_n3A_438 = arith.select %ge3A_433, %broadcast_in_dim3A_436, %broadcast_in_dim3A_437 : vector<16xi1>, vector<16xi32>
      %ge3A_439 = arith.constant 0.000000e+00 : f32
      %ge3A_440 = vector.broadcast %ge3A_439 : f32 to vector<16xf32>
      %ge3A_441 = arith.cmpf oge, %add3A_425, %ge3A_440 : vector<16xf32>
      %jit3A_442 = arith.constant 1 : i32
      %jit3A_443 = arith.constant 0 : i32
      %broadcast_in_dim3A_444 = vector.broadcast %jit3A_442 : i32 to vector<16xi32>
      %broadcast_in_dim3A_445 = vector.broadcast %jit3A_443 : i32 to vector<16xi32>
      %select_n3A_446 = arith.select %ge3A_441, %broadcast_in_dim3A_444, %broadcast_in_dim3A_445 : vector<16xi1>, vector<16xi32>
      %add3A_447 = arith.addi %select_n3A, %select_n3A_438 : vector<16xi32>
      %add3A_448 = arith.addi %add3A_447, %select_n3A_446 : vector<16xi32>
      %gather3A = tpu.vector_load_idx %arg7[%get3A_353] : memref<32768xf32, #tpu.memory_space<vmem>>[vector<16xi32>], vector<16xf32>,
      %gather3A_449 = tpu.vector_load_idx %arg8[%get3A_353] : memref<32768xf32, #tpu.memory_space<vmem>>[vector<16xi32>], vector<16xf32>,
      %gather3A_450 = tpu.vector_load_idx %arg9[%get3A_353] : memref<32768xf32, #tpu.memory_space<vmem>>[vector<16xi32>], vector<16xf32>,
      %mul3A_451 = arith.mulf %get3A_185, %gather3A : vector<16xf32>
      %mul3A_452 = arith.mulf %get3A_197, %gather3A_449 : vector<16xf32>
      %add3A_453 = arith.addf %mul3A_451, %mul3A_452 : vector<16xf32>
      %mul3A_454 = arith.mulf %get3A_209, %gather3A_450 : vector<16xf32>
      %add3A_455 = arith.addf %add3A_453, %mul3A_454 : vector<16xf32>
      %add3A_456 = arith.constant 1.000000e+00 : f32
      %add3A_457 = vector.broadcast %add3A_456 : f32 to vector<16xf32>
      %add3A_458 = arith.addf %add3A_455, %add3A_457 : vector<16xf32>
      %mul3A_459 = arith.constant 1.000000e+01 : f32
      %mul3A_460 = vector.broadcast %mul3A_459 : f32 to vector<16xf32>
      %mul3A_461 = arith.mulf %mul3A_460, %add3A_458 : vector<16xf32>
      %div3A = arith.constant 2.000000e+00 : f32
      %div3A_462 = vector.broadcast %div3A : f32 to vector<16xf32>
      %div3A_463 = arith.divf %mul3A_461, %div3A_462 : vector<16xf32>
      %convert_element_type3A = arith.fptosi %div3A_463 : vector<16xf32> to vector<16xi32>
      %max3A = arith.constant 0 : i32
      %max3A_464 = vector.broadcast %max3A : i32 to vector<16xi32>
      %max3A_465 = arith.maxsi %convert_element_type3A, %max3A_464 : vector<16xi32>
      %min3A = arith.constant 9 : i32
      %min3A_466 = vector.broadcast %min3A : i32 to vector<16xi32>
      %min3A_467 = arith.minsi %max3A_465, %min3A_466 : vector<16xi32>
      %mul3A_468 = arith.constant 10 : i32
      %mul3A_469 = vector.broadcast %mul3A_468 : i32 to vector<16xi32>
      %mul3A_470 = arith.muli %add3A_448, %mul3A_469 : vector<16xi32>
      %add3A_471 = arith.addi %mul3A_470, %min3A_467 : vector<16xi32>
      %mul3A_472 = arith.constant 80 : i32
      %mul3A_473 = vector.broadcast %mul3A_472 : i32 to vector<16xi32>
      %mul3A_474 = arith.muli %iota3A, %mul3A_473 : vector<16xi32>
      %add3A_475 = arith.addi %mul3A_474, %add3A_471 : vector<16xi32>
      tpu.vector_store_idx %arg13[%add3A_475], %broadcast_in_dim3A_15 {add = true} : memref<1280xf32, #tpu.memory_space<vmem>>[vector<16xi32>], vector<16xf32>,
      %add3A_476 = arith.constant 1024 : i32
      %add3A_477 = arith.addi %add3A_476, %mul3A_23 : i32
      %get3A_478 = arith.index_cast %add3A_477 : i32 to index
      %get3A_479 = tpu.vector_load %arg10[%get3A_478] {strides = array<i32>} : memref<5120xi32, #tpu.memory_space<vmem>>, vector<16xi32>,
      %add3A_480 = arith.constant 3072 : i32
      %add3A_481 = arith.addi %add3A_480, %mul3A_23 : i32
      %get3A_482 = arith.index_cast %add3A_481 : i32 to index
      %get3A_483 = tpu.vector_load %arg11[%get3A_482] {strides = array<i32>} : memref<15360xf32, #tpu.memory_space<vmem>>, vector<16xf32>,
      %bitcast3A_484 = vector.bitcast %get3A_483 : vector<16xf32> to vector<16xi32>
      %add3A_485 = arith.constant 32767 : i32
      %add3A_486 = vector.broadcast %add3A_485 : i32 to vector<16xi32>
      %add3A_487 = arith.addi %bitcast3A_484, %add3A_486 : vector<16xi32>
      %shift_right_arithmetic3A_488 = arith.constant 16 : i32
      %shift_right_arithmetic3A_489 = vector.broadcast %shift_right_arithmetic3A_488 : i32 to vector<16xi32>
      %shift_right_arithmetic3A_490 = arith.shrsi %bitcast3A_484, %shift_right_arithmetic3A_489 : vector<16xi32>
      %and3A_491 = arith.constant 1 : i32
      %and3A_492 = vector.broadcast %and3A_491 : i32 to vector<16xi32>
      %and3A_493 = arith.andi %shift_right_arithmetic3A_490, %and3A_492 : vector<16xi32>
      %add3A_494 = arith.addi %add3A_487, %and3A_493 : vector<16xi32>
      %and3A_495 = arith.constant -65536 : i32
      %and3A_496 = vector.broadcast %and3A_495 : i32 to vector<16xi32>
      %and3A_497 = arith.andi %add3A_494, %and3A_496 : vector<16xi32>
      %bitcast3A_498 = vector.bitcast %and3A_497 : vector<16xi32> to vector<16xf32>
      %add3A_499 = arith.constant 4096 : i32
      %add3A_500 = arith.addi %add3A_499, %mul3A_23 : i32
      %get3A_501 = arith.index_cast %add3A_500 : i32 to index
      %get3A_502 = tpu.vector_load %arg11[%get3A_501] {strides = array<i32>} : memref<15360xf32, #tpu.memory_space<vmem>>, vector<16xf32>,
      %bitcast3A_503 = vector.bitcast %get3A_502 : vector<16xf32> to vector<16xi32>
      %add3A_504 = arith.constant 32767 : i32
      %add3A_505 = vector.broadcast %add3A_504 : i32 to vector<16xi32>
      %add3A_506 = arith.addi %bitcast3A_503, %add3A_505 : vector<16xi32>
      %shift_right_arithmetic3A_507 = arith.constant 16 : i32
      %shift_right_arithmetic3A_508 = vector.broadcast %shift_right_arithmetic3A_507 : i32 to vector<16xi32>
      %shift_right_arithmetic3A_509 = arith.shrsi %bitcast3A_503, %shift_right_arithmetic3A_508 : vector<16xi32>
      %and3A_510 = arith.constant 1 : i32
      %and3A_511 = vector.broadcast %and3A_510 : i32 to vector<16xi32>
      %and3A_512 = arith.andi %shift_right_arithmetic3A_509, %and3A_511 : vector<16xi32>
      %add3A_513 = arith.addi %add3A_506, %and3A_512 : vector<16xi32>
      %and3A_514 = arith.constant -65536 : i32
      %and3A_515 = vector.broadcast %and3A_514 : i32 to vector<16xi32>
      %and3A_516 = arith.andi %add3A_513, %and3A_515 : vector<16xi32>
      %bitcast3A_517 = vector.bitcast %and3A_516 : vector<16xi32> to vector<16xf32>
      %add3A_518 = arith.constant 5120 : i32
      %add3A_519 = arith.addi %add3A_518, %mul3A_23 : i32
      %get3A_520 = arith.index_cast %add3A_519 : i32 to index
      %get3A_521 = tpu.vector_load %arg11[%get3A_520] {strides = array<i32>} : memref<15360xf32, #tpu.memory_space<vmem>>, vector<16xf32>,
      %bitcast3A_522 = vector.bitcast %get3A_521 : vector<16xf32> to vector<16xi32>
      %add3A_523 = arith.constant 32767 : i32
      %add3A_524 = vector.broadcast %add3A_523 : i32 to vector<16xi32>
      %add3A_525 = arith.addi %bitcast3A_522, %add3A_524 : vector<16xi32>
      %shift_right_arithmetic3A_526 = arith.constant 16 : i32
      %shift_right_arithmetic3A_527 = vector.broadcast %shift_right_arithmetic3A_526 : i32 to vector<16xi32>
      %shift_right_arithmetic3A_528 = arith.shrsi %bitcast3A_522, %shift_right_arithmetic3A_527 : vector<16xi32>
      %and3A_529 = arith.constant 1 : i32
      %and3A_530 = vector.broadcast %and3A_529 : i32 to vector<16xi32>
      %and3A_531 = arith.andi %shift_right_arithmetic3A_528, %and3A_530 : vector<16xi32>
      %add3A_532 = arith.addi %add3A_525, %and3A_531 : vector<16xi32>
      %and3A_533 = arith.constant -65536 : i32
      %and3A_534 = vector.broadcast %and3A_533 : i32 to vector<16xi32>
      %and3A_535 = arith.andi %add3A_532, %and3A_534 : vector<16xi32>
      %bitcast3A_536 = vector.bitcast %and3A_535 : vector<16xi32> to vector<16xf32>
      %mul3A_537 = arith.mulf %bitcast3A_498, %bitcast3A_229 : vector<16xf32>
      %mul3A_538 = arith.mulf %bitcast3A_517, %bitcast3A_274 : vector<16xf32>
      %add3A_539 = arith.addf %mul3A_537, %mul3A_538 : vector<16xf32>
      %mul3A_540 = arith.mulf %bitcast3A_536, %bitcast3A_319 : vector<16xf32>
      %add3A_541 = arith.addf %add3A_539, %mul3A_540 : vector<16xf32>
      %mul3A_542 = arith.mulf %bitcast3A_498, %bitcast3A_244 : vector<16xf32>
      %mul3A_543 = arith.mulf %bitcast3A_517, %bitcast3A_289 : vector<16xf32>
      %add3A_544 = arith.addf %mul3A_542, %mul3A_543 : vector<16xf32>
      %mul3A_545 = arith.mulf %bitcast3A_536, %bitcast3A_334 : vector<16xf32>
      %add3A_546 = arith.addf %add3A_544, %mul3A_545 : vector<16xf32>
      %mul3A_547 = arith.mulf %bitcast3A_498, %bitcast3A_259 : vector<16xf32>
      %mul3A_548 = arith.mulf %bitcast3A_517, %bitcast3A_304 : vector<16xf32>
      %add3A_549 = arith.addf %mul3A_547, %mul3A_548 : vector<16xf32>
      %mul3A_550 = arith.mulf %bitcast3A_536, %bitcast3A_349 : vector<16xf32>
      %add3A_551 = arith.addf %add3A_549, %mul3A_550 : vector<16xf32>
      %ge3A_552 = arith.constant 0.000000e+00 : f32
      %ge3A_553 = vector.broadcast %ge3A_552 : f32 to vector<16xf32>
      %ge3A_554 = arith.cmpf oge, %add3A_541, %ge3A_553 : vector<16xf32>
      %jit3A_555 = arith.constant 4 : i32
      %jit3A_556 = arith.constant 0 : i32
      %broadcast_in_dim3A_557 = vector.broadcast %jit3A_555 : i32 to vector<16xi32>
      %broadcast_in_dim3A_558 = vector.broadcast %jit3A_556 : i32 to vector<16xi32>
      %select_n3A_559 = arith.select %ge3A_554, %broadcast_in_dim3A_557, %broadcast_in_dim3A_558 : vector<16xi1>, vector<16xi32>
      %ge3A_560 = arith.constant 0.000000e+00 : f32
      %ge3A_561 = vector.broadcast %ge3A_560 : f32 to vector<16xf32>
      %ge3A_562 = arith.cmpf oge, %add3A_546, %ge3A_561 : vector<16xf32>
      %jit3A_563 = arith.constant 2 : i32
      %jit3A_564 = arith.constant 0 : i32
      %broadcast_in_dim3A_565 = vector.broadcast %jit3A_563 : i32 to vector<16xi32>
      %broadcast_in_dim3A_566 = vector.broadcast %jit3A_564 : i32 to vector<16xi32>
      %select_n3A_567 = arith.select %ge3A_562, %broadcast_in_dim3A_565, %broadcast_in_dim3A_566 : vector<16xi1>, vector<16xi32>
      %ge3A_568 = arith.constant 0.000000e+00 : f32
      %ge3A_569 = vector.broadcast %ge3A_568 : f32 to vector<16xf32>
      %ge3A_570 = arith.cmpf oge, %add3A_551, %ge3A_569 : vector<16xf32>
      %jit3A_571 = arith.constant 1 : i32
      %jit3A_572 = arith.constant 0 : i32
      %broadcast_in_dim3A_573 = vector.broadcast %jit3A_571 : i32 to vector<16xi32>
      %broadcast_in_dim3A_574 = vector.broadcast %jit3A_572 : i32 to vector<16xi32>
      %select_n3A_575 = arith.select %ge3A_570, %broadcast_in_dim3A_573, %broadcast_in_dim3A_574 : vector<16xi1>, vector<16xi32>
      %add3A_576 = arith.addi %select_n3A_559, %select_n3A_567 : vector<16xi32>
      %add3A_577 = arith.addi %add3A_576, %select_n3A_575 : vector<16xi32>
      %gather3A_578 = tpu.vector_load_idx %arg7[%get3A_479] : memref<32768xf32, #tpu.memory_space<vmem>>[vector<16xi32>], vector<16xf32>,
      %gather3A_579 = tpu.vector_load_idx %arg8[%get3A_479] : memref<32768xf32, #tpu.memory_space<vmem>>[vector<16xi32>], vector<16xf32>,
      %gather3A_580 = tpu.vector_load_idx %arg9[%get3A_479] : memref<32768xf32, #tpu.memory_space<vmem>>[vector<16xi32>], vector<16xf32>,
      %mul3A_581 = arith.mulf %get3A_185, %gather3A_578 : vector<16xf32>
      %mul3A_582 = arith.mulf %get3A_197, %gather3A_579 : vector<16xf32>
      %add3A_583 = arith.addf %mul3A_581, %mul3A_582 : vector<16xf32>
      %mul3A_584 = arith.mulf %get3A_209, %gather3A_580 : vector<16xf32>
      %add3A_585 = arith.addf %add3A_583, %mul3A_584 : vector<16xf32>
      %add3A_586 = arith.constant 1.000000e+00 : f32
      %add3A_587 = vector.broadcast %add3A_586 : f32 to vector<16xf32>
      %add3A_588 = arith.addf %add3A_585, %add3A_587 : vector<16xf32>
      %mul3A_589 = arith.constant 1.000000e+01 : f32
      %mul3A_590 = vector.broadcast %mul3A_589 : f32 to vector<16xf32>
      %mul3A_591 = arith.mulf %mul3A_590, %add3A_588 : vector<16xf32>
      %div3A_592 = arith.constant 2.000000e+00 : f32
      %div3A_593 = vector.broadcast %div3A_592 : f32 to vector<16xf32>
      %div3A_594 = arith.divf %mul3A_591, %div3A_593 : vector<16xf32>
      %convert_element_type3A_595 = arith.fptosi %div3A_594 : vector<16xf32> to vector<16xi32>
      %max3A_596 = arith.constant 0 : i32
      %max3A_597 = vector.broadcast %max3A_596 : i32 to vector<16xi32>
      %max3A_598 = arith.maxsi %convert_element_type3A_595, %max3A_597 : vector<16xi32>
      %min3A_599 = arith.constant 9 : i32
      %min3A_600 = vector.broadcast %min3A_599 : i32 to vector<16xi32>
      %min3A_601 = arith.minsi %max3A_598, %min3A_600 : vector<16xi32>
      %mul3A_602 = arith.constant 10 : i32
      %mul3A_603 = vector.broadcast %mul3A_602 : i32 to vector<16xi32>
      %mul3A_604 = arith.muli %add3A_577, %mul3A_603 : vector<16xi32>
      %add3A_605 = arith.addi %mul3A_604, %min3A_601 : vector<16xi32>
      %mul3A_606 = arith.constant 80 : i32
      %mul3A_607 = vector.broadcast %mul3A_606 : i32 to vector<16xi32>
      %mul3A_608 = arith.muli %iota3A, %mul3A_607 : vector<16xi32>
      %add3A_609 = arith.addi %mul3A_608, %add3A_605 : vector<16xi32>
      tpu.vector_store_idx %arg13[%add3A_609], %broadcast_in_dim3A_15 {add = true} : memref<1280xf32, #tpu.memory_space<vmem>>[vector<16xi32>], vector<16xf32>,
      %add3A_610 = arith.constant 2048 : i32
      %add3A_611 = arith.addi %add3A_610, %mul3A_23 : i32
      %get3A_612 = arith.index_cast %add3A_611 : i32 to index
      %get3A_613 = tpu.vector_load %arg10[%get3A_612] {strides = array<i32>} : memref<5120xi32, #tpu.memory_space<vmem>>, vector<16xi32>,
      %add3A_614 = arith.constant 6144 : i32
      %add3A_615 = arith.addi %add3A_614, %mul3A_23 : i32
      %get3A_616 = arith.index_cast %add3A_615 : i32 to index
      %get3A_617 = tpu.vector_load %arg11[%get3A_616] {strides = array<i32>} : memref<15360xf32, #tpu.memory_space<vmem>>, vector<16xf32>,
      %bitcast3A_618 = vector.bitcast %get3A_617 : vector<16xf32> to vector<16xi32>
      %add3A_619 = arith.constant 32767 : i32
      %add3A_620 = vector.broadcast %add3A_619 : i32 to vector<16xi32>
      %add3A_621 = arith.addi %bitcast3A_618, %add3A_620 : vector<16xi32>
      %shift_right_arithmetic3A_622 = arith.constant 16 : i32
      %shift_right_arithmetic3A_623 = vector.broadcast %shift_right_arithmetic3A_622 : i32 to vector<16xi32>
      %shift_right_arithmetic3A_624 = arith.shrsi %bitcast3A_618, %shift_right_arithmetic3A_623 : vector<16xi32>
      %and3A_625 = arith.constant 1 : i32
      %and3A_626 = vector.broadcast %and3A_625 : i32 to vector<16xi32>
      %and3A_627 = arith.andi %shift_right_arithmetic3A_624, %and3A_626 : vector<16xi32>
      %add3A_628 = arith.addi %add3A_621, %and3A_627 : vector<16xi32>
      %and3A_629 = arith.constant -65536 : i32
      %and3A_630 = vector.broadcast %and3A_629 : i32 to vector<16xi32>
      %and3A_631 = arith.andi %add3A_628, %and3A_630 : vector<16xi32>
      %bitcast3A_632 = vector.bitcast %and3A_631 : vector<16xi32> to vector<16xf32>
      %add3A_633 = arith.constant 7168 : i32
      %add3A_634 = arith.addi %add3A_633, %mul3A_23 : i32
      %get3A_635 = arith.index_cast %add3A_634 : i32 to index
      %get3A_636 = tpu.vector_load %arg11[%get3A_635] {strides = array<i32>} : memref<15360xf32, #tpu.memory_space<vmem>>, vector<16xf32>,
      %bitcast3A_637 = vector.bitcast %get3A_636 : vector<16xf32> to vector<16xi32>
      %add3A_638 = arith.constant 32767 : i32
      %add3A_639 = vector.broadcast %add3A_638 : i32 to vector<16xi32>
      %add3A_640 = arith.addi %bitcast3A_637, %add3A_639 : vector<16xi32>
      %shift_right_arithmetic3A_641 = arith.constant 16 : i32
      %shift_right_arithmetic3A_642 = vector.broadcast %shift_right_arithmetic3A_641 : i32 to vector<16xi32>
      %shift_right_arithmetic3A_643 = arith.shrsi %bitcast3A_637, %shift_right_arithmetic3A_642 : vector<16xi32>
      %and3A_644 = arith.constant 1 : i32
      %and3A_645 = vector.broadcast %and3A_644 : i32 to vector<16xi32>
      %and3A_646 = arith.andi %shift_right_arithmetic3A_643, %and3A_645 : vector<16xi32>
      %add3A_647 = arith.addi %add3A_640, %and3A_646 : vector<16xi32>
      %and3A_648 = arith.constant -65536 : i32
      %and3A_649 = vector.broadcast %and3A_648 : i32 to vector<16xi32>
      %and3A_650 = arith.andi %add3A_647, %and3A_649 : vector<16xi32>
      %bitcast3A_651 = vector.bitcast %and3A_650 : vector<16xi32> to vector<16xf32>
      %add3A_652 = arith.constant 8192 : i32
      %add3A_653 = arith.addi %add3A_652, %mul3A_23 : i32
      %get3A_654 = arith.index_cast %add3A_653 : i32 to index
      %get3A_655 = tpu.vector_load %arg11[%get3A_654] {strides = array<i32>} : memref<15360xf32, #tpu.memory_space<vmem>>, vector<16xf32>,
      %bitcast3A_656 = vector.bitcast %get3A_655 : vector<16xf32> to vector<16xi32>
      %add3A_657 = arith.constant 32767 : i32
      %add3A_658 = vector.broadcast %add3A_657 : i32 to vector<16xi32>
      %add3A_659 = arith.addi %bitcast3A_656, %add3A_658 : vector<16xi32>
      %shift_right_arithmetic3A_660 = arith.constant 16 : i32
      %shift_right_arithmetic3A_661 = vector.broadcast %shift_right_arithmetic3A_660 : i32 to vector<16xi32>
      %shift_right_arithmetic3A_662 = arith.shrsi %bitcast3A_656, %shift_right_arithmetic3A_661 : vector<16xi32>
      %and3A_663 = arith.constant 1 : i32
      %and3A_664 = vector.broadcast %and3A_663 : i32 to vector<16xi32>
      %and3A_665 = arith.andi %shift_right_arithmetic3A_662, %and3A_664 : vector<16xi32>
      %add3A_666 = arith.addi %add3A_659, %and3A_665 : vector<16xi32>
      %and3A_667 = arith.constant -65536 : i32
      %and3A_668 = vector.broadcast %and3A_667 : i32 to vector<16xi32>
      %and3A_669 = arith.andi %add3A_666, %and3A_668 : vector<16xi32>
      %bitcast3A_670 = vector.bitcast %and3A_669 : vector<16xi32> to vector<16xf32>
      %mul3A_671 = arith.mulf %bitcast3A_632, %bitcast3A_229 : vector<16xf32>
      %mul3A_672 = arith.mulf %bitcast3A_651, %bitcast3A_274 : vector<16xf32>
      %add3A_673 = arith.addf %mul3A_671, %mul3A_672 : vector<16xf32>
      %mul3A_674 = arith.mulf %bitcast3A_670, %bitcast3A_319 : vector<16xf32>
      %add3A_675 = arith.addf %add3A_673, %mul3A_674 : vector<16xf32>
      %mul3A_676 = arith.mulf %bitcast3A_632, %bitcast3A_244 : vector<16xf32>
      %mul3A_677 = arith.mulf %bitcast3A_651, %bitcast3A_289 : vector<16xf32>
      %add3A_678 = arith.addf %mul3A_676, %mul3A_677 : vector<16xf32>
      %mul3A_679 = arith.mulf %bitcast3A_670, %bitcast3A_334 : vector<16xf32>
      %add3A_680 = arith.addf %add3A_678, %mul3A_679 : vector<16xf32>
      %mul3A_681 = arith.mulf %bitcast3A_632, %bitcast3A_259 : vector<16xf32>
      %mul3A_682 = arith.mulf %bitcast3A_651, %bitcast3A_304 : vector<16xf32>
      %add3A_683 = arith.addf %mul3A_681, %mul3A_682 : vector<16xf32>
      %mul3A_684 = arith.mulf %bitcast3A_670, %bitcast3A_349 : vector<16xf32>
      %add3A_685 = arith.addf %add3A_683, %mul3A_684 : vector<16xf32>
      %ge3A_686 = arith.constant 0.000000e+00 : f32
      %ge3A_687 = vector.broadcast %ge3A_686 : f32 to vector<16xf32>
      %ge3A_688 = arith.cmpf oge, %add3A_675, %ge3A_687 : vector<16xf32>
      %jit3A_689 = arith.constant 4 : i32
      %jit3A_690 = arith.constant 0 : i32
      %broadcast_in_dim3A_691 = vector.broadcast %jit3A_689 : i32 to vector<16xi32>
      %broadcast_in_dim3A_692 = vector.broadcast %jit3A_690 : i32 to vector<16xi32>
      %select_n3A_693 = arith.select %ge3A_688, %broadcast_in_dim3A_691, %broadcast_in_dim3A_692 : vector<16xi1>, vector<16xi32>
      %ge3A_694 = arith.constant 0.000000e+00 : f32
      %ge3A_695 = vector.broadcast %ge3A_694 : f32 to vector<16xf32>
      %ge3A_696 = arith.cmpf oge, %add3A_680, %ge3A_695 : vector<16xf32>
      %jit3A_697 = arith.constant 2 : i32
      %jit3A_698 = arith.constant 0 : i32
      %broadcast_in_dim3A_699 = vector.broadcast %jit3A_697 : i32 to vector<16xi32>
      %broadcast_in_dim3A_700 = vector.broadcast %jit3A_698 : i32 to vector<16xi32>
      %select_n3A_701 = arith.select %ge3A_696, %broadcast_in_dim3A_699, %broadcast_in_dim3A_700 : vector<16xi1>, vector<16xi32>
      %ge3A_702 = arith.constant 0.000000e+00 : f32
      %ge3A_703 = vector.broadcast %ge3A_702 : f32 to vector<16xf32>
      %ge3A_704 = arith.cmpf oge, %add3A_685, %ge3A_703 : vector<16xf32>
      %jit3A_705 = arith.constant 1 : i32
      %jit3A_706 = arith.constant 0 : i32
      %broadcast_in_dim3A_707 = vector.broadcast %jit3A_705 : i32 to vector<16xi32>
      %broadcast_in_dim3A_708 = vector.broadcast %jit3A_706 : i32 to vector<16xi32>
      %select_n3A_709 = arith.select %ge3A_704, %broadcast_in_dim3A_707, %broadcast_in_dim3A_708 : vector<16xi1>, vector<16xi32>
      %add3A_710 = arith.addi %select_n3A_693, %select_n3A_701 : vector<16xi32>
      %add3A_711 = arith.addi %add3A_710, %select_n3A_709 : vector<16xi32>
      %gather3A_712 = tpu.vector_load_idx %arg7[%get3A_613] : memref<32768xf32, #tpu.memory_space<vmem>>[vector<16xi32>], vector<16xf32>,
      %gather3A_713 = tpu.vector_load_idx %arg8[%get3A_613] : memref<32768xf32, #tpu.memory_space<vmem>>[vector<16xi32>], vector<16xf32>,
      %gather3A_714 = tpu.vector_load_idx %arg9[%get3A_613] : memref<32768xf32, #tpu.memory_space<vmem>>[vector<16xi32>], vector<16xf32>,
      %mul3A_715 = arith.mulf %get3A_185, %gather3A_712 : vector<16xf32>
      %mul3A_716 = arith.mulf %get3A_197, %gather3A_713 : vector<16xf32>
      %add3A_717 = arith.addf %mul3A_715, %mul3A_716 : vector<16xf32>
      %mul3A_718 = arith.mulf %get3A_209, %gather3A_714 : vector<16xf32>
      %add3A_719 = arith.addf %add3A_717, %mul3A_718 : vector<16xf32>
      %add3A_720 = arith.constant 1.000000e+00 : f32
      %add3A_721 = vector.broadcast %add3A_720 : f32 to vector<16xf32>
      %add3A_722 = arith.addf %add3A_719, %add3A_721 : vector<16xf32>
      %mul3A_723 = arith.constant 1.000000e+01 : f32
      %mul3A_724 = vector.broadcast %mul3A_723 : f32 to vector<16xf32>
      %mul3A_725 = arith.mulf %mul3A_724, %add3A_722 : vector<16xf32>
      %div3A_726 = arith.constant 2.000000e+00 : f32
      %div3A_727 = vector.broadcast %div3A_726 : f32 to vector<16xf32>
      %div3A_728 = arith.divf %mul3A_725, %div3A_727 : vector<16xf32>
      %convert_element_type3A_729 = arith.fptosi %div3A_728 : vector<16xf32> to vector<16xi32>
      %max3A_730 = arith.constant 0 : i32
      %max3A_731 = vector.broadcast %max3A_730 : i32 to vector<16xi32>
      %max3A_732 = arith.maxsi %convert_element_type3A_729, %max3A_731 : vector<16xi32>
      %min3A_733 = arith.constant 9 : i32
      %min3A_734 = vector.broadcast %min3A_733 : i32 to vector<16xi32>
      %min3A_735 = arith.minsi %max3A_732, %min3A_734 : vector<16xi32>
      %mul3A_736 = arith.constant 10 : i32
      %mul3A_737 = vector.broadcast %mul3A_736 : i32 to vector<16xi32>
      %mul3A_738 = arith.muli %add3A_711, %mul3A_737 : vector<16xi32>
      %add3A_739 = arith.addi %mul3A_738, %min3A_735 : vector<16xi32>
      %mul3A_740 = arith.constant 80 : i32
      %mul3A_741 = vector.broadcast %mul3A_740 : i32 to vector<16xi32>
      %mul3A_742 = arith.muli %iota3A, %mul3A_741 : vector<16xi32>
      %add3A_743 = arith.addi %mul3A_742, %add3A_739 : vector<16xi32>
      tpu.vector_store_idx %arg13[%add3A_743], %broadcast_in_dim3A_15 {add = true} : memref<1280xf32, #tpu.memory_space<vmem>>[vector<16xi32>], vector<16xf32>,
      %add3A_744 = arith.constant 3072 : i32
      %add3A_745 = arith.addi %add3A_744, %mul3A_23 : i32
      %get3A_746 = arith.index_cast %add3A_745 : i32 to index
      %get3A_747 = tpu.vector_load %arg10[%get3A_746] {strides = array<i32>} : memref<5120xi32, #tpu.memory_space<vmem>>, vector<16xi32>,
      %add3A_748 = arith.constant 9216 : i32
      %add3A_749 = arith.addi %add3A_748, %mul3A_23 : i32
      %get3A_750 = arith.index_cast %add3A_749 : i32 to index
      %get3A_751 = tpu.vector_load %arg11[%get3A_750] {strides = array<i32>} : memref<15360xf32, #tpu.memory_space<vmem>>, vector<16xf32>,
      %bitcast3A_752 = vector.bitcast %get3A_751 : vector<16xf32> to vector<16xi32>
      %add3A_753 = arith.constant 32767 : i32
      %add3A_754 = vector.broadcast %add3A_753 : i32 to vector<16xi32>
      %add3A_755 = arith.addi %bitcast3A_752, %add3A_754 : vector<16xi32>
      %shift_right_arithmetic3A_756 = arith.constant 16 : i32
      %shift_right_arithmetic3A_757 = vector.broadcast %shift_right_arithmetic3A_756 : i32 to vector<16xi32>
      %shift_right_arithmetic3A_758 = arith.shrsi %bitcast3A_752, %shift_right_arithmetic3A_757 : vector<16xi32>
      %and3A_759 = arith.constant 1 : i32
      %and3A_760 = vector.broadcast %and3A_759 : i32 to vector<16xi32>
      %and3A_761 = arith.andi %shift_right_arithmetic3A_758, %and3A_760 : vector<16xi32>
      %add3A_762 = arith.addi %add3A_755, %and3A_761 : vector<16xi32>
      %and3A_763 = arith.constant -65536 : i32
      %and3A_764 = vector.broadcast %and3A_763 : i32 to vector<16xi32>
      %and3A_765 = arith.andi %add3A_762, %and3A_764 : vector<16xi32>
      %bitcast3A_766 = vector.bitcast %and3A_765 : vector<16xi32> to vector<16xf32>
      %add3A_767 = arith.constant 10240 : i32
      %add3A_768 = arith.addi %add3A_767, %mul3A_23 : i32
      %get3A_769 = arith.index_cast %add3A_768 : i32 to index
      %get3A_770 = tpu.vector_load %arg11[%get3A_769] {strides = array<i32>} : memref<15360xf32, #tpu.memory_space<vmem>>, vector<16xf32>,
      %bitcast3A_771 = vector.bitcast %get3A_770 : vector<16xf32> to vector<16xi32>
      %add3A_772 = arith.constant 32767 : i32
      %add3A_773 = vector.broadcast %add3A_772 : i32 to vector<16xi32>
      %add3A_774 = arith.addi %bitcast3A_771, %add3A_773 : vector<16xi32>
      %shift_right_arithmetic3A_775 = arith.constant 16 : i32
      %shift_right_arithmetic3A_776 = vector.broadcast %shift_right_arithmetic3A_775 : i32 to vector<16xi32>
      %shift_right_arithmetic3A_777 = arith.shrsi %bitcast3A_771, %shift_right_arithmetic3A_776 : vector<16xi32>
      %and3A_778 = arith.constant 1 : i32
      %and3A_779 = vector.broadcast %and3A_778 : i32 to vector<16xi32>
      %and3A_780 = arith.andi %shift_right_arithmetic3A_777, %and3A_779 : vector<16xi32>
      %add3A_781 = arith.addi %add3A_774, %and3A_780 : vector<16xi32>
      %and3A_782 = arith.constant -65536 : i32
      %and3A_783 = vector.broadcast %and3A_782 : i32 to vector<16xi32>
      %and3A_784 = arith.andi %add3A_781, %and3A_783 : vector<16xi32>
      %bitcast3A_785 = vector.bitcast %and3A_784 : vector<16xi32> to vector<16xf32>
      %add3A_786 = arith.constant 11264 : i32
      %add3A_787 = arith.addi %add3A_786, %mul3A_23 : i32
      %get3A_788 = arith.index_cast %add3A_787 : i32 to index
      %get3A_789 = tpu.vector_load %arg11[%get3A_788] {strides = array<i32>} : memref<15360xf32, #tpu.memory_space<vmem>>, vector<16xf32>,
      %bitcast3A_790 = vector.bitcast %get3A_789 : vector<16xf32> to vector<16xi32>
      %add3A_791 = arith.constant 32767 : i32
      %add3A_792 = vector.broadcast %add3A_791 : i32 to vector<16xi32>
      %add3A_793 = arith.addi %bitcast3A_790, %add3A_792 : vector<16xi32>
      %shift_right_arithmetic3A_794 = arith.constant 16 : i32
      %shift_right_arithmetic3A_795 = vector.broadcast %shift_right_arithmetic3A_794 : i32 to vector<16xi32>
      %shift_right_arithmetic3A_796 = arith.shrsi %bitcast3A_790, %shift_right_arithmetic3A_795 : vector<16xi32>
      %and3A_797 = arith.constant 1 : i32
      %and3A_798 = vector.broadcast %and3A_797 : i32 to vector<16xi32>
      %and3A_799 = arith.andi %shift_right_arithmetic3A_796, %and3A_798 : vector<16xi32>
      %add3A_800 = arith.addi %add3A_793, %and3A_799 : vector<16xi32>
      %and3A_801 = arith.constant -65536 : i32
      %and3A_802 = vector.broadcast %and3A_801 : i32 to vector<16xi32>
      %and3A_803 = arith.andi %add3A_800, %and3A_802 : vector<16xi32>
      %bitcast3A_804 = vector.bitcast %and3A_803 : vector<16xi32> to vector<16xf32>
      %mul3A_805 = arith.mulf %bitcast3A_766, %bitcast3A_229 : vector<16xf32>
      %mul3A_806 = arith.mulf %bitcast3A_785, %bitcast3A_274 : vector<16xf32>
      %add3A_807 = arith.addf %mul3A_805, %mul3A_806 : vector<16xf32>
      %mul3A_808 = arith.mulf %bitcast3A_804, %bitcast3A_319 : vector<16xf32>
      %add3A_809 = arith.addf %add3A_807, %mul3A_808 : vector<16xf32>
      %mul3A_810 = arith.mulf %bitcast3A_766, %bitcast3A_244 : vector<16xf32>
      %mul3A_811 = arith.mulf %bitcast3A_785, %bitcast3A_289 : vector<16xf32>
      %add3A_812 = arith.addf %mul3A_810, %mul3A_811 : vector<16xf32>
      %mul3A_813 = arith.mulf %bitcast3A_804, %bitcast3A_334 : vector<16xf32>
      %add3A_814 = arith.addf %add3A_812, %mul3A_813 : vector<16xf32>
      %mul3A_815 = arith.mulf %bitcast3A_766, %bitcast3A_259 : vector<16xf32>
      %mul3A_816 = arith.mulf %bitcast3A_785, %bitcast3A_304 : vector<16xf32>
      %add3A_817 = arith.addf %mul3A_815, %mul3A_816 : vector<16xf32>
      %mul3A_818 = arith.mulf %bitcast3A_804, %bitcast3A_349 : vector<16xf32>
      %add3A_819 = arith.addf %add3A_817, %mul3A_818 : vector<16xf32>
      %ge3A_820 = arith.constant 0.000000e+00 : f32
      %ge3A_821 = vector.broadcast %ge3A_820 : f32 to vector<16xf32>
      %ge3A_822 = arith.cmpf oge, %add3A_809, %ge3A_821 : vector<16xf32>
      %jit3A_823 = arith.constant 4 : i32
      %jit3A_824 = arith.constant 0 : i32
      %broadcast_in_dim3A_825 = vector.broadcast %jit3A_823 : i32 to vector<16xi32>
      %broadcast_in_dim3A_826 = vector.broadcast %jit3A_824 : i32 to vector<16xi32>
      %select_n3A_827 = arith.select %ge3A_822, %broadcast_in_dim3A_825, %broadcast_in_dim3A_826 : vector<16xi1>, vector<16xi32>
      %ge3A_828 = arith.constant 0.000000e+00 : f32
      %ge3A_829 = vector.broadcast %ge3A_828 : f32 to vector<16xf32>
      %ge3A_830 = arith.cmpf oge, %add3A_814, %ge3A_829 : vector<16xf32>
      %jit3A_831 = arith.constant 2 : i32
      %jit3A_832 = arith.constant 0 : i32
      %broadcast_in_dim3A_833 = vector.broadcast %jit3A_831 : i32 to vector<16xi32>
      %broadcast_in_dim3A_834 = vector.broadcast %jit3A_832 : i32 to vector<16xi32>
      %select_n3A_835 = arith.select %ge3A_830, %broadcast_in_dim3A_833, %broadcast_in_dim3A_834 : vector<16xi1>, vector<16xi32>
      %ge3A_836 = arith.constant 0.000000e+00 : f32
      %ge3A_837 = vector.broadcast %ge3A_836 : f32 to vector<16xf32>
      %ge3A_838 = arith.cmpf oge, %add3A_819, %ge3A_837 : vector<16xf32>
      %jit3A_839 = arith.constant 1 : i32
      %jit3A_840 = arith.constant 0 : i32
      %broadcast_in_dim3A_841 = vector.broadcast %jit3A_839 : i32 to vector<16xi32>
      %broadcast_in_dim3A_842 = vector.broadcast %jit3A_840 : i32 to vector<16xi32>
      %select_n3A_843 = arith.select %ge3A_838, %broadcast_in_dim3A_841, %broadcast_in_dim3A_842 : vector<16xi1>, vector<16xi32>
      %add3A_844 = arith.addi %select_n3A_827, %select_n3A_835 : vector<16xi32>
      %add3A_845 = arith.addi %add3A_844, %select_n3A_843 : vector<16xi32>
      %gather3A_846 = tpu.vector_load_idx %arg7[%get3A_747] : memref<32768xf32, #tpu.memory_space<vmem>>[vector<16xi32>], vector<16xf32>,
      %gather3A_847 = tpu.vector_load_idx %arg8[%get3A_747] : memref<32768xf32, #tpu.memory_space<vmem>>[vector<16xi32>], vector<16xf32>,
      %gather3A_848 = tpu.vector_load_idx %arg9[%get3A_747] : memref<32768xf32, #tpu.memory_space<vmem>>[vector<16xi32>], vector<16xf32>,
      %mul3A_849 = arith.mulf %get3A_185, %gather3A_846 : vector<16xf32>
      %mul3A_850 = arith.mulf %get3A_197, %gather3A_847 : vector<16xf32>
      %add3A_851 = arith.addf %mul3A_849, %mul3A_850 : vector<16xf32>
      %mul3A_852 = arith.mulf %get3A_209, %gather3A_848 : vector<16xf32>
      %add3A_853 = arith.addf %add3A_851, %mul3A_852 : vector<16xf32>
      %add3A_854 = arith.constant 1.000000e+00 : f32
      %add3A_855 = vector.broadcast %add3A_854 : f32 to vector<16xf32>
      %add3A_856 = arith.addf %add3A_853, %add3A_855 : vector<16xf32>
      %mul3A_857 = arith.constant 1.000000e+01 : f32
      %mul3A_858 = vector.broadcast %mul3A_857 : f32 to vector<16xf32>
      %mul3A_859 = arith.mulf %mul3A_858, %add3A_856 : vector<16xf32>
      %div3A_860 = arith.constant 2.000000e+00 : f32
      %div3A_861 = vector.broadcast %div3A_860 : f32 to vector<16xf32>
      %div3A_862 = arith.divf %mul3A_859, %div3A_861 : vector<16xf32>
      %convert_element_type3A_863 = arith.fptosi %div3A_862 : vector<16xf32> to vector<16xi32>
      %max3A_864 = arith.constant 0 : i32
      %max3A_865 = vector.broadcast %max3A_864 : i32 to vector<16xi32>
      %max3A_866 = arith.maxsi %convert_element_type3A_863, %max3A_865 : vector<16xi32>
      %min3A_867 = arith.constant 9 : i32
      %min3A_868 = vector.broadcast %min3A_867 : i32 to vector<16xi32>
      %min3A_869 = arith.minsi %max3A_866, %min3A_868 : vector<16xi32>
      %mul3A_870 = arith.constant 10 : i32
      %mul3A_871 = vector.broadcast %mul3A_870 : i32 to vector<16xi32>
      %mul3A_872 = arith.muli %add3A_845, %mul3A_871 : vector<16xi32>
      %add3A_873 = arith.addi %mul3A_872, %min3A_869 : vector<16xi32>
      %mul3A_874 = arith.constant 80 : i32
      %mul3A_875 = vector.broadcast %mul3A_874 : i32 to vector<16xi32>
      %mul3A_876 = arith.muli %iota3A, %mul3A_875 : vector<16xi32>
      %add3A_877 = arith.addi %mul3A_876, %add3A_873 : vector<16xi32>
      tpu.vector_store_idx %arg13[%add3A_877], %broadcast_in_dim3A_15 {add = true} : memref<1280xf32, #tpu.memory_space<vmem>>[vector<16xi32>], vector<16xf32>,
      %add3A_878 = arith.constant 4096 : i32
      %add3A_879 = arith.addi %add3A_878, %mul3A_23 : i32
      %get3A_880 = arith.index_cast %add3A_879 : i32 to index
      %get3A_881 = tpu.vector_load %arg10[%get3A_880] {strides = array<i32>} : memref<5120xi32, #tpu.memory_space<vmem>>, vector<16xi32>,
      %add3A_882 = arith.constant 12288 : i32
      %add3A_883 = arith.addi %add3A_882, %mul3A_23 : i32
      %get3A_884 = arith.index_cast %add3A_883 : i32 to index
      %get3A_885 = tpu.vector_load %arg11[%get3A_884] {strides = array<i32>} : memref<15360xf32, #tpu.memory_space<vmem>>, vector<16xf32>,
      %bitcast3A_886 = vector.bitcast %get3A_885 : vector<16xf32> to vector<16xi32>
      %add3A_887 = arith.constant 32767 : i32
      %add3A_888 = vector.broadcast %add3A_887 : i32 to vector<16xi32>
      %add3A_889 = arith.addi %bitcast3A_886, %add3A_888 : vector<16xi32>
      %shift_right_arithmetic3A_890 = arith.constant 16 : i32
      %shift_right_arithmetic3A_891 = vector.broadcast %shift_right_arithmetic3A_890 : i32 to vector<16xi32>
      %shift_right_arithmetic3A_892 = arith.shrsi %bitcast3A_886, %shift_right_arithmetic3A_891 : vector<16xi32>
      %and3A_893 = arith.constant 1 : i32
      %and3A_894 = vector.broadcast %and3A_893 : i32 to vector<16xi32>
      %and3A_895 = arith.andi %shift_right_arithmetic3A_892, %and3A_894 : vector<16xi32>
      %add3A_896 = arith.addi %add3A_889, %and3A_895 : vector<16xi32>
      %and3A_897 = arith.constant -65536 : i32
      %and3A_898 = vector.broadcast %and3A_897 : i32 to vector<16xi32>
      %and3A_899 = arith.andi %add3A_896, %and3A_898 : vector<16xi32>
      %bitcast3A_900 = vector.bitcast %and3A_899 : vector<16xi32> to vector<16xf32>
      %add3A_901 = arith.constant 13312 : i32
      %add3A_902 = arith.addi %add3A_901, %mul3A_23 : i32
      %get3A_903 = arith.index_cast %add3A_902 : i32 to index
      %get3A_904 = tpu.vector_load %arg11[%get3A_903] {strides = array<i32>} : memref<15360xf32, #tpu.memory_space<vmem>>, vector<16xf32>,
      %bitcast3A_905 = vector.bitcast %get3A_904 : vector<16xf32> to vector<16xi32>
      %add3A_906 = arith.constant 32767 : i32
      %add3A_907 = vector.broadcast %add3A_906 : i32 to vector<16xi32>
      %add3A_908 = arith.addi %bitcast3A_905, %add3A_907 : vector<16xi32>
      %shift_right_arithmetic3A_909 = arith.constant 16 : i32
      %shift_right_arithmetic3A_910 = vector.broadcast %shift_right_arithmetic3A_909 : i32 to vector<16xi32>
      %shift_right_arithmetic3A_911 = arith.shrsi %bitcast3A_905, %shift_right_arithmetic3A_910 : vector<16xi32>
      %and3A_912 = arith.constant 1 : i32
      %and3A_913 = vector.broadcast %and3A_912 : i32 to vector<16xi32>
      %and3A_914 = arith.andi %shift_right_arithmetic3A_911, %and3A_913 : vector<16xi32>
      %add3A_915 = arith.addi %add3A_908, %and3A_914 : vector<16xi32>
      %and3A_916 = arith.constant -65536 : i32
      %and3A_917 = vector.broadcast %and3A_916 : i32 to vector<16xi32>
      %and3A_918 = arith.andi %add3A_915, %and3A_917 : vector<16xi32>
      %bitcast3A_919 = vector.bitcast %and3A_918 : vector<16xi32> to vector<16xf32>
      %add3A_920 = arith.constant 14336 : i32
      %add3A_921 = arith.addi %add3A_920, %mul3A_23 : i32
      %get3A_922 = arith.index_cast %add3A_921 : i32 to index
      %get3A_923 = tpu.vector_load %arg11[%get3A_922] {strides = array<i32>} : memref<15360xf32, #tpu.memory_space<vmem>>, vector<16xf32>,
      %bitcast3A_924 = vector.bitcast %get3A_923 : vector<16xf32> to vector<16xi32>
      %add3A_925 = arith.constant 32767 : i32
      %add3A_926 = vector.broadcast %add3A_925 : i32 to vector<16xi32>
      %add3A_927 = arith.addi %bitcast3A_924, %add3A_926 : vector<16xi32>
      %shift_right_arithmetic3A_928 = arith.constant 16 : i32
      %shift_right_arithmetic3A_929 = vector.broadcast %shift_right_arithmetic3A_928 : i32 to vector<16xi32>
      %shift_right_arithmetic3A_930 = arith.shrsi %bitcast3A_924, %shift_right_arithmetic3A_929 : vector<16xi32>
      %and3A_931 = arith.constant 1 : i32
      %and3A_932 = vector.broadcast %and3A_931 : i32 to vector<16xi32>
      %and3A_933 = arith.andi %shift_right_arithmetic3A_930, %and3A_932 : vector<16xi32>
      %add3A_934 = arith.addi %add3A_927, %and3A_933 : vector<16xi32>
      %and3A_935 = arith.constant -65536 : i32
      %and3A_936 = vector.broadcast %and3A_935 : i32 to vector<16xi32>
      %and3A_937 = arith.andi %add3A_934, %and3A_936 : vector<16xi32>
      %bitcast3A_938 = vector.bitcast %and3A_937 : vector<16xi32> to vector<16xf32>
      %mul3A_939 = arith.mulf %bitcast3A_900, %bitcast3A_229 : vector<16xf32>
      %mul3A_940 = arith.mulf %bitcast3A_919, %bitcast3A_274 : vector<16xf32>
      %add3A_941 = arith.addf %mul3A_939, %mul3A_940 : vector<16xf32>
      %mul3A_942 = arith.mulf %bitcast3A_938, %bitcast3A_319 : vector<16xf32>
      %add3A_943 = arith.addf %add3A_941, %mul3A_942 : vector<16xf32>
      %mul3A_944 = arith.mulf %bitcast3A_900, %bitcast3A_244 : vector<16xf32>
      %mul3A_945 = arith.mulf %bitcast3A_919, %bitcast3A_289 : vector<16xf32>
      %add3A_946 = arith.addf %mul3A_944, %mul3A_945 : vector<16xf32>
      %mul3A_947 = arith.mulf %bitcast3A_938, %bitcast3A_334 : vector<16xf32>
      %add3A_948 = arith.addf %add3A_946, %mul3A_947 : vector<16xf32>
      %mul3A_949 = arith.mulf %bitcast3A_900, %bitcast3A_259 : vector<16xf32>
      %mul3A_950 = arith.mulf %bitcast3A_919, %bitcast3A_304 : vector<16xf32>
      %add3A_951 = arith.addf %mul3A_949, %mul3A_950 : vector<16xf32>
      %mul3A_952 = arith.mulf %bitcast3A_938, %bitcast3A_349 : vector<16xf32>
      %add3A_953 = arith.addf %add3A_951, %mul3A_952 : vector<16xf32>
      %ge3A_954 = arith.constant 0.000000e+00 : f32
      %ge3A_955 = vector.broadcast %ge3A_954 : f32 to vector<16xf32>
      %ge3A_956 = arith.cmpf oge, %add3A_943, %ge3A_955 : vector<16xf32>
      %jit3A_957 = arith.constant 4 : i32
      %jit3A_958 = arith.constant 0 : i32
      %broadcast_in_dim3A_959 = vector.broadcast %jit3A_957 : i32 to vector<16xi32>
      %broadcast_in_dim3A_960 = vector.broadcast %jit3A_958 : i32 to vector<16xi32>
      %select_n3A_961 = arith.select %ge3A_956, %broadcast_in_dim3A_959, %broadcast_in_dim3A_960 : vector<16xi1>, vector<16xi32>
      %ge3A_962 = arith.constant 0.000000e+00 : f32
      %ge3A_963 = vector.broadcast %ge3A_962 : f32 to vector<16xf32>
      %ge3A_964 = arith.cmpf oge, %add3A_948, %ge3A_963 : vector<16xf32>
      %jit3A_965 = arith.constant 2 : i32
      %jit3A_966 = arith.constant 0 : i32
      %broadcast_in_dim3A_967 = vector.broadcast %jit3A_965 : i32 to vector<16xi32>
      %broadcast_in_dim3A_968 = vector.broadcast %jit3A_966 : i32 to vector<16xi32>
      %select_n3A_969 = arith.select %ge3A_964, %broadcast_in_dim3A_967, %broadcast_in_dim3A_968 : vector<16xi1>, vector<16xi32>
      %ge3A_970 = arith.constant 0.000000e+00 : f32
      %ge3A_971 = vector.broadcast %ge3A_970 : f32 to vector<16xf32>
      %ge3A_972 = arith.cmpf oge, %add3A_953, %ge3A_971 : vector<16xf32>
      %jit3A_973 = arith.constant 1 : i32
      %jit3A_974 = arith.constant 0 : i32
      %broadcast_in_dim3A_975 = vector.broadcast %jit3A_973 : i32 to vector<16xi32>
      %broadcast_in_dim3A_976 = vector.broadcast %jit3A_974 : i32 to vector<16xi32>
      %select_n3A_977 = arith.select %ge3A_972, %broadcast_in_dim3A_975, %broadcast_in_dim3A_976 : vector<16xi1>, vector<16xi32>
      %add3A_978 = arith.addi %select_n3A_961, %select_n3A_969 : vector<16xi32>
      %add3A_979 = arith.addi %add3A_978, %select_n3A_977 : vector<16xi32>
      %gather3A_980 = tpu.vector_load_idx %arg7[%get3A_881] : memref<32768xf32, #tpu.memory_space<vmem>>[vector<16xi32>], vector<16xf32>,
      %gather3A_981 = tpu.vector_load_idx %arg8[%get3A_881] : memref<32768xf32, #tpu.memory_space<vmem>>[vector<16xi32>], vector<16xf32>,
      %gather3A_982 = tpu.vector_load_idx %arg9[%get3A_881] : memref<32768xf32, #tpu.memory_space<vmem>>[vector<16xi32>], vector<16xf32>,
      %mul3A_983 = arith.mulf %get3A_185, %gather3A_980 : vector<16xf32>
      %mul3A_984 = arith.mulf %get3A_197, %gather3A_981 : vector<16xf32>
      %add3A_985 = arith.addf %mul3A_983, %mul3A_984 : vector<16xf32>
      %mul3A_986 = arith.mulf %get3A_209, %gather3A_982 : vector<16xf32>
      %add3A_987 = arith.addf %add3A_985, %mul3A_986 : vector<16xf32>
      %add3A_988 = arith.constant 1.000000e+00 : f32
      %add3A_989 = vector.broadcast %add3A_988 : f32 to vector<16xf32>
      %add3A_990 = arith.addf %add3A_987, %add3A_989 : vector<16xf32>
      %mul3A_991 = arith.constant 1.000000e+01 : f32
      %mul3A_992 = vector.broadcast %mul3A_991 : f32 to vector<16xf32>
      %mul3A_993 = arith.mulf %mul3A_992, %add3A_990 : vector<16xf32>
      %div3A_994 = arith.constant 2.000000e+00 : f32
      %div3A_995 = vector.broadcast %div3A_994 : f32 to vector<16xf32>
      %div3A_996 = arith.divf %mul3A_993, %div3A_995 : vector<16xf32>
      %convert_element_type3A_997 = arith.fptosi %div3A_996 : vector<16xf32> to vector<16xi32>
      %max3A_998 = arith.constant 0 : i32
      %max3A_999 = vector.broadcast %max3A_998 : i32 to vector<16xi32>
      %max3A_1000 = arith.maxsi %convert_element_type3A_997, %max3A_999 : vector<16xi32>
      %min3A_1001 = arith.constant 9 : i32
      %min3A_1002 = vector.broadcast %min3A_1001 : i32 to vector<16xi32>
      %min3A_1003 = arith.minsi %max3A_1000, %min3A_1002 : vector<16xi32>
      %mul3A_1004 = arith.constant 10 : i32
      %mul3A_1005 = vector.broadcast %mul3A_1004 : i32 to vector<16xi32>
      %mul3A_1006 = arith.muli %add3A_979, %mul3A_1005 : vector<16xi32>
      %add3A_1007 = arith.addi %mul3A_1006, %min3A_1003 : vector<16xi32>
      %mul3A_1008 = arith.constant 80 : i32
      %mul3A_1009 = vector.broadcast %mul3A_1008 : i32 to vector<16xi32>
      %mul3A_1010 = arith.muli %iota3A, %mul3A_1009 : vector<16xi32>
      %add3A_1011 = arith.addi %mul3A_1010, %add3A_1007 : vector<16xi32>
      tpu.vector_store_idx %arg13[%add3A_1011], %broadcast_in_dim3A_15 {add = true} : memref<1280xf32, #tpu.memory_space<vmem>>[vector<16xi32>], vector<16xf32>,
      %mul3A_1012 = arith.constant 1024 : i32
      %mul3A_1013 = arith.muli %add3A, %mul3A_1012 : i32
      %add3A_1014 = arith.addi %mul3A_1013, %mul3A_23 : i32
      %mul3A_1015 = arith.constant 80 : i32
      %mul3A_1016 = arith.muli %add3A_1014, %mul3A_1015 : i32
      "tpu.region"() ({
        %run_scoped3A = tpu.sem_alloc : memref<!tpu.dma_semaphore, #tpu.memory_space<semaphore_mem>>
        %dma_start3A = tpu.memref_slice %arg6[%mul3A_1016] : memref<2621440xf32, #tpu.memory_space<hbm>> -> memref<1280xf32, #tpu.memory_space<hbm>>
        %dma_start3A_1017 = tpu.memref_slice %arg6[%mul3A_1016] : memref<2621440xf32, #tpu.memory_space<hbm>> -> memref<1280xf32, #tpu.memory_space<hbm>>
        tpu.enqueue_dma source(%arg13 : memref<1280xf32, #tpu.memory_space<vmem>>) target(%dma_start3A_1017 : memref<1280xf32, #tpu.memory_space<hbm>>) target_semaphore(%run_scoped3A : memref<!tpu.dma_semaphore, #tpu.memory_space<semaphore_mem>>)
        %dma_wait3A = tpu.memref_slice %arg6[%mul3A_1016] : memref<2621440xf32, #tpu.memory_space<hbm>> -> memref<1280xf32, #tpu.memory_space<hbm>>
        %dma_wait3A_1018 = tpu.memref_slice %arg6[%mul3A_1016] : memref<2621440xf32, #tpu.memory_space<hbm>> -> memref<1280xf32, #tpu.memory_space<hbm>>
        tpu.wait_dma2 semaphore(%run_scoped3A : memref<!tpu.dma_semaphore, #tpu.memory_space<semaphore_mem>>) src(%arg13 : memref<1280xf32, #tpu.memory_space<vmem>>) dst(%dma_wait3A_1018 : memref<1280xf32, #tpu.memory_space<hbm>>)
        tpu.yield
      }) : () -> ()
    }
    %scan3A_20 = arith.constant 64 : i32
    return
  }
}

module attributes {stable_mosaic.version = 14 : i64} {
  func.func @_knn_body(%arg0: i32, %arg1: i32, %arg2: memref<256x4xf32, #tpu.memory_space<vmem>>, %arg3: memref<4x8192xf32, #tpu.memory_space<vmem>>, %arg4: memref<256x5xi32, #tpu.memory_space<vmem>>, %arg5: memref<256x5xf32, #tpu.memory_space<vmem>>, %arg6: memref<256x5xi32, #tpu.memory_space<vmem>>) attributes {dimension_semantics = [#tpu.dimension_semantics<arbitrary>, #tpu.dimension_semantics<arbitrary>], iteration_bounds = array<i64: 128, 4>, scalar_prefetch = 0 : i64, scratch_operands = 2 : i64, tpu.core_type = #tpu.core_type<tc>, window_params = [{transform_indices = @transform_0, window_bounds = array<i64: 256, 4>}, {transform_indices = @transform_1, window_bounds = array<i64: 4, 8192>}, {transform_indices = @transform_2, window_bounds = array<i64: 256, 5>}]} {
    %eq3A = arith.constant 0 : i32
    %eq3A_0 = arith.cmpi eq, %arg1, %eq3A : i32
    %convert_element_type3A = arith.extui %eq3A_0 : i1 to i32
    %cond3A = arith.constant 0 : i32
    %cond3A_1 = arith.cmpi ne, %convert_element_type3A, %cond3A : i32
    scf.if %cond3A_1 {
      %broadcast_in_dim3A_235 = arith.constant 0x7F800000 : f32
      %broadcast_in_dim3A_236 = vector.broadcast %broadcast_in_dim3A_235 : f32 to vector<256x5xf32>
      %swap3A_237 = arith.constant 0 : index
      %swap3A_238 = arith.constant 0 : index
      %swap3A_239 = vector.load %arg5[%swap3A_237, %swap3A_238] : memref<256x5xf32, #tpu.memory_space<vmem>>, vector<256x5xf32>
      tpu.vector_store %arg5[%swap3A_237, %swap3A_238], %broadcast_in_dim3A_236 {strides = array<i32>} : memref<256x5xf32, #tpu.memory_space<vmem>>, vector<256x5xf32>,
      %broadcast_in_dim3A_240 = arith.constant 2147483647 : i32
      %broadcast_in_dim3A_241 = vector.broadcast %broadcast_in_dim3A_240 : i32 to vector<256x5xi32>
      %swap3A_242 = arith.constant 0 : index
      %swap3A_243 = arith.constant 0 : index
      %swap3A_244 = vector.load %arg6[%swap3A_242, %swap3A_243] : memref<256x5xi32, #tpu.memory_space<vmem>>, vector<256x5xi32>
      tpu.vector_store %arg6[%swap3A_242, %swap3A_243], %broadcast_in_dim3A_241 {strides = array<i32>} : memref<256x5xi32, #tpu.memory_space<vmem>>, vector<256x5xi32>,
    } else {
    }
    %get3A = arith.constant 0 : index
    %get3A_2 = arith.constant 0 : index
    %get3A_3 = vector.load %arg2[%get3A, %get3A_2] : memref<256x4xf32, #tpu.memory_space<vmem>>, vector<256x1xf32>
    %convert_element_type3A_4 = arith.truncf %get3A_3 : vector<256x1xf32> to vector<256x1xbf16>
    %convert_element_type3A_5 = arith.extf %convert_element_type3A_4 : vector<256x1xbf16> to vector<256x1xf32>
    %get3A_6 = arith.constant 0 : index
    %get3A_7 = arith.constant 1 : index
    %get3A_8 = vector.load %arg2[%get3A_6, %get3A_7] : memref<256x4xf32, #tpu.memory_space<vmem>>, vector<256x1xf32>
    %convert_element_type3A_9 = arith.truncf %get3A_8 : vector<256x1xf32> to vector<256x1xbf16>
    %convert_element_type3A_10 = arith.extf %convert_element_type3A_9 : vector<256x1xbf16> to vector<256x1xf32>
    %get3A_11 = arith.constant 0 : index
    %get3A_12 = arith.constant 2 : index
    %get3A_13 = vector.load %arg2[%get3A_11, %get3A_12] : memref<256x4xf32, #tpu.memory_space<vmem>>, vector<256x1xf32>
    %convert_element_type3A_14 = arith.truncf %get3A_13 : vector<256x1xf32> to vector<256x1xbf16>
    %convert_element_type3A_15 = arith.extf %convert_element_type3A_14 : vector<256x1xbf16> to vector<256x1xf32>
    %get3A_16 = arith.constant 0 : index
    %get3A_17 = arith.constant 3 : index
    %get3A_18 = vector.load %arg2[%get3A_16, %get3A_17] : memref<256x4xf32, #tpu.memory_space<vmem>>, vector<256x1xf32>
    %get3A_19 = arith.constant 0 : index
    %get3A_20 = arith.constant 0 : index
    %get3A_21 = vector.load %arg3[%get3A_19, %get3A_20] : memref<4x8192xf32, #tpu.memory_space<vmem>>, vector<1x8192xf32>
    %convert_element_type3A_22 = arith.truncf %get3A_21 : vector<1x8192xf32> to vector<1x8192xbf16>
    %convert_element_type3A_23 = arith.extf %convert_element_type3A_22 : vector<1x8192xbf16> to vector<1x8192xf32>
    %get3A_24 = arith.constant 1 : index
    %get3A_25 = arith.constant 0 : index
    %get3A_26 = vector.load %arg3[%get3A_24, %get3A_25] : memref<4x8192xf32, #tpu.memory_space<vmem>>, vector<1x8192xf32>
    %convert_element_type3A_27 = arith.truncf %get3A_26 : vector<1x8192xf32> to vector<1x8192xbf16>
    %convert_element_type3A_28 = arith.extf %convert_element_type3A_27 : vector<1x8192xbf16> to vector<1x8192xf32>
    %get3A_29 = arith.constant 2 : index
    %get3A_30 = arith.constant 0 : index
    %get3A_31 = vector.load %arg3[%get3A_29, %get3A_30] : memref<4x8192xf32, #tpu.memory_space<vmem>>, vector<1x8192xf32>
    %convert_element_type3A_32 = arith.truncf %get3A_31 : vector<1x8192xf32> to vector<1x8192xbf16>
    %convert_element_type3A_33 = arith.extf %convert_element_type3A_32 : vector<1x8192xbf16> to vector<1x8192xf32>
    %get3A_34 = arith.constant 3 : index
    %get3A_35 = arith.constant 0 : index
    %get3A_36 = vector.load %arg3[%get3A_34, %get3A_35] : memref<4x8192xf32, #tpu.memory_space<vmem>>, vector<1x8192xf32>
    %add3A = vector.broadcast %get3A_18 : vector<256x1xf32> to vector<256x8192xf32>
    %add3A_37 = vector.broadcast %get3A_36 : vector<1x8192xf32> to vector<256x8192xf32>
    %add3A_38 = arith.addf %add3A, %add3A_37 : vector<256x8192xf32>
    %mul3A = vector.broadcast %convert_element_type3A_5 : vector<256x1xf32> to vector<256x8192xf32>
    %mul3A_39 = vector.broadcast %convert_element_type3A_23 : vector<1x8192xf32> to vector<256x8192xf32>
    %mul3A_40 = arith.mulf %mul3A, %mul3A_39 : vector<256x8192xf32>
    %mul3A_41 = vector.broadcast %convert_element_type3A_10 : vector<256x1xf32> to vector<256x8192xf32>
    %mul3A_42 = vector.broadcast %convert_element_type3A_28 : vector<1x8192xf32> to vector<256x8192xf32>
    %mul3A_43 = arith.mulf %mul3A_41, %mul3A_42 : vector<256x8192xf32>
    %add3A_44 = arith.addf %mul3A_40, %mul3A_43 : vector<256x8192xf32>
    %mul3A_45 = vector.broadcast %convert_element_type3A_15 : vector<256x1xf32> to vector<256x8192xf32>
    %mul3A_46 = vector.broadcast %convert_element_type3A_33 : vector<1x8192xf32> to vector<256x8192xf32>
    %mul3A_47 = arith.mulf %mul3A_45, %mul3A_46 : vector<256x8192xf32>
    %add3A_48 = arith.addf %add3A_44, %mul3A_47 : vector<256x8192xf32>
    %mul3A_49 = arith.constant 2.000000e+00 : f32
    %mul3A_50 = vector.broadcast %mul3A_49 : f32 to vector<256x8192xf32>
    %mul3A_51 = arith.mulf %mul3A_50, %add3A_48 : vector<256x8192xf32>
    %sub3A = arith.subf %add3A_38, %mul3A_51 : vector<256x8192xf32>
    %iota3A = tpu.iota {dimensions = array<i32: 1>} : vector<1x8192xi32>
    %mul3A_52 = arith.constant 8192 : i32
    %mul3A_53 = arith.muli %arg1, %mul3A_52 : i32
    %add3A_54 = vector.broadcast %mul3A_53 : i32 to vector<1x8192xi32>
    %add3A_55 = arith.addi %iota3A, %add3A_54 : vector<1x8192xi32>
    %reduce_min3A = arith.constant dense<0x7F800000> : vector<256xf32>
    %reduce_min3A_56 = vector.multi_reduction <minimumf>, %sub3A, %reduce_min3A [1] : vector<256x8192xf32> to vector<256xf32>
    %broadcast_in_dim3A = vector.shape_cast %reduce_min3A_56 : vector<256xf32> to vector<256x1xf32>
    %eq3A_57 = vector.broadcast %broadcast_in_dim3A : vector<256x1xf32> to vector<256x8192xf32>
    %eq3A_58 = arith.cmpf oeq, %sub3A, %eq3A_57 : vector<256x8192xf32>
    %jit3A = arith.constant 2147483647 : i32
    %broadcast_in_dim3A_59 = vector.shape_cast %add3A_55 : vector<1x8192xi32> to vector<1x8192xi32>
    %broadcast_in_dim3A_60 = vector.broadcast %broadcast_in_dim3A_59 : vector<1x8192xi32> to vector<256x8192xi32>
    %broadcast_in_dim3A_61 = vector.broadcast %jit3A : i32 to vector<256x8192xi32>
    %select_n3A = arith.select %eq3A_58, %broadcast_in_dim3A_60, %broadcast_in_dim3A_61 : vector<256x8192xi1>, vector<256x8192xi32>
    %reduce_min3A_62 = arith.constant dense<2147483647> : vector<256xi32>
    %reduce_min3A_63 = vector.multi_reduction <minsi>, %select_n3A, %reduce_min3A_62 [1] : vector<256x8192xi32> to vector<256xi32>
    %broadcast_in_dim3A_64 = vector.shape_cast %reduce_min3A_63 : vector<256xi32> to vector<256x1xi32>
    %eq3A_65 = vector.broadcast %add3A_55 : vector<1x8192xi32> to vector<256x8192xi32>
    %eq3A_66 = vector.broadcast %broadcast_in_dim3A_64 : vector<256x1xi32> to vector<256x8192xi32>
    %eq3A_67 = arith.cmpi eq, %eq3A_65, %eq3A_66 : vector<256x8192xi32>
    %jit3A_68 = arith.constant 0x7F800000 : f32
    %broadcast_in_dim3A_69 = vector.broadcast %jit3A_68 : f32 to vector<256x8192xf32>
    %select_n3A_70 = arith.select %eq3A_67, %broadcast_in_dim3A_69, %sub3A : vector<256x8192xi1>, vector<256x8192xf32>
    %reduce_min3A_71 = arith.constant dense<0x7F800000> : vector<256xf32>
    %reduce_min3A_72 = vector.multi_reduction <minimumf>, %select_n3A_70, %reduce_min3A_71 [1] : vector<256x8192xf32> to vector<256xf32>
    %broadcast_in_dim3A_73 = vector.shape_cast %reduce_min3A_72 : vector<256xf32> to vector<256x1xf32>
    %eq3A_74 = vector.broadcast %broadcast_in_dim3A_73 : vector<256x1xf32> to vector<256x8192xf32>
    %eq3A_75 = arith.cmpf oeq, %select_n3A_70, %eq3A_74 : vector<256x8192xf32>
    %jit3A_76 = arith.constant 2147483647 : i32
    %broadcast_in_dim3A_77 = vector.shape_cast %add3A_55 : vector<1x8192xi32> to vector<1x8192xi32>
    %broadcast_in_dim3A_78 = vector.broadcast %broadcast_in_dim3A_77 : vector<1x8192xi32> to vector<256x8192xi32>
    %broadcast_in_dim3A_79 = vector.broadcast %jit3A_76 : i32 to vector<256x8192xi32>
    %select_n3A_80 = arith.select %eq3A_75, %broadcast_in_dim3A_78, %broadcast_in_dim3A_79 : vector<256x8192xi1>, vector<256x8192xi32>
    %reduce_min3A_81 = arith.constant dense<2147483647> : vector<256xi32>
    %reduce_min3A_82 = vector.multi_reduction <minsi>, %select_n3A_80, %reduce_min3A_81 [1] : vector<256x8192xi32> to vector<256xi32>
    %broadcast_in_dim3A_83 = vector.shape_cast %reduce_min3A_82 : vector<256xi32> to vector<256x1xi32>
    %eq3A_84 = vector.broadcast %add3A_55 : vector<1x8192xi32> to vector<256x8192xi32>
    %eq3A_85 = vector.broadcast %broadcast_in_dim3A_83 : vector<256x1xi32> to vector<256x8192xi32>
    %eq3A_86 = arith.cmpi eq, %eq3A_84, %eq3A_85 : vector<256x8192xi32>
    %jit3A_87 = arith.constant 0x7F800000 : f32
    %broadcast_in_dim3A_88 = vector.broadcast %jit3A_87 : f32 to vector<256x8192xf32>
    %select_n3A_89 = arith.select %eq3A_86, %broadcast_in_dim3A_88, %select_n3A_70 : vector<256x8192xi1>, vector<256x8192xf32>
    %reduce_min3A_90 = arith.constant dense<0x7F800000> : vector<256xf32>
    %reduce_min3A_91 = vector.multi_reduction <minimumf>, %select_n3A_89, %reduce_min3A_90 [1] : vector<256x8192xf32> to vector<256xf32>
    %broadcast_in_dim3A_92 = vector.shape_cast %reduce_min3A_91 : vector<256xf32> to vector<256x1xf32>
    %eq3A_93 = vector.broadcast %broadcast_in_dim3A_92 : vector<256x1xf32> to vector<256x8192xf32>
    %eq3A_94 = arith.cmpf oeq, %select_n3A_89, %eq3A_93 : vector<256x8192xf32>
    %jit3A_95 = arith.constant 2147483647 : i32
    %broadcast_in_dim3A_96 = vector.shape_cast %add3A_55 : vector<1x8192xi32> to vector<1x8192xi32>
    %broadcast_in_dim3A_97 = vector.broadcast %broadcast_in_dim3A_96 : vector<1x8192xi32> to vector<256x8192xi32>
    %broadcast_in_dim3A_98 = vector.broadcast %jit3A_95 : i32 to vector<256x8192xi32>
    %select_n3A_99 = arith.select %eq3A_94, %broadcast_in_dim3A_97, %broadcast_in_dim3A_98 : vector<256x8192xi1>, vector<256x8192xi32>
    %reduce_min3A_100 = arith.constant dense<2147483647> : vector<256xi32>
    %reduce_min3A_101 = vector.multi_reduction <minsi>, %select_n3A_99, %reduce_min3A_100 [1] : vector<256x8192xi32> to vector<256xi32>
    %broadcast_in_dim3A_102 = vector.shape_cast %reduce_min3A_101 : vector<256xi32> to vector<256x1xi32>
    %eq3A_103 = vector.broadcast %add3A_55 : vector<1x8192xi32> to vector<256x8192xi32>
    %eq3A_104 = vector.broadcast %broadcast_in_dim3A_102 : vector<256x1xi32> to vector<256x8192xi32>
    %eq3A_105 = arith.cmpi eq, %eq3A_103, %eq3A_104 : vector<256x8192xi32>
    %jit3A_106 = arith.constant 0x7F800000 : f32
    %broadcast_in_dim3A_107 = vector.broadcast %jit3A_106 : f32 to vector<256x8192xf32>
    %select_n3A_108 = arith.select %eq3A_105, %broadcast_in_dim3A_107, %select_n3A_89 : vector<256x8192xi1>, vector<256x8192xf32>
    %reduce_min3A_109 = arith.constant dense<0x7F800000> : vector<256xf32>
    %reduce_min3A_110 = vector.multi_reduction <minimumf>, %select_n3A_108, %reduce_min3A_109 [1] : vector<256x8192xf32> to vector<256xf32>
    %broadcast_in_dim3A_111 = vector.shape_cast %reduce_min3A_110 : vector<256xf32> to vector<256x1xf32>
    %eq3A_112 = vector.broadcast %broadcast_in_dim3A_111 : vector<256x1xf32> to vector<256x8192xf32>
    %eq3A_113 = arith.cmpf oeq, %select_n3A_108, %eq3A_112 : vector<256x8192xf32>
    %jit3A_114 = arith.constant 2147483647 : i32
    %broadcast_in_dim3A_115 = vector.shape_cast %add3A_55 : vector<1x8192xi32> to vector<1x8192xi32>
    %broadcast_in_dim3A_116 = vector.broadcast %broadcast_in_dim3A_115 : vector<1x8192xi32> to vector<256x8192xi32>
    %broadcast_in_dim3A_117 = vector.broadcast %jit3A_114 : i32 to vector<256x8192xi32>
    %select_n3A_118 = arith.select %eq3A_113, %broadcast_in_dim3A_116, %broadcast_in_dim3A_117 : vector<256x8192xi1>, vector<256x8192xi32>
    %reduce_min3A_119 = arith.constant dense<2147483647> : vector<256xi32>
    %reduce_min3A_120 = vector.multi_reduction <minsi>, %select_n3A_118, %reduce_min3A_119 [1] : vector<256x8192xi32> to vector<256xi32>
    %broadcast_in_dim3A_121 = vector.shape_cast %reduce_min3A_120 : vector<256xi32> to vector<256x1xi32>
    %eq3A_122 = vector.broadcast %add3A_55 : vector<1x8192xi32> to vector<256x8192xi32>
    %eq3A_123 = vector.broadcast %broadcast_in_dim3A_121 : vector<256x1xi32> to vector<256x8192xi32>
    %eq3A_124 = arith.cmpi eq, %eq3A_122, %eq3A_123 : vector<256x8192xi32>
    %jit3A_125 = arith.constant 0x7F800000 : f32
    %broadcast_in_dim3A_126 = vector.broadcast %jit3A_125 : f32 to vector<256x8192xf32>
    %select_n3A_127 = arith.select %eq3A_124, %broadcast_in_dim3A_126, %select_n3A_108 : vector<256x8192xi1>, vector<256x8192xf32>
    %reduce_min3A_128 = arith.constant dense<0x7F800000> : vector<256xf32>
    %reduce_min3A_129 = vector.multi_reduction <minimumf>, %select_n3A_127, %reduce_min3A_128 [1] : vector<256x8192xf32> to vector<256xf32>
    %broadcast_in_dim3A_130 = vector.shape_cast %reduce_min3A_129 : vector<256xf32> to vector<256x1xf32>
    %eq3A_131 = vector.broadcast %broadcast_in_dim3A_130 : vector<256x1xf32> to vector<256x8192xf32>
    %eq3A_132 = arith.cmpf oeq, %select_n3A_127, %eq3A_131 : vector<256x8192xf32>
    %jit3A_133 = arith.constant 2147483647 : i32
    %broadcast_in_dim3A_134 = vector.shape_cast %add3A_55 : vector<1x8192xi32> to vector<1x8192xi32>
    %broadcast_in_dim3A_135 = vector.broadcast %broadcast_in_dim3A_134 : vector<1x8192xi32> to vector<256x8192xi32>
    %broadcast_in_dim3A_136 = vector.broadcast %jit3A_133 : i32 to vector<256x8192xi32>
    %select_n3A_137 = arith.select %eq3A_132, %broadcast_in_dim3A_135, %broadcast_in_dim3A_136 : vector<256x8192xi1>, vector<256x8192xi32>
    %reduce_min3A_138 = arith.constant dense<2147483647> : vector<256xi32>
    %reduce_min3A_139 = vector.multi_reduction <minsi>, %select_n3A_137, %reduce_min3A_138 [1] : vector<256x8192xi32> to vector<256xi32>
    %broadcast_in_dim3A_140 = vector.shape_cast %reduce_min3A_139 : vector<256xi32> to vector<256x1xi32>
    %get3A_141 = arith.constant 0 : index
    %get3A_142 = arith.constant 0 : index
    %get3A_143 = vector.load %arg5[%get3A_141, %get3A_142] : memref<256x5xf32, #tpu.memory_space<vmem>>, vector<256x5xf32>
    %concatenate3A = tpu.concatenate %get3A_143, %broadcast_in_dim3A, %broadcast_in_dim3A_73, %broadcast_in_dim3A_92, %broadcast_in_dim3A_111, %broadcast_in_dim3A_130 in 1 : vector<256x5xf32>, vector<256x1xf32>, vector<256x1xf32>, vector<256x1xf32>, vector<256x1xf32>, vector<256x1xf32> -> vector<256x10xf32>
    %get3A_144 = arith.constant 0 : index
    %get3A_145 = arith.constant 0 : index
    %get3A_146 = vector.load %arg6[%get3A_144, %get3A_145] : memref<256x5xi32, #tpu.memory_space<vmem>>, vector<256x5xi32>
    %concatenate3A_147 = tpu.concatenate %get3A_146, %broadcast_in_dim3A_64, %broadcast_in_dim3A_83, %broadcast_in_dim3A_102, %broadcast_in_dim3A_121, %broadcast_in_dim3A_140 in 1 : vector<256x5xi32>, vector<256x1xi32>, vector<256x1xi32>, vector<256x1xi32>, vector<256x1xi32>, vector<256x1xi32> -> vector<256x10xi32>
    %reduce_min3A_148 = arith.constant dense<0x7F800000> : vector<256xf32>
    %reduce_min3A_149 = vector.multi_reduction <minimumf>, %concatenate3A, %reduce_min3A_148 [1] : vector<256x10xf32> to vector<256xf32>
    %broadcast_in_dim3A_150 = vector.shape_cast %reduce_min3A_149 : vector<256xf32> to vector<256x1xf32>
    %eq3A_151 = vector.broadcast %broadcast_in_dim3A_150 : vector<256x1xf32> to vector<256x10xf32>
    %eq3A_152 = arith.cmpf oeq, %concatenate3A, %eq3A_151 : vector<256x10xf32>
    %jit3A_153 = arith.constant 2147483647 : i32
    %broadcast_in_dim3A_154 = vector.broadcast %jit3A_153 : i32 to vector<256x10xi32>
    %select_n3A_155 = arith.select %eq3A_152, %concatenate3A_147, %broadcast_in_dim3A_154 : vector<256x10xi1>, vector<256x10xi32>
    %reduce_min3A_156 = arith.constant dense<2147483647> : vector<256xi32>
    %reduce_min3A_157 = vector.multi_reduction <minsi>, %select_n3A_155, %reduce_min3A_156 [1] : vector<256x10xi32> to vector<256xi32>
    %broadcast_in_dim3A_158 = vector.shape_cast %reduce_min3A_157 : vector<256xi32> to vector<256x1xi32>
    %eq3A_159 = vector.broadcast %broadcast_in_dim3A_158 : vector<256x1xi32> to vector<256x10xi32>
    %eq3A_160 = arith.cmpi eq, %concatenate3A_147, %eq3A_159 : vector<256x10xi32>
    %jit3A_161 = arith.constant 0x7F800000 : f32
    %broadcast_in_dim3A_162 = vector.broadcast %jit3A_161 : f32 to vector<256x10xf32>
    %select_n3A_163 = arith.select %eq3A_160, %broadcast_in_dim3A_162, %concatenate3A : vector<256x10xi1>, vector<256x10xf32>
    %reduce_min3A_164 = arith.constant dense<0x7F800000> : vector<256xf32>
    %reduce_min3A_165 = vector.multi_reduction <minimumf>, %select_n3A_163, %reduce_min3A_164 [1] : vector<256x10xf32> to vector<256xf32>
    %broadcast_in_dim3A_166 = vector.shape_cast %reduce_min3A_165 : vector<256xf32> to vector<256x1xf32>
    %eq3A_167 = vector.broadcast %broadcast_in_dim3A_166 : vector<256x1xf32> to vector<256x10xf32>
    %eq3A_168 = arith.cmpf oeq, %select_n3A_163, %eq3A_167 : vector<256x10xf32>
    %jit3A_169 = arith.constant 2147483647 : i32
    %broadcast_in_dim3A_170 = vector.broadcast %jit3A_169 : i32 to vector<256x10xi32>
    %select_n3A_171 = arith.select %eq3A_168, %concatenate3A_147, %broadcast_in_dim3A_170 : vector<256x10xi1>, vector<256x10xi32>
    %reduce_min3A_172 = arith.constant dense<2147483647> : vector<256xi32>
    %reduce_min3A_173 = vector.multi_reduction <minsi>, %select_n3A_171, %reduce_min3A_172 [1] : vector<256x10xi32> to vector<256xi32>
    %broadcast_in_dim3A_174 = vector.shape_cast %reduce_min3A_173 : vector<256xi32> to vector<256x1xi32>
    %eq3A_175 = vector.broadcast %broadcast_in_dim3A_174 : vector<256x1xi32> to vector<256x10xi32>
    %eq3A_176 = arith.cmpi eq, %concatenate3A_147, %eq3A_175 : vector<256x10xi32>
    %jit3A_177 = arith.constant 0x7F800000 : f32
    %broadcast_in_dim3A_178 = vector.broadcast %jit3A_177 : f32 to vector<256x10xf32>
    %select_n3A_179 = arith.select %eq3A_176, %broadcast_in_dim3A_178, %select_n3A_163 : vector<256x10xi1>, vector<256x10xf32>
    %reduce_min3A_180 = arith.constant dense<0x7F800000> : vector<256xf32>
    %reduce_min3A_181 = vector.multi_reduction <minimumf>, %select_n3A_179, %reduce_min3A_180 [1] : vector<256x10xf32> to vector<256xf32>
    %broadcast_in_dim3A_182 = vector.shape_cast %reduce_min3A_181 : vector<256xf32> to vector<256x1xf32>
    %eq3A_183 = vector.broadcast %broadcast_in_dim3A_182 : vector<256x1xf32> to vector<256x10xf32>
    %eq3A_184 = arith.cmpf oeq, %select_n3A_179, %eq3A_183 : vector<256x10xf32>
    %jit3A_185 = arith.constant 2147483647 : i32
    %broadcast_in_dim3A_186 = vector.broadcast %jit3A_185 : i32 to vector<256x10xi32>
    %select_n3A_187 = arith.select %eq3A_184, %concatenate3A_147, %broadcast_in_dim3A_186 : vector<256x10xi1>, vector<256x10xi32>
    %reduce_min3A_188 = arith.constant dense<2147483647> : vector<256xi32>
    %reduce_min3A_189 = vector.multi_reduction <minsi>, %select_n3A_187, %reduce_min3A_188 [1] : vector<256x10xi32> to vector<256xi32>
    %broadcast_in_dim3A_190 = vector.shape_cast %reduce_min3A_189 : vector<256xi32> to vector<256x1xi32>
    %eq3A_191 = vector.broadcast %broadcast_in_dim3A_190 : vector<256x1xi32> to vector<256x10xi32>
    %eq3A_192 = arith.cmpi eq, %concatenate3A_147, %eq3A_191 : vector<256x10xi32>
    %jit3A_193 = arith.constant 0x7F800000 : f32
    %broadcast_in_dim3A_194 = vector.broadcast %jit3A_193 : f32 to vector<256x10xf32>
    %select_n3A_195 = arith.select %eq3A_192, %broadcast_in_dim3A_194, %select_n3A_179 : vector<256x10xi1>, vector<256x10xf32>
    %reduce_min3A_196 = arith.constant dense<0x7F800000> : vector<256xf32>
    %reduce_min3A_197 = vector.multi_reduction <minimumf>, %select_n3A_195, %reduce_min3A_196 [1] : vector<256x10xf32> to vector<256xf32>
    %broadcast_in_dim3A_198 = vector.shape_cast %reduce_min3A_197 : vector<256xf32> to vector<256x1xf32>
    %eq3A_199 = vector.broadcast %broadcast_in_dim3A_198 : vector<256x1xf32> to vector<256x10xf32>
    %eq3A_200 = arith.cmpf oeq, %select_n3A_195, %eq3A_199 : vector<256x10xf32>
    %jit3A_201 = arith.constant 2147483647 : i32
    %broadcast_in_dim3A_202 = vector.broadcast %jit3A_201 : i32 to vector<256x10xi32>
    %select_n3A_203 = arith.select %eq3A_200, %concatenate3A_147, %broadcast_in_dim3A_202 : vector<256x10xi1>, vector<256x10xi32>
    %reduce_min3A_204 = arith.constant dense<2147483647> : vector<256xi32>
    %reduce_min3A_205 = vector.multi_reduction <minsi>, %select_n3A_203, %reduce_min3A_204 [1] : vector<256x10xi32> to vector<256xi32>
    %broadcast_in_dim3A_206 = vector.shape_cast %reduce_min3A_205 : vector<256xi32> to vector<256x1xi32>
    %eq3A_207 = vector.broadcast %broadcast_in_dim3A_206 : vector<256x1xi32> to vector<256x10xi32>
    %eq3A_208 = arith.cmpi eq, %concatenate3A_147, %eq3A_207 : vector<256x10xi32>
    %jit3A_209 = arith.constant 0x7F800000 : f32
    %broadcast_in_dim3A_210 = vector.broadcast %jit3A_209 : f32 to vector<256x10xf32>
    %select_n3A_211 = arith.select %eq3A_208, %broadcast_in_dim3A_210, %select_n3A_195 : vector<256x10xi1>, vector<256x10xf32>
    %reduce_min3A_212 = arith.constant dense<0x7F800000> : vector<256xf32>
    %reduce_min3A_213 = vector.multi_reduction <minimumf>, %select_n3A_211, %reduce_min3A_212 [1] : vector<256x10xf32> to vector<256xf32>
    %broadcast_in_dim3A_214 = vector.shape_cast %reduce_min3A_213 : vector<256xf32> to vector<256x1xf32>
    %eq3A_215 = vector.broadcast %broadcast_in_dim3A_214 : vector<256x1xf32> to vector<256x10xf32>
    %eq3A_216 = arith.cmpf oeq, %select_n3A_211, %eq3A_215 : vector<256x10xf32>
    %jit3A_217 = arith.constant 2147483647 : i32
    %broadcast_in_dim3A_218 = vector.broadcast %jit3A_217 : i32 to vector<256x10xi32>
    %select_n3A_219 = arith.select %eq3A_216, %concatenate3A_147, %broadcast_in_dim3A_218 : vector<256x10xi1>, vector<256x10xi32>
    %reduce_min3A_220 = arith.constant dense<2147483647> : vector<256xi32>
    %reduce_min3A_221 = vector.multi_reduction <minsi>, %select_n3A_219, %reduce_min3A_220 [1] : vector<256x10xi32> to vector<256xi32>
    %broadcast_in_dim3A_222 = vector.shape_cast %reduce_min3A_221 : vector<256xi32> to vector<256x1xi32>
    %concatenate3A_223 = tpu.concatenate %broadcast_in_dim3A_150, %broadcast_in_dim3A_166, %broadcast_in_dim3A_182, %broadcast_in_dim3A_198, %broadcast_in_dim3A_214 in 1 : vector<256x1xf32>, vector<256x1xf32>, vector<256x1xf32>, vector<256x1xf32>, vector<256x1xf32> -> vector<256x5xf32>
    %swap3A = arith.constant 0 : index
    %swap3A_224 = arith.constant 0 : index
    %swap3A_225 = vector.load %arg5[%swap3A, %swap3A_224] : memref<256x5xf32, #tpu.memory_space<vmem>>, vector<256x5xf32>
    tpu.vector_store %arg5[%swap3A, %swap3A_224], %concatenate3A_223 {strides = array<i32>} : memref<256x5xf32, #tpu.memory_space<vmem>>, vector<256x5xf32>,
    %concatenate3A_226 = tpu.concatenate %broadcast_in_dim3A_158, %broadcast_in_dim3A_174, %broadcast_in_dim3A_190, %broadcast_in_dim3A_206, %broadcast_in_dim3A_222 in 1 : vector<256x1xi32>, vector<256x1xi32>, vector<256x1xi32>, vector<256x1xi32>, vector<256x1xi32> -> vector<256x5xi32>
    %swap3A_227 = arith.constant 0 : index
    %swap3A_228 = arith.constant 0 : index
    %swap3A_229 = vector.load %arg6[%swap3A_227, %swap3A_228] : memref<256x5xi32, #tpu.memory_space<vmem>>, vector<256x5xi32>
    tpu.vector_store %arg6[%swap3A_227, %swap3A_228], %concatenate3A_226 {strides = array<i32>} : memref<256x5xi32, #tpu.memory_space<vmem>>, vector<256x5xi32>,
    %eq3A_230 = arith.constant 3 : i32
    %eq3A_231 = arith.cmpi eq, %arg1, %eq3A_230 : i32
    %convert_element_type3A_232 = arith.extui %eq3A_231 : i1 to i32
    %cond3A_233 = arith.constant 0 : i32
    %cond3A_234 = arith.cmpi ne, %convert_element_type3A_232, %cond3A_233 : i32
    scf.if %cond3A_234 {
      %get3A_235 = arith.constant 0 : index
      %get3A_236 = arith.constant 0 : index
      %get3A_237 = vector.load %arg6[%get3A_235, %get3A_236] : memref<256x5xi32, #tpu.memory_space<vmem>>, vector<256x5xi32>
      %swap3A_238 = arith.constant 0 : index
      %swap3A_239 = arith.constant 0 : index
      %swap3A_240 = vector.load %arg4[%swap3A_238, %swap3A_239] : memref<256x5xi32, #tpu.memory_space<vmem>>, vector<256x5xi32>
      tpu.vector_store %arg4[%swap3A_238, %swap3A_239], %get3A_237 {strides = array<i32>} : memref<256x5xi32, #tpu.memory_space<vmem>>, vector<256x5xi32>,
    } else {
    }
    return
  }
  func.func @transform_0(%arg0: i32, %arg1: i32) -> (i32, i32) {
    %c0_i32 = arith.constant 0 : i32
    %c0_i32_0 = arith.constant 0 : i32
    return %arg0, %c0_i32 : i32, i32
  }
  func.func @transform_1(%arg0: i32, %arg1: i32) -> (i32, i32) {
    %c0_i32 = arith.constant 0 : i32
    %c0_i32_0 = arith.constant 0 : i32
    return %c0_i32, %arg1 : i32, i32
  }
  func.func @transform_2(%arg0: i32, %arg1: i32) -> (i32, i32) {
    %c0_i32 = arith.constant 0 : i32
    %c0_i32_0 = arith.constant 0 : i32
    return %arg0, %c0_i32 : i32, i32
  }
}

module attributes {stable_mosaic.version = 14 : i64} {
  func.func @_eigh3_body(%arg0: memref<6x256x128xf32, #tpu.memory_space<vmem>>, %arg1: memref<9x256x128xf32, #tpu.memory_space<vmem>>) attributes {dimension_semantics = [], scalar_prefetch = 0 : i64, scratch_operands = 0 : i64, tpu.core_type = #tpu.core_type<tc>} {
    %get3A = arith.constant 0 : index
    %get3A_0 = arith.constant 0 : index
    %get3A_1 = arith.constant 0 : index
    %get3A_2 = vector.load %arg0[%get3A, %get3A_0, %get3A_1] : memref<6x256x128xf32, #tpu.memory_space<vmem>>, vector<1x256x128xf32>
    %get3A_3 = vector.shape_cast %get3A_2 : vector<1x256x128xf32> to vector<256x128xf32>
    %get3A_4 = arith.constant 1 : index
    %get3A_5 = arith.constant 0 : index
    %get3A_6 = arith.constant 0 : index
    %get3A_7 = vector.load %arg0[%get3A_4, %get3A_5, %get3A_6] : memref<6x256x128xf32, #tpu.memory_space<vmem>>, vector<1x256x128xf32>
    %get3A_8 = vector.shape_cast %get3A_7 : vector<1x256x128xf32> to vector<256x128xf32>
    %get3A_9 = arith.constant 2 : index
    %get3A_10 = arith.constant 0 : index
    %get3A_11 = arith.constant 0 : index
    %get3A_12 = vector.load %arg0[%get3A_9, %get3A_10, %get3A_11] : memref<6x256x128xf32, #tpu.memory_space<vmem>>, vector<1x256x128xf32>
    %get3A_13 = vector.shape_cast %get3A_12 : vector<1x256x128xf32> to vector<256x128xf32>
    %get3A_14 = arith.constant 3 : index
    %get3A_15 = arith.constant 0 : index
    %get3A_16 = arith.constant 0 : index
    %get3A_17 = vector.load %arg0[%get3A_14, %get3A_15, %get3A_16] : memref<6x256x128xf32, #tpu.memory_space<vmem>>, vector<1x256x128xf32>
    %get3A_18 = vector.shape_cast %get3A_17 : vector<1x256x128xf32> to vector<256x128xf32>
    %get3A_19 = arith.constant 4 : index
    %get3A_20 = arith.constant 0 : index
    %get3A_21 = arith.constant 0 : index
    %get3A_22 = vector.load %arg0[%get3A_19, %get3A_20, %get3A_21] : memref<6x256x128xf32, #tpu.memory_space<vmem>>, vector<1x256x128xf32>
    %get3A_23 = vector.shape_cast %get3A_22 : vector<1x256x128xf32> to vector<256x128xf32>
    %get3A_24 = arith.constant 5 : index
    %get3A_25 = arith.constant 0 : index
    %get3A_26 = arith.constant 0 : index
    %get3A_27 = vector.load %arg0[%get3A_24, %get3A_25, %get3A_26] : memref<6x256x128xf32, #tpu.memory_space<vmem>>, vector<1x256x128xf32>
    %get3A_28 = vector.shape_cast %get3A_27 : vector<1x256x128xf32> to vector<256x128xf32>
    %broadcast_in_dim3A = arith.constant 1.000000e+00 : f32
    %broadcast_in_dim3A_29 = vector.broadcast %broadcast_in_dim3A : f32 to vector<256x128xf32>
    %broadcast_in_dim3A_30 = arith.constant 0.000000e+00 : f32
    %broadcast_in_dim3A_31 = vector.broadcast %broadcast_in_dim3A_30 : f32 to vector<256x128xf32>
    %sub3A = arith.subf %get3A_28, %get3A_3 : vector<256x128xf32>
    %mul3A = arith.constant 2.000000e+00 : f32
    %mul3A_32 = vector.broadcast %mul3A : f32 to vector<256x128xf32>
    %mul3A_33 = arith.mulf %mul3A_32, %get3A_13 : vector<256x128xf32>
    %div3A = arith.divf %sub3A, %mul3A_33 : vector<256x128xf32>
    %sign3A = tpu.bitcast %div3A : vector<256x128xf32> -> vector<256x128xi32>
    %sign3A_34 = arith.constant -2147483648 : i32
    %sign3A_35 = vector.broadcast %sign3A_34 : i32 to vector<256x128xi32>
    %sign3A_36 = arith.andi %sign3A, %sign3A_35 : vector<256x128xi32>
    %sign3A_37 = arith.constant 1065353216 : i32
    %sign3A_38 = vector.broadcast %sign3A_37 : i32 to vector<256x128xi32>
    %sign3A_39 = arith.ori %sign3A_38, %sign3A_36 : vector<256x128xi32>
    %sign3A_40 = tpu.bitcast %sign3A_39 : vector<256x128xi32> -> vector<256x128xf32>
    %sign3A_41 = math.absf %div3A : vector<256x128xf32>
    %sign3A_42 = arith.constant 0.000000e+00 : f32
    %sign3A_43 = vector.broadcast %sign3A_42 : f32 to vector<256x128xf32>
    %sign3A_44 = arith.cmpf ogt, %sign3A_41, %sign3A_43 : vector<256x128xf32>
    %sign3A_45 = arith.select %sign3A_44, %sign3A_40, %div3A : vector<256x128xi1>, vector<256x128xf32>
    %abs3A = math.absf %div3A : vector<256x128xf32>
    %mul3A_46 = arith.mulf %div3A, %div3A : vector<256x128xf32>
    %add3A = arith.constant 1.000000e+00 : f32
    %add3A_47 = vector.broadcast %add3A : f32 to vector<256x128xf32>
    %add3A_48 = arith.addf %add3A_47, %mul3A_46 : vector<256x128xf32>
    %sqrt3A = math.sqrt %add3A_48 : vector<256x128xf32>
    %add3A_49 = arith.addf %abs3A, %sqrt3A : vector<256x128xf32>
    %div3A_50 = arith.divf %sign3A_45, %add3A_49 : vector<256x128xf32>
    %mul3A_51 = arith.mulf %div3A_50, %div3A_50 : vector<256x128xf32>
    %add3A_52 = arith.constant 1.000000e+00 : f32
    %add3A_53 = vector.broadcast %add3A_52 : f32 to vector<256x128xf32>
    %add3A_54 = arith.addf %add3A_53, %mul3A_51 : vector<256x128xf32>
    %rsqrt3A = math.rsqrt %add3A_54 : vector<256x128xf32>
    %mul3A_55 = arith.mulf %div3A_50, %rsqrt3A : vector<256x128xf32>
    %eq3A = arith.constant 0.000000e+00 : f32
    %eq3A_56 = vector.broadcast %eq3A : f32 to vector<256x128xf32>
    %eq3A_57 = arith.cmpf oeq, %get3A_13, %eq3A_56 : vector<256x128xf32>
    %jit3A = arith.constant 1.000000e+00 : f32
    %broadcast_in_dim3A_58 = vector.broadcast %jit3A : f32 to vector<256x128xf32>
    %select_n3A = arith.select %eq3A_57, %broadcast_in_dim3A_58, %rsqrt3A : vector<256x128xi1>, vector<256x128xf32>
    %eq3A_59 = arith.constant 0.000000e+00 : f32
    %eq3A_60 = vector.broadcast %eq3A_59 : f32 to vector<256x128xf32>
    %eq3A_61 = arith.cmpf oeq, %get3A_13, %eq3A_60 : vector<256x128xf32>
    %jit3A_62 = arith.constant 0.000000e+00 : f32
    %broadcast_in_dim3A_63 = vector.broadcast %jit3A_62 : f32 to vector<256x128xf32>
    %select_n3A_64 = arith.select %eq3A_61, %broadcast_in_dim3A_63, %mul3A_55 : vector<256x128xi1>, vector<256x128xf32>
    %mul3A_65 = arith.mulf %select_n3A, %select_n3A : vector<256x128xf32>
    %mul3A_66 = arith.mulf %select_n3A_64, %select_n3A_64 : vector<256x128xf32>
    %mul3A_67 = arith.mulf %select_n3A, %select_n3A_64 : vector<256x128xf32>
    %mul3A_68 = arith.mulf %mul3A_65, %get3A_3 : vector<256x128xf32>
    %mul3A_69 = arith.constant 2.000000e+00 : f32
    %mul3A_70 = vector.broadcast %mul3A_69 : f32 to vector<256x128xf32>
    %mul3A_71 = arith.mulf %mul3A_70, %mul3A_67 : vector<256x128xf32>
    %mul3A_72 = arith.mulf %mul3A_71, %get3A_13 : vector<256x128xf32>
    %sub3A_73 = arith.subf %mul3A_68, %mul3A_72 : vector<256x128xf32>
    %mul3A_74 = arith.mulf %mul3A_66, %get3A_28 : vector<256x128xf32>
    %add3A_75 = arith.addf %sub3A_73, %mul3A_74 : vector<256x128xf32>
    %mul3A_76 = arith.mulf %mul3A_66, %get3A_3 : vector<256x128xf32>
    %mul3A_77 = arith.constant 2.000000e+00 : f32
    %mul3A_78 = vector.broadcast %mul3A_77 : f32 to vector<256x128xf32>
    %mul3A_79 = arith.mulf %mul3A_78, %mul3A_67 : vector<256x128xf32>
    %mul3A_80 = arith.mulf %mul3A_79, %get3A_13 : vector<256x128xf32>
    %add3A_81 = arith.addf %mul3A_76, %mul3A_80 : vector<256x128xf32>
    %mul3A_82 = arith.mulf %mul3A_65, %get3A_28 : vector<256x128xf32>
    %add3A_83 = arith.addf %add3A_81, %mul3A_82 : vector<256x128xf32>
    %sub3A_84 = arith.subf %mul3A_65, %mul3A_66 : vector<256x128xf32>
    %mul3A_85 = arith.mulf %sub3A_84, %get3A_13 : vector<256x128xf32>
    %sub3A_86 = arith.subf %get3A_3, %get3A_28 : vector<256x128xf32>
    %mul3A_87 = arith.mulf %mul3A_67, %sub3A_86 : vector<256x128xf32>
    %add3A_88 = arith.addf %mul3A_85, %mul3A_87 : vector<256x128xf32>
    %mul3A_89 = arith.mulf %select_n3A, %get3A_8 : vector<256x128xf32>
    %mul3A_90 = arith.mulf %select_n3A_64, %get3A_23 : vector<256x128xf32>
    %sub3A_91 = arith.subf %mul3A_89, %mul3A_90 : vector<256x128xf32>
    %mul3A_92 = arith.mulf %select_n3A_64, %get3A_8 : vector<256x128xf32>
    %mul3A_93 = arith.mulf %select_n3A, %get3A_23 : vector<256x128xf32>
    %add3A_94 = arith.addf %mul3A_92, %mul3A_93 : vector<256x128xf32>
    %mul3A_95 = arith.mulf %select_n3A, %broadcast_in_dim3A_29 : vector<256x128xf32>
    %mul3A_96 = arith.mulf %select_n3A_64, %broadcast_in_dim3A_31 : vector<256x128xf32>
    %sub3A_97 = arith.subf %mul3A_95, %mul3A_96 : vector<256x128xf32>
    %mul3A_98 = arith.mulf %select_n3A_64, %broadcast_in_dim3A_29 : vector<256x128xf32>
    %mul3A_99 = arith.mulf %select_n3A, %broadcast_in_dim3A_31 : vector<256x128xf32>
    %add3A_100 = arith.addf %mul3A_98, %mul3A_99 : vector<256x128xf32>
    %mul3A_101 = arith.mulf %select_n3A, %broadcast_in_dim3A_31 : vector<256x128xf32>
    %mul3A_102 = arith.mulf %select_n3A_64, %broadcast_in_dim3A_31 : vector<256x128xf32>
    %sub3A_103 = arith.subf %mul3A_101, %mul3A_102 : vector<256x128xf32>
    %mul3A_104 = arith.mulf %select_n3A_64, %broadcast_in_dim3A_31 : vector<256x128xf32>
    %mul3A_105 = arith.mulf %select_n3A, %broadcast_in_dim3A_31 : vector<256x128xf32>
    %add3A_106 = arith.addf %mul3A_104, %mul3A_105 : vector<256x128xf32>
    %mul3A_107 = arith.mulf %select_n3A, %broadcast_in_dim3A_31 : vector<256x128xf32>
    %mul3A_108 = arith.mulf %select_n3A_64, %broadcast_in_dim3A_29 : vector<256x128xf32>
    %sub3A_109 = arith.subf %mul3A_107, %mul3A_108 : vector<256x128xf32>
    %mul3A_110 = arith.mulf %select_n3A_64, %broadcast_in_dim3A_31 : vector<256x128xf32>
    %mul3A_111 = arith.mulf %select_n3A, %broadcast_in_dim3A_29 : vector<256x128xf32>
    %add3A_112 = arith.addf %mul3A_110, %mul3A_111 : vector<256x128xf32>
    %sub3A_113 = arith.subf %get3A_18, %add3A_83 : vector<256x128xf32>
    %mul3A_114 = arith.constant 2.000000e+00 : f32
    %mul3A_115 = vector.broadcast %mul3A_114 : f32 to vector<256x128xf32>
    %mul3A_116 = arith.mulf %mul3A_115, %add3A_94 : vector<256x128xf32>
    %div3A_117 = arith.divf %sub3A_113, %mul3A_116 : vector<256x128xf32>
    %sign3A_118 = tpu.bitcast %div3A_117 : vector<256x128xf32> -> vector<256x128xi32>
    %sign3A_119 = arith.constant -2147483648 : i32
    %sign3A_120 = vector.broadcast %sign3A_119 : i32 to vector<256x128xi32>
    %sign3A_121 = arith.andi %sign3A_118, %sign3A_120 : vector<256x128xi32>
    %sign3A_122 = arith.constant 1065353216 : i32
    %sign3A_123 = vector.broadcast %sign3A_122 : i32 to vector<256x128xi32>
    %sign3A_124 = arith.ori %sign3A_123, %sign3A_121 : vector<256x128xi32>
    %sign3A_125 = tpu.bitcast %sign3A_124 : vector<256x128xi32> -> vector<256x128xf32>
    %sign3A_126 = math.absf %div3A_117 : vector<256x128xf32>
    %sign3A_127 = arith.constant 0.000000e+00 : f32
    %sign3A_128 = vector.broadcast %sign3A_127 : f32 to vector<256x128xf32>
    %sign3A_129 = arith.cmpf ogt, %sign3A_126, %sign3A_128 : vector<256x128xf32>
    %sign3A_130 = arith.select %sign3A_129, %sign3A_125, %div3A_117 : vector<256x128xi1>, vector<256x128xf32>
    %abs3A_131 = math.absf %div3A_117 : vector<256x128xf32>
    %mul3A_132 = arith.mulf %div3A_117, %div3A_117 : vector<256x128xf32>
    %add3A_133 = arith.constant 1.000000e+00 : f32
    %add3A_134 = vector.broadcast %add3A_133 : f32 to vector<256x128xf32>
    %add3A_135 = arith.addf %add3A_134, %mul3A_132 : vector<256x128xf32>
    %sqrt3A_136 = math.sqrt %add3A_135 : vector<256x128xf32>
    %add3A_137 = arith.addf %abs3A_131, %sqrt3A_136 : vector<256x128xf32>
    %div3A_138 = arith.divf %sign3A_130, %add3A_137 : vector<256x128xf32>
    %mul3A_139 = arith.mulf %div3A_138, %div3A_138 : vector<256x128xf32>
    %add3A_140 = arith.constant 1.000000e+00 : f32
    %add3A_141 = vector.broadcast %add3A_140 : f32 to vector<256x128xf32>
    %add3A_142 = arith.addf %add3A_141, %mul3A_139 : vector<256x128xf32>
    %rsqrt3A_143 = math.rsqrt %add3A_142 : vector<256x128xf32>
    %mul3A_144 = arith.mulf %div3A_138, %rsqrt3A_143 : vector<256x128xf32>
    %eq3A_145 = arith.constant 0.000000e+00 : f32
    %eq3A_146 = vector.broadcast %eq3A_145 : f32 to vector<256x128xf32>
    %eq3A_147 = arith.cmpf oeq, %add3A_94, %eq3A_146 : vector<256x128xf32>
    %jit3A_148 = arith.constant 1.000000e+00 : f32
    %broadcast_in_dim3A_149 = vector.broadcast %jit3A_148 : f32 to vector<256x128xf32>
    %select_n3A_150 = arith.select %eq3A_147, %broadcast_in_dim3A_149, %rsqrt3A_143 : vector<256x128xi1>, vector<256x128xf32>
    %eq3A_151 = arith.constant 0.000000e+00 : f32
    %eq3A_152 = vector.broadcast %eq3A_151 : f32 to vector<256x128xf32>
    %eq3A_153 = arith.cmpf oeq, %add3A_94, %eq3A_152 : vector<256x128xf32>
    %jit3A_154 = arith.constant 0.000000e+00 : f32
    %broadcast_in_dim3A_155 = vector.broadcast %jit3A_154 : f32 to vector<256x128xf32>
    %select_n3A_156 = arith.select %eq3A_153, %broadcast_in_dim3A_155, %mul3A_144 : vector<256x128xi1>, vector<256x128xf32>
    %mul3A_157 = arith.mulf %select_n3A_150, %select_n3A_150 : vector<256x128xf32>
    %mul3A_158 = arith.mulf %select_n3A_156, %select_n3A_156 : vector<256x128xf32>
    %mul3A_159 = arith.mulf %select_n3A_150, %select_n3A_156 : vector<256x128xf32>
    %mul3A_160 = arith.mulf %mul3A_157, %add3A_83 : vector<256x128xf32>
    %mul3A_161 = arith.constant 2.000000e+00 : f32
    %mul3A_162 = vector.broadcast %mul3A_161 : f32 to vector<256x128xf32>
    %mul3A_163 = arith.mulf %mul3A_162, %mul3A_159 : vector<256x128xf32>
    %mul3A_164 = arith.mulf %mul3A_163, %add3A_94 : vector<256x128xf32>
    %sub3A_165 = arith.subf %mul3A_160, %mul3A_164 : vector<256x128xf32>
    %mul3A_166 = arith.mulf %mul3A_158, %get3A_18 : vector<256x128xf32>
    %add3A_167 = arith.addf %sub3A_165, %mul3A_166 : vector<256x128xf32>
    %mul3A_168 = arith.mulf %mul3A_158, %add3A_83 : vector<256x128xf32>
    %mul3A_169 = arith.constant 2.000000e+00 : f32
    %mul3A_170 = vector.broadcast %mul3A_169 : f32 to vector<256x128xf32>
    %mul3A_171 = arith.mulf %mul3A_170, %mul3A_159 : vector<256x128xf32>
    %mul3A_172 = arith.mulf %mul3A_171, %add3A_94 : vector<256x128xf32>
    %add3A_173 = arith.addf %mul3A_168, %mul3A_172 : vector<256x128xf32>
    %mul3A_174 = arith.mulf %mul3A_157, %get3A_18 : vector<256x128xf32>
    %add3A_175 = arith.addf %add3A_173, %mul3A_174 : vector<256x128xf32>
    %sub3A_176 = arith.subf %mul3A_157, %mul3A_158 : vector<256x128xf32>
    %mul3A_177 = arith.mulf %sub3A_176, %add3A_94 : vector<256x128xf32>
    %sub3A_178 = arith.subf %add3A_83, %get3A_18 : vector<256x128xf32>
    %mul3A_179 = arith.mulf %mul3A_159, %sub3A_178 : vector<256x128xf32>
    %add3A_180 = arith.addf %mul3A_177, %mul3A_179 : vector<256x128xf32>
    %mul3A_181 = arith.mulf %select_n3A_150, %add3A_88 : vector<256x128xf32>
    %mul3A_182 = arith.mulf %select_n3A_156, %sub3A_91 : vector<256x128xf32>
    %sub3A_183 = arith.subf %mul3A_181, %mul3A_182 : vector<256x128xf32>
    %mul3A_184 = arith.mulf %select_n3A_156, %add3A_88 : vector<256x128xf32>
    %mul3A_185 = arith.mulf %select_n3A_150, %sub3A_91 : vector<256x128xf32>
    %add3A_186 = arith.addf %mul3A_184, %mul3A_185 : vector<256x128xf32>
    %mul3A_187 = arith.mulf %select_n3A_150, %add3A_100 : vector<256x128xf32>
    %mul3A_188 = arith.mulf %select_n3A_156, %broadcast_in_dim3A_31 : vector<256x128xf32>
    %sub3A_189 = arith.subf %mul3A_187, %mul3A_188 : vector<256x128xf32>
    %mul3A_190 = arith.mulf %select_n3A_156, %add3A_100 : vector<256x128xf32>
    %mul3A_191 = arith.mulf %select_n3A_150, %broadcast_in_dim3A_31 : vector<256x128xf32>
    %add3A_192 = arith.addf %mul3A_190, %mul3A_191 : vector<256x128xf32>
    %mul3A_193 = arith.mulf %select_n3A_150, %add3A_106 : vector<256x128xf32>
    %mul3A_194 = arith.mulf %select_n3A_156, %broadcast_in_dim3A_29 : vector<256x128xf32>
    %sub3A_195 = arith.subf %mul3A_193, %mul3A_194 : vector<256x128xf32>
    %mul3A_196 = arith.mulf %select_n3A_156, %add3A_106 : vector<256x128xf32>
    %mul3A_197 = arith.mulf %select_n3A_150, %broadcast_in_dim3A_29 : vector<256x128xf32>
    %add3A_198 = arith.addf %mul3A_196, %mul3A_197 : vector<256x128xf32>
    %mul3A_199 = arith.mulf %select_n3A_150, %add3A_112 : vector<256x128xf32>
    %mul3A_200 = arith.mulf %select_n3A_156, %broadcast_in_dim3A_31 : vector<256x128xf32>
    %sub3A_201 = arith.subf %mul3A_199, %mul3A_200 : vector<256x128xf32>
    %mul3A_202 = arith.mulf %select_n3A_156, %add3A_112 : vector<256x128xf32>
    %mul3A_203 = arith.mulf %select_n3A_150, %broadcast_in_dim3A_31 : vector<256x128xf32>
    %add3A_204 = arith.addf %mul3A_202, %mul3A_203 : vector<256x128xf32>
    %sub3A_205 = arith.subf %add3A_175, %add3A_75 : vector<256x128xf32>
    %mul3A_206 = arith.constant 2.000000e+00 : f32
    %mul3A_207 = vector.broadcast %mul3A_206 : f32 to vector<256x128xf32>
    %mul3A_208 = arith.mulf %mul3A_207, %add3A_186 : vector<256x128xf32>
    %div3A_209 = arith.divf %sub3A_205, %mul3A_208 : vector<256x128xf32>
    %sign3A_210 = tpu.bitcast %div3A_209 : vector<256x128xf32> -> vector<256x128xi32>
    %sign3A_211 = arith.constant -2147483648 : i32
    %sign3A_212 = vector.broadcast %sign3A_211 : i32 to vector<256x128xi32>
    %sign3A_213 = arith.andi %sign3A_210, %sign3A_212 : vector<256x128xi32>
    %sign3A_214 = arith.constant 1065353216 : i32
    %sign3A_215 = vector.broadcast %sign3A_214 : i32 to vector<256x128xi32>
    %sign3A_216 = arith.ori %sign3A_215, %sign3A_213 : vector<256x128xi32>
    %sign3A_217 = tpu.bitcast %sign3A_216 : vector<256x128xi32> -> vector<256x128xf32>
    %sign3A_218 = math.absf %div3A_209 : vector<256x128xf32>
    %sign3A_219 = arith.constant 0.000000e+00 : f32
    %sign3A_220 = vector.broadcast %sign3A_219 : f32 to vector<256x128xf32>
    %sign3A_221 = arith.cmpf ogt, %sign3A_218, %sign3A_220 : vector<256x128xf32>
    %sign3A_222 = arith.select %sign3A_221, %sign3A_217, %div3A_209 : vector<256x128xi1>, vector<256x128xf32>
    %abs3A_223 = math.absf %div3A_209 : vector<256x128xf32>
    %mul3A_224 = arith.mulf %div3A_209, %div3A_209 : vector<256x128xf32>
    %add3A_225 = arith.constant 1.000000e+00 : f32
    %add3A_226 = vector.broadcast %add3A_225 : f32 to vector<256x128xf32>
    %add3A_227 = arith.addf %add3A_226, %mul3A_224 : vector<256x128xf32>
    %sqrt3A_228 = math.sqrt %add3A_227 : vector<256x128xf32>
    %add3A_229 = arith.addf %abs3A_223, %sqrt3A_228 : vector<256x128xf32>
    %div3A_230 = arith.divf %sign3A_222, %add3A_229 : vector<256x128xf32>
    %mul3A_231 = arith.mulf %div3A_230, %div3A_230 : vector<256x128xf32>
    %add3A_232 = arith.constant 1.000000e+00 : f32
    %add3A_233 = vector.broadcast %add3A_232 : f32 to vector<256x128xf32>
    %add3A_234 = arith.addf %add3A_233, %mul3A_231 : vector<256x128xf32>
    %rsqrt3A_235 = math.rsqrt %add3A_234 : vector<256x128xf32>
    %mul3A_236 = arith.mulf %div3A_230, %rsqrt3A_235 : vector<256x128xf32>
    %eq3A_237 = arith.constant 0.000000e+00 : f32
    %eq3A_238 = vector.broadcast %eq3A_237 : f32 to vector<256x128xf32>
    %eq3A_239 = arith.cmpf oeq, %add3A_186, %eq3A_238 : vector<256x128xf32>
    %jit3A_240 = arith.constant 1.000000e+00 : f32
    %broadcast_in_dim3A_241 = vector.broadcast %jit3A_240 : f32 to vector<256x128xf32>
    %select_n3A_242 = arith.select %eq3A_239, %broadcast_in_dim3A_241, %rsqrt3A_235 : vector<256x128xi1>, vector<256x128xf32>
    %eq3A_243 = arith.constant 0.000000e+00 : f32
    %eq3A_244 = vector.broadcast %eq3A_243 : f32 to vector<256x128xf32>
    %eq3A_245 = arith.cmpf oeq, %add3A_186, %eq3A_244 : vector<256x128xf32>
    %jit3A_246 = arith.constant 0.000000e+00 : f32
    %broadcast_in_dim3A_247 = vector.broadcast %jit3A_246 : f32 to vector<256x128xf32>
    %select_n3A_248 = arith.select %eq3A_245, %broadcast_in_dim3A_247, %mul3A_236 : vector<256x128xi1>, vector<256x128xf32>
    %mul3A_249 = arith.mulf %select_n3A_242, %select_n3A_242 : vector<256x128xf32>
    %mul3A_250 = arith.mulf %select_n3A_248, %select_n3A_248 : vector<256x128xf32>
    %mul3A_251 = arith.mulf %select_n3A_242, %select_n3A_248 : vector<256x128xf32>
    %mul3A_252 = arith.mulf %mul3A_249, %add3A_75 : vector<256x128xf32>
    %mul3A_253 = arith.constant 2.000000e+00 : f32
    %mul3A_254 = vector.broadcast %mul3A_253 : f32 to vector<256x128xf32>
    %mul3A_255 = arith.mulf %mul3A_254, %mul3A_251 : vector<256x128xf32>
    %mul3A_256 = arith.mulf %mul3A_255, %add3A_186 : vector<256x128xf32>
    %sub3A_257 = arith.subf %mul3A_252, %mul3A_256 : vector<256x128xf32>
    %mul3A_258 = arith.mulf %mul3A_250, %add3A_175 : vector<256x128xf32>
    %add3A_259 = arith.addf %sub3A_257, %mul3A_258 : vector<256x128xf32>
    %mul3A_260 = arith.mulf %mul3A_250, %add3A_75 : vector<256x128xf32>
    %mul3A_261 = arith.constant 2.000000e+00 : f32
    %mul3A_262 = vector.broadcast %mul3A_261 : f32 to vector<256x128xf32>
    %mul3A_263 = arith.mulf %mul3A_262, %mul3A_251 : vector<256x128xf32>
    %mul3A_264 = arith.mulf %mul3A_263, %add3A_186 : vector<256x128xf32>
    %add3A_265 = arith.addf %mul3A_260, %mul3A_264 : vector<256x128xf32>
    %mul3A_266 = arith.mulf %mul3A_249, %add3A_175 : vector<256x128xf32>
    %add3A_267 = arith.addf %add3A_265, %mul3A_266 : vector<256x128xf32>
    %sub3A_268 = arith.subf %mul3A_249, %mul3A_250 : vector<256x128xf32>
    %mul3A_269 = arith.mulf %sub3A_268, %add3A_186 : vector<256x128xf32>
    %sub3A_270 = arith.subf %add3A_75, %add3A_175 : vector<256x128xf32>
    %mul3A_271 = arith.mulf %mul3A_251, %sub3A_270 : vector<256x128xf32>
    %add3A_272 = arith.addf %mul3A_269, %mul3A_271 : vector<256x128xf32>
    %mul3A_273 = arith.mulf %select_n3A_242, %sub3A_183 : vector<256x128xf32>
    %mul3A_274 = arith.mulf %select_n3A_248, %add3A_180 : vector<256x128xf32>
    %sub3A_275 = arith.subf %mul3A_273, %mul3A_274 : vector<256x128xf32>
    %mul3A_276 = arith.mulf %select_n3A_248, %sub3A_183 : vector<256x128xf32>
    %mul3A_277 = arith.mulf %select_n3A_242, %add3A_180 : vector<256x128xf32>
    %add3A_278 = arith.addf %mul3A_276, %mul3A_277 : vector<256x128xf32>
    %mul3A_279 = arith.mulf %select_n3A_242, %sub3A_97 : vector<256x128xf32>
    %mul3A_280 = arith.mulf %select_n3A_248, %add3A_192 : vector<256x128xf32>
    %sub3A_281 = arith.subf %mul3A_279, %mul3A_280 : vector<256x128xf32>
    %mul3A_282 = arith.mulf %select_n3A_248, %sub3A_97 : vector<256x128xf32>
    %mul3A_283 = arith.mulf %select_n3A_242, %add3A_192 : vector<256x128xf32>
    %add3A_284 = arith.addf %mul3A_282, %mul3A_283 : vector<256x128xf32>
    %mul3A_285 = arith.mulf %select_n3A_242, %sub3A_103 : vector<256x128xf32>
    %mul3A_286 = arith.mulf %select_n3A_248, %add3A_198 : vector<256x128xf32>
    %sub3A_287 = arith.subf %mul3A_285, %mul3A_286 : vector<256x128xf32>
    %mul3A_288 = arith.mulf %select_n3A_248, %sub3A_103 : vector<256x128xf32>
    %mul3A_289 = arith.mulf %select_n3A_242, %add3A_198 : vector<256x128xf32>
    %add3A_290 = arith.addf %mul3A_288, %mul3A_289 : vector<256x128xf32>
    %mul3A_291 = arith.mulf %select_n3A_242, %sub3A_109 : vector<256x128xf32>
    %mul3A_292 = arith.mulf %select_n3A_248, %add3A_204 : vector<256x128xf32>
    %sub3A_293 = arith.subf %mul3A_291, %mul3A_292 : vector<256x128xf32>
    %mul3A_294 = arith.mulf %select_n3A_248, %sub3A_109 : vector<256x128xf32>
    %mul3A_295 = arith.mulf %select_n3A_242, %add3A_204 : vector<256x128xf32>
    %add3A_296 = arith.addf %mul3A_294, %mul3A_295 : vector<256x128xf32>
    %sub3A_297 = arith.subf %add3A_167, %add3A_259 : vector<256x128xf32>
    %mul3A_298 = arith.constant 2.000000e+00 : f32
    %mul3A_299 = vector.broadcast %mul3A_298 : f32 to vector<256x128xf32>
    %mul3A_300 = arith.mulf %mul3A_299, %sub3A_275 : vector<256x128xf32>
    %div3A_301 = arith.divf %sub3A_297, %mul3A_300 : vector<256x128xf32>
    %sign3A_302 = tpu.bitcast %div3A_301 : vector<256x128xf32> -> vector<256x128xi32>
    %sign3A_303 = arith.constant -2147483648 : i32
    %sign3A_304 = vector.broadcast %sign3A_303 : i32 to vector<256x128xi32>
    %sign3A_305 = arith.andi %sign3A_302, %sign3A_304 : vector<256x128xi32>
    %sign3A_306 = arith.constant 1065353216 : i32
    %sign3A_307 = vector.broadcast %sign3A_306 : i32 to vector<256x128xi32>
    %sign3A_308 = arith.ori %sign3A_307, %sign3A_305 : vector<256x128xi32>
    %sign3A_309 = tpu.bitcast %sign3A_308 : vector<256x128xi32> -> vector<256x128xf32>
    %sign3A_310 = math.absf %div3A_301 : vector<256x128xf32>
    %sign3A_311 = arith.constant 0.000000e+00 : f32
    %sign3A_312 = vector.broadcast %sign3A_311 : f32 to vector<256x128xf32>
    %sign3A_313 = arith.cmpf ogt, %sign3A_310, %sign3A_312 : vector<256x128xf32>
    %sign3A_314 = arith.select %sign3A_313, %sign3A_309, %div3A_301 : vector<256x128xi1>, vector<256x128xf32>
    %abs3A_315 = math.absf %div3A_301 : vector<256x128xf32>
    %mul3A_316 = arith.mulf %div3A_301, %div3A_301 : vector<256x128xf32>
    %add3A_317 = arith.constant 1.000000e+00 : f32
    %add3A_318 = vector.broadcast %add3A_317 : f32 to vector<256x128xf32>
    %add3A_319 = arith.addf %add3A_318, %mul3A_316 : vector<256x128xf32>
    %sqrt3A_320 = math.sqrt %add3A_319 : vector<256x128xf32>
    %add3A_321 = arith.addf %abs3A_315, %sqrt3A_320 : vector<256x128xf32>
    %div3A_322 = arith.divf %sign3A_314, %add3A_321 : vector<256x128xf32>
    %mul3A_323 = arith.mulf %div3A_322, %div3A_322 : vector<256x128xf32>
    %add3A_324 = arith.constant 1.000000e+00 : f32
    %add3A_325 = vector.broadcast %add3A_324 : f32 to vector<256x128xf32>
    %add3A_326 = arith.addf %add3A_325, %mul3A_323 : vector<256x128xf32>
    %rsqrt3A_327 = math.rsqrt %add3A_326 : vector<256x128xf32>
    %mul3A_328 = arith.mulf %div3A_322, %rsqrt3A_327 : vector<256x128xf32>
    %eq3A_329 = arith.constant 0.000000e+00 : f32
    %eq3A_330 = vector.broadcast %eq3A_329 : f32 to vector<256x128xf32>
    %eq3A_331 = arith.cmpf oeq, %sub3A_275, %eq3A_330 : vector<256x128xf32>
    %jit3A_332 = arith.constant 1.000000e+00 : f32
    %broadcast_in_dim3A_333 = vector.broadcast %jit3A_332 : f32 to vector<256x128xf32>
    %select_n3A_334 = arith.select %eq3A_331, %broadcast_in_dim3A_333, %rsqrt3A_327 : vector<256x128xi1>, vector<256x128xf32>
    %eq3A_335 = arith.constant 0.000000e+00 : f32
    %eq3A_336 = vector.broadcast %eq3A_335 : f32 to vector<256x128xf32>
    %eq3A_337 = arith.cmpf oeq, %sub3A_275, %eq3A_336 : vector<256x128xf32>
    %jit3A_338 = arith.constant 0.000000e+00 : f32
    %broadcast_in_dim3A_339 = vector.broadcast %jit3A_338 : f32 to vector<256x128xf32>
    %select_n3A_340 = arith.select %eq3A_337, %broadcast_in_dim3A_339, %mul3A_328 : vector<256x128xi1>, vector<256x128xf32>
    %mul3A_341 = arith.mulf %select_n3A_334, %select_n3A_334 : vector<256x128xf32>
    %mul3A_342 = arith.mulf %select_n3A_340, %select_n3A_340 : vector<256x128xf32>
    %mul3A_343 = arith.mulf %select_n3A_334, %select_n3A_340 : vector<256x128xf32>
    %mul3A_344 = arith.mulf %mul3A_341, %add3A_259 : vector<256x128xf32>
    %mul3A_345 = arith.constant 2.000000e+00 : f32
    %mul3A_346 = vector.broadcast %mul3A_345 : f32 to vector<256x128xf32>
    %mul3A_347 = arith.mulf %mul3A_346, %mul3A_343 : vector<256x128xf32>
    %mul3A_348 = arith.mulf %mul3A_347, %sub3A_275 : vector<256x128xf32>
    %sub3A_349 = arith.subf %mul3A_344, %mul3A_348 : vector<256x128xf32>
    %mul3A_350 = arith.mulf %mul3A_342, %add3A_167 : vector<256x128xf32>
    %add3A_351 = arith.addf %sub3A_349, %mul3A_350 : vector<256x128xf32>
    %mul3A_352 = arith.mulf %mul3A_342, %add3A_259 : vector<256x128xf32>
    %mul3A_353 = arith.constant 2.000000e+00 : f32
    %mul3A_354 = vector.broadcast %mul3A_353 : f32 to vector<256x128xf32>
    %mul3A_355 = arith.mulf %mul3A_354, %mul3A_343 : vector<256x128xf32>
    %mul3A_356 = arith.mulf %mul3A_355, %sub3A_275 : vector<256x128xf32>
    %add3A_357 = arith.addf %mul3A_352, %mul3A_356 : vector<256x128xf32>
    %mul3A_358 = arith.mulf %mul3A_341, %add3A_167 : vector<256x128xf32>
    %add3A_359 = arith.addf %add3A_357, %mul3A_358 : vector<256x128xf32>
    %sub3A_360 = arith.subf %mul3A_341, %mul3A_342 : vector<256x128xf32>
    %mul3A_361 = arith.mulf %sub3A_360, %sub3A_275 : vector<256x128xf32>
    %sub3A_362 = arith.subf %add3A_259, %add3A_167 : vector<256x128xf32>
    %mul3A_363 = arith.mulf %mul3A_343, %sub3A_362 : vector<256x128xf32>
    %add3A_364 = arith.addf %mul3A_361, %mul3A_363 : vector<256x128xf32>
    %mul3A_365 = arith.mulf %select_n3A_334, %add3A_272 : vector<256x128xf32>
    %mul3A_366 = arith.mulf %select_n3A_340, %add3A_278 : vector<256x128xf32>
    %sub3A_367 = arith.subf %mul3A_365, %mul3A_366 : vector<256x128xf32>
    %mul3A_368 = arith.mulf %select_n3A_340, %add3A_272 : vector<256x128xf32>
    %mul3A_369 = arith.mulf %select_n3A_334, %add3A_278 : vector<256x128xf32>
    %add3A_370 = arith.addf %mul3A_368, %mul3A_369 : vector<256x128xf32>
    %mul3A_371 = arith.mulf %select_n3A_334, %sub3A_281 : vector<256x128xf32>
    %mul3A_372 = arith.mulf %select_n3A_340, %sub3A_189 : vector<256x128xf32>
    %sub3A_373 = arith.subf %mul3A_371, %mul3A_372 : vector<256x128xf32>
    %mul3A_374 = arith.mulf %select_n3A_340, %sub3A_281 : vector<256x128xf32>
    %mul3A_375 = arith.mulf %select_n3A_334, %sub3A_189 : vector<256x128xf32>
    %add3A_376 = arith.addf %mul3A_374, %mul3A_375 : vector<256x128xf32>
    %mul3A_377 = arith.mulf %select_n3A_334, %sub3A_287 : vector<256x128xf32>
    %mul3A_378 = arith.mulf %select_n3A_340, %sub3A_195 : vector<256x128xf32>
    %sub3A_379 = arith.subf %mul3A_377, %mul3A_378 : vector<256x128xf32>
    %mul3A_380 = arith.mulf %select_n3A_340, %sub3A_287 : vector<256x128xf32>
    %mul3A_381 = arith.mulf %select_n3A_334, %sub3A_195 : vector<256x128xf32>
    %add3A_382 = arith.addf %mul3A_380, %mul3A_381 : vector<256x128xf32>
    %mul3A_383 = arith.mulf %select_n3A_334, %sub3A_293 : vector<256x128xf32>
    %mul3A_384 = arith.mulf %select_n3A_340, %sub3A_201 : vector<256x128xf32>
    %sub3A_385 = arith.subf %mul3A_383, %mul3A_384 : vector<256x128xf32>
    %mul3A_386 = arith.mulf %select_n3A_340, %sub3A_293 : vector<256x128xf32>
    %mul3A_387 = arith.mulf %select_n3A_334, %sub3A_201 : vector<256x128xf32>
    %add3A_388 = arith.addf %mul3A_386, %mul3A_387 : vector<256x128xf32>
    %sub3A_389 = arith.subf %add3A_267, %add3A_359 : vector<256x128xf32>
    %mul3A_390 = arith.constant 2.000000e+00 : f32
    %mul3A_391 = vector.broadcast %mul3A_390 : f32 to vector<256x128xf32>
    %mul3A_392 = arith.mulf %mul3A_391, %add3A_370 : vector<256x128xf32>
    %div3A_393 = arith.divf %sub3A_389, %mul3A_392 : vector<256x128xf32>
    %sign3A_394 = tpu.bitcast %div3A_393 : vector<256x128xf32> -> vector<256x128xi32>
    %sign3A_395 = arith.constant -2147483648 : i32
    %sign3A_396 = vector.broadcast %sign3A_395 : i32 to vector<256x128xi32>
    %sign3A_397 = arith.andi %sign3A_394, %sign3A_396 : vector<256x128xi32>
    %sign3A_398 = arith.constant 1065353216 : i32
    %sign3A_399 = vector.broadcast %sign3A_398 : i32 to vector<256x128xi32>
    %sign3A_400 = arith.ori %sign3A_399, %sign3A_397 : vector<256x128xi32>
    %sign3A_401 = tpu.bitcast %sign3A_400 : vector<256x128xi32> -> vector<256x128xf32>
    %sign3A_402 = math.absf %div3A_393 : vector<256x128xf32>
    %sign3A_403 = arith.constant 0.000000e+00 : f32
    %sign3A_404 = vector.broadcast %sign3A_403 : f32 to vector<256x128xf32>
    %sign3A_405 = arith.cmpf ogt, %sign3A_402, %sign3A_404 : vector<256x128xf32>
    %sign3A_406 = arith.select %sign3A_405, %sign3A_401, %div3A_393 : vector<256x128xi1>, vector<256x128xf32>
    %abs3A_407 = math.absf %div3A_393 : vector<256x128xf32>
    %mul3A_408 = arith.mulf %div3A_393, %div3A_393 : vector<256x128xf32>
    %add3A_409 = arith.constant 1.000000e+00 : f32
    %add3A_410 = vector.broadcast %add3A_409 : f32 to vector<256x128xf32>
    %add3A_411 = arith.addf %add3A_410, %mul3A_408 : vector<256x128xf32>
    %sqrt3A_412 = math.sqrt %add3A_411 : vector<256x128xf32>
    %add3A_413 = arith.addf %abs3A_407, %sqrt3A_412 : vector<256x128xf32>
    %div3A_414 = arith.divf %sign3A_406, %add3A_413 : vector<256x128xf32>
    %mul3A_415 = arith.mulf %div3A_414, %div3A_414 : vector<256x128xf32>
    %add3A_416 = arith.constant 1.000000e+00 : f32
    %add3A_417 = vector.broadcast %add3A_416 : f32 to vector<256x128xf32>
    %add3A_418 = arith.addf %add3A_417, %mul3A_415 : vector<256x128xf32>
    %rsqrt3A_419 = math.rsqrt %add3A_418 : vector<256x128xf32>
    %mul3A_420 = arith.mulf %div3A_414, %rsqrt3A_419 : vector<256x128xf32>
    %eq3A_421 = arith.constant 0.000000e+00 : f32
    %eq3A_422 = vector.broadcast %eq3A_421 : f32 to vector<256x128xf32>
    %eq3A_423 = arith.cmpf oeq, %add3A_370, %eq3A_422 : vector<256x128xf32>
    %jit3A_424 = arith.constant 1.000000e+00 : f32
    %broadcast_in_dim3A_425 = vector.broadcast %jit3A_424 : f32 to vector<256x128xf32>
    %select_n3A_426 = arith.select %eq3A_423, %broadcast_in_dim3A_425, %rsqrt3A_419 : vector<256x128xi1>, vector<256x128xf32>
    %eq3A_427 = arith.constant 0.000000e+00 : f32
    %eq3A_428 = vector.broadcast %eq3A_427 : f32 to vector<256x128xf32>
    %eq3A_429 = arith.cmpf oeq, %add3A_370, %eq3A_428 : vector<256x128xf32>
    %jit3A_430 = arith.constant 0.000000e+00 : f32
    %broadcast_in_dim3A_431 = vector.broadcast %jit3A_430 : f32 to vector<256x128xf32>
    %select_n3A_432 = arith.select %eq3A_429, %broadcast_in_dim3A_431, %mul3A_420 : vector<256x128xi1>, vector<256x128xf32>
    %mul3A_433 = arith.mulf %select_n3A_426, %select_n3A_426 : vector<256x128xf32>
    %mul3A_434 = arith.mulf %select_n3A_432, %select_n3A_432 : vector<256x128xf32>
    %mul3A_435 = arith.mulf %select_n3A_426, %select_n3A_432 : vector<256x128xf32>
    %mul3A_436 = arith.mulf %mul3A_433, %add3A_359 : vector<256x128xf32>
    %mul3A_437 = arith.constant 2.000000e+00 : f32
    %mul3A_438 = vector.broadcast %mul3A_437 : f32 to vector<256x128xf32>
    %mul3A_439 = arith.mulf %mul3A_438, %mul3A_435 : vector<256x128xf32>
    %mul3A_440 = arith.mulf %mul3A_439, %add3A_370 : vector<256x128xf32>
    %sub3A_441 = arith.subf %mul3A_436, %mul3A_440 : vector<256x128xf32>
    %mul3A_442 = arith.mulf %mul3A_434, %add3A_267 : vector<256x128xf32>
    %add3A_443 = arith.addf %sub3A_441, %mul3A_442 : vector<256x128xf32>
    %mul3A_444 = arith.mulf %mul3A_434, %add3A_359 : vector<256x128xf32>
    %mul3A_445 = arith.constant 2.000000e+00 : f32
    %mul3A_446 = vector.broadcast %mul3A_445 : f32 to vector<256x128xf32>
    %mul3A_447 = arith.mulf %mul3A_446, %mul3A_435 : vector<256x128xf32>
    %mul3A_448 = arith.mulf %mul3A_447, %add3A_370 : vector<256x128xf32>
    %add3A_449 = arith.addf %mul3A_444, %mul3A_448 : vector<256x128xf32>
    %mul3A_450 = arith.mulf %mul3A_433, %add3A_267 : vector<256x128xf32>
    %add3A_451 = arith.addf %add3A_449, %mul3A_450 : vector<256x128xf32>
    %sub3A_452 = arith.subf %mul3A_433, %mul3A_434 : vector<256x128xf32>
    %mul3A_453 = arith.mulf %sub3A_452, %add3A_370 : vector<256x128xf32>
    %sub3A_454 = arith.subf %add3A_359, %add3A_267 : vector<256x128xf32>
    %mul3A_455 = arith.mulf %mul3A_435, %sub3A_454 : vector<256x128xf32>
    %add3A_456 = arith.addf %mul3A_453, %mul3A_455 : vector<256x128xf32>
    %mul3A_457 = arith.mulf %select_n3A_426, %add3A_364 : vector<256x128xf32>
    %mul3A_458 = arith.mulf %select_n3A_432, %sub3A_367 : vector<256x128xf32>
    %sub3A_459 = arith.subf %mul3A_457, %mul3A_458 : vector<256x128xf32>
    %mul3A_460 = arith.mulf %select_n3A_432, %add3A_364 : vector<256x128xf32>
    %mul3A_461 = arith.mulf %select_n3A_426, %sub3A_367 : vector<256x128xf32>
    %add3A_462 = arith.addf %mul3A_460, %mul3A_461 : vector<256x128xf32>
    %mul3A_463 = arith.mulf %select_n3A_426, %add3A_376 : vector<256x128xf32>
    %mul3A_464 = arith.mulf %select_n3A_432, %add3A_284 : vector<256x128xf32>
    %sub3A_465 = arith.subf %mul3A_463, %mul3A_464 : vector<256x128xf32>
    %mul3A_466 = arith.mulf %select_n3A_432, %add3A_376 : vector<256x128xf32>
    %mul3A_467 = arith.mulf %select_n3A_426, %add3A_284 : vector<256x128xf32>
    %add3A_468 = arith.addf %mul3A_466, %mul3A_467 : vector<256x128xf32>
    %mul3A_469 = arith.mulf %select_n3A_426, %add3A_382 : vector<256x128xf32>
    %mul3A_470 = arith.mulf %select_n3A_432, %add3A_290 : vector<256x128xf32>
    %sub3A_471 = arith.subf %mul3A_469, %mul3A_470 : vector<256x128xf32>
    %mul3A_472 = arith.mulf %select_n3A_432, %add3A_382 : vector<256x128xf32>
    %mul3A_473 = arith.mulf %select_n3A_426, %add3A_290 : vector<256x128xf32>
    %add3A_474 = arith.addf %mul3A_472, %mul3A_473 : vector<256x128xf32>
    %mul3A_475 = arith.mulf %select_n3A_426, %add3A_388 : vector<256x128xf32>
    %mul3A_476 = arith.mulf %select_n3A_432, %add3A_296 : vector<256x128xf32>
    %sub3A_477 = arith.subf %mul3A_475, %mul3A_476 : vector<256x128xf32>
    %mul3A_478 = arith.mulf %select_n3A_432, %add3A_388 : vector<256x128xf32>
    %mul3A_479 = arith.mulf %select_n3A_426, %add3A_296 : vector<256x128xf32>
    %add3A_480 = arith.addf %mul3A_478, %mul3A_479 : vector<256x128xf32>
    %sub3A_481 = arith.subf %add3A_451, %add3A_351 : vector<256x128xf32>
    %mul3A_482 = arith.constant 2.000000e+00 : f32
    %mul3A_483 = vector.broadcast %mul3A_482 : f32 to vector<256x128xf32>
    %mul3A_484 = arith.mulf %mul3A_483, %add3A_462 : vector<256x128xf32>
    %div3A_485 = arith.divf %sub3A_481, %mul3A_484 : vector<256x128xf32>
    %sign3A_486 = tpu.bitcast %div3A_485 : vector<256x128xf32> -> vector<256x128xi32>
    %sign3A_487 = arith.constant -2147483648 : i32
    %sign3A_488 = vector.broadcast %sign3A_487 : i32 to vector<256x128xi32>
    %sign3A_489 = arith.andi %sign3A_486, %sign3A_488 : vector<256x128xi32>
    %sign3A_490 = arith.constant 1065353216 : i32
    %sign3A_491 = vector.broadcast %sign3A_490 : i32 to vector<256x128xi32>
    %sign3A_492 = arith.ori %sign3A_491, %sign3A_489 : vector<256x128xi32>
    %sign3A_493 = tpu.bitcast %sign3A_492 : vector<256x128xi32> -> vector<256x128xf32>
    %sign3A_494 = math.absf %div3A_485 : vector<256x128xf32>
    %sign3A_495 = arith.constant 0.000000e+00 : f32
    %sign3A_496 = vector.broadcast %sign3A_495 : f32 to vector<256x128xf32>
    %sign3A_497 = arith.cmpf ogt, %sign3A_494, %sign3A_496 : vector<256x128xf32>
    %sign3A_498 = arith.select %sign3A_497, %sign3A_493, %div3A_485 : vector<256x128xi1>, vector<256x128xf32>
    %abs3A_499 = math.absf %div3A_485 : vector<256x128xf32>
    %mul3A_500 = arith.mulf %div3A_485, %div3A_485 : vector<256x128xf32>
    %add3A_501 = arith.constant 1.000000e+00 : f32
    %add3A_502 = vector.broadcast %add3A_501 : f32 to vector<256x128xf32>
    %add3A_503 = arith.addf %add3A_502, %mul3A_500 : vector<256x128xf32>
    %sqrt3A_504 = math.sqrt %add3A_503 : vector<256x128xf32>
    %add3A_505 = arith.addf %abs3A_499, %sqrt3A_504 : vector<256x128xf32>
    %div3A_506 = arith.divf %sign3A_498, %add3A_505 : vector<256x128xf32>
    %mul3A_507 = arith.mulf %div3A_506, %div3A_506 : vector<256x128xf32>
    %add3A_508 = arith.constant 1.000000e+00 : f32
    %add3A_509 = vector.broadcast %add3A_508 : f32 to vector<256x128xf32>
    %add3A_510 = arith.addf %add3A_509, %mul3A_507 : vector<256x128xf32>
    %rsqrt3A_511 = math.rsqrt %add3A_510 : vector<256x128xf32>
    %mul3A_512 = arith.mulf %div3A_506, %rsqrt3A_511 : vector<256x128xf32>
    %eq3A_513 = arith.constant 0.000000e+00 : f32
    %eq3A_514 = vector.broadcast %eq3A_513 : f32 to vector<256x128xf32>
    %eq3A_515 = arith.cmpf oeq, %add3A_462, %eq3A_514 : vector<256x128xf32>
    %jit3A_516 = arith.constant 1.000000e+00 : f32
    %broadcast_in_dim3A_517 = vector.broadcast %jit3A_516 : f32 to vector<256x128xf32>
    %select_n3A_518 = arith.select %eq3A_515, %broadcast_in_dim3A_517, %rsqrt3A_511 : vector<256x128xi1>, vector<256x128xf32>
    %eq3A_519 = arith.constant 0.000000e+00 : f32
    %eq3A_520 = vector.broadcast %eq3A_519 : f32 to vector<256x128xf32>
    %eq3A_521 = arith.cmpf oeq, %add3A_462, %eq3A_520 : vector<256x128xf32>
    %jit3A_522 = arith.constant 0.000000e+00 : f32
    %broadcast_in_dim3A_523 = vector.broadcast %jit3A_522 : f32 to vector<256x128xf32>
    %select_n3A_524 = arith.select %eq3A_521, %broadcast_in_dim3A_523, %mul3A_512 : vector<256x128xi1>, vector<256x128xf32>
    %mul3A_525 = arith.mulf %select_n3A_518, %select_n3A_518 : vector<256x128xf32>
    %mul3A_526 = arith.mulf %select_n3A_524, %select_n3A_524 : vector<256x128xf32>
    %mul3A_527 = arith.mulf %select_n3A_518, %select_n3A_524 : vector<256x128xf32>
    %mul3A_528 = arith.mulf %mul3A_525, %add3A_351 : vector<256x128xf32>
    %mul3A_529 = arith.constant 2.000000e+00 : f32
    %mul3A_530 = vector.broadcast %mul3A_529 : f32 to vector<256x128xf32>
    %mul3A_531 = arith.mulf %mul3A_530, %mul3A_527 : vector<256x128xf32>
    %mul3A_532 = arith.mulf %mul3A_531, %add3A_462 : vector<256x128xf32>
    %sub3A_533 = arith.subf %mul3A_528, %mul3A_532 : vector<256x128xf32>
    %mul3A_534 = arith.mulf %mul3A_526, %add3A_451 : vector<256x128xf32>
    %add3A_535 = arith.addf %sub3A_533, %mul3A_534 : vector<256x128xf32>
    %mul3A_536 = arith.mulf %mul3A_526, %add3A_351 : vector<256x128xf32>
    %mul3A_537 = arith.constant 2.000000e+00 : f32
    %mul3A_538 = vector.broadcast %mul3A_537 : f32 to vector<256x128xf32>
    %mul3A_539 = arith.mulf %mul3A_538, %mul3A_527 : vector<256x128xf32>
    %mul3A_540 = arith.mulf %mul3A_539, %add3A_462 : vector<256x128xf32>
    %add3A_541 = arith.addf %mul3A_536, %mul3A_540 : vector<256x128xf32>
    %mul3A_542 = arith.mulf %mul3A_525, %add3A_451 : vector<256x128xf32>
    %add3A_543 = arith.addf %add3A_541, %mul3A_542 : vector<256x128xf32>
    %sub3A_544 = arith.subf %mul3A_525, %mul3A_526 : vector<256x128xf32>
    %mul3A_545 = arith.mulf %sub3A_544, %add3A_462 : vector<256x128xf32>
    %sub3A_546 = arith.subf %add3A_351, %add3A_451 : vector<256x128xf32>
    %mul3A_547 = arith.mulf %mul3A_527, %sub3A_546 : vector<256x128xf32>
    %add3A_548 = arith.addf %mul3A_545, %mul3A_547 : vector<256x128xf32>
    %mul3A_549 = arith.mulf %select_n3A_518, %sub3A_459 : vector<256x128xf32>
    %mul3A_550 = arith.mulf %select_n3A_524, %add3A_456 : vector<256x128xf32>
    %sub3A_551 = arith.subf %mul3A_549, %mul3A_550 : vector<256x128xf32>
    %mul3A_552 = arith.mulf %select_n3A_524, %sub3A_459 : vector<256x128xf32>
    %mul3A_553 = arith.mulf %select_n3A_518, %add3A_456 : vector<256x128xf32>
    %add3A_554 = arith.addf %mul3A_552, %mul3A_553 : vector<256x128xf32>
    %mul3A_555 = arith.mulf %select_n3A_518, %sub3A_373 : vector<256x128xf32>
    %mul3A_556 = arith.mulf %select_n3A_524, %add3A_468 : vector<256x128xf32>
    %sub3A_557 = arith.subf %mul3A_555, %mul3A_556 : vector<256x128xf32>
    %mul3A_558 = arith.mulf %select_n3A_524, %sub3A_373 : vector<256x128xf32>
    %mul3A_559 = arith.mulf %select_n3A_518, %add3A_468 : vector<256x128xf32>
    %add3A_560 = arith.addf %mul3A_558, %mul3A_559 : vector<256x128xf32>
    %mul3A_561 = arith.mulf %select_n3A_518, %sub3A_379 : vector<256x128xf32>
    %mul3A_562 = arith.mulf %select_n3A_524, %add3A_474 : vector<256x128xf32>
    %sub3A_563 = arith.subf %mul3A_561, %mul3A_562 : vector<256x128xf32>
    %mul3A_564 = arith.mulf %select_n3A_524, %sub3A_379 : vector<256x128xf32>
    %mul3A_565 = arith.mulf %select_n3A_518, %add3A_474 : vector<256x128xf32>
    %add3A_566 = arith.addf %mul3A_564, %mul3A_565 : vector<256x128xf32>
    %mul3A_567 = arith.mulf %select_n3A_518, %sub3A_385 : vector<256x128xf32>
    %mul3A_568 = arith.mulf %select_n3A_524, %add3A_480 : vector<256x128xf32>
    %sub3A_569 = arith.subf %mul3A_567, %mul3A_568 : vector<256x128xf32>
    %mul3A_570 = arith.mulf %select_n3A_524, %sub3A_385 : vector<256x128xf32>
    %mul3A_571 = arith.mulf %select_n3A_518, %add3A_480 : vector<256x128xf32>
    %add3A_572 = arith.addf %mul3A_570, %mul3A_571 : vector<256x128xf32>
    %sub3A_573 = arith.subf %add3A_443, %add3A_535 : vector<256x128xf32>
    %mul3A_574 = arith.constant 2.000000e+00 : f32
    %mul3A_575 = vector.broadcast %mul3A_574 : f32 to vector<256x128xf32>
    %mul3A_576 = arith.mulf %mul3A_575, %sub3A_551 : vector<256x128xf32>
    %div3A_577 = arith.divf %sub3A_573, %mul3A_576 : vector<256x128xf32>
    %sign3A_578 = tpu.bitcast %div3A_577 : vector<256x128xf32> -> vector<256x128xi32>
    %sign3A_579 = arith.constant -2147483648 : i32
    %sign3A_580 = vector.broadcast %sign3A_579 : i32 to vector<256x128xi32>
    %sign3A_581 = arith.andi %sign3A_578, %sign3A_580 : vector<256x128xi32>
    %sign3A_582 = arith.constant 1065353216 : i32
    %sign3A_583 = vector.broadcast %sign3A_582 : i32 to vector<256x128xi32>
    %sign3A_584 = arith.ori %sign3A_583, %sign3A_581 : vector<256x128xi32>
    %sign3A_585 = tpu.bitcast %sign3A_584 : vector<256x128xi32> -> vector<256x128xf32>
    %sign3A_586 = math.absf %div3A_577 : vector<256x128xf32>
    %sign3A_587 = arith.constant 0.000000e+00 : f32
    %sign3A_588 = vector.broadcast %sign3A_587 : f32 to vector<256x128xf32>
    %sign3A_589 = arith.cmpf ogt, %sign3A_586, %sign3A_588 : vector<256x128xf32>
    %sign3A_590 = arith.select %sign3A_589, %sign3A_585, %div3A_577 : vector<256x128xi1>, vector<256x128xf32>
    %abs3A_591 = math.absf %div3A_577 : vector<256x128xf32>
    %mul3A_592 = arith.mulf %div3A_577, %div3A_577 : vector<256x128xf32>
    %add3A_593 = arith.constant 1.000000e+00 : f32
    %add3A_594 = vector.broadcast %add3A_593 : f32 to vector<256x128xf32>
    %add3A_595 = arith.addf %add3A_594, %mul3A_592 : vector<256x128xf32>
    %sqrt3A_596 = math.sqrt %add3A_595 : vector<256x128xf32>
    %add3A_597 = arith.addf %abs3A_591, %sqrt3A_596 : vector<256x128xf32>
    %div3A_598 = arith.divf %sign3A_590, %add3A_597 : vector<256x128xf32>
    %mul3A_599 = arith.mulf %div3A_598, %div3A_598 : vector<256x128xf32>
    %add3A_600 = arith.constant 1.000000e+00 : f32
    %add3A_601 = vector.broadcast %add3A_600 : f32 to vector<256x128xf32>
    %add3A_602 = arith.addf %add3A_601, %mul3A_599 : vector<256x128xf32>
    %rsqrt3A_603 = math.rsqrt %add3A_602 : vector<256x128xf32>
    %mul3A_604 = arith.mulf %div3A_598, %rsqrt3A_603 : vector<256x128xf32>
    %eq3A_605 = arith.constant 0.000000e+00 : f32
    %eq3A_606 = vector.broadcast %eq3A_605 : f32 to vector<256x128xf32>
    %eq3A_607 = arith.cmpf oeq, %sub3A_551, %eq3A_606 : vector<256x128xf32>
    %jit3A_608 = arith.constant 1.000000e+00 : f32
    %broadcast_in_dim3A_609 = vector.broadcast %jit3A_608 : f32 to vector<256x128xf32>
    %select_n3A_610 = arith.select %eq3A_607, %broadcast_in_dim3A_609, %rsqrt3A_603 : vector<256x128xi1>, vector<256x128xf32>
    %eq3A_611 = arith.constant 0.000000e+00 : f32
    %eq3A_612 = vector.broadcast %eq3A_611 : f32 to vector<256x128xf32>
    %eq3A_613 = arith.cmpf oeq, %sub3A_551, %eq3A_612 : vector<256x128xf32>
    %jit3A_614 = arith.constant 0.000000e+00 : f32
    %broadcast_in_dim3A_615 = vector.broadcast %jit3A_614 : f32 to vector<256x128xf32>
    %select_n3A_616 = arith.select %eq3A_613, %broadcast_in_dim3A_615, %mul3A_604 : vector<256x128xi1>, vector<256x128xf32>
    %mul3A_617 = arith.mulf %select_n3A_610, %select_n3A_610 : vector<256x128xf32>
    %mul3A_618 = arith.mulf %select_n3A_616, %select_n3A_616 : vector<256x128xf32>
    %mul3A_619 = arith.mulf %select_n3A_610, %select_n3A_616 : vector<256x128xf32>
    %mul3A_620 = arith.mulf %mul3A_617, %add3A_535 : vector<256x128xf32>
    %mul3A_621 = arith.constant 2.000000e+00 : f32
    %mul3A_622 = vector.broadcast %mul3A_621 : f32 to vector<256x128xf32>
    %mul3A_623 = arith.mulf %mul3A_622, %mul3A_619 : vector<256x128xf32>
    %mul3A_624 = arith.mulf %mul3A_623, %sub3A_551 : vector<256x128xf32>
    %sub3A_625 = arith.subf %mul3A_620, %mul3A_624 : vector<256x128xf32>
    %mul3A_626 = arith.mulf %mul3A_618, %add3A_443 : vector<256x128xf32>
    %add3A_627 = arith.addf %sub3A_625, %mul3A_626 : vector<256x128xf32>
    %mul3A_628 = arith.mulf %mul3A_618, %add3A_535 : vector<256x128xf32>
    %mul3A_629 = arith.constant 2.000000e+00 : f32
    %mul3A_630 = vector.broadcast %mul3A_629 : f32 to vector<256x128xf32>
    %mul3A_631 = arith.mulf %mul3A_630, %mul3A_619 : vector<256x128xf32>
    %mul3A_632 = arith.mulf %mul3A_631, %sub3A_551 : vector<256x128xf32>
    %add3A_633 = arith.addf %mul3A_628, %mul3A_632 : vector<256x128xf32>
    %mul3A_634 = arith.mulf %mul3A_617, %add3A_443 : vector<256x128xf32>
    %add3A_635 = arith.addf %add3A_633, %mul3A_634 : vector<256x128xf32>
    %sub3A_636 = arith.subf %mul3A_617, %mul3A_618 : vector<256x128xf32>
    %mul3A_637 = arith.mulf %sub3A_636, %sub3A_551 : vector<256x128xf32>
    %sub3A_638 = arith.subf %add3A_535, %add3A_443 : vector<256x128xf32>
    %mul3A_639 = arith.mulf %mul3A_619, %sub3A_638 : vector<256x128xf32>
    %add3A_640 = arith.addf %mul3A_637, %mul3A_639 : vector<256x128xf32>
    %mul3A_641 = arith.mulf %select_n3A_610, %add3A_548 : vector<256x128xf32>
    %mul3A_642 = arith.mulf %select_n3A_616, %add3A_554 : vector<256x128xf32>
    %sub3A_643 = arith.subf %mul3A_641, %mul3A_642 : vector<256x128xf32>
    %mul3A_644 = arith.mulf %select_n3A_616, %add3A_548 : vector<256x128xf32>
    %mul3A_645 = arith.mulf %select_n3A_610, %add3A_554 : vector<256x128xf32>
    %add3A_646 = arith.addf %mul3A_644, %mul3A_645 : vector<256x128xf32>
    %mul3A_647 = arith.mulf %select_n3A_610, %sub3A_557 : vector<256x128xf32>
    %mul3A_648 = arith.mulf %select_n3A_616, %sub3A_465 : vector<256x128xf32>
    %sub3A_649 = arith.subf %mul3A_647, %mul3A_648 : vector<256x128xf32>
    %mul3A_650 = arith.mulf %select_n3A_616, %sub3A_557 : vector<256x128xf32>
    %mul3A_651 = arith.mulf %select_n3A_610, %sub3A_465 : vector<256x128xf32>
    %add3A_652 = arith.addf %mul3A_650, %mul3A_651 : vector<256x128xf32>
    %mul3A_653 = arith.mulf %select_n3A_610, %sub3A_563 : vector<256x128xf32>
    %mul3A_654 = arith.mulf %select_n3A_616, %sub3A_471 : vector<256x128xf32>
    %sub3A_655 = arith.subf %mul3A_653, %mul3A_654 : vector<256x128xf32>
    %mul3A_656 = arith.mulf %select_n3A_616, %sub3A_563 : vector<256x128xf32>
    %mul3A_657 = arith.mulf %select_n3A_610, %sub3A_471 : vector<256x128xf32>
    %add3A_658 = arith.addf %mul3A_656, %mul3A_657 : vector<256x128xf32>
    %mul3A_659 = arith.mulf %select_n3A_610, %sub3A_569 : vector<256x128xf32>
    %mul3A_660 = arith.mulf %select_n3A_616, %sub3A_477 : vector<256x128xf32>
    %sub3A_661 = arith.subf %mul3A_659, %mul3A_660 : vector<256x128xf32>
    %mul3A_662 = arith.mulf %select_n3A_616, %sub3A_569 : vector<256x128xf32>
    %mul3A_663 = arith.mulf %select_n3A_610, %sub3A_477 : vector<256x128xf32>
    %add3A_664 = arith.addf %mul3A_662, %mul3A_663 : vector<256x128xf32>
    %sub3A_665 = arith.subf %add3A_543, %add3A_635 : vector<256x128xf32>
    %mul3A_666 = arith.constant 2.000000e+00 : f32
    %mul3A_667 = vector.broadcast %mul3A_666 : f32 to vector<256x128xf32>
    %mul3A_668 = arith.mulf %mul3A_667, %add3A_646 : vector<256x128xf32>
    %div3A_669 = arith.divf %sub3A_665, %mul3A_668 : vector<256x128xf32>
    %sign3A_670 = tpu.bitcast %div3A_669 : vector<256x128xf32> -> vector<256x128xi32>
    %sign3A_671 = arith.constant -2147483648 : i32
    %sign3A_672 = vector.broadcast %sign3A_671 : i32 to vector<256x128xi32>
    %sign3A_673 = arith.andi %sign3A_670, %sign3A_672 : vector<256x128xi32>
    %sign3A_674 = arith.constant 1065353216 : i32
    %sign3A_675 = vector.broadcast %sign3A_674 : i32 to vector<256x128xi32>
    %sign3A_676 = arith.ori %sign3A_675, %sign3A_673 : vector<256x128xi32>
    %sign3A_677 = tpu.bitcast %sign3A_676 : vector<256x128xi32> -> vector<256x128xf32>
    %sign3A_678 = math.absf %div3A_669 : vector<256x128xf32>
    %sign3A_679 = arith.constant 0.000000e+00 : f32
    %sign3A_680 = vector.broadcast %sign3A_679 : f32 to vector<256x128xf32>
    %sign3A_681 = arith.cmpf ogt, %sign3A_678, %sign3A_680 : vector<256x128xf32>
    %sign3A_682 = arith.select %sign3A_681, %sign3A_677, %div3A_669 : vector<256x128xi1>, vector<256x128xf32>
    %abs3A_683 = math.absf %div3A_669 : vector<256x128xf32>
    %mul3A_684 = arith.mulf %div3A_669, %div3A_669 : vector<256x128xf32>
    %add3A_685 = arith.constant 1.000000e+00 : f32
    %add3A_686 = vector.broadcast %add3A_685 : f32 to vector<256x128xf32>
    %add3A_687 = arith.addf %add3A_686, %mul3A_684 : vector<256x128xf32>
    %sqrt3A_688 = math.sqrt %add3A_687 : vector<256x128xf32>
    %add3A_689 = arith.addf %abs3A_683, %sqrt3A_688 : vector<256x128xf32>
    %div3A_690 = arith.divf %sign3A_682, %add3A_689 : vector<256x128xf32>
    %mul3A_691 = arith.mulf %div3A_690, %div3A_690 : vector<256x128xf32>
    %add3A_692 = arith.constant 1.000000e+00 : f32
    %add3A_693 = vector.broadcast %add3A_692 : f32 to vector<256x128xf32>
    %add3A_694 = arith.addf %add3A_693, %mul3A_691 : vector<256x128xf32>
    %rsqrt3A_695 = math.rsqrt %add3A_694 : vector<256x128xf32>
    %mul3A_696 = arith.mulf %div3A_690, %rsqrt3A_695 : vector<256x128xf32>
    %eq3A_697 = arith.constant 0.000000e+00 : f32
    %eq3A_698 = vector.broadcast %eq3A_697 : f32 to vector<256x128xf32>
    %eq3A_699 = arith.cmpf oeq, %add3A_646, %eq3A_698 : vector<256x128xf32>
    %jit3A_700 = arith.constant 1.000000e+00 : f32
    %broadcast_in_dim3A_701 = vector.broadcast %jit3A_700 : f32 to vector<256x128xf32>
    %select_n3A_702 = arith.select %eq3A_699, %broadcast_in_dim3A_701, %rsqrt3A_695 : vector<256x128xi1>, vector<256x128xf32>
    %eq3A_703 = arith.constant 0.000000e+00 : f32
    %eq3A_704 = vector.broadcast %eq3A_703 : f32 to vector<256x128xf32>
    %eq3A_705 = arith.cmpf oeq, %add3A_646, %eq3A_704 : vector<256x128xf32>
    %jit3A_706 = arith.constant 0.000000e+00 : f32
    %broadcast_in_dim3A_707 = vector.broadcast %jit3A_706 : f32 to vector<256x128xf32>
    %select_n3A_708 = arith.select %eq3A_705, %broadcast_in_dim3A_707, %mul3A_696 : vector<256x128xi1>, vector<256x128xf32>
    %mul3A_709 = arith.mulf %select_n3A_702, %select_n3A_702 : vector<256x128xf32>
    %mul3A_710 = arith.mulf %select_n3A_708, %select_n3A_708 : vector<256x128xf32>
    %mul3A_711 = arith.mulf %select_n3A_702, %select_n3A_708 : vector<256x128xf32>
    %mul3A_712 = arith.mulf %mul3A_709, %add3A_635 : vector<256x128xf32>
    %mul3A_713 = arith.constant 2.000000e+00 : f32
    %mul3A_714 = vector.broadcast %mul3A_713 : f32 to vector<256x128xf32>
    %mul3A_715 = arith.mulf %mul3A_714, %mul3A_711 : vector<256x128xf32>
    %mul3A_716 = arith.mulf %mul3A_715, %add3A_646 : vector<256x128xf32>
    %sub3A_717 = arith.subf %mul3A_712, %mul3A_716 : vector<256x128xf32>
    %mul3A_718 = arith.mulf %mul3A_710, %add3A_543 : vector<256x128xf32>
    %add3A_719 = arith.addf %sub3A_717, %mul3A_718 : vector<256x128xf32>
    %mul3A_720 = arith.mulf %mul3A_710, %add3A_635 : vector<256x128xf32>
    %mul3A_721 = arith.constant 2.000000e+00 : f32
    %mul3A_722 = vector.broadcast %mul3A_721 : f32 to vector<256x128xf32>
    %mul3A_723 = arith.mulf %mul3A_722, %mul3A_711 : vector<256x128xf32>
    %mul3A_724 = arith.mulf %mul3A_723, %add3A_646 : vector<256x128xf32>
    %add3A_725 = arith.addf %mul3A_720, %mul3A_724 : vector<256x128xf32>
    %mul3A_726 = arith.mulf %mul3A_709, %add3A_543 : vector<256x128xf32>
    %add3A_727 = arith.addf %add3A_725, %mul3A_726 : vector<256x128xf32>
    %sub3A_728 = arith.subf %mul3A_709, %mul3A_710 : vector<256x128xf32>
    %mul3A_729 = arith.mulf %sub3A_728, %add3A_646 : vector<256x128xf32>
    %sub3A_730 = arith.subf %add3A_635, %add3A_543 : vector<256x128xf32>
    %mul3A_731 = arith.mulf %mul3A_711, %sub3A_730 : vector<256x128xf32>
    %add3A_732 = arith.addf %mul3A_729, %mul3A_731 : vector<256x128xf32>
    %mul3A_733 = arith.mulf %select_n3A_702, %add3A_640 : vector<256x128xf32>
    %mul3A_734 = arith.mulf %select_n3A_708, %sub3A_643 : vector<256x128xf32>
    %sub3A_735 = arith.subf %mul3A_733, %mul3A_734 : vector<256x128xf32>
    %mul3A_736 = arith.mulf %select_n3A_708, %add3A_640 : vector<256x128xf32>
    %mul3A_737 = arith.mulf %select_n3A_702, %sub3A_643 : vector<256x128xf32>
    %add3A_738 = arith.addf %mul3A_736, %mul3A_737 : vector<256x128xf32>
    %mul3A_739 = arith.mulf %select_n3A_702, %add3A_652 : vector<256x128xf32>
    %mul3A_740 = arith.mulf %select_n3A_708, %add3A_560 : vector<256x128xf32>
    %sub3A_741 = arith.subf %mul3A_739, %mul3A_740 : vector<256x128xf32>
    %mul3A_742 = arith.mulf %select_n3A_708, %add3A_652 : vector<256x128xf32>
    %mul3A_743 = arith.mulf %select_n3A_702, %add3A_560 : vector<256x128xf32>
    %add3A_744 = arith.addf %mul3A_742, %mul3A_743 : vector<256x128xf32>
    %mul3A_745 = arith.mulf %select_n3A_702, %add3A_658 : vector<256x128xf32>
    %mul3A_746 = arith.mulf %select_n3A_708, %add3A_566 : vector<256x128xf32>
    %sub3A_747 = arith.subf %mul3A_745, %mul3A_746 : vector<256x128xf32>
    %mul3A_748 = arith.mulf %select_n3A_708, %add3A_658 : vector<256x128xf32>
    %mul3A_749 = arith.mulf %select_n3A_702, %add3A_566 : vector<256x128xf32>
    %add3A_750 = arith.addf %mul3A_748, %mul3A_749 : vector<256x128xf32>
    %mul3A_751 = arith.mulf %select_n3A_702, %add3A_664 : vector<256x128xf32>
    %mul3A_752 = arith.mulf %select_n3A_708, %add3A_572 : vector<256x128xf32>
    %sub3A_753 = arith.subf %mul3A_751, %mul3A_752 : vector<256x128xf32>
    %mul3A_754 = arith.mulf %select_n3A_708, %add3A_664 : vector<256x128xf32>
    %mul3A_755 = arith.mulf %select_n3A_702, %add3A_572 : vector<256x128xf32>
    %add3A_756 = arith.addf %mul3A_754, %mul3A_755 : vector<256x128xf32>
    %sub3A_757 = arith.subf %add3A_727, %add3A_627 : vector<256x128xf32>
    %mul3A_758 = arith.constant 2.000000e+00 : f32
    %mul3A_759 = vector.broadcast %mul3A_758 : f32 to vector<256x128xf32>
    %mul3A_760 = arith.mulf %mul3A_759, %add3A_738 : vector<256x128xf32>
    %div3A_761 = arith.divf %sub3A_757, %mul3A_760 : vector<256x128xf32>
    %sign3A_762 = tpu.bitcast %div3A_761 : vector<256x128xf32> -> vector<256x128xi32>
    %sign3A_763 = arith.constant -2147483648 : i32
    %sign3A_764 = vector.broadcast %sign3A_763 : i32 to vector<256x128xi32>
    %sign3A_765 = arith.andi %sign3A_762, %sign3A_764 : vector<256x128xi32>
    %sign3A_766 = arith.constant 1065353216 : i32
    %sign3A_767 = vector.broadcast %sign3A_766 : i32 to vector<256x128xi32>
    %sign3A_768 = arith.ori %sign3A_767, %sign3A_765 : vector<256x128xi32>
    %sign3A_769 = tpu.bitcast %sign3A_768 : vector<256x128xi32> -> vector<256x128xf32>
    %sign3A_770 = math.absf %div3A_761 : vector<256x128xf32>
    %sign3A_771 = arith.constant 0.000000e+00 : f32
    %sign3A_772 = vector.broadcast %sign3A_771 : f32 to vector<256x128xf32>
    %sign3A_773 = arith.cmpf ogt, %sign3A_770, %sign3A_772 : vector<256x128xf32>
    %sign3A_774 = arith.select %sign3A_773, %sign3A_769, %div3A_761 : vector<256x128xi1>, vector<256x128xf32>
    %abs3A_775 = math.absf %div3A_761 : vector<256x128xf32>
    %mul3A_776 = arith.mulf %div3A_761, %div3A_761 : vector<256x128xf32>
    %add3A_777 = arith.constant 1.000000e+00 : f32
    %add3A_778 = vector.broadcast %add3A_777 : f32 to vector<256x128xf32>
    %add3A_779 = arith.addf %add3A_778, %mul3A_776 : vector<256x128xf32>
    %sqrt3A_780 = math.sqrt %add3A_779 : vector<256x128xf32>
    %add3A_781 = arith.addf %abs3A_775, %sqrt3A_780 : vector<256x128xf32>
    %div3A_782 = arith.divf %sign3A_774, %add3A_781 : vector<256x128xf32>
    %mul3A_783 = arith.mulf %div3A_782, %div3A_782 : vector<256x128xf32>
    %add3A_784 = arith.constant 1.000000e+00 : f32
    %add3A_785 = vector.broadcast %add3A_784 : f32 to vector<256x128xf32>
    %add3A_786 = arith.addf %add3A_785, %mul3A_783 : vector<256x128xf32>
    %rsqrt3A_787 = math.rsqrt %add3A_786 : vector<256x128xf32>
    %mul3A_788 = arith.mulf %div3A_782, %rsqrt3A_787 : vector<256x128xf32>
    %eq3A_789 = arith.constant 0.000000e+00 : f32
    %eq3A_790 = vector.broadcast %eq3A_789 : f32 to vector<256x128xf32>
    %eq3A_791 = arith.cmpf oeq, %add3A_738, %eq3A_790 : vector<256x128xf32>
    %jit3A_792 = arith.constant 1.000000e+00 : f32
    %broadcast_in_dim3A_793 = vector.broadcast %jit3A_792 : f32 to vector<256x128xf32>
    %select_n3A_794 = arith.select %eq3A_791, %broadcast_in_dim3A_793, %rsqrt3A_787 : vector<256x128xi1>, vector<256x128xf32>
    %eq3A_795 = arith.constant 0.000000e+00 : f32
    %eq3A_796 = vector.broadcast %eq3A_795 : f32 to vector<256x128xf32>
    %eq3A_797 = arith.cmpf oeq, %add3A_738, %eq3A_796 : vector<256x128xf32>
    %jit3A_798 = arith.constant 0.000000e+00 : f32
    %broadcast_in_dim3A_799 = vector.broadcast %jit3A_798 : f32 to vector<256x128xf32>
    %select_n3A_800 = arith.select %eq3A_797, %broadcast_in_dim3A_799, %mul3A_788 : vector<256x128xi1>, vector<256x128xf32>
    %mul3A_801 = arith.mulf %select_n3A_794, %select_n3A_794 : vector<256x128xf32>
    %mul3A_802 = arith.mulf %select_n3A_800, %select_n3A_800 : vector<256x128xf32>
    %mul3A_803 = arith.mulf %select_n3A_794, %select_n3A_800 : vector<256x128xf32>
    %mul3A_804 = arith.mulf %mul3A_801, %add3A_627 : vector<256x128xf32>
    %mul3A_805 = arith.constant 2.000000e+00 : f32
    %mul3A_806 = vector.broadcast %mul3A_805 : f32 to vector<256x128xf32>
    %mul3A_807 = arith.mulf %mul3A_806, %mul3A_803 : vector<256x128xf32>
    %mul3A_808 = arith.mulf %mul3A_807, %add3A_738 : vector<256x128xf32>
    %sub3A_809 = arith.subf %mul3A_804, %mul3A_808 : vector<256x128xf32>
    %mul3A_810 = arith.mulf %mul3A_802, %add3A_727 : vector<256x128xf32>
    %add3A_811 = arith.addf %sub3A_809, %mul3A_810 : vector<256x128xf32>
    %mul3A_812 = arith.mulf %mul3A_802, %add3A_627 : vector<256x128xf32>
    %mul3A_813 = arith.constant 2.000000e+00 : f32
    %mul3A_814 = vector.broadcast %mul3A_813 : f32 to vector<256x128xf32>
    %mul3A_815 = arith.mulf %mul3A_814, %mul3A_803 : vector<256x128xf32>
    %mul3A_816 = arith.mulf %mul3A_815, %add3A_738 : vector<256x128xf32>
    %add3A_817 = arith.addf %mul3A_812, %mul3A_816 : vector<256x128xf32>
    %mul3A_818 = arith.mulf %mul3A_801, %add3A_727 : vector<256x128xf32>
    %add3A_819 = arith.addf %add3A_817, %mul3A_818 : vector<256x128xf32>
    %sub3A_820 = arith.subf %mul3A_801, %mul3A_802 : vector<256x128xf32>
    %mul3A_821 = arith.mulf %sub3A_820, %add3A_738 : vector<256x128xf32>
    %sub3A_822 = arith.subf %add3A_627, %add3A_727 : vector<256x128xf32>
    %mul3A_823 = arith.mulf %mul3A_803, %sub3A_822 : vector<256x128xf32>
    %add3A_824 = arith.addf %mul3A_821, %mul3A_823 : vector<256x128xf32>
    %mul3A_825 = arith.mulf %select_n3A_794, %sub3A_735 : vector<256x128xf32>
    %mul3A_826 = arith.mulf %select_n3A_800, %add3A_732 : vector<256x128xf32>
    %sub3A_827 = arith.subf %mul3A_825, %mul3A_826 : vector<256x128xf32>
    %mul3A_828 = arith.mulf %select_n3A_800, %sub3A_735 : vector<256x128xf32>
    %mul3A_829 = arith.mulf %select_n3A_794, %add3A_732 : vector<256x128xf32>
    %add3A_830 = arith.addf %mul3A_828, %mul3A_829 : vector<256x128xf32>
    %mul3A_831 = arith.mulf %select_n3A_794, %sub3A_649 : vector<256x128xf32>
    %mul3A_832 = arith.mulf %select_n3A_800, %add3A_744 : vector<256x128xf32>
    %sub3A_833 = arith.subf %mul3A_831, %mul3A_832 : vector<256x128xf32>
    %mul3A_834 = arith.mulf %select_n3A_800, %sub3A_649 : vector<256x128xf32>
    %mul3A_835 = arith.mulf %select_n3A_794, %add3A_744 : vector<256x128xf32>
    %add3A_836 = arith.addf %mul3A_834, %mul3A_835 : vector<256x128xf32>
    %mul3A_837 = arith.mulf %select_n3A_794, %sub3A_655 : vector<256x128xf32>
    %mul3A_838 = arith.mulf %select_n3A_800, %add3A_750 : vector<256x128xf32>
    %sub3A_839 = arith.subf %mul3A_837, %mul3A_838 : vector<256x128xf32>
    %mul3A_840 = arith.mulf %select_n3A_800, %sub3A_655 : vector<256x128xf32>
    %mul3A_841 = arith.mulf %select_n3A_794, %add3A_750 : vector<256x128xf32>
    %add3A_842 = arith.addf %mul3A_840, %mul3A_841 : vector<256x128xf32>
    %mul3A_843 = arith.mulf %select_n3A_794, %sub3A_661 : vector<256x128xf32>
    %mul3A_844 = arith.mulf %select_n3A_800, %add3A_756 : vector<256x128xf32>
    %sub3A_845 = arith.subf %mul3A_843, %mul3A_844 : vector<256x128xf32>
    %mul3A_846 = arith.mulf %select_n3A_800, %sub3A_661 : vector<256x128xf32>
    %mul3A_847 = arith.mulf %select_n3A_794, %add3A_756 : vector<256x128xf32>
    %add3A_848 = arith.addf %mul3A_846, %mul3A_847 : vector<256x128xf32>
    %sub3A_849 = arith.subf %add3A_719, %add3A_811 : vector<256x128xf32>
    %mul3A_850 = arith.constant 2.000000e+00 : f32
    %mul3A_851 = vector.broadcast %mul3A_850 : f32 to vector<256x128xf32>
    %mul3A_852 = arith.mulf %mul3A_851, %sub3A_827 : vector<256x128xf32>
    %div3A_853 = arith.divf %sub3A_849, %mul3A_852 : vector<256x128xf32>
    %sign3A_854 = tpu.bitcast %div3A_853 : vector<256x128xf32> -> vector<256x128xi32>
    %sign3A_855 = arith.constant -2147483648 : i32
    %sign3A_856 = vector.broadcast %sign3A_855 : i32 to vector<256x128xi32>
    %sign3A_857 = arith.andi %sign3A_854, %sign3A_856 : vector<256x128xi32>
    %sign3A_858 = arith.constant 1065353216 : i32
    %sign3A_859 = vector.broadcast %sign3A_858 : i32 to vector<256x128xi32>
    %sign3A_860 = arith.ori %sign3A_859, %sign3A_857 : vector<256x128xi32>
    %sign3A_861 = tpu.bitcast %sign3A_860 : vector<256x128xi32> -> vector<256x128xf32>
    %sign3A_862 = math.absf %div3A_853 : vector<256x128xf32>
    %sign3A_863 = arith.constant 0.000000e+00 : f32
    %sign3A_864 = vector.broadcast %sign3A_863 : f32 to vector<256x128xf32>
    %sign3A_865 = arith.cmpf ogt, %sign3A_862, %sign3A_864 : vector<256x128xf32>
    %sign3A_866 = arith.select %sign3A_865, %sign3A_861, %div3A_853 : vector<256x128xi1>, vector<256x128xf32>
    %abs3A_867 = math.absf %div3A_853 : vector<256x128xf32>
    %mul3A_868 = arith.mulf %div3A_853, %div3A_853 : vector<256x128xf32>
    %add3A_869 = arith.constant 1.000000e+00 : f32
    %add3A_870 = vector.broadcast %add3A_869 : f32 to vector<256x128xf32>
    %add3A_871 = arith.addf %add3A_870, %mul3A_868 : vector<256x128xf32>
    %sqrt3A_872 = math.sqrt %add3A_871 : vector<256x128xf32>
    %add3A_873 = arith.addf %abs3A_867, %sqrt3A_872 : vector<256x128xf32>
    %div3A_874 = arith.divf %sign3A_866, %add3A_873 : vector<256x128xf32>
    %mul3A_875 = arith.mulf %div3A_874, %div3A_874 : vector<256x128xf32>
    %add3A_876 = arith.constant 1.000000e+00 : f32
    %add3A_877 = vector.broadcast %add3A_876 : f32 to vector<256x128xf32>
    %add3A_878 = arith.addf %add3A_877, %mul3A_875 : vector<256x128xf32>
    %rsqrt3A_879 = math.rsqrt %add3A_878 : vector<256x128xf32>
    %mul3A_880 = arith.mulf %div3A_874, %rsqrt3A_879 : vector<256x128xf32>
    %eq3A_881 = arith.constant 0.000000e+00 : f32
    %eq3A_882 = vector.broadcast %eq3A_881 : f32 to vector<256x128xf32>
    %eq3A_883 = arith.cmpf oeq, %sub3A_827, %eq3A_882 : vector<256x128xf32>
    %jit3A_884 = arith.constant 1.000000e+00 : f32
    %broadcast_in_dim3A_885 = vector.broadcast %jit3A_884 : f32 to vector<256x128xf32>
    %select_n3A_886 = arith.select %eq3A_883, %broadcast_in_dim3A_885, %rsqrt3A_879 : vector<256x128xi1>, vector<256x128xf32>
    %eq3A_887 = arith.constant 0.000000e+00 : f32
    %eq3A_888 = vector.broadcast %eq3A_887 : f32 to vector<256x128xf32>
    %eq3A_889 = arith.cmpf oeq, %sub3A_827, %eq3A_888 : vector<256x128xf32>
    %jit3A_890 = arith.constant 0.000000e+00 : f32
    %broadcast_in_dim3A_891 = vector.broadcast %jit3A_890 : f32 to vector<256x128xf32>
    %select_n3A_892 = arith.select %eq3A_889, %broadcast_in_dim3A_891, %mul3A_880 : vector<256x128xi1>, vector<256x128xf32>
    %mul3A_893 = arith.mulf %select_n3A_886, %select_n3A_886 : vector<256x128xf32>
    %mul3A_894 = arith.mulf %select_n3A_892, %select_n3A_892 : vector<256x128xf32>
    %mul3A_895 = arith.mulf %select_n3A_886, %select_n3A_892 : vector<256x128xf32>
    %mul3A_896 = arith.mulf %mul3A_893, %add3A_811 : vector<256x128xf32>
    %mul3A_897 = arith.constant 2.000000e+00 : f32
    %mul3A_898 = vector.broadcast %mul3A_897 : f32 to vector<256x128xf32>
    %mul3A_899 = arith.mulf %mul3A_898, %mul3A_895 : vector<256x128xf32>
    %mul3A_900 = arith.mulf %mul3A_899, %sub3A_827 : vector<256x128xf32>
    %sub3A_901 = arith.subf %mul3A_896, %mul3A_900 : vector<256x128xf32>
    %mul3A_902 = arith.mulf %mul3A_894, %add3A_719 : vector<256x128xf32>
    %add3A_903 = arith.addf %sub3A_901, %mul3A_902 : vector<256x128xf32>
    %mul3A_904 = arith.mulf %mul3A_894, %add3A_811 : vector<256x128xf32>
    %mul3A_905 = arith.constant 2.000000e+00 : f32
    %mul3A_906 = vector.broadcast %mul3A_905 : f32 to vector<256x128xf32>
    %mul3A_907 = arith.mulf %mul3A_906, %mul3A_895 : vector<256x128xf32>
    %mul3A_908 = arith.mulf %mul3A_907, %sub3A_827 : vector<256x128xf32>
    %add3A_909 = arith.addf %mul3A_904, %mul3A_908 : vector<256x128xf32>
    %mul3A_910 = arith.mulf %mul3A_893, %add3A_719 : vector<256x128xf32>
    %add3A_911 = arith.addf %add3A_909, %mul3A_910 : vector<256x128xf32>
    %sub3A_912 = arith.subf %mul3A_893, %mul3A_894 : vector<256x128xf32>
    %mul3A_913 = arith.mulf %sub3A_912, %sub3A_827 : vector<256x128xf32>
    %sub3A_914 = arith.subf %add3A_811, %add3A_719 : vector<256x128xf32>
    %mul3A_915 = arith.mulf %mul3A_895, %sub3A_914 : vector<256x128xf32>
    %add3A_916 = arith.addf %mul3A_913, %mul3A_915 : vector<256x128xf32>
    %mul3A_917 = arith.mulf %select_n3A_886, %add3A_824 : vector<256x128xf32>
    %mul3A_918 = arith.mulf %select_n3A_892, %add3A_830 : vector<256x128xf32>
    %sub3A_919 = arith.subf %mul3A_917, %mul3A_918 : vector<256x128xf32>
    %mul3A_920 = arith.mulf %select_n3A_892, %add3A_824 : vector<256x128xf32>
    %mul3A_921 = arith.mulf %select_n3A_886, %add3A_830 : vector<256x128xf32>
    %add3A_922 = arith.addf %mul3A_920, %mul3A_921 : vector<256x128xf32>
    %mul3A_923 = arith.mulf %select_n3A_886, %sub3A_833 : vector<256x128xf32>
    %mul3A_924 = arith.mulf %select_n3A_892, %sub3A_741 : vector<256x128xf32>
    %sub3A_925 = arith.subf %mul3A_923, %mul3A_924 : vector<256x128xf32>
    %mul3A_926 = arith.mulf %select_n3A_892, %sub3A_833 : vector<256x128xf32>
    %mul3A_927 = arith.mulf %select_n3A_886, %sub3A_741 : vector<256x128xf32>
    %add3A_928 = arith.addf %mul3A_926, %mul3A_927 : vector<256x128xf32>
    %mul3A_929 = arith.mulf %select_n3A_886, %sub3A_839 : vector<256x128xf32>
    %mul3A_930 = arith.mulf %select_n3A_892, %sub3A_747 : vector<256x128xf32>
    %sub3A_931 = arith.subf %mul3A_929, %mul3A_930 : vector<256x128xf32>
    %mul3A_932 = arith.mulf %select_n3A_892, %sub3A_839 : vector<256x128xf32>
    %mul3A_933 = arith.mulf %select_n3A_886, %sub3A_747 : vector<256x128xf32>
    %add3A_934 = arith.addf %mul3A_932, %mul3A_933 : vector<256x128xf32>
    %mul3A_935 = arith.mulf %select_n3A_886, %sub3A_845 : vector<256x128xf32>
    %mul3A_936 = arith.mulf %select_n3A_892, %sub3A_753 : vector<256x128xf32>
    %sub3A_937 = arith.subf %mul3A_935, %mul3A_936 : vector<256x128xf32>
    %mul3A_938 = arith.mulf %select_n3A_892, %sub3A_845 : vector<256x128xf32>
    %mul3A_939 = arith.mulf %select_n3A_886, %sub3A_753 : vector<256x128xf32>
    %add3A_940 = arith.addf %mul3A_938, %mul3A_939 : vector<256x128xf32>
    %sub3A_941 = arith.subf %add3A_819, %add3A_911 : vector<256x128xf32>
    %mul3A_942 = arith.constant 2.000000e+00 : f32
    %mul3A_943 = vector.broadcast %mul3A_942 : f32 to vector<256x128xf32>
    %mul3A_944 = arith.mulf %mul3A_943, %add3A_922 : vector<256x128xf32>
    %div3A_945 = arith.divf %sub3A_941, %mul3A_944 : vector<256x128xf32>
    %sign3A_946 = tpu.bitcast %div3A_945 : vector<256x128xf32> -> vector<256x128xi32>
    %sign3A_947 = arith.constant -2147483648 : i32
    %sign3A_948 = vector.broadcast %sign3A_947 : i32 to vector<256x128xi32>
    %sign3A_949 = arith.andi %sign3A_946, %sign3A_948 : vector<256x128xi32>
    %sign3A_950 = arith.constant 1065353216 : i32
    %sign3A_951 = vector.broadcast %sign3A_950 : i32 to vector<256x128xi32>
    %sign3A_952 = arith.ori %sign3A_951, %sign3A_949 : vector<256x128xi32>
    %sign3A_953 = tpu.bitcast %sign3A_952 : vector<256x128xi32> -> vector<256x128xf32>
    %sign3A_954 = math.absf %div3A_945 : vector<256x128xf32>
    %sign3A_955 = arith.constant 0.000000e+00 : f32
    %sign3A_956 = vector.broadcast %sign3A_955 : f32 to vector<256x128xf32>
    %sign3A_957 = arith.cmpf ogt, %sign3A_954, %sign3A_956 : vector<256x128xf32>
    %sign3A_958 = arith.select %sign3A_957, %sign3A_953, %div3A_945 : vector<256x128xi1>, vector<256x128xf32>
    %abs3A_959 = math.absf %div3A_945 : vector<256x128xf32>
    %mul3A_960 = arith.mulf %div3A_945, %div3A_945 : vector<256x128xf32>
    %add3A_961 = arith.constant 1.000000e+00 : f32
    %add3A_962 = vector.broadcast %add3A_961 : f32 to vector<256x128xf32>
    %add3A_963 = arith.addf %add3A_962, %mul3A_960 : vector<256x128xf32>
    %sqrt3A_964 = math.sqrt %add3A_963 : vector<256x128xf32>
    %add3A_965 = arith.addf %abs3A_959, %sqrt3A_964 : vector<256x128xf32>
    %div3A_966 = arith.divf %sign3A_958, %add3A_965 : vector<256x128xf32>
    %mul3A_967 = arith.mulf %div3A_966, %div3A_966 : vector<256x128xf32>
    %add3A_968 = arith.constant 1.000000e+00 : f32
    %add3A_969 = vector.broadcast %add3A_968 : f32 to vector<256x128xf32>
    %add3A_970 = arith.addf %add3A_969, %mul3A_967 : vector<256x128xf32>
    %rsqrt3A_971 = math.rsqrt %add3A_970 : vector<256x128xf32>
    %mul3A_972 = arith.mulf %div3A_966, %rsqrt3A_971 : vector<256x128xf32>
    %eq3A_973 = arith.constant 0.000000e+00 : f32
    %eq3A_974 = vector.broadcast %eq3A_973 : f32 to vector<256x128xf32>
    %eq3A_975 = arith.cmpf oeq, %add3A_922, %eq3A_974 : vector<256x128xf32>
    %jit3A_976 = arith.constant 1.000000e+00 : f32
    %broadcast_in_dim3A_977 = vector.broadcast %jit3A_976 : f32 to vector<256x128xf32>
    %select_n3A_978 = arith.select %eq3A_975, %broadcast_in_dim3A_977, %rsqrt3A_971 : vector<256x128xi1>, vector<256x128xf32>
    %eq3A_979 = arith.constant 0.000000e+00 : f32
    %eq3A_980 = vector.broadcast %eq3A_979 : f32 to vector<256x128xf32>
    %eq3A_981 = arith.cmpf oeq, %add3A_922, %eq3A_980 : vector<256x128xf32>
    %jit3A_982 = arith.constant 0.000000e+00 : f32
    %broadcast_in_dim3A_983 = vector.broadcast %jit3A_982 : f32 to vector<256x128xf32>
    %select_n3A_984 = arith.select %eq3A_981, %broadcast_in_dim3A_983, %mul3A_972 : vector<256x128xi1>, vector<256x128xf32>
    %mul3A_985 = arith.mulf %select_n3A_978, %select_n3A_978 : vector<256x128xf32>
    %mul3A_986 = arith.mulf %select_n3A_984, %select_n3A_984 : vector<256x128xf32>
    %mul3A_987 = arith.mulf %select_n3A_978, %select_n3A_984 : vector<256x128xf32>
    %mul3A_988 = arith.mulf %mul3A_985, %add3A_911 : vector<256x128xf32>
    %mul3A_989 = arith.constant 2.000000e+00 : f32
    %mul3A_990 = vector.broadcast %mul3A_989 : f32 to vector<256x128xf32>
    %mul3A_991 = arith.mulf %mul3A_990, %mul3A_987 : vector<256x128xf32>
    %mul3A_992 = arith.mulf %mul3A_991, %add3A_922 : vector<256x128xf32>
    %sub3A_993 = arith.subf %mul3A_988, %mul3A_992 : vector<256x128xf32>
    %mul3A_994 = arith.mulf %mul3A_986, %add3A_819 : vector<256x128xf32>
    %add3A_995 = arith.addf %sub3A_993, %mul3A_994 : vector<256x128xf32>
    %mul3A_996 = arith.mulf %mul3A_986, %add3A_911 : vector<256x128xf32>
    %mul3A_997 = arith.constant 2.000000e+00 : f32
    %mul3A_998 = vector.broadcast %mul3A_997 : f32 to vector<256x128xf32>
    %mul3A_999 = arith.mulf %mul3A_998, %mul3A_987 : vector<256x128xf32>
    %mul3A_1000 = arith.mulf %mul3A_999, %add3A_922 : vector<256x128xf32>
    %add3A_1001 = arith.addf %mul3A_996, %mul3A_1000 : vector<256x128xf32>
    %mul3A_1002 = arith.mulf %mul3A_985, %add3A_819 : vector<256x128xf32>
    %add3A_1003 = arith.addf %add3A_1001, %mul3A_1002 : vector<256x128xf32>
    %sub3A_1004 = arith.subf %mul3A_985, %mul3A_986 : vector<256x128xf32>
    %mul3A_1005 = arith.mulf %sub3A_1004, %add3A_922 : vector<256x128xf32>
    %sub3A_1006 = arith.subf %add3A_911, %add3A_819 : vector<256x128xf32>
    %mul3A_1007 = arith.mulf %mul3A_987, %sub3A_1006 : vector<256x128xf32>
    %add3A_1008 = arith.addf %mul3A_1005, %mul3A_1007 : vector<256x128xf32>
    %mul3A_1009 = arith.mulf %select_n3A_978, %add3A_916 : vector<256x128xf32>
    %mul3A_1010 = arith.mulf %select_n3A_984, %sub3A_919 : vector<256x128xf32>
    %sub3A_1011 = arith.subf %mul3A_1009, %mul3A_1010 : vector<256x128xf32>
    %mul3A_1012 = arith.mulf %select_n3A_984, %add3A_916 : vector<256x128xf32>
    %mul3A_1013 = arith.mulf %select_n3A_978, %sub3A_919 : vector<256x128xf32>
    %add3A_1014 = arith.addf %mul3A_1012, %mul3A_1013 : vector<256x128xf32>
    %mul3A_1015 = arith.mulf %select_n3A_978, %add3A_928 : vector<256x128xf32>
    %mul3A_1016 = arith.mulf %select_n3A_984, %add3A_836 : vector<256x128xf32>
    %sub3A_1017 = arith.subf %mul3A_1015, %mul3A_1016 : vector<256x128xf32>
    %mul3A_1018 = arith.mulf %select_n3A_984, %add3A_928 : vector<256x128xf32>
    %mul3A_1019 = arith.mulf %select_n3A_978, %add3A_836 : vector<256x128xf32>
    %add3A_1020 = arith.addf %mul3A_1018, %mul3A_1019 : vector<256x128xf32>
    %mul3A_1021 = arith.mulf %select_n3A_978, %add3A_934 : vector<256x128xf32>
    %mul3A_1022 = arith.mulf %select_n3A_984, %add3A_842 : vector<256x128xf32>
    %sub3A_1023 = arith.subf %mul3A_1021, %mul3A_1022 : vector<256x128xf32>
    %mul3A_1024 = arith.mulf %select_n3A_984, %add3A_934 : vector<256x128xf32>
    %mul3A_1025 = arith.mulf %select_n3A_978, %add3A_842 : vector<256x128xf32>
    %add3A_1026 = arith.addf %mul3A_1024, %mul3A_1025 : vector<256x128xf32>
    %mul3A_1027 = arith.mulf %select_n3A_978, %add3A_940 : vector<256x128xf32>
    %mul3A_1028 = arith.mulf %select_n3A_984, %add3A_848 : vector<256x128xf32>
    %sub3A_1029 = arith.subf %mul3A_1027, %mul3A_1028 : vector<256x128xf32>
    %mul3A_1030 = arith.mulf %select_n3A_984, %add3A_940 : vector<256x128xf32>
    %mul3A_1031 = arith.mulf %select_n3A_978, %add3A_848 : vector<256x128xf32>
    %add3A_1032 = arith.addf %mul3A_1030, %mul3A_1031 : vector<256x128xf32>
    %sub3A_1033 = arith.subf %add3A_1003, %add3A_903 : vector<256x128xf32>
    %mul3A_1034 = arith.constant 2.000000e+00 : f32
    %mul3A_1035 = vector.broadcast %mul3A_1034 : f32 to vector<256x128xf32>
    %mul3A_1036 = arith.mulf %mul3A_1035, %add3A_1014 : vector<256x128xf32>
    %div3A_1037 = arith.divf %sub3A_1033, %mul3A_1036 : vector<256x128xf32>
    %sign3A_1038 = tpu.bitcast %div3A_1037 : vector<256x128xf32> -> vector<256x128xi32>
    %sign3A_1039 = arith.constant -2147483648 : i32
    %sign3A_1040 = vector.broadcast %sign3A_1039 : i32 to vector<256x128xi32>
    %sign3A_1041 = arith.andi %sign3A_1038, %sign3A_1040 : vector<256x128xi32>
    %sign3A_1042 = arith.constant 1065353216 : i32
    %sign3A_1043 = vector.broadcast %sign3A_1042 : i32 to vector<256x128xi32>
    %sign3A_1044 = arith.ori %sign3A_1043, %sign3A_1041 : vector<256x128xi32>
    %sign3A_1045 = tpu.bitcast %sign3A_1044 : vector<256x128xi32> -> vector<256x128xf32>
    %sign3A_1046 = math.absf %div3A_1037 : vector<256x128xf32>
    %sign3A_1047 = arith.constant 0.000000e+00 : f32
    %sign3A_1048 = vector.broadcast %sign3A_1047 : f32 to vector<256x128xf32>
    %sign3A_1049 = arith.cmpf ogt, %sign3A_1046, %sign3A_1048 : vector<256x128xf32>
    %sign3A_1050 = arith.select %sign3A_1049, %sign3A_1045, %div3A_1037 : vector<256x128xi1>, vector<256x128xf32>
    %abs3A_1051 = math.absf %div3A_1037 : vector<256x128xf32>
    %mul3A_1052 = arith.mulf %div3A_1037, %div3A_1037 : vector<256x128xf32>
    %add3A_1053 = arith.constant 1.000000e+00 : f32
    %add3A_1054 = vector.broadcast %add3A_1053 : f32 to vector<256x128xf32>
    %add3A_1055 = arith.addf %add3A_1054, %mul3A_1052 : vector<256x128xf32>
    %sqrt3A_1056 = math.sqrt %add3A_1055 : vector<256x128xf32>
    %add3A_1057 = arith.addf %abs3A_1051, %sqrt3A_1056 : vector<256x128xf32>
    %div3A_1058 = arith.divf %sign3A_1050, %add3A_1057 : vector<256x128xf32>
    %mul3A_1059 = arith.mulf %div3A_1058, %div3A_1058 : vector<256x128xf32>
    %add3A_1060 = arith.constant 1.000000e+00 : f32
    %add3A_1061 = vector.broadcast %add3A_1060 : f32 to vector<256x128xf32>
    %add3A_1062 = arith.addf %add3A_1061, %mul3A_1059 : vector<256x128xf32>
    %rsqrt3A_1063 = math.rsqrt %add3A_1062 : vector<256x128xf32>
    %mul3A_1064 = arith.mulf %div3A_1058, %rsqrt3A_1063 : vector<256x128xf32>
    %eq3A_1065 = arith.constant 0.000000e+00 : f32
    %eq3A_1066 = vector.broadcast %eq3A_1065 : f32 to vector<256x128xf32>
    %eq3A_1067 = arith.cmpf oeq, %add3A_1014, %eq3A_1066 : vector<256x128xf32>
    %jit3A_1068 = arith.constant 1.000000e+00 : f32
    %broadcast_in_dim3A_1069 = vector.broadcast %jit3A_1068 : f32 to vector<256x128xf32>
    %select_n3A_1070 = arith.select %eq3A_1067, %broadcast_in_dim3A_1069, %rsqrt3A_1063 : vector<256x128xi1>, vector<256x128xf32>
    %eq3A_1071 = arith.constant 0.000000e+00 : f32
    %eq3A_1072 = vector.broadcast %eq3A_1071 : f32 to vector<256x128xf32>
    %eq3A_1073 = arith.cmpf oeq, %add3A_1014, %eq3A_1072 : vector<256x128xf32>
    %jit3A_1074 = arith.constant 0.000000e+00 : f32
    %broadcast_in_dim3A_1075 = vector.broadcast %jit3A_1074 : f32 to vector<256x128xf32>
    %select_n3A_1076 = arith.select %eq3A_1073, %broadcast_in_dim3A_1075, %mul3A_1064 : vector<256x128xi1>, vector<256x128xf32>
    %mul3A_1077 = arith.mulf %select_n3A_1070, %select_n3A_1070 : vector<256x128xf32>
    %mul3A_1078 = arith.mulf %select_n3A_1076, %select_n3A_1076 : vector<256x128xf32>
    %mul3A_1079 = arith.mulf %select_n3A_1070, %select_n3A_1076 : vector<256x128xf32>
    %mul3A_1080 = arith.mulf %mul3A_1077, %add3A_903 : vector<256x128xf32>
    %mul3A_1081 = arith.constant 2.000000e+00 : f32
    %mul3A_1082 = vector.broadcast %mul3A_1081 : f32 to vector<256x128xf32>
    %mul3A_1083 = arith.mulf %mul3A_1082, %mul3A_1079 : vector<256x128xf32>
    %mul3A_1084 = arith.mulf %mul3A_1083, %add3A_1014 : vector<256x128xf32>
    %sub3A_1085 = arith.subf %mul3A_1080, %mul3A_1084 : vector<256x128xf32>
    %mul3A_1086 = arith.mulf %mul3A_1078, %add3A_1003 : vector<256x128xf32>
    %add3A_1087 = arith.addf %sub3A_1085, %mul3A_1086 : vector<256x128xf32>
    %mul3A_1088 = arith.mulf %mul3A_1078, %add3A_903 : vector<256x128xf32>
    %mul3A_1089 = arith.constant 2.000000e+00 : f32
    %mul3A_1090 = vector.broadcast %mul3A_1089 : f32 to vector<256x128xf32>
    %mul3A_1091 = arith.mulf %mul3A_1090, %mul3A_1079 : vector<256x128xf32>
    %mul3A_1092 = arith.mulf %mul3A_1091, %add3A_1014 : vector<256x128xf32>
    %add3A_1093 = arith.addf %mul3A_1088, %mul3A_1092 : vector<256x128xf32>
    %mul3A_1094 = arith.mulf %mul3A_1077, %add3A_1003 : vector<256x128xf32>
    %add3A_1095 = arith.addf %add3A_1093, %mul3A_1094 : vector<256x128xf32>
    %sub3A_1096 = arith.subf %mul3A_1077, %mul3A_1078 : vector<256x128xf32>
    %mul3A_1097 = arith.mulf %sub3A_1096, %add3A_1014 : vector<256x128xf32>
    %sub3A_1098 = arith.subf %add3A_903, %add3A_1003 : vector<256x128xf32>
    %mul3A_1099 = arith.mulf %mul3A_1079, %sub3A_1098 : vector<256x128xf32>
    %add3A_1100 = arith.addf %mul3A_1097, %mul3A_1099 : vector<256x128xf32>
    %mul3A_1101 = arith.mulf %select_n3A_1070, %sub3A_1011 : vector<256x128xf32>
    %mul3A_1102 = arith.mulf %select_n3A_1076, %add3A_1008 : vector<256x128xf32>
    %sub3A_1103 = arith.subf %mul3A_1101, %mul3A_1102 : vector<256x128xf32>
    %mul3A_1104 = arith.mulf %select_n3A_1076, %sub3A_1011 : vector<256x128xf32>
    %mul3A_1105 = arith.mulf %select_n3A_1070, %add3A_1008 : vector<256x128xf32>
    %add3A_1106 = arith.addf %mul3A_1104, %mul3A_1105 : vector<256x128xf32>
    %mul3A_1107 = arith.mulf %select_n3A_1070, %sub3A_925 : vector<256x128xf32>
    %mul3A_1108 = arith.mulf %select_n3A_1076, %add3A_1020 : vector<256x128xf32>
    %sub3A_1109 = arith.subf %mul3A_1107, %mul3A_1108 : vector<256x128xf32>
    %mul3A_1110 = arith.mulf %select_n3A_1076, %sub3A_925 : vector<256x128xf32>
    %mul3A_1111 = arith.mulf %select_n3A_1070, %add3A_1020 : vector<256x128xf32>
    %add3A_1112 = arith.addf %mul3A_1110, %mul3A_1111 : vector<256x128xf32>
    %mul3A_1113 = arith.mulf %select_n3A_1070, %sub3A_931 : vector<256x128xf32>
    %mul3A_1114 = arith.mulf %select_n3A_1076, %add3A_1026 : vector<256x128xf32>
    %sub3A_1115 = arith.subf %mul3A_1113, %mul3A_1114 : vector<256x128xf32>
    %mul3A_1116 = arith.mulf %select_n3A_1076, %sub3A_931 : vector<256x128xf32>
    %mul3A_1117 = arith.mulf %select_n3A_1070, %add3A_1026 : vector<256x128xf32>
    %add3A_1118 = arith.addf %mul3A_1116, %mul3A_1117 : vector<256x128xf32>
    %mul3A_1119 = arith.mulf %select_n3A_1070, %sub3A_937 : vector<256x128xf32>
    %mul3A_1120 = arith.mulf %select_n3A_1076, %add3A_1032 : vector<256x128xf32>
    %sub3A_1121 = arith.subf %mul3A_1119, %mul3A_1120 : vector<256x128xf32>
    %mul3A_1122 = arith.mulf %select_n3A_1076, %sub3A_937 : vector<256x128xf32>
    %mul3A_1123 = arith.mulf %select_n3A_1070, %add3A_1032 : vector<256x128xf32>
    %add3A_1124 = arith.addf %mul3A_1122, %mul3A_1123 : vector<256x128xf32>
    %sub3A_1125 = arith.subf %add3A_995, %add3A_1087 : vector<256x128xf32>
    %mul3A_1126 = arith.constant 2.000000e+00 : f32
    %mul3A_1127 = vector.broadcast %mul3A_1126 : f32 to vector<256x128xf32>
    %mul3A_1128 = arith.mulf %mul3A_1127, %sub3A_1103 : vector<256x128xf32>
    %div3A_1129 = arith.divf %sub3A_1125, %mul3A_1128 : vector<256x128xf32>
    %sign3A_1130 = tpu.bitcast %div3A_1129 : vector<256x128xf32> -> vector<256x128xi32>
    %sign3A_1131 = arith.constant -2147483648 : i32
    %sign3A_1132 = vector.broadcast %sign3A_1131 : i32 to vector<256x128xi32>
    %sign3A_1133 = arith.andi %sign3A_1130, %sign3A_1132 : vector<256x128xi32>
    %sign3A_1134 = arith.constant 1065353216 : i32
    %sign3A_1135 = vector.broadcast %sign3A_1134 : i32 to vector<256x128xi32>
    %sign3A_1136 = arith.ori %sign3A_1135, %sign3A_1133 : vector<256x128xi32>
    %sign3A_1137 = tpu.bitcast %sign3A_1136 : vector<256x128xi32> -> vector<256x128xf32>
    %sign3A_1138 = math.absf %div3A_1129 : vector<256x128xf32>
    %sign3A_1139 = arith.constant 0.000000e+00 : f32
    %sign3A_1140 = vector.broadcast %sign3A_1139 : f32 to vector<256x128xf32>
    %sign3A_1141 = arith.cmpf ogt, %sign3A_1138, %sign3A_1140 : vector<256x128xf32>
    %sign3A_1142 = arith.select %sign3A_1141, %sign3A_1137, %div3A_1129 : vector<256x128xi1>, vector<256x128xf32>
    %abs3A_1143 = math.absf %div3A_1129 : vector<256x128xf32>
    %mul3A_1144 = arith.mulf %div3A_1129, %div3A_1129 : vector<256x128xf32>
    %add3A_1145 = arith.constant 1.000000e+00 : f32
    %add3A_1146 = vector.broadcast %add3A_1145 : f32 to vector<256x128xf32>
    %add3A_1147 = arith.addf %add3A_1146, %mul3A_1144 : vector<256x128xf32>
    %sqrt3A_1148 = math.sqrt %add3A_1147 : vector<256x128xf32>
    %add3A_1149 = arith.addf %abs3A_1143, %sqrt3A_1148 : vector<256x128xf32>
    %div3A_1150 = arith.divf %sign3A_1142, %add3A_1149 : vector<256x128xf32>
    %mul3A_1151 = arith.mulf %div3A_1150, %div3A_1150 : vector<256x128xf32>
    %add3A_1152 = arith.constant 1.000000e+00 : f32
    %add3A_1153 = vector.broadcast %add3A_1152 : f32 to vector<256x128xf32>
    %add3A_1154 = arith.addf %add3A_1153, %mul3A_1151 : vector<256x128xf32>
    %rsqrt3A_1155 = math.rsqrt %add3A_1154 : vector<256x128xf32>
    %mul3A_1156 = arith.mulf %div3A_1150, %rsqrt3A_1155 : vector<256x128xf32>
    %eq3A_1157 = arith.constant 0.000000e+00 : f32
    %eq3A_1158 = vector.broadcast %eq3A_1157 : f32 to vector<256x128xf32>
    %eq3A_1159 = arith.cmpf oeq, %sub3A_1103, %eq3A_1158 : vector<256x128xf32>
    %jit3A_1160 = arith.constant 1.000000e+00 : f32
    %broadcast_in_dim3A_1161 = vector.broadcast %jit3A_1160 : f32 to vector<256x128xf32>
    %select_n3A_1162 = arith.select %eq3A_1159, %broadcast_in_dim3A_1161, %rsqrt3A_1155 : vector<256x128xi1>, vector<256x128xf32>
    %eq3A_1163 = arith.constant 0.000000e+00 : f32
    %eq3A_1164 = vector.broadcast %eq3A_1163 : f32 to vector<256x128xf32>
    %eq3A_1165 = arith.cmpf oeq, %sub3A_1103, %eq3A_1164 : vector<256x128xf32>
    %jit3A_1166 = arith.constant 0.000000e+00 : f32
    %broadcast_in_dim3A_1167 = vector.broadcast %jit3A_1166 : f32 to vector<256x128xf32>
    %select_n3A_1168 = arith.select %eq3A_1165, %broadcast_in_dim3A_1167, %mul3A_1156 : vector<256x128xi1>, vector<256x128xf32>
    %mul3A_1169 = arith.mulf %select_n3A_1162, %select_n3A_1162 : vector<256x128xf32>
    %mul3A_1170 = arith.mulf %select_n3A_1168, %select_n3A_1168 : vector<256x128xf32>
    %mul3A_1171 = arith.mulf %select_n3A_1162, %select_n3A_1168 : vector<256x128xf32>
    %mul3A_1172 = arith.mulf %mul3A_1169, %add3A_1087 : vector<256x128xf32>
    %mul3A_1173 = arith.constant 2.000000e+00 : f32
    %mul3A_1174 = vector.broadcast %mul3A_1173 : f32 to vector<256x128xf32>
    %mul3A_1175 = arith.mulf %mul3A_1174, %mul3A_1171 : vector<256x128xf32>
    %mul3A_1176 = arith.mulf %mul3A_1175, %sub3A_1103 : vector<256x128xf32>
    %sub3A_1177 = arith.subf %mul3A_1172, %mul3A_1176 : vector<256x128xf32>
    %mul3A_1178 = arith.mulf %mul3A_1170, %add3A_995 : vector<256x128xf32>
    %add3A_1179 = arith.addf %sub3A_1177, %mul3A_1178 : vector<256x128xf32>
    %mul3A_1180 = arith.mulf %mul3A_1170, %add3A_1087 : vector<256x128xf32>
    %mul3A_1181 = arith.constant 2.000000e+00 : f32
    %mul3A_1182 = vector.broadcast %mul3A_1181 : f32 to vector<256x128xf32>
    %mul3A_1183 = arith.mulf %mul3A_1182, %mul3A_1171 : vector<256x128xf32>
    %mul3A_1184 = arith.mulf %mul3A_1183, %sub3A_1103 : vector<256x128xf32>
    %add3A_1185 = arith.addf %mul3A_1180, %mul3A_1184 : vector<256x128xf32>
    %mul3A_1186 = arith.mulf %mul3A_1169, %add3A_995 : vector<256x128xf32>
    %add3A_1187 = arith.addf %add3A_1185, %mul3A_1186 : vector<256x128xf32>
    %sub3A_1188 = arith.subf %mul3A_1169, %mul3A_1170 : vector<256x128xf32>
    %mul3A_1189 = arith.mulf %sub3A_1188, %sub3A_1103 : vector<256x128xf32>
    %sub3A_1190 = arith.subf %add3A_1087, %add3A_995 : vector<256x128xf32>
    %mul3A_1191 = arith.mulf %mul3A_1171, %sub3A_1190 : vector<256x128xf32>
    %add3A_1192 = arith.addf %mul3A_1189, %mul3A_1191 : vector<256x128xf32>
    %mul3A_1193 = arith.mulf %select_n3A_1162, %add3A_1100 : vector<256x128xf32>
    %mul3A_1194 = arith.mulf %select_n3A_1168, %add3A_1106 : vector<256x128xf32>
    %sub3A_1195 = arith.subf %mul3A_1193, %mul3A_1194 : vector<256x128xf32>
    %mul3A_1196 = arith.mulf %select_n3A_1168, %add3A_1100 : vector<256x128xf32>
    %mul3A_1197 = arith.mulf %select_n3A_1162, %add3A_1106 : vector<256x128xf32>
    %add3A_1198 = arith.addf %mul3A_1196, %mul3A_1197 : vector<256x128xf32>
    %mul3A_1199 = arith.mulf %select_n3A_1162, %sub3A_1109 : vector<256x128xf32>
    %mul3A_1200 = arith.mulf %select_n3A_1168, %sub3A_1017 : vector<256x128xf32>
    %sub3A_1201 = arith.subf %mul3A_1199, %mul3A_1200 : vector<256x128xf32>
    %mul3A_1202 = arith.mulf %select_n3A_1168, %sub3A_1109 : vector<256x128xf32>
    %mul3A_1203 = arith.mulf %select_n3A_1162, %sub3A_1017 : vector<256x128xf32>
    %add3A_1204 = arith.addf %mul3A_1202, %mul3A_1203 : vector<256x128xf32>
    %mul3A_1205 = arith.mulf %select_n3A_1162, %sub3A_1115 : vector<256x128xf32>
    %mul3A_1206 = arith.mulf %select_n3A_1168, %sub3A_1023 : vector<256x128xf32>
    %sub3A_1207 = arith.subf %mul3A_1205, %mul3A_1206 : vector<256x128xf32>
    %mul3A_1208 = arith.mulf %select_n3A_1168, %sub3A_1115 : vector<256x128xf32>
    %mul3A_1209 = arith.mulf %select_n3A_1162, %sub3A_1023 : vector<256x128xf32>
    %add3A_1210 = arith.addf %mul3A_1208, %mul3A_1209 : vector<256x128xf32>
    %mul3A_1211 = arith.mulf %select_n3A_1162, %sub3A_1121 : vector<256x128xf32>
    %mul3A_1212 = arith.mulf %select_n3A_1168, %sub3A_1029 : vector<256x128xf32>
    %sub3A_1213 = arith.subf %mul3A_1211, %mul3A_1212 : vector<256x128xf32>
    %mul3A_1214 = arith.mulf %select_n3A_1168, %sub3A_1121 : vector<256x128xf32>
    %mul3A_1215 = arith.mulf %select_n3A_1162, %sub3A_1029 : vector<256x128xf32>
    %add3A_1216 = arith.addf %mul3A_1214, %mul3A_1215 : vector<256x128xf32>
    %sub3A_1217 = arith.subf %add3A_1095, %add3A_1187 : vector<256x128xf32>
    %mul3A_1218 = arith.constant 2.000000e+00 : f32
    %mul3A_1219 = vector.broadcast %mul3A_1218 : f32 to vector<256x128xf32>
    %mul3A_1220 = arith.mulf %mul3A_1219, %add3A_1198 : vector<256x128xf32>
    %div3A_1221 = arith.divf %sub3A_1217, %mul3A_1220 : vector<256x128xf32>
    %sign3A_1222 = tpu.bitcast %div3A_1221 : vector<256x128xf32> -> vector<256x128xi32>
    %sign3A_1223 = arith.constant -2147483648 : i32
    %sign3A_1224 = vector.broadcast %sign3A_1223 : i32 to vector<256x128xi32>
    %sign3A_1225 = arith.andi %sign3A_1222, %sign3A_1224 : vector<256x128xi32>
    %sign3A_1226 = arith.constant 1065353216 : i32
    %sign3A_1227 = vector.broadcast %sign3A_1226 : i32 to vector<256x128xi32>
    %sign3A_1228 = arith.ori %sign3A_1227, %sign3A_1225 : vector<256x128xi32>
    %sign3A_1229 = tpu.bitcast %sign3A_1228 : vector<256x128xi32> -> vector<256x128xf32>
    %sign3A_1230 = math.absf %div3A_1221 : vector<256x128xf32>
    %sign3A_1231 = arith.constant 0.000000e+00 : f32
    %sign3A_1232 = vector.broadcast %sign3A_1231 : f32 to vector<256x128xf32>
    %sign3A_1233 = arith.cmpf ogt, %sign3A_1230, %sign3A_1232 : vector<256x128xf32>
    %sign3A_1234 = arith.select %sign3A_1233, %sign3A_1229, %div3A_1221 : vector<256x128xi1>, vector<256x128xf32>
    %abs3A_1235 = math.absf %div3A_1221 : vector<256x128xf32>
    %mul3A_1236 = arith.mulf %div3A_1221, %div3A_1221 : vector<256x128xf32>
    %add3A_1237 = arith.constant 1.000000e+00 : f32
    %add3A_1238 = vector.broadcast %add3A_1237 : f32 to vector<256x128xf32>
    %add3A_1239 = arith.addf %add3A_1238, %mul3A_1236 : vector<256x128xf32>
    %sqrt3A_1240 = math.sqrt %add3A_1239 : vector<256x128xf32>
    %add3A_1241 = arith.addf %abs3A_1235, %sqrt3A_1240 : vector<256x128xf32>
    %div3A_1242 = arith.divf %sign3A_1234, %add3A_1241 : vector<256x128xf32>
    %mul3A_1243 = arith.mulf %div3A_1242, %div3A_1242 : vector<256x128xf32>
    %add3A_1244 = arith.constant 1.000000e+00 : f32
    %add3A_1245 = vector.broadcast %add3A_1244 : f32 to vector<256x128xf32>
    %add3A_1246 = arith.addf %add3A_1245, %mul3A_1243 : vector<256x128xf32>
    %rsqrt3A_1247 = math.rsqrt %add3A_1246 : vector<256x128xf32>
    %mul3A_1248 = arith.mulf %div3A_1242, %rsqrt3A_1247 : vector<256x128xf32>
    %eq3A_1249 = arith.constant 0.000000e+00 : f32
    %eq3A_1250 = vector.broadcast %eq3A_1249 : f32 to vector<256x128xf32>
    %eq3A_1251 = arith.cmpf oeq, %add3A_1198, %eq3A_1250 : vector<256x128xf32>
    %jit3A_1252 = arith.constant 1.000000e+00 : f32
    %broadcast_in_dim3A_1253 = vector.broadcast %jit3A_1252 : f32 to vector<256x128xf32>
    %select_n3A_1254 = arith.select %eq3A_1251, %broadcast_in_dim3A_1253, %rsqrt3A_1247 : vector<256x128xi1>, vector<256x128xf32>
    %eq3A_1255 = arith.constant 0.000000e+00 : f32
    %eq3A_1256 = vector.broadcast %eq3A_1255 : f32 to vector<256x128xf32>
    %eq3A_1257 = arith.cmpf oeq, %add3A_1198, %eq3A_1256 : vector<256x128xf32>
    %jit3A_1258 = arith.constant 0.000000e+00 : f32
    %broadcast_in_dim3A_1259 = vector.broadcast %jit3A_1258 : f32 to vector<256x128xf32>
    %select_n3A_1260 = arith.select %eq3A_1257, %broadcast_in_dim3A_1259, %mul3A_1248 : vector<256x128xi1>, vector<256x128xf32>
    %mul3A_1261 = arith.mulf %select_n3A_1254, %select_n3A_1254 : vector<256x128xf32>
    %mul3A_1262 = arith.mulf %select_n3A_1260, %select_n3A_1260 : vector<256x128xf32>
    %mul3A_1263 = arith.mulf %select_n3A_1254, %select_n3A_1260 : vector<256x128xf32>
    %mul3A_1264 = arith.mulf %mul3A_1261, %add3A_1187 : vector<256x128xf32>
    %mul3A_1265 = arith.constant 2.000000e+00 : f32
    %mul3A_1266 = vector.broadcast %mul3A_1265 : f32 to vector<256x128xf32>
    %mul3A_1267 = arith.mulf %mul3A_1266, %mul3A_1263 : vector<256x128xf32>
    %mul3A_1268 = arith.mulf %mul3A_1267, %add3A_1198 : vector<256x128xf32>
    %sub3A_1269 = arith.subf %mul3A_1264, %mul3A_1268 : vector<256x128xf32>
    %mul3A_1270 = arith.mulf %mul3A_1262, %add3A_1095 : vector<256x128xf32>
    %add3A_1271 = arith.addf %sub3A_1269, %mul3A_1270 : vector<256x128xf32>
    %mul3A_1272 = arith.mulf %mul3A_1262, %add3A_1187 : vector<256x128xf32>
    %mul3A_1273 = arith.constant 2.000000e+00 : f32
    %mul3A_1274 = vector.broadcast %mul3A_1273 : f32 to vector<256x128xf32>
    %mul3A_1275 = arith.mulf %mul3A_1274, %mul3A_1263 : vector<256x128xf32>
    %mul3A_1276 = arith.mulf %mul3A_1275, %add3A_1198 : vector<256x128xf32>
    %add3A_1277 = arith.addf %mul3A_1272, %mul3A_1276 : vector<256x128xf32>
    %mul3A_1278 = arith.mulf %mul3A_1261, %add3A_1095 : vector<256x128xf32>
    %add3A_1279 = arith.addf %add3A_1277, %mul3A_1278 : vector<256x128xf32>
    %sub3A_1280 = arith.subf %mul3A_1261, %mul3A_1262 : vector<256x128xf32>
    %mul3A_1281 = arith.mulf %sub3A_1280, %add3A_1198 : vector<256x128xf32>
    %sub3A_1282 = arith.subf %add3A_1187, %add3A_1095 : vector<256x128xf32>
    %mul3A_1283 = arith.mulf %mul3A_1263, %sub3A_1282 : vector<256x128xf32>
    %add3A_1284 = arith.addf %mul3A_1281, %mul3A_1283 : vector<256x128xf32>
    %mul3A_1285 = arith.mulf %select_n3A_1254, %add3A_1192 : vector<256x128xf32>
    %mul3A_1286 = arith.mulf %select_n3A_1260, %sub3A_1195 : vector<256x128xf32>
    %sub3A_1287 = arith.subf %mul3A_1285, %mul3A_1286 : vector<256x128xf32>
    %mul3A_1288 = arith.mulf %select_n3A_1260, %add3A_1192 : vector<256x128xf32>
    %mul3A_1289 = arith.mulf %select_n3A_1254, %sub3A_1195 : vector<256x128xf32>
    %add3A_1290 = arith.addf %mul3A_1288, %mul3A_1289 : vector<256x128xf32>
    %mul3A_1291 = arith.mulf %select_n3A_1254, %add3A_1204 : vector<256x128xf32>
    %mul3A_1292 = arith.mulf %select_n3A_1260, %add3A_1112 : vector<256x128xf32>
    %sub3A_1293 = arith.subf %mul3A_1291, %mul3A_1292 : vector<256x128xf32>
    %mul3A_1294 = arith.mulf %select_n3A_1260, %add3A_1204 : vector<256x128xf32>
    %mul3A_1295 = arith.mulf %select_n3A_1254, %add3A_1112 : vector<256x128xf32>
    %add3A_1296 = arith.addf %mul3A_1294, %mul3A_1295 : vector<256x128xf32>
    %mul3A_1297 = arith.mulf %select_n3A_1254, %add3A_1210 : vector<256x128xf32>
    %mul3A_1298 = arith.mulf %select_n3A_1260, %add3A_1118 : vector<256x128xf32>
    %sub3A_1299 = arith.subf %mul3A_1297, %mul3A_1298 : vector<256x128xf32>
    %mul3A_1300 = arith.mulf %select_n3A_1260, %add3A_1210 : vector<256x128xf32>
    %mul3A_1301 = arith.mulf %select_n3A_1254, %add3A_1118 : vector<256x128xf32>
    %add3A_1302 = arith.addf %mul3A_1300, %mul3A_1301 : vector<256x128xf32>
    %mul3A_1303 = arith.mulf %select_n3A_1254, %add3A_1216 : vector<256x128xf32>
    %mul3A_1304 = arith.mulf %select_n3A_1260, %add3A_1124 : vector<256x128xf32>
    %sub3A_1305 = arith.subf %mul3A_1303, %mul3A_1304 : vector<256x128xf32>
    %mul3A_1306 = arith.mulf %select_n3A_1260, %add3A_1216 : vector<256x128xf32>
    %mul3A_1307 = arith.mulf %select_n3A_1254, %add3A_1124 : vector<256x128xf32>
    %add3A_1308 = arith.addf %mul3A_1306, %mul3A_1307 : vector<256x128xf32>
    %sub3A_1309 = arith.subf %add3A_1279, %add3A_1179 : vector<256x128xf32>
    %mul3A_1310 = arith.constant 2.000000e+00 : f32
    %mul3A_1311 = vector.broadcast %mul3A_1310 : f32 to vector<256x128xf32>
    %mul3A_1312 = arith.mulf %mul3A_1311, %add3A_1290 : vector<256x128xf32>
    %div3A_1313 = arith.divf %sub3A_1309, %mul3A_1312 : vector<256x128xf32>
    %sign3A_1314 = tpu.bitcast %div3A_1313 : vector<256x128xf32> -> vector<256x128xi32>
    %sign3A_1315 = arith.constant -2147483648 : i32
    %sign3A_1316 = vector.broadcast %sign3A_1315 : i32 to vector<256x128xi32>
    %sign3A_1317 = arith.andi %sign3A_1314, %sign3A_1316 : vector<256x128xi32>
    %sign3A_1318 = arith.constant 1065353216 : i32
    %sign3A_1319 = vector.broadcast %sign3A_1318 : i32 to vector<256x128xi32>
    %sign3A_1320 = arith.ori %sign3A_1319, %sign3A_1317 : vector<256x128xi32>
    %sign3A_1321 = tpu.bitcast %sign3A_1320 : vector<256x128xi32> -> vector<256x128xf32>
    %sign3A_1322 = math.absf %div3A_1313 : vector<256x128xf32>
    %sign3A_1323 = arith.constant 0.000000e+00 : f32
    %sign3A_1324 = vector.broadcast %sign3A_1323 : f32 to vector<256x128xf32>
    %sign3A_1325 = arith.cmpf ogt, %sign3A_1322, %sign3A_1324 : vector<256x128xf32>
    %sign3A_1326 = arith.select %sign3A_1325, %sign3A_1321, %div3A_1313 : vector<256x128xi1>, vector<256x128xf32>
    %abs3A_1327 = math.absf %div3A_1313 : vector<256x128xf32>
    %mul3A_1328 = arith.mulf %div3A_1313, %div3A_1313 : vector<256x128xf32>
    %add3A_1329 = arith.constant 1.000000e+00 : f32
    %add3A_1330 = vector.broadcast %add3A_1329 : f32 to vector<256x128xf32>
    %add3A_1331 = arith.addf %add3A_1330, %mul3A_1328 : vector<256x128xf32>
    %sqrt3A_1332 = math.sqrt %add3A_1331 : vector<256x128xf32>
    %add3A_1333 = arith.addf %abs3A_1327, %sqrt3A_1332 : vector<256x128xf32>
    %div3A_1334 = arith.divf %sign3A_1326, %add3A_1333 : vector<256x128xf32>
    %mul3A_1335 = arith.mulf %div3A_1334, %div3A_1334 : vector<256x128xf32>
    %add3A_1336 = arith.constant 1.000000e+00 : f32
    %add3A_1337 = vector.broadcast %add3A_1336 : f32 to vector<256x128xf32>
    %add3A_1338 = arith.addf %add3A_1337, %mul3A_1335 : vector<256x128xf32>
    %rsqrt3A_1339 = math.rsqrt %add3A_1338 : vector<256x128xf32>
    %mul3A_1340 = arith.mulf %div3A_1334, %rsqrt3A_1339 : vector<256x128xf32>
    %eq3A_1341 = arith.constant 0.000000e+00 : f32
    %eq3A_1342 = vector.broadcast %eq3A_1341 : f32 to vector<256x128xf32>
    %eq3A_1343 = arith.cmpf oeq, %add3A_1290, %eq3A_1342 : vector<256x128xf32>
    %jit3A_1344 = arith.constant 1.000000e+00 : f32
    %broadcast_in_dim3A_1345 = vector.broadcast %jit3A_1344 : f32 to vector<256x128xf32>
    %select_n3A_1346 = arith.select %eq3A_1343, %broadcast_in_dim3A_1345, %rsqrt3A_1339 : vector<256x128xi1>, vector<256x128xf32>
    %eq3A_1347 = arith.constant 0.000000e+00 : f32
    %eq3A_1348 = vector.broadcast %eq3A_1347 : f32 to vector<256x128xf32>
    %eq3A_1349 = arith.cmpf oeq, %add3A_1290, %eq3A_1348 : vector<256x128xf32>
    %jit3A_1350 = arith.constant 0.000000e+00 : f32
    %broadcast_in_dim3A_1351 = vector.broadcast %jit3A_1350 : f32 to vector<256x128xf32>
    %select_n3A_1352 = arith.select %eq3A_1349, %broadcast_in_dim3A_1351, %mul3A_1340 : vector<256x128xi1>, vector<256x128xf32>
    %mul3A_1353 = arith.mulf %select_n3A_1346, %select_n3A_1346 : vector<256x128xf32>
    %mul3A_1354 = arith.mulf %select_n3A_1352, %select_n3A_1352 : vector<256x128xf32>
    %mul3A_1355 = arith.mulf %select_n3A_1346, %select_n3A_1352 : vector<256x128xf32>
    %mul3A_1356 = arith.mulf %mul3A_1353, %add3A_1179 : vector<256x128xf32>
    %mul3A_1357 = arith.constant 2.000000e+00 : f32
    %mul3A_1358 = vector.broadcast %mul3A_1357 : f32 to vector<256x128xf32>
    %mul3A_1359 = arith.mulf %mul3A_1358, %mul3A_1355 : vector<256x128xf32>
    %mul3A_1360 = arith.mulf %mul3A_1359, %add3A_1290 : vector<256x128xf32>
    %sub3A_1361 = arith.subf %mul3A_1356, %mul3A_1360 : vector<256x128xf32>
    %mul3A_1362 = arith.mulf %mul3A_1354, %add3A_1279 : vector<256x128xf32>
    %add3A_1363 = arith.addf %sub3A_1361, %mul3A_1362 : vector<256x128xf32>
    %mul3A_1364 = arith.mulf %mul3A_1354, %add3A_1179 : vector<256x128xf32>
    %mul3A_1365 = arith.constant 2.000000e+00 : f32
    %mul3A_1366 = vector.broadcast %mul3A_1365 : f32 to vector<256x128xf32>
    %mul3A_1367 = arith.mulf %mul3A_1366, %mul3A_1355 : vector<256x128xf32>
    %mul3A_1368 = arith.mulf %mul3A_1367, %add3A_1290 : vector<256x128xf32>
    %add3A_1369 = arith.addf %mul3A_1364, %mul3A_1368 : vector<256x128xf32>
    %mul3A_1370 = arith.mulf %mul3A_1353, %add3A_1279 : vector<256x128xf32>
    %add3A_1371 = arith.addf %add3A_1369, %mul3A_1370 : vector<256x128xf32>
    %sub3A_1372 = arith.subf %mul3A_1353, %mul3A_1354 : vector<256x128xf32>
    %mul3A_1373 = arith.mulf %sub3A_1372, %add3A_1290 : vector<256x128xf32>
    %sub3A_1374 = arith.subf %add3A_1179, %add3A_1279 : vector<256x128xf32>
    %mul3A_1375 = arith.mulf %mul3A_1355, %sub3A_1374 : vector<256x128xf32>
    %add3A_1376 = arith.addf %mul3A_1373, %mul3A_1375 : vector<256x128xf32>
    %mul3A_1377 = arith.mulf %select_n3A_1346, %sub3A_1287 : vector<256x128xf32>
    %mul3A_1378 = arith.mulf %select_n3A_1352, %add3A_1284 : vector<256x128xf32>
    %sub3A_1379 = arith.subf %mul3A_1377, %mul3A_1378 : vector<256x128xf32>
    %mul3A_1380 = arith.mulf %select_n3A_1352, %sub3A_1287 : vector<256x128xf32>
    %mul3A_1381 = arith.mulf %select_n3A_1346, %add3A_1284 : vector<256x128xf32>
    %add3A_1382 = arith.addf %mul3A_1380, %mul3A_1381 : vector<256x128xf32>
    %mul3A_1383 = arith.mulf %select_n3A_1346, %sub3A_1201 : vector<256x128xf32>
    %mul3A_1384 = arith.mulf %select_n3A_1352, %add3A_1296 : vector<256x128xf32>
    %sub3A_1385 = arith.subf %mul3A_1383, %mul3A_1384 : vector<256x128xf32>
    %mul3A_1386 = arith.mulf %select_n3A_1352, %sub3A_1201 : vector<256x128xf32>
    %mul3A_1387 = arith.mulf %select_n3A_1346, %add3A_1296 : vector<256x128xf32>
    %add3A_1388 = arith.addf %mul3A_1386, %mul3A_1387 : vector<256x128xf32>
    %mul3A_1389 = arith.mulf %select_n3A_1346, %sub3A_1207 : vector<256x128xf32>
    %mul3A_1390 = arith.mulf %select_n3A_1352, %add3A_1302 : vector<256x128xf32>
    %sub3A_1391 = arith.subf %mul3A_1389, %mul3A_1390 : vector<256x128xf32>
    %mul3A_1392 = arith.mulf %select_n3A_1352, %sub3A_1207 : vector<256x128xf32>
    %mul3A_1393 = arith.mulf %select_n3A_1346, %add3A_1302 : vector<256x128xf32>
    %add3A_1394 = arith.addf %mul3A_1392, %mul3A_1393 : vector<256x128xf32>
    %mul3A_1395 = arith.mulf %select_n3A_1346, %sub3A_1213 : vector<256x128xf32>
    %mul3A_1396 = arith.mulf %select_n3A_1352, %add3A_1308 : vector<256x128xf32>
    %sub3A_1397 = arith.subf %mul3A_1395, %mul3A_1396 : vector<256x128xf32>
    %mul3A_1398 = arith.mulf %select_n3A_1352, %sub3A_1213 : vector<256x128xf32>
    %mul3A_1399 = arith.mulf %select_n3A_1346, %add3A_1308 : vector<256x128xf32>
    %add3A_1400 = arith.addf %mul3A_1398, %mul3A_1399 : vector<256x128xf32>
    %sub3A_1401 = arith.subf %add3A_1271, %add3A_1363 : vector<256x128xf32>
    %mul3A_1402 = arith.constant 2.000000e+00 : f32
    %mul3A_1403 = vector.broadcast %mul3A_1402 : f32 to vector<256x128xf32>
    %mul3A_1404 = arith.mulf %mul3A_1403, %sub3A_1379 : vector<256x128xf32>
    %div3A_1405 = arith.divf %sub3A_1401, %mul3A_1404 : vector<256x128xf32>
    %sign3A_1406 = tpu.bitcast %div3A_1405 : vector<256x128xf32> -> vector<256x128xi32>
    %sign3A_1407 = arith.constant -2147483648 : i32
    %sign3A_1408 = vector.broadcast %sign3A_1407 : i32 to vector<256x128xi32>
    %sign3A_1409 = arith.andi %sign3A_1406, %sign3A_1408 : vector<256x128xi32>
    %sign3A_1410 = arith.constant 1065353216 : i32
    %sign3A_1411 = vector.broadcast %sign3A_1410 : i32 to vector<256x128xi32>
    %sign3A_1412 = arith.ori %sign3A_1411, %sign3A_1409 : vector<256x128xi32>
    %sign3A_1413 = tpu.bitcast %sign3A_1412 : vector<256x128xi32> -> vector<256x128xf32>
    %sign3A_1414 = math.absf %div3A_1405 : vector<256x128xf32>
    %sign3A_1415 = arith.constant 0.000000e+00 : f32
    %sign3A_1416 = vector.broadcast %sign3A_1415 : f32 to vector<256x128xf32>
    %sign3A_1417 = arith.cmpf ogt, %sign3A_1414, %sign3A_1416 : vector<256x128xf32>
    %sign3A_1418 = arith.select %sign3A_1417, %sign3A_1413, %div3A_1405 : vector<256x128xi1>, vector<256x128xf32>
    %abs3A_1419 = math.absf %div3A_1405 : vector<256x128xf32>
    %mul3A_1420 = arith.mulf %div3A_1405, %div3A_1405 : vector<256x128xf32>
    %add3A_1421 = arith.constant 1.000000e+00 : f32
    %add3A_1422 = vector.broadcast %add3A_1421 : f32 to vector<256x128xf32>
    %add3A_1423 = arith.addf %add3A_1422, %mul3A_1420 : vector<256x128xf32>
    %sqrt3A_1424 = math.sqrt %add3A_1423 : vector<256x128xf32>
    %add3A_1425 = arith.addf %abs3A_1419, %sqrt3A_1424 : vector<256x128xf32>
    %div3A_1426 = arith.divf %sign3A_1418, %add3A_1425 : vector<256x128xf32>
    %mul3A_1427 = arith.mulf %div3A_1426, %div3A_1426 : vector<256x128xf32>
    %add3A_1428 = arith.constant 1.000000e+00 : f32
    %add3A_1429 = vector.broadcast %add3A_1428 : f32 to vector<256x128xf32>
    %add3A_1430 = arith.addf %add3A_1429, %mul3A_1427 : vector<256x128xf32>
    %rsqrt3A_1431 = math.rsqrt %add3A_1430 : vector<256x128xf32>
    %mul3A_1432 = arith.mulf %div3A_1426, %rsqrt3A_1431 : vector<256x128xf32>
    %eq3A_1433 = arith.constant 0.000000e+00 : f32
    %eq3A_1434 = vector.broadcast %eq3A_1433 : f32 to vector<256x128xf32>
    %eq3A_1435 = arith.cmpf oeq, %sub3A_1379, %eq3A_1434 : vector<256x128xf32>
    %jit3A_1436 = arith.constant 1.000000e+00 : f32
    %broadcast_in_dim3A_1437 = vector.broadcast %jit3A_1436 : f32 to vector<256x128xf32>
    %select_n3A_1438 = arith.select %eq3A_1435, %broadcast_in_dim3A_1437, %rsqrt3A_1431 : vector<256x128xi1>, vector<256x128xf32>
    %eq3A_1439 = arith.constant 0.000000e+00 : f32
    %eq3A_1440 = vector.broadcast %eq3A_1439 : f32 to vector<256x128xf32>
    %eq3A_1441 = arith.cmpf oeq, %sub3A_1379, %eq3A_1440 : vector<256x128xf32>
    %jit3A_1442 = arith.constant 0.000000e+00 : f32
    %broadcast_in_dim3A_1443 = vector.broadcast %jit3A_1442 : f32 to vector<256x128xf32>
    %select_n3A_1444 = arith.select %eq3A_1441, %broadcast_in_dim3A_1443, %mul3A_1432 : vector<256x128xi1>, vector<256x128xf32>
    %mul3A_1445 = arith.mulf %select_n3A_1438, %select_n3A_1438 : vector<256x128xf32>
    %mul3A_1446 = arith.mulf %select_n3A_1444, %select_n3A_1444 : vector<256x128xf32>
    %mul3A_1447 = arith.mulf %select_n3A_1438, %select_n3A_1444 : vector<256x128xf32>
    %mul3A_1448 = arith.mulf %mul3A_1445, %add3A_1363 : vector<256x128xf32>
    %mul3A_1449 = arith.constant 2.000000e+00 : f32
    %mul3A_1450 = vector.broadcast %mul3A_1449 : f32 to vector<256x128xf32>
    %mul3A_1451 = arith.mulf %mul3A_1450, %mul3A_1447 : vector<256x128xf32>
    %mul3A_1452 = arith.mulf %mul3A_1451, %sub3A_1379 : vector<256x128xf32>
    %sub3A_1453 = arith.subf %mul3A_1448, %mul3A_1452 : vector<256x128xf32>
    %mul3A_1454 = arith.mulf %mul3A_1446, %add3A_1271 : vector<256x128xf32>
    %add3A_1455 = arith.addf %sub3A_1453, %mul3A_1454 : vector<256x128xf32>
    %mul3A_1456 = arith.mulf %mul3A_1446, %add3A_1363 : vector<256x128xf32>
    %mul3A_1457 = arith.constant 2.000000e+00 : f32
    %mul3A_1458 = vector.broadcast %mul3A_1457 : f32 to vector<256x128xf32>
    %mul3A_1459 = arith.mulf %mul3A_1458, %mul3A_1447 : vector<256x128xf32>
    %mul3A_1460 = arith.mulf %mul3A_1459, %sub3A_1379 : vector<256x128xf32>
    %add3A_1461 = arith.addf %mul3A_1456, %mul3A_1460 : vector<256x128xf32>
    %mul3A_1462 = arith.mulf %mul3A_1445, %add3A_1271 : vector<256x128xf32>
    %add3A_1463 = arith.addf %add3A_1461, %mul3A_1462 : vector<256x128xf32>
    %sub3A_1464 = arith.subf %mul3A_1445, %mul3A_1446 : vector<256x128xf32>
    %mul3A_1465 = arith.mulf %sub3A_1464, %sub3A_1379 : vector<256x128xf32>
    %sub3A_1466 = arith.subf %add3A_1363, %add3A_1271 : vector<256x128xf32>
    %mul3A_1467 = arith.mulf %mul3A_1447, %sub3A_1466 : vector<256x128xf32>
    %add3A_1468 = arith.addf %mul3A_1465, %mul3A_1467 : vector<256x128xf32>
    %mul3A_1469 = arith.mulf %select_n3A_1438, %add3A_1376 : vector<256x128xf32>
    %mul3A_1470 = arith.mulf %select_n3A_1444, %add3A_1382 : vector<256x128xf32>
    %sub3A_1471 = arith.subf %mul3A_1469, %mul3A_1470 : vector<256x128xf32>
    %mul3A_1472 = arith.mulf %select_n3A_1444, %add3A_1376 : vector<256x128xf32>
    %mul3A_1473 = arith.mulf %select_n3A_1438, %add3A_1382 : vector<256x128xf32>
    %add3A_1474 = arith.addf %mul3A_1472, %mul3A_1473 : vector<256x128xf32>
    %mul3A_1475 = arith.mulf %select_n3A_1438, %sub3A_1385 : vector<256x128xf32>
    %mul3A_1476 = arith.mulf %select_n3A_1444, %sub3A_1293 : vector<256x128xf32>
    %sub3A_1477 = arith.subf %mul3A_1475, %mul3A_1476 : vector<256x128xf32>
    %mul3A_1478 = arith.mulf %select_n3A_1444, %sub3A_1385 : vector<256x128xf32>
    %mul3A_1479 = arith.mulf %select_n3A_1438, %sub3A_1293 : vector<256x128xf32>
    %add3A_1480 = arith.addf %mul3A_1478, %mul3A_1479 : vector<256x128xf32>
    %mul3A_1481 = arith.mulf %select_n3A_1438, %sub3A_1391 : vector<256x128xf32>
    %mul3A_1482 = arith.mulf %select_n3A_1444, %sub3A_1299 : vector<256x128xf32>
    %sub3A_1483 = arith.subf %mul3A_1481, %mul3A_1482 : vector<256x128xf32>
    %mul3A_1484 = arith.mulf %select_n3A_1444, %sub3A_1391 : vector<256x128xf32>
    %mul3A_1485 = arith.mulf %select_n3A_1438, %sub3A_1299 : vector<256x128xf32>
    %add3A_1486 = arith.addf %mul3A_1484, %mul3A_1485 : vector<256x128xf32>
    %mul3A_1487 = arith.mulf %select_n3A_1438, %sub3A_1397 : vector<256x128xf32>
    %mul3A_1488 = arith.mulf %select_n3A_1444, %sub3A_1305 : vector<256x128xf32>
    %sub3A_1489 = arith.subf %mul3A_1487, %mul3A_1488 : vector<256x128xf32>
    %mul3A_1490 = arith.mulf %select_n3A_1444, %sub3A_1397 : vector<256x128xf32>
    %mul3A_1491 = arith.mulf %select_n3A_1438, %sub3A_1305 : vector<256x128xf32>
    %add3A_1492 = arith.addf %mul3A_1490, %mul3A_1491 : vector<256x128xf32>
    %sub3A_1493 = arith.subf %add3A_1371, %add3A_1463 : vector<256x128xf32>
    %mul3A_1494 = arith.constant 2.000000e+00 : f32
    %mul3A_1495 = vector.broadcast %mul3A_1494 : f32 to vector<256x128xf32>
    %mul3A_1496 = arith.mulf %mul3A_1495, %add3A_1474 : vector<256x128xf32>
    %div3A_1497 = arith.divf %sub3A_1493, %mul3A_1496 : vector<256x128xf32>
    %sign3A_1498 = tpu.bitcast %div3A_1497 : vector<256x128xf32> -> vector<256x128xi32>
    %sign3A_1499 = arith.constant -2147483648 : i32
    %sign3A_1500 = vector.broadcast %sign3A_1499 : i32 to vector<256x128xi32>
    %sign3A_1501 = arith.andi %sign3A_1498, %sign3A_1500 : vector<256x128xi32>
    %sign3A_1502 = arith.constant 1065353216 : i32
    %sign3A_1503 = vector.broadcast %sign3A_1502 : i32 to vector<256x128xi32>
    %sign3A_1504 = arith.ori %sign3A_1503, %sign3A_1501 : vector<256x128xi32>
    %sign3A_1505 = tpu.bitcast %sign3A_1504 : vector<256x128xi32> -> vector<256x128xf32>
    %sign3A_1506 = math.absf %div3A_1497 : vector<256x128xf32>
    %sign3A_1507 = arith.constant 0.000000e+00 : f32
    %sign3A_1508 = vector.broadcast %sign3A_1507 : f32 to vector<256x128xf32>
    %sign3A_1509 = arith.cmpf ogt, %sign3A_1506, %sign3A_1508 : vector<256x128xf32>
    %sign3A_1510 = arith.select %sign3A_1509, %sign3A_1505, %div3A_1497 : vector<256x128xi1>, vector<256x128xf32>
    %abs3A_1511 = math.absf %div3A_1497 : vector<256x128xf32>
    %mul3A_1512 = arith.mulf %div3A_1497, %div3A_1497 : vector<256x128xf32>
    %add3A_1513 = arith.constant 1.000000e+00 : f32
    %add3A_1514 = vector.broadcast %add3A_1513 : f32 to vector<256x128xf32>
    %add3A_1515 = arith.addf %add3A_1514, %mul3A_1512 : vector<256x128xf32>
    %sqrt3A_1516 = math.sqrt %add3A_1515 : vector<256x128xf32>
    %add3A_1517 = arith.addf %abs3A_1511, %sqrt3A_1516 : vector<256x128xf32>
    %div3A_1518 = arith.divf %sign3A_1510, %add3A_1517 : vector<256x128xf32>
    %mul3A_1519 = arith.mulf %div3A_1518, %div3A_1518 : vector<256x128xf32>
    %add3A_1520 = arith.constant 1.000000e+00 : f32
    %add3A_1521 = vector.broadcast %add3A_1520 : f32 to vector<256x128xf32>
    %add3A_1522 = arith.addf %add3A_1521, %mul3A_1519 : vector<256x128xf32>
    %rsqrt3A_1523 = math.rsqrt %add3A_1522 : vector<256x128xf32>
    %mul3A_1524 = arith.mulf %div3A_1518, %rsqrt3A_1523 : vector<256x128xf32>
    %eq3A_1525 = arith.constant 0.000000e+00 : f32
    %eq3A_1526 = vector.broadcast %eq3A_1525 : f32 to vector<256x128xf32>
    %eq3A_1527 = arith.cmpf oeq, %add3A_1474, %eq3A_1526 : vector<256x128xf32>
    %jit3A_1528 = arith.constant 1.000000e+00 : f32
    %broadcast_in_dim3A_1529 = vector.broadcast %jit3A_1528 : f32 to vector<256x128xf32>
    %select_n3A_1530 = arith.select %eq3A_1527, %broadcast_in_dim3A_1529, %rsqrt3A_1523 : vector<256x128xi1>, vector<256x128xf32>
    %eq3A_1531 = arith.constant 0.000000e+00 : f32
    %eq3A_1532 = vector.broadcast %eq3A_1531 : f32 to vector<256x128xf32>
    %eq3A_1533 = arith.cmpf oeq, %add3A_1474, %eq3A_1532 : vector<256x128xf32>
    %jit3A_1534 = arith.constant 0.000000e+00 : f32
    %broadcast_in_dim3A_1535 = vector.broadcast %jit3A_1534 : f32 to vector<256x128xf32>
    %select_n3A_1536 = arith.select %eq3A_1533, %broadcast_in_dim3A_1535, %mul3A_1524 : vector<256x128xi1>, vector<256x128xf32>
    %mul3A_1537 = arith.mulf %select_n3A_1530, %select_n3A_1530 : vector<256x128xf32>
    %mul3A_1538 = arith.mulf %select_n3A_1536, %select_n3A_1536 : vector<256x128xf32>
    %mul3A_1539 = arith.mulf %select_n3A_1530, %select_n3A_1536 : vector<256x128xf32>
    %mul3A_1540 = arith.mulf %mul3A_1537, %add3A_1463 : vector<256x128xf32>
    %mul3A_1541 = arith.constant 2.000000e+00 : f32
    %mul3A_1542 = vector.broadcast %mul3A_1541 : f32 to vector<256x128xf32>
    %mul3A_1543 = arith.mulf %mul3A_1542, %mul3A_1539 : vector<256x128xf32>
    %mul3A_1544 = arith.mulf %mul3A_1543, %add3A_1474 : vector<256x128xf32>
    %sub3A_1545 = arith.subf %mul3A_1540, %mul3A_1544 : vector<256x128xf32>
    %mul3A_1546 = arith.mulf %mul3A_1538, %add3A_1371 : vector<256x128xf32>
    %add3A_1547 = arith.addf %sub3A_1545, %mul3A_1546 : vector<256x128xf32>
    %mul3A_1548 = arith.mulf %mul3A_1538, %add3A_1463 : vector<256x128xf32>
    %mul3A_1549 = arith.constant 2.000000e+00 : f32
    %mul3A_1550 = vector.broadcast %mul3A_1549 : f32 to vector<256x128xf32>
    %mul3A_1551 = arith.mulf %mul3A_1550, %mul3A_1539 : vector<256x128xf32>
    %mul3A_1552 = arith.mulf %mul3A_1551, %add3A_1474 : vector<256x128xf32>
    %add3A_1553 = arith.addf %mul3A_1548, %mul3A_1552 : vector<256x128xf32>
    %mul3A_1554 = arith.mulf %mul3A_1537, %add3A_1371 : vector<256x128xf32>
    %add3A_1555 = arith.addf %add3A_1553, %mul3A_1554 : vector<256x128xf32>
    %mul3A_1556 = arith.mulf %select_n3A_1536, %add3A_1468 : vector<256x128xf32>
    %mul3A_1557 = arith.mulf %select_n3A_1530, %sub3A_1471 : vector<256x128xf32>
    %add3A_1558 = arith.addf %mul3A_1556, %mul3A_1557 : vector<256x128xf32>
    %mul3A_1559 = arith.mulf %select_n3A_1530, %add3A_1480 : vector<256x128xf32>
    %mul3A_1560 = arith.mulf %select_n3A_1536, %add3A_1388 : vector<256x128xf32>
    %sub3A_1561 = arith.subf %mul3A_1559, %mul3A_1560 : vector<256x128xf32>
    %mul3A_1562 = arith.mulf %select_n3A_1536, %add3A_1480 : vector<256x128xf32>
    %mul3A_1563 = arith.mulf %select_n3A_1530, %add3A_1388 : vector<256x128xf32>
    %add3A_1564 = arith.addf %mul3A_1562, %mul3A_1563 : vector<256x128xf32>
    %mul3A_1565 = arith.mulf %select_n3A_1530, %add3A_1486 : vector<256x128xf32>
    %mul3A_1566 = arith.mulf %select_n3A_1536, %add3A_1394 : vector<256x128xf32>
    %sub3A_1567 = arith.subf %mul3A_1565, %mul3A_1566 : vector<256x128xf32>
    %mul3A_1568 = arith.mulf %select_n3A_1536, %add3A_1486 : vector<256x128xf32>
    %mul3A_1569 = arith.mulf %select_n3A_1530, %add3A_1394 : vector<256x128xf32>
    %add3A_1570 = arith.addf %mul3A_1568, %mul3A_1569 : vector<256x128xf32>
    %mul3A_1571 = arith.mulf %select_n3A_1530, %add3A_1492 : vector<256x128xf32>
    %mul3A_1572 = arith.mulf %select_n3A_1536, %add3A_1400 : vector<256x128xf32>
    %sub3A_1573 = arith.subf %mul3A_1571, %mul3A_1572 : vector<256x128xf32>
    %mul3A_1574 = arith.mulf %select_n3A_1536, %add3A_1492 : vector<256x128xf32>
    %mul3A_1575 = arith.mulf %select_n3A_1530, %add3A_1400 : vector<256x128xf32>
    %add3A_1576 = arith.addf %mul3A_1574, %mul3A_1575 : vector<256x128xf32>
    %sub3A_1577 = arith.subf %add3A_1555, %add3A_1455 : vector<256x128xf32>
    %mul3A_1578 = arith.constant 2.000000e+00 : f32
    %mul3A_1579 = vector.broadcast %mul3A_1578 : f32 to vector<256x128xf32>
    %mul3A_1580 = arith.mulf %mul3A_1579, %add3A_1558 : vector<256x128xf32>
    %div3A_1581 = arith.divf %sub3A_1577, %mul3A_1580 : vector<256x128xf32>
    %sign3A_1582 = tpu.bitcast %div3A_1581 : vector<256x128xf32> -> vector<256x128xi32>
    %sign3A_1583 = arith.constant -2147483648 : i32
    %sign3A_1584 = vector.broadcast %sign3A_1583 : i32 to vector<256x128xi32>
    %sign3A_1585 = arith.andi %sign3A_1582, %sign3A_1584 : vector<256x128xi32>
    %sign3A_1586 = arith.constant 1065353216 : i32
    %sign3A_1587 = vector.broadcast %sign3A_1586 : i32 to vector<256x128xi32>
    %sign3A_1588 = arith.ori %sign3A_1587, %sign3A_1585 : vector<256x128xi32>
    %sign3A_1589 = tpu.bitcast %sign3A_1588 : vector<256x128xi32> -> vector<256x128xf32>
    %sign3A_1590 = math.absf %div3A_1581 : vector<256x128xf32>
    %sign3A_1591 = arith.constant 0.000000e+00 : f32
    %sign3A_1592 = vector.broadcast %sign3A_1591 : f32 to vector<256x128xf32>
    %sign3A_1593 = arith.cmpf ogt, %sign3A_1590, %sign3A_1592 : vector<256x128xf32>
    %sign3A_1594 = arith.select %sign3A_1593, %sign3A_1589, %div3A_1581 : vector<256x128xi1>, vector<256x128xf32>
    %abs3A_1595 = math.absf %div3A_1581 : vector<256x128xf32>
    %mul3A_1596 = arith.mulf %div3A_1581, %div3A_1581 : vector<256x128xf32>
    %add3A_1597 = arith.constant 1.000000e+00 : f32
    %add3A_1598 = vector.broadcast %add3A_1597 : f32 to vector<256x128xf32>
    %add3A_1599 = arith.addf %add3A_1598, %mul3A_1596 : vector<256x128xf32>
    %sqrt3A_1600 = math.sqrt %add3A_1599 : vector<256x128xf32>
    %add3A_1601 = arith.addf %abs3A_1595, %sqrt3A_1600 : vector<256x128xf32>
    %div3A_1602 = arith.divf %sign3A_1594, %add3A_1601 : vector<256x128xf32>
    %mul3A_1603 = arith.mulf %div3A_1602, %div3A_1602 : vector<256x128xf32>
    %add3A_1604 = arith.constant 1.000000e+00 : f32
    %add3A_1605 = vector.broadcast %add3A_1604 : f32 to vector<256x128xf32>
    %add3A_1606 = arith.addf %add3A_1605, %mul3A_1603 : vector<256x128xf32>
    %rsqrt3A_1607 = math.rsqrt %add3A_1606 : vector<256x128xf32>
    %mul3A_1608 = arith.mulf %div3A_1602, %rsqrt3A_1607 : vector<256x128xf32>
    %eq3A_1609 = arith.constant 0.000000e+00 : f32
    %eq3A_1610 = vector.broadcast %eq3A_1609 : f32 to vector<256x128xf32>
    %eq3A_1611 = arith.cmpf oeq, %add3A_1558, %eq3A_1610 : vector<256x128xf32>
    %jit3A_1612 = arith.constant 1.000000e+00 : f32
    %broadcast_in_dim3A_1613 = vector.broadcast %jit3A_1612 : f32 to vector<256x128xf32>
    %select_n3A_1614 = arith.select %eq3A_1611, %broadcast_in_dim3A_1613, %rsqrt3A_1607 : vector<256x128xi1>, vector<256x128xf32>
    %eq3A_1615 = arith.constant 0.000000e+00 : f32
    %eq3A_1616 = vector.broadcast %eq3A_1615 : f32 to vector<256x128xf32>
    %eq3A_1617 = arith.cmpf oeq, %add3A_1558, %eq3A_1616 : vector<256x128xf32>
    %jit3A_1618 = arith.constant 0.000000e+00 : f32
    %broadcast_in_dim3A_1619 = vector.broadcast %jit3A_1618 : f32 to vector<256x128xf32>
    %select_n3A_1620 = arith.select %eq3A_1617, %broadcast_in_dim3A_1619, %mul3A_1608 : vector<256x128xi1>, vector<256x128xf32>
    %mul3A_1621 = arith.mulf %select_n3A_1614, %select_n3A_1614 : vector<256x128xf32>
    %mul3A_1622 = arith.mulf %select_n3A_1620, %select_n3A_1620 : vector<256x128xf32>
    %mul3A_1623 = arith.mulf %select_n3A_1614, %select_n3A_1620 : vector<256x128xf32>
    %mul3A_1624 = arith.mulf %mul3A_1621, %add3A_1455 : vector<256x128xf32>
    %mul3A_1625 = arith.constant 2.000000e+00 : f32
    %mul3A_1626 = vector.broadcast %mul3A_1625 : f32 to vector<256x128xf32>
    %mul3A_1627 = arith.mulf %mul3A_1626, %mul3A_1623 : vector<256x128xf32>
    %mul3A_1628 = arith.mulf %mul3A_1627, %add3A_1558 : vector<256x128xf32>
    %sub3A_1629 = arith.subf %mul3A_1624, %mul3A_1628 : vector<256x128xf32>
    %mul3A_1630 = arith.mulf %mul3A_1622, %add3A_1555 : vector<256x128xf32>
    %add3A_1631 = arith.addf %sub3A_1629, %mul3A_1630 : vector<256x128xf32>
    %mul3A_1632 = arith.mulf %mul3A_1622, %add3A_1455 : vector<256x128xf32>
    %mul3A_1633 = arith.constant 2.000000e+00 : f32
    %mul3A_1634 = vector.broadcast %mul3A_1633 : f32 to vector<256x128xf32>
    %mul3A_1635 = arith.mulf %mul3A_1634, %mul3A_1623 : vector<256x128xf32>
    %mul3A_1636 = arith.mulf %mul3A_1635, %add3A_1558 : vector<256x128xf32>
    %add3A_1637 = arith.addf %mul3A_1632, %mul3A_1636 : vector<256x128xf32>
    %mul3A_1638 = arith.mulf %mul3A_1621, %add3A_1555 : vector<256x128xf32>
    %add3A_1639 = arith.addf %add3A_1637, %mul3A_1638 : vector<256x128xf32>
    %mul3A_1640 = arith.mulf %select_n3A_1614, %sub3A_1477 : vector<256x128xf32>
    %mul3A_1641 = arith.mulf %select_n3A_1620, %add3A_1564 : vector<256x128xf32>
    %sub3A_1642 = arith.subf %mul3A_1640, %mul3A_1641 : vector<256x128xf32>
    %mul3A_1643 = arith.mulf %select_n3A_1620, %sub3A_1477 : vector<256x128xf32>
    %mul3A_1644 = arith.mulf %select_n3A_1614, %add3A_1564 : vector<256x128xf32>
    %add3A_1645 = arith.addf %mul3A_1643, %mul3A_1644 : vector<256x128xf32>
    %mul3A_1646 = arith.mulf %select_n3A_1614, %sub3A_1483 : vector<256x128xf32>
    %mul3A_1647 = arith.mulf %select_n3A_1620, %add3A_1570 : vector<256x128xf32>
    %sub3A_1648 = arith.subf %mul3A_1646, %mul3A_1647 : vector<256x128xf32>
    %mul3A_1649 = arith.mulf %select_n3A_1620, %sub3A_1483 : vector<256x128xf32>
    %mul3A_1650 = arith.mulf %select_n3A_1614, %add3A_1570 : vector<256x128xf32>
    %add3A_1651 = arith.addf %mul3A_1649, %mul3A_1650 : vector<256x128xf32>
    %mul3A_1652 = arith.mulf %select_n3A_1614, %sub3A_1489 : vector<256x128xf32>
    %mul3A_1653 = arith.mulf %select_n3A_1620, %add3A_1576 : vector<256x128xf32>
    %sub3A_1654 = arith.subf %mul3A_1652, %mul3A_1653 : vector<256x128xf32>
    %mul3A_1655 = arith.mulf %select_n3A_1620, %sub3A_1489 : vector<256x128xf32>
    %mul3A_1656 = arith.mulf %select_n3A_1614, %add3A_1576 : vector<256x128xf32>
    %add3A_1657 = arith.addf %mul3A_1655, %mul3A_1656 : vector<256x128xf32>
    %lt3A = arith.cmpf olt, %add3A_1639, %add3A_1631 : vector<256x128xf32>
    %jit3A_1658 = arith.constant 1 : i32
    %jit3A_1659 = arith.constant 0 : i32
    %broadcast_in_dim3A_1660 = vector.broadcast %jit3A_1658 : i32 to vector<256x128xi32>
    %broadcast_in_dim3A_1661 = vector.broadcast %jit3A_1659 : i32 to vector<256x128xi32>
    %select_n3A_1662 = arith.select %lt3A, %broadcast_in_dim3A_1660, %broadcast_in_dim3A_1661 : vector<256x128xi1>, vector<256x128xi32>
    %lt3A_1663 = arith.cmpf olt, %add3A_1639, %add3A_1631 : vector<256x128xf32>
    %select_n3A_1664 = arith.select %lt3A_1663, %add3A_1639, %add3A_1631 : vector<256x128xi1>, vector<256x128xf32>
    %lt3A_1665 = arith.cmpf olt, %add3A_1547, %select_n3A_1664 : vector<256x128xf32>
    %jit3A_1666 = arith.constant 2 : i32
    %broadcast_in_dim3A_1667 = vector.broadcast %jit3A_1666 : i32 to vector<256x128xi32>
    %select_n3A_1668 = arith.select %lt3A_1665, %broadcast_in_dim3A_1667, %select_n3A_1662 : vector<256x128xi1>, vector<256x128xi32>
    %gt3A = arith.cmpf ogt, %add3A_1639, %add3A_1547 : vector<256x128xf32>
    %jit3A_1669 = arith.constant 1 : i32
    %jit3A_1670 = arith.constant 2 : i32
    %broadcast_in_dim3A_1671 = vector.broadcast %jit3A_1669 : i32 to vector<256x128xi32>
    %broadcast_in_dim3A_1672 = vector.broadcast %jit3A_1670 : i32 to vector<256x128xi32>
    %select_n3A_1673 = arith.select %gt3A, %broadcast_in_dim3A_1671, %broadcast_in_dim3A_1672 : vector<256x128xi1>, vector<256x128xi32>
    %gt3A_1674 = arith.cmpf ogt, %add3A_1639, %add3A_1547 : vector<256x128xf32>
    %select_n3A_1675 = arith.select %gt3A_1674, %add3A_1639, %add3A_1547 : vector<256x128xi1>, vector<256x128xf32>
    %gt3A_1676 = arith.cmpf ogt, %add3A_1631, %select_n3A_1675 : vector<256x128xf32>
    %jit3A_1677 = arith.constant 0 : i32
    %broadcast_in_dim3A_1678 = vector.broadcast %jit3A_1677 : i32 to vector<256x128xi32>
    %select_n3A_1679 = arith.select %gt3A_1676, %broadcast_in_dim3A_1678, %select_n3A_1673 : vector<256x128xi1>, vector<256x128xi32>
    %sub3A_1680 = arith.constant 3 : i32
    %sub3A_1681 = vector.broadcast %sub3A_1680 : i32 to vector<256x128xi32>
    %sub3A_1682 = arith.subi %sub3A_1681, %select_n3A_1668 : vector<256x128xi32>
    %sub3A_1683 = arith.subi %sub3A_1682, %select_n3A_1679 : vector<256x128xi32>
    %eq3A_1684 = arith.constant 0 : i32
    %eq3A_1685 = vector.broadcast %eq3A_1684 : i32 to vector<256x128xi32>
    %eq3A_1686 = arith.cmpi eq, %select_n3A_1668, %eq3A_1685 : vector<256x128xi32>
    %eq3A_1687 = arith.constant 1 : i32
    %eq3A_1688 = vector.broadcast %eq3A_1687 : i32 to vector<256x128xi32>
    %eq3A_1689 = arith.cmpi eq, %select_n3A_1668, %eq3A_1688 : vector<256x128xi32>
    %select_n3A_1690 = arith.select %eq3A_1689, %add3A_1645, %sub3A_1561 : vector<256x128xi1>, vector<256x128xf32>
    %select_n3A_1691 = arith.select %eq3A_1686, %sub3A_1642, %select_n3A_1690 : vector<256x128xi1>, vector<256x128xf32>
    %swap3A = arith.constant 0 : index
    %swap3A_1692 = arith.constant 0 : index
    %swap3A_1693 = arith.constant 0 : index
    %swap3A_1694 = vector.load %arg1[%swap3A, %swap3A_1692, %swap3A_1693] : memref<9x256x128xf32, #tpu.memory_space<vmem>>, vector<1x256x128xf32>
    %swap3A_1695 = vector.shape_cast %swap3A_1694 : vector<1x256x128xf32> to vector<256x128xf32>
    %swap3A_1696 = vector.shape_cast %select_n3A_1691 : vector<256x128xf32> to vector<1x256x128xf32>
    tpu.vector_store %arg1[%swap3A, %swap3A_1692, %swap3A_1693], %swap3A_1696 {strides = array<i32>} : memref<9x256x128xf32, #tpu.memory_space<vmem>>, vector<1x256x128xf32>,
    %eq3A_1697 = arith.constant 0 : i32
    %eq3A_1698 = vector.broadcast %eq3A_1697 : i32 to vector<256x128xi32>
    %eq3A_1699 = arith.cmpi eq, %select_n3A_1668, %eq3A_1698 : vector<256x128xi32>
    %eq3A_1700 = arith.constant 1 : i32
    %eq3A_1701 = vector.broadcast %eq3A_1700 : i32 to vector<256x128xi32>
    %eq3A_1702 = arith.cmpi eq, %select_n3A_1668, %eq3A_1701 : vector<256x128xi32>
    %select_n3A_1703 = arith.select %eq3A_1702, %add3A_1651, %sub3A_1567 : vector<256x128xi1>, vector<256x128xf32>
    %select_n3A_1704 = arith.select %eq3A_1699, %sub3A_1648, %select_n3A_1703 : vector<256x128xi1>, vector<256x128xf32>
    %swap3A_1705 = arith.constant 3 : index
    %swap3A_1706 = arith.constant 0 : index
    %swap3A_1707 = arith.constant 0 : index
    %swap3A_1708 = vector.load %arg1[%swap3A_1705, %swap3A_1706, %swap3A_1707] : memref<9x256x128xf32, #tpu.memory_space<vmem>>, vector<1x256x128xf32>
    %swap3A_1709 = vector.shape_cast %swap3A_1708 : vector<1x256x128xf32> to vector<256x128xf32>
    %swap3A_1710 = vector.shape_cast %select_n3A_1704 : vector<256x128xf32> to vector<1x256x128xf32>
    tpu.vector_store %arg1[%swap3A_1705, %swap3A_1706, %swap3A_1707], %swap3A_1710 {strides = array<i32>} : memref<9x256x128xf32, #tpu.memory_space<vmem>>, vector<1x256x128xf32>,
    %eq3A_1711 = arith.constant 0 : i32
    %eq3A_1712 = vector.broadcast %eq3A_1711 : i32 to vector<256x128xi32>
    %eq3A_1713 = arith.cmpi eq, %select_n3A_1668, %eq3A_1712 : vector<256x128xi32>
    %eq3A_1714 = arith.constant 1 : i32
    %eq3A_1715 = vector.broadcast %eq3A_1714 : i32 to vector<256x128xi32>
    %eq3A_1716 = arith.cmpi eq, %select_n3A_1668, %eq3A_1715 : vector<256x128xi32>
    %select_n3A_1717 = arith.select %eq3A_1716, %add3A_1657, %sub3A_1573 : vector<256x128xi1>, vector<256x128xf32>
    %select_n3A_1718 = arith.select %eq3A_1713, %sub3A_1654, %select_n3A_1717 : vector<256x128xi1>, vector<256x128xf32>
    %swap3A_1719 = arith.constant 6 : index
    %swap3A_1720 = arith.constant 0 : index
    %swap3A_1721 = arith.constant 0 : index
    %swap3A_1722 = vector.load %arg1[%swap3A_1719, %swap3A_1720, %swap3A_1721] : memref<9x256x128xf32, #tpu.memory_space<vmem>>, vector<1x256x128xf32>
    %swap3A_1723 = vector.shape_cast %swap3A_1722 : vector<1x256x128xf32> to vector<256x128xf32>
    %swap3A_1724 = vector.shape_cast %select_n3A_1718 : vector<256x128xf32> to vector<1x256x128xf32>
    tpu.vector_store %arg1[%swap3A_1719, %swap3A_1720, %swap3A_1721], %swap3A_1724 {strides = array<i32>} : memref<9x256x128xf32, #tpu.memory_space<vmem>>, vector<1x256x128xf32>,
    %eq3A_1725 = arith.constant 0 : i32
    %eq3A_1726 = vector.broadcast %eq3A_1725 : i32 to vector<256x128xi32>
    %eq3A_1727 = arith.cmpi eq, %sub3A_1683, %eq3A_1726 : vector<256x128xi32>
    %eq3A_1728 = arith.constant 1 : i32
    %eq3A_1729 = vector.broadcast %eq3A_1728 : i32 to vector<256x128xi32>
    %eq3A_1730 = arith.cmpi eq, %sub3A_1683, %eq3A_1729 : vector<256x128xi32>
    %select_n3A_1731 = arith.select %eq3A_1730, %add3A_1645, %sub3A_1561 : vector<256x128xi1>, vector<256x128xf32>
    %select_n3A_1732 = arith.select %eq3A_1727, %sub3A_1642, %select_n3A_1731 : vector<256x128xi1>, vector<256x128xf32>
    %swap3A_1733 = arith.constant 1 : index
    %swap3A_1734 = arith.constant 0 : index
    %swap3A_1735 = arith.constant 0 : index
    %swap3A_1736 = vector.load %arg1[%swap3A_1733, %swap3A_1734, %swap3A_1735] : memref<9x256x128xf32, #tpu.memory_space<vmem>>, vector<1x256x128xf32>
    %swap3A_1737 = vector.shape_cast %swap3A_1736 : vector<1x256x128xf32> to vector<256x128xf32>
    %swap3A_1738 = vector.shape_cast %select_n3A_1732 : vector<256x128xf32> to vector<1x256x128xf32>
    tpu.vector_store %arg1[%swap3A_1733, %swap3A_1734, %swap3A_1735], %swap3A_1738 {strides = array<i32>} : memref<9x256x128xf32, #tpu.memory_space<vmem>>, vector<1x256x128xf32>,
    %eq3A_1739 = arith.constant 0 : i32
    %eq3A_1740 = vector.broadcast %eq3A_1739 : i32 to vector<256x128xi32>
    %eq3A_1741 = arith.cmpi eq, %sub3A_1683, %eq3A_1740 : vector<256x128xi32>
    %eq3A_1742 = arith.constant 1 : i32
    %eq3A_1743 = vector.broadcast %eq3A_1742 : i32 to vector<256x128xi32>
    %eq3A_1744 = arith.cmpi eq, %sub3A_1683, %eq3A_1743 : vector<256x128xi32>
    %select_n3A_1745 = arith.select %eq3A_1744, %add3A_1651, %sub3A_1567 : vector<256x128xi1>, vector<256x128xf32>
    %select_n3A_1746 = arith.select %eq3A_1741, %sub3A_1648, %select_n3A_1745 : vector<256x128xi1>, vector<256x128xf32>
    %swap3A_1747 = arith.constant 4 : index
    %swap3A_1748 = arith.constant 0 : index
    %swap3A_1749 = arith.constant 0 : index
    %swap3A_1750 = vector.load %arg1[%swap3A_1747, %swap3A_1748, %swap3A_1749] : memref<9x256x128xf32, #tpu.memory_space<vmem>>, vector<1x256x128xf32>
    %swap3A_1751 = vector.shape_cast %swap3A_1750 : vector<1x256x128xf32> to vector<256x128xf32>
    %swap3A_1752 = vector.shape_cast %select_n3A_1746 : vector<256x128xf32> to vector<1x256x128xf32>
    tpu.vector_store %arg1[%swap3A_1747, %swap3A_1748, %swap3A_1749], %swap3A_1752 {strides = array<i32>} : memref<9x256x128xf32, #tpu.memory_space<vmem>>, vector<1x256x128xf32>,
    %eq3A_1753 = arith.constant 0 : i32
    %eq3A_1754 = vector.broadcast %eq3A_1753 : i32 to vector<256x128xi32>
    %eq3A_1755 = arith.cmpi eq, %sub3A_1683, %eq3A_1754 : vector<256x128xi32>
    %eq3A_1756 = arith.constant 1 : i32
    %eq3A_1757 = vector.broadcast %eq3A_1756 : i32 to vector<256x128xi32>
    %eq3A_1758 = arith.cmpi eq, %sub3A_1683, %eq3A_1757 : vector<256x128xi32>
    %select_n3A_1759 = arith.select %eq3A_1758, %add3A_1657, %sub3A_1573 : vector<256x128xi1>, vector<256x128xf32>
    %select_n3A_1760 = arith.select %eq3A_1755, %sub3A_1654, %select_n3A_1759 : vector<256x128xi1>, vector<256x128xf32>
    %swap3A_1761 = arith.constant 7 : index
    %swap3A_1762 = arith.constant 0 : index
    %swap3A_1763 = arith.constant 0 : index
    %swap3A_1764 = vector.load %arg1[%swap3A_1761, %swap3A_1762, %swap3A_1763] : memref<9x256x128xf32, #tpu.memory_space<vmem>>, vector<1x256x128xf32>
    %swap3A_1765 = vector.shape_cast %swap3A_1764 : vector<1x256x128xf32> to vector<256x128xf32>
    %swap3A_1766 = vector.shape_cast %select_n3A_1760 : vector<256x128xf32> to vector<1x256x128xf32>
    tpu.vector_store %arg1[%swap3A_1761, %swap3A_1762, %swap3A_1763], %swap3A_1766 {strides = array<i32>} : memref<9x256x128xf32, #tpu.memory_space<vmem>>, vector<1x256x128xf32>,
    %eq3A_1767 = arith.constant 0 : i32
    %eq3A_1768 = vector.broadcast %eq3A_1767 : i32 to vector<256x128xi32>
    %eq3A_1769 = arith.cmpi eq, %select_n3A_1679, %eq3A_1768 : vector<256x128xi32>
    %eq3A_1770 = arith.constant 1 : i32
    %eq3A_1771 = vector.broadcast %eq3A_1770 : i32 to vector<256x128xi32>
    %eq3A_1772 = arith.cmpi eq, %select_n3A_1679, %eq3A_1771 : vector<256x128xi32>
    %select_n3A_1773 = arith.select %eq3A_1772, %add3A_1645, %sub3A_1561 : vector<256x128xi1>, vector<256x128xf32>
    %select_n3A_1774 = arith.select %eq3A_1769, %sub3A_1642, %select_n3A_1773 : vector<256x128xi1>, vector<256x128xf32>
    %swap3A_1775 = arith.constant 2 : index
    %swap3A_1776 = arith.constant 0 : index
    %swap3A_1777 = arith.constant 0 : index
    %swap3A_1778 = vector.load %arg1[%swap3A_1775, %swap3A_1776, %swap3A_1777] : memref<9x256x128xf32, #tpu.memory_space<vmem>>, vector<1x256x128xf32>
    %swap3A_1779 = vector.shape_cast %swap3A_1778 : vector<1x256x128xf32> to vector<256x128xf32>
    %swap3A_1780 = vector.shape_cast %select_n3A_1774 : vector<256x128xf32> to vector<1x256x128xf32>
    tpu.vector_store %arg1[%swap3A_1775, %swap3A_1776, %swap3A_1777], %swap3A_1780 {strides = array<i32>} : memref<9x256x128xf32, #tpu.memory_space<vmem>>, vector<1x256x128xf32>,
    %eq3A_1781 = arith.constant 0 : i32
    %eq3A_1782 = vector.broadcast %eq3A_1781 : i32 to vector<256x128xi32>
    %eq3A_1783 = arith.cmpi eq, %select_n3A_1679, %eq3A_1782 : vector<256x128xi32>
    %eq3A_1784 = arith.constant 1 : i32
    %eq3A_1785 = vector.broadcast %eq3A_1784 : i32 to vector<256x128xi32>
    %eq3A_1786 = arith.cmpi eq, %select_n3A_1679, %eq3A_1785 : vector<256x128xi32>
    %select_n3A_1787 = arith.select %eq3A_1786, %add3A_1651, %sub3A_1567 : vector<256x128xi1>, vector<256x128xf32>
    %select_n3A_1788 = arith.select %eq3A_1783, %sub3A_1648, %select_n3A_1787 : vector<256x128xi1>, vector<256x128xf32>
    %swap3A_1789 = arith.constant 5 : index
    %swap3A_1790 = arith.constant 0 : index
    %swap3A_1791 = arith.constant 0 : index
    %swap3A_1792 = vector.load %arg1[%swap3A_1789, %swap3A_1790, %swap3A_1791] : memref<9x256x128xf32, #tpu.memory_space<vmem>>, vector<1x256x128xf32>
    %swap3A_1793 = vector.shape_cast %swap3A_1792 : vector<1x256x128xf32> to vector<256x128xf32>
    %swap3A_1794 = vector.shape_cast %select_n3A_1788 : vector<256x128xf32> to vector<1x256x128xf32>
    tpu.vector_store %arg1[%swap3A_1789, %swap3A_1790, %swap3A_1791], %swap3A_1794 {strides = array<i32>} : memref<9x256x128xf32, #tpu.memory_space<vmem>>, vector<1x256x128xf32>,
    %eq3A_1795 = arith.constant 0 : i32
    %eq3A_1796 = vector.broadcast %eq3A_1795 : i32 to vector<256x128xi32>
    %eq3A_1797 = arith.cmpi eq, %select_n3A_1679, %eq3A_1796 : vector<256x128xi32>
    %eq3A_1798 = arith.constant 1 : i32
    %eq3A_1799 = vector.broadcast %eq3A_1798 : i32 to vector<256x128xi32>
    %eq3A_1800 = arith.cmpi eq, %select_n3A_1679, %eq3A_1799 : vector<256x128xi32>
    %select_n3A_1801 = arith.select %eq3A_1800, %add3A_1657, %sub3A_1573 : vector<256x128xi1>, vector<256x128xf32>
    %select_n3A_1802 = arith.select %eq3A_1797, %sub3A_1654, %select_n3A_1801 : vector<256x128xi1>, vector<256x128xf32>
    %swap3A_1803 = arith.constant 8 : index
    %swap3A_1804 = arith.constant 0 : index
    %swap3A_1805 = arith.constant 0 : index
    %swap3A_1806 = vector.load %arg1[%swap3A_1803, %swap3A_1804, %swap3A_1805] : memref<9x256x128xf32, #tpu.memory_space<vmem>>, vector<1x256x128xf32>
    %swap3A_1807 = vector.shape_cast %swap3A_1806 : vector<1x256x128xf32> to vector<256x128xf32>
    %swap3A_1808 = vector.shape_cast %select_n3A_1802 : vector<256x128xf32> to vector<1x256x128xf32>
    tpu.vector_store %arg1[%swap3A_1803, %swap3A_1804, %swap3A_1805], %swap3A_1808 {strides = array<i32>} : memref<9x256x128xf32, #tpu.memory_space<vmem>>, vector<1x256x128xf32>,
    return
  }
}

</mosaic_0001>

<sc_bundles>
// kernel: kernel.6.cloned.1.call-start
scs
__scs_entry_jumppad:
0x0: {  	(pc) =	sbr.rel $0x88, $3  }
0x1: {  	(tag) =	ssettag $0x0;
	lr =	simm.s32 $0x1  }
0x2: {  	[smem:$0x3FA0] =	sst lr;
	_ =	strace $0xD0000000  }
0x3: {  	_ = 	snop  }
0x4: {  	_ = 	snop  }
0x5: {  	_ = 	snop  }
0x6: {  	_ = 	snop  }
0x7: {  	_ = 	snop  }
__scs_overlays_trampoline_lowered:
0x8: {  	[smem:$0x3FAF] =	sst s0  }
0x9: {  	[smem:$0x3FB0] =	sst s1  }
0xa: {  	[smem:$0x3FB1] =	sst s2  }
0xb: {  	[smem:$0x3FB2] =	sst s3  }
0xc: {  	[smem:$0x3FB3] =	sst s4  }
0xd: {  	[smem:$0x3FB4] =	sst s5  }
0xe: {  	[smem:$0x3FB5] =	sst s6  }
0xf: {  	[smem:$0x3FB6] =	sst s7  }
0x10: {  	[smem:$0x3FB7] =	sst s8  }
0x11: {  	[smem:$0x3FB8] =	sst s9;
	s0 =	simm.s32 @!p0 $0x0  }
0x12: {  	s1 =	sld [smem:$0x3F9E];
	s0 =	simm.s32 @p0 $0x1  }
0x13: {  	[smem:$0x3FB9] =	sst s0;
	s0 =	simm.s32 @!p1 $0x0  }
0x14: {  	s2 =	sld [smem:$0x3F9D];
	s0 =	simm.s32 @p1 $0x1  }
0x15: {  	[smem:$0x3FBA] =	sst s0;
	s0 =	simm.s32 @!p2 $0x0  }
0x16: {  	s3 =	sld [smem:$0x3FDB];
	s0 =	simm.s32 @p2 $0x1  }
0x17: {  	s4 =	simm.s32 $0x1BF5;
	[smem:$0x3FBC] =	sst s0  }
0x18: {  	s0 =	sld [smem:$0x3F9F];
	_ =	swait.ge [sflag:s4], $0x0  }
0x19: {  	s7 =	sld [smem:$0x3FA0]  }
0x1a: {  	s8 =	sadd.s32 $0xFFFFE003, lr  }
0x1b: {  	s9 =	sadd.s32 $0xFFFFFEF7, lr;
	s5 =	simm.s32 $0xFFFFFFFF;
	p2 =	slt.u32 s8, $0xFFFFF086  }
0x1c: {  	p1 =	slt.u32 s9, $0xF7A;
	s5 =	simm.s32 @!p2 $0x0  }
0x1d: {  	s5 =	simm.s32 @p1 $0x1;
	p0 =	seq.s32 s7, s2  }
0x1e: {  	s7 =	smul.u32 @!p0 $0xF7A, s2;
	p2 =	seq.s32 @!p0 s5, $0x0  }
0x1f: {  	s9 =	smul.u32 $0xF7A, s1;
	s8 =	simm.s32 @!p0 $0x1BF5;
	p2 =	por !p2, p0  }
0x20: {  	[sflag:s8] =	ssyncset.s32 @!p0 $0xFFFFF086;
	s6 =	sadd.s32 @!p0 s3, s7;
	s7 =	simm.s32 @!p0 $0x108  }
0x21: {  	s3 =	sadd.s32 s3, s9;
	s6 =	sadd.s32 @!p0 $0x88, s6;
	s7 =	simm.s32 @p2 $0x1082  }
0x22: {  	[simem:s7], [sflag:s8] =	dma.local @!p0 [hbm:s6], $0xF7A  }
0x23: {  	s9 =	sor.u32 $0xD0000000, s2;
	s6 =	simm.s32 $0x108;
	_ =	swait.ge @!p0 [sflag:s8], $0x0  }
0x24: {  	s3 =	sadd.s32 $0x88, s3;
	s6 =	simm.s32 @!p1 $0x1082;
	[sflag:s4] =	ssyncset.s32 $0xFFFFF086  }
0x25: {  	[simem:s6], [sflag:s4] =	dma.local [hbm:s3], $0xF7A  }
0x26: {  	[smem:$0x3FA0] =	sst s1;
	(tag) =	ssettag s2;
	_ =	strace s9  }
0x27: {  	s1 =	sld [smem:$0x3FB0]  }
0x28: {  	s2 =	sld [smem:$0x3FB1]  }
0x29: {  	s4 =	sld [smem:$0x3FB3]  }
0x2a: {  	p0 =	seq.s32 s5, $0x0;
	s5 =	sld [smem:$0x3FB4]  }
0x2b: {  	s6 =	sld [smem:$0x3FB5]  }
0x2c: {  	s7 =	sld [smem:$0x3FB6]  }
0x2d: {  	s3 =	simm.s32 $0x108;
	s8 =	sld [smem:$0x3FB7]  }
0x2e: {  	s3 =	simm.s32 @!p0 $0x1082;
	s9 =	sld [smem:$0x3FB8]  }
0x2f: {  	lr =	sadd.s32 s0, s3;
	s0 =	sld [smem:$0x3FAF]  }
0x30: {  	s3 =	sld [smem:$0x3FB2]  }
0x31: {  	[smem:$0x3FBB] =	sst s10  }
0x32: {  	s10 =	sld [smem:$0x3FB9];
	_ =	sdelay $0x3  }
0x33: {  	p0 =	seq.s32 s10, $0x1;
	s10 =	sld [smem:$0x3FBB];
	_ =	sdelay $0x3  }
0x34: {  	[smem:$0x3FBB] =	sst s10  }
0x35: {  	s10 =	sld [smem:$0x3FBA];
	_ =	sdelay $0x3  }
0x36: {  	p1 =	seq.s32 s10, $0x1;
	s10 =	sld [smem:$0x3FBB];
	_ =	sdelay $0x3  }
0x37: {  	[smem:$0x3FBB] =	sst s10  }
0x38: {  	s10 =	sld [smem:$0x3FBC]  }
0x39: {  	_ = 	snop;
	(pc) =	sbr.ind lr, $3  }
0x3a: {  	_ = 	snop  }
0x3b: {  	_ = 	snop  }
0x3c: {  	p2 =	seq.s32 s10, $0x1;
	s10 =	sld [smem:$0x3FBB]  }
0x3d: {  	_ =	shalt  }
0x3e: {  	_ =	shalt  }
0x3f: {  	_ =	shalt  }
0x40: {  	_ =	shalt  }
0x41: {  	_ =	shalt  }
0x42: {  	_ =	shalt  }
0x43: {  	_ =	shalt  }
0x44: {  	_ =	shalt  }
0x45: {  	_ =	shalt  }
0x46: {  	_ =	shalt  }
0x47: {  	_ =	shalt  }
0x48: {  	_ =	shalt  }
0x49: {  	_ =	shalt  }
0x4a: {  	_ =	shalt  }
0x4b: {  	_ =	shalt  }
0x4c: {  	_ =	shalt  }
0x4d: {  	_ =	shalt  }
0x4e: {  	_ =	shalt  }
0x4f: {  	_ =	shalt  }
0x50: {  	_ =	shalt  }
0x51: {  	_ =	shalt  }
0x52: {  	_ =	shalt  }
0x53: {  	_ =	shalt  }
0x54: {  	_ =	shalt  }
0x55: {  	_ =	shalt  }
0x56: {  	_ =	shalt  }
0x57: {  	_ =	shalt  }
0x58: {  	_ =	shalt  }
0x59: {  	_ =	shalt  }
0x5a: {  	_ =	shalt  }
0x5b: {  	_ =	shalt  }
0x5c: {  	_ =	shalt  }
0x5d: {  	_ =	shalt  }
0x5e: {  	_ =	shalt  }
0x5f: {  	_ =	shalt  }
0x60: {  	_ =	shalt  }
0x61: {  	_ =	shalt  }
0x62: {  	_ =	shalt  }
0x63: {  	_ =	shalt  }
0x64: {  	_ =	shalt  }
0x65: {  	_ =	shalt  }
0x66: {  	_ =	shalt  }
0x67: {  	_ =	shalt  }
0x68: {  	_ =	shalt  }
0x69: {  	_ =	shalt  }
0x6a: {  	_ =	shalt  }
0x6b: {  	_ =	shalt  }
0x6c: {  	_ =	shalt  }
0x6d: {  	_ =	shalt  }
0x6e: {  	_ =	shalt  }
0x6f: {  	_ =	shalt  }
0x70: {  	_ =	shalt  }
0x71: {  	_ =	shalt  }
0x72: {  	_ =	shalt  }
0x73: {  	_ =	shalt  }
0x74: {  	_ =	shalt  }
0x75: {  	_ =	shalt  }
0x76: {  	_ =	shalt  }
0x77: {  	_ =	shalt  }
0x78: {  	_ =	shalt  }
0x79: {  	_ =	shalt  }
0x7a: {  	_ =	shalt  }
0x7b: {  	_ =	shalt  }
0x7c: {  	_ =	shalt  }
0x7d: {  	_ =	shalt  }
0x7e: {  	_ =	shalt  }
0x7f: {  	_ =	shalt  }
0x80: {  	_ =	shalt  }
0x81: {  	_ =	shalt  }
0x82: {  	_ =	shalt  }
0x83: {  	_ =	shalt  }
0x84: {  	_ =	shalt  }
0x85: {  	_ =	shalt  }
0x86: {  	_ =	shalt  }
0x87: {  	_ =	shalt  }
.Lfunc_end0:
.L_simem_size_0:
called_computation_lowered:
.L_overlay_start_0:
0x88: {  	s2 =	sld [smem:$0x3FD9]  }
0x89: {  	s3 =	sld [smem:$0x3FFE];
	_ =	sdelay $0x1  }
0x8a: {  	s1 =	srdreg.scid  }
0x8b: {  	s0 =	sand.u32 $0x1, s1  }
0x8c: {  	s17 =	sshll.u32 s0, $0xA;
	s2 =	sadd.s32 s3, s2  }
0x8d: {  	s2 =	sadd.s32 s2, s17  }
0x8e: {  	[smem:$0x3FC7] =	sst s2  }
0x8f: {  	_ = 	snop  }
0x90: {  	s2 =	sld [smem:$0x3FD0];
	(tm) =	ssettm $0x1  }
0x91: {  	s18 =	sld [smem:$0x3FFB];
	_ =	sdelay $0x3  }
0x92: {  	_ =	strace s18  }
0x93: {  	s3 =	sld [smem:$0x3FFC];
	_ =	sdelay $0x3  }
0x94: {  	_ =	strace s3  }
0x95: {  	s3 =	sld [smem:$0x3FFD];
	_ =	sdelay $0x3  }
0x96: {  	_ =	strace s3  }
0x97: {  	_ =	strace $0x8FFFFFFF  }
0x98: {  	s19 =	sld [smem:$0x3FDB];
	_ =	sdelay $0x1  }
0x99: {  	s4 =	simm.s32 $_scs_section_size  }
0x9a: {  	s5 =	simm.s32 $_size__tile_overlayer_lowered;
	s6 =	simm.s32 $_tile_overlayer_lowered  }
0x9b: {  	s22 =	simm.s32 $0x1BFF;
	s21 =	sshll.u32 s6, $0x1;
	s3 =	sadd.s32 s4, s19  }
0x9c: {  	s7 =	simm.s32 $0x0;
	s20 =	sshll.u32 s5, $0x1;
	s5 =	sadd.s32 s21, s3  }
0x9d: {  	[timem:s7], [sflag:s22] =	dma.local [hbm:s5], s20  }
0x9e: {  	_ =	swait.ge [sflag:s22], s20  }
0x9f: {  	s4 =	ssub.s32 $0x0, s20;
	[sflag:s22] =	ssyncset.done $0x0  }
0xa0: {  	[sflag:s22] =	ssyncadd.s32 s4;
	_ =	sdelay $0x1  }
0xa1: {  	s23 =	simm.s32 $0x1B8B  }
0xa2: {  	_ =	swait.ge [sflag:s23], $0x1  }
0xa3: {  	[sflag:s23] =	ssyncset.done $0x0  }
0xa4: {  	s25 =	simm.s32 $0x1B8E;
	s24 =	sld [smem:$0x3FFE];
	[sflag:s23] =	ssyncadd.s32 $0xFFFFFFFF  }
0xa5: {  	s26 =	simm.s32 $execute0_lowered;
	[smem:$0x3FD2] =	sst s25  }
0xa6: {  	s5 =	sshll.u32 s26, $0x1;
	_ =	strace $0x80000046;
	[dreg:$0x1] =	wrdreg $0xFFFFFFFF  }
0xa7: {  	s28 =	simm.s32 $_size_execute0_lowered;
	s3 =	sadd.s32 s3, s5;
	[dreg:$0x0] =	wrdreg $0x0  }
0xa8: {  	s5 =	sshll.u32 s28, $0x1;
	[dreg:$0x2] =	wrdreg s3  }
0xa9: {  	[dreg:$0x3] =	wrdreg s5  }
0xaa: {  	[dreg:$0x4] =	wrdreg $0xC0  }
0xab: {  	_ =	task [dreg:s7], $0x5FFFF  }
0xac: {  	[dreg:$0x1] =	wrdreg $0xFFFFFFFF  }
0xad: {  	[dreg:$0x0] =	wrdreg $0x60  }
0xae: {  	[dreg:$0x2] =	wrdreg s24  }
0xaf: {  	[dreg:$0x3] =	wrdreg s2  }
0xb0: {  	[dreg:$0x4] =	wrdreg $0x9  }
0xb1: {  	_ =	task.clear_ibuf [dreg:s7], $0x5FFFF;
	_ =	strace $0x90000046  }
0xb2: {  	s29 =	simm.s32 $0x9;
	_ =	strace $0x80000048  }
0xb3: {  	_ =	swait.ge [sflag:s29], $0x1  }
0xb4: {  	[sflag:s29] =	ssyncadd.s32 $0xFFFFFFFF  }
0xb5: {  	_ =	strace $0x90000048  }
0xb6: {  	_ =	sfence  }
0xb7: {  	s30 =	sld [smem:$0x0];
	_ =	sdelay $0x2  }
0xb8: {  	s31 =	sshll.u32 s1, $0xD;
	s1 =	sshrl.u32 s1, $0x2  }
0xb9: {  	s3 =	sand.u32 $0x4000, s31;
	s1 =	sadd.s32 s1, s30  }
0xba: {  	s0 =	sor.u32 s3, s0;
	s1 =	sshll.u32 s1, $0x11  }
0xbb: {  	s0 =	sor.u32 s1, s0  }
0xbc: {  	s0 =	sadd.s32 $0x8F2B, s0  }
0xbd: {  	[sflag:s0] =	ssyncadd.remote.s32 $0x1  }
0xbe: {  	_ =	sfence.sel $0xFFFF  }
0xbf: {  	[dreg:$0x0] =	wrdreg $0xFFFFFFFF;
	(pc) =	sbr.abs _section_cstart, $3  }
0xc0: {  	[dreg:$0x1] =	wrdreg $0xFFFFFFFF  }
0xc1: {  	_ =	task.clear_ibuf [dreg:s7], $0x2FFFF;
	_ =	strace $0x9FFFFFFF  }
0xc2: {  	(tm) =	ssettm $0x7FFFFFFF  }
0xc3: {  	_ =	shalt  }
tec
execute0_lowered:
.L_overlay_start_1:
0x0: {  	(tag) =	ssettag $0x1  }
0x1: {  	s5 =	rddreg [dreg:$0x0]  }
0x2: {  	s7 =	rddreg [dreg:$0x1]  }
0x3: {  	s0 =	rddreg [dreg:$0x2]  }
0x4: {  	s3 =	srdreg.scid;
	s1 =	stileid.u32;
	s2 =	simm.s32 $0x0  }
0x5: {  	s12 =	simm.s32 $0x10000;
	s13 =	simm.s32 $0x18000;
	s14 =	simm.s32 $0x19400  }
0x6: {  	s15 =	simm.s32 $0x1AC00;
	s4 =	sand.u32 $0x1, s3;
	s31 =	sshll.u32 s1, $0x1  }
0x7: {  	s16 =	simm.s32 $0x0;
	[smem:$0x7FF] =	sst s2;
	s6 =	sor.u32 s4, s31  }
0x8: {  	s3 =	sadd.s32 $0xC00, s5;
	s4 =	ssub.s32 $0x2, s4;
	s8 =	smul.u32 $0x280, s6  }
0x9: {  	_ =	strace $0x80000047;
	s9 =	smul.u32 $0x780, s6;
	s10 =	sshrl.u32 s4, $0x1  }
0xa: {  	s11 =	smul.u32 $0x300, s6;
	s10 =	ssub.s32 s4, s10;
	s4 =	sadd.s32 $0x1C00, s5  }
0xb: {  	s8 =	sadd.s32 s8, s5;
	s9 =	sadd.s32 s9, s5;
	s5 =	sadd.s32 $0x2C00, s5  }
0xc: {  	s7 =	sadd.s32 s7, s11;
	s11 =	simm.s32 $0x8000;
	s6 =	sadd.s32 $0x3C00, s8  }
0xd: {  	s8 =	sadd.s32 $0x8C00, s9;
	s9 =	smax.u32 s10, $0x1;
	s10 =	simm.s32 $0x1  }
.LBB2_1:
0xe: {  	[tilespmem:s2], [sflag:$0x1] =	stream.linear.gather [hbm4b:s3+s2], $0x8000, $0x38;
	[tilespmem:$0x1E800] =	vst v63  }
0xf: {  	_ =	swait.ge [sflag:s10], $0x8000  }
0x10: {  	[sflag:s10] =	ssyncset.done $0x0  }
0x11: {  	[sflag:s10] =	ssyncadd.s32 $0xFFFF8000  }
0x12: {  	[tilespmem:s11], [sflag:$0x1] =	stream.linear.gather [hbm4b:s4+s2], $0x8000, $0x38;
	[tilespmem:$0x1E800] =	vst v63  }
0x13: {  	_ =	swait.ge [sflag:s10], $0x8000  }
0x14: {  	[sflag:s10] =	ssyncset.done $0x0  }
0x15: {  	[sflag:s10] =	ssyncadd.s32 $0xFFFF8000  }
0x16: {  	[tilespmem:s12], [sflag:$0x1] =	stream.linear.gather [hbm4b:s5+s2], $0x8000, $0x38;
	[tilespmem:$0x1E800] =	vst v63  }
0x17: {  	_ =	swait.ge [sflag:s10], $0x8000  }
0x18: {  	[sflag:s10] =	ssyncset.done $0x0  }
0x19: {  	[sflag:s10] =	ssyncadd.s32 $0xFFFF8000  }
0x1a: {  	[tilespmem:s13], [sflag:$0x1] =	stream.linear.gather [hbm4b:s6+s2], $0x1400, $0x38;
	[tilespmem:$0x1E800] =	vst v63  }
0x1b: {  	_ =	swait.ge [sflag:s10], $0x1400  }
0x1c: {  	s17 =	simm.s32 $0x1B800;
	s18 =	simm.s32 $0x1A000;
	[sflag:s10] =	ssyncset.done $0x0  }
0x1d: {  	s19 =	simm.s32 $0x18800;
	s20 =	simm.s32 $0x0;
	[sflag:s10] =	ssyncadd.s32 $0xFFFFEC00  }
.LBB2_2:
0x1e: {  	v0 =	vld [tilespmem:s19+$0xFFFFF800];
	_ =	sdelay $0x7  }
0x1f: {  	v3 =	vld.idx.msk [tilespmem:v0+s2+$0x0], $0xffff  }
0x20: {  	v4 =	vld.idx.msk [tilespmem:v0+s11+$0x0], $0xffff  }
0x21: {  	v5 =	vld.idx.msk [tilespmem:v0+s12+$0x0], $0xffff;
	_ =	sdelay $0x2  }
0x22: {  	[tilespmem:s17+$0xFFFFF400] =	vst v3  }
0x23: {  	[tilespmem:s17+$0xFFFFF800] =	vst v4  }
0x24: {  	[tilespmem:s17+$0xFFFFFC00] =	vst v5  }
0x25: {  	v60 =	vld [tilespmem:s19+$0xFFFFFC00];
	_ =	sdelay $0x7  }
0x26: {  	v6 =	vld.idx.msk [tilespmem:v60+s2+$0x0], $0xffff  }
0x27: {  	v7 =	vld.idx.msk [tilespmem:v60+s11+$0x0], $0xffff  }
0x28: {  	v8 =	vld.idx.msk [tilespmem:v60+s12+$0x0], $0xffff;
	_ =	sdelay $0x2  }
0x29: {  	[tilespmem:s17+$0x0] =	vst v6  }
0x2a: {  	[tilespmem:s17+$0x400] =	vst v7  }
0x2b: {  	[tilespmem:s17+$0x800] =	vst v8  }
0x2c: {  	v61 =	vld [tilespmem:s19+$0x0];
	_ =	sdelay $0x7  }
0x2d: {  	v9 =	vld.idx.msk [tilespmem:v61+s2+$0x0], $0xffff  }
0x2e: {  	v10 =	vld.idx.msk [tilespmem:v61+s11+$0x0], $0xffff  }
0x2f: {  	v11 =	vld.idx.msk [tilespmem:v61+s12+$0x0], $0xffff;
	_ =	sdelay $0x1  }
0x30: {  	s21 =	sand.u32 $0x3F0, s20  }
0x31: {  	[tilespmem:s21+$0x1C400] =	vst v9  }
0x32: {  	[tilespmem:s21+$0x1C800] =	vst v10  }
0x33: {  	[tilespmem:s21+$0x1CC00] =	vst v11  }
0x34: {  	v62 =	vld [tilespmem:s19+$0x400];
	_ =	sdelay $0x7  }
0x35: {  	v12 =	vld.idx.msk [tilespmem:v62+s2+$0x0], $0xffff  }
0x36: {  	v13 =	vld.idx.msk [tilespmem:v62+s11+$0x0], $0xffff  }
0x37: {  	v14 =	vld.idx.msk [tilespmem:v62+s12+$0x0], $0xffff;
	_ =	sdelay $0x2  }
0x38: {  	[tilespmem:s21+$0x1D000] =	vst v12  }
0x39: {  	[tilespmem:s21+$0x1D400] =	vst v13  }
0x3a: {  	[tilespmem:s21+$0x1D800] =	vst v14  }
0x3b: {  	v1 =	vld [tilespmem:s19+$0x800];
	_ =	sdelay $0x7  }
0x3c: {  	v2 =	vld.idx.msk [tilespmem:v1+s2+$0x0], $0xffff;
	_ =	sdelay $0x1  }
0x3d: {  	v63 =	vld.idx.msk [tilespmem:v1+s11+$0x0], $0xffff  }
0x3e: {  	v1 =	vld.idx.msk [tilespmem:v1+s12+$0x0], $0xffff;
	_ =	sdelay $0x1  }
0x3f: {  	v15 =	vadd.f32 v2, v3  }
0x40: {  	v16 =	vadd.f32 v12, v6  }
0x41: {  	v17 =	vadd.f32 v13, v7;
	v15 =	vadd.f32 v15, v9  }
0x42: {  	v24 =	vadd.f32 v63, v4;
	v18 =	vadd.f32 v1, v5  }
0x43: {  	v19 =	vadd.f32 v14, v8;
	v15 =	vadd.f32 v15, v16  }
0x44: {  	v25 =	vadd.f32 v18, v11;
	v16 =	vadd.f32 v24, v10  }
0x45: {  	v15 =	vmul.f32 $2.000000030e-01, v15  }
0x46: {  	v16 =	vadd.f32 v16, v17;
	v17 =	vadd.f32 v25, v19  }
0x47: {  	v3 =	vsub.f32 v3, v15;
	v6 =	vsub.f32 v6, v15  }
0x48: {  	v16 =	vmul.f32 $2.000000030e-01, v16;
	v9 =	vsub.f32 v9, v15;
	v12 =	vsub.f32 v12, v15  }
0x49: {  	v17 =	vmul.f32 $2.000000030e-01, v17;
	v15 =	vsub.f32 v2, v15;
	v26 =	vshrl.u32 v3, $0x10  }
0x4a: {  	v27 =	vshrl.u32 v6, $0x10;
	v4 =	vsub.f32 v4, v16;
	v7 =	vsub.f32 v7, v16  }
0x4b: {  	v28 =	vshrl.u32 v9, $0x10;
	v10 =	vsub.f32 v10, v16;
	v13 =	vsub.f32 v13, v16  }
0x4c: {  	v29 =	vshrl.u32 v12, $0x10;
	v16 =	vsub.f32 v63, v16;
	v5 =	vsub.f32 v5, v17  }
0x4d: {  	v30 =	vshrl.u32 v15, $0x10;
	v8 =	vsub.f32 v8, v17;
	v11 =	vsub.f32 v11, v17  }
0x4e: {  	v14 =	vsub.f32 v14, v17;
	v17 =	vsub.f32 v1, v17;
	v18 =	vand.u32 $0x1, v26  }
0x4f: {  	v19 =	vand.u32 $0x1, v29;
	v3 =	vadd.s32 v18, v3;
	v18 =	vand.u32 $0x1, v27  }
0x50: {  	v12 =	vadd.s32 v19, v12;
	v31 =	vshrl.u32 v4, $0x10;
	v32 =	vshrl.u32 v7, $0x10  }
0x51: {  	v33 =	vshrl.u32 v10, $0x10;
	v34 =	vshrl.u32 v13, $0x10;
	v35 =	vshrl.u32 v16, $0x10  }
0x52: {  	v36 =	vshrl.u32 v5, $0x10;
	v37 =	vshrl.u32 v8, $0x10;
	v38 =	vshrl.u32 v11, $0x10  }
0x53: {  	v39 =	vshrl.u32 v14, $0x10;
	v44 =	vshrl.u32 v17, $0x10;
	v3 =	vadd.s32 $0x7FFF, v3  }
0x54: {  	v6 =	vadd.s32 v18, v6;
	v18 =	vand.u32 $0x1, v28;
	v12 =	vadd.s32 $0x7FFF, v12  }
0x55: {  	v19 =	vand.u32 $0x1, v32;
	v3 =	vand.u32 $0xFFFF0000, v3;
	v6 =	vadd.s32 $0x7FFF, v6  }
0x56: {  	v9 =	vadd.s32 v18, v9;
	v18 =	vand.u32 $0x1, v30;
	v12 =	vand.u32 $0xFFFF0000, v12  }
0x57: {  	v7 =	vadd.s32 v19, v7;
	v19 =	vand.u32 $0x1, v35;
	v6 =	vand.u32 $0xFFFF0000, v6  }
0x58: {  	v9 =	vadd.s32 $0x7FFF, v9;
	v15 =	vadd.s32 v18, v15;
	v18 =	vand.u32 $0x1, v31  }
0x59: {  	v7 =	vadd.s32 $0x7FFF, v7;
	v16 =	vadd.s32 v19, v16;
	v19 =	vand.u32 $0x1, v38  }
0x5a: {  	v40 =	vmul.f32 v3, v3;
	v21 =	vmul.f32 v12, v12;
	v9 =	vand.u32 $0xFFFF0000, v9  }
0x5b: {  	v15 =	vadd.s32 $0x7FFF, v15;
	v4 =	vadd.s32 v18, v4;
	v18 =	vand.u32 $0x1, v33  }
0x5c: {  	v7 =	vand.u32 $0xFFFF0000, v7;
	v16 =	vadd.s32 $0x7FFF, v16;
	v11 =	vadd.s32 v19, v11  }
0x5d: {  	v41 =	vmul.f32 v6, v6;
	v15 =	vand.u32 $0xFFFF0000, v15;
	v4 =	vadd.s32 $0x7FFF, v4  }
0x5e: {  	v10 =	vadd.s32 v18, v10;
	v18 =	vand.u32 $0x1, v34;
	v16 =	vand.u32 $0xFFFF0000, v16  }
0x5f: {  	v11 =	vadd.s32 $0x7FFF, v11;
	v20 =	vmul.f32 v9, v9;
	v22 =	vmul.f32 v7, v6  }
0x60: {  	v48 =	vmul.f32 v7, v7;
	v4 =	vand.u32 $0xFFFF0000, v4;
	v10 =	vadd.s32 $0x7FFF, v10  }
0x61: {  	v13 =	vadd.s32 v18, v13;
	v18 =	vand.u32 $0x1, v36;
	v45 =	vmul.f32 v15, v15  }
0x62: {  	v11 =	vand.u32 $0xFFFF0000, v11;
	v46 =	vmul.f32 v16, v15;
	v56 =	vmul.f32 v16, v16  }
0x63: {  	v10 =	vand.u32 $0xFFFF0000, v10;
	v13 =	vadd.s32 $0x7FFF, v13;
	v5 =	vadd.s32 v18, v5  }
0x64: {  	v18 =	vand.u32 $0x1, v37;
	v42 =	vmul.f32 v4, v3;
	v20 =	vadd.f32 v21, v20  }
0x65: {  	v47 =	vmul.f32 v4, v4;
	v52 =	vmul.f32 v11, v11;
	v13 =	vand.u32 $0xFFFF0000, v13  }
0x66: {  	v5 =	vadd.s32 $0x7FFF, v5;
	v8 =	vadd.s32 v18, v8;
	v43 =	vmul.f32 v10, v9  }
0x67: {  	v18 =	vand.u32 $0x1, v39;
	v9 =	vmul.f32 v11, v9;
	v49 =	vmul.f32 v10, v10  }
0x68: {  	v10 =	vmul.f32 v11, v10;
	v5 =	vand.u32 $0xFFFF0000, v5;
	v8 =	vadd.s32 $0x7FFF, v8  }
0x69: {  	v14 =	vadd.s32 v18, v14;
	v18 =	vadd.f32 v41, v40;
	v23 =	vmul.f32 v13, v12  }
0x6a: {  	v19 =	vadd.f32 v22, v42;
	v22 =	vand.u32 $0x1, v44;
	v50 =	vmul.f32 v13, v13  }
0x6b: {  	v51 =	vadd.f32 v48, v47;
	v8 =	vand.u32 $0xFFFF0000, v8;
	v14 =	vadd.s32 $0x7FFF, v14  }
0x6c: {  	v3 =	vmul.f32 v5, v3;
	v17 =	vadd.s32 v22, v17;
	v4 =	vmul.f32 v5, v4  }
0x6d: {  	v5 =	vmul.f32 v5, v5;
	v14 =	vand.u32 $0xFFFF0000, v14;
	v21 =	vadd.f32 v23, v43  }
0x6e: {  	v18 =	vadd.f32 v20, v18;
	v6 =	vmul.f32 v8, v6;
	v7 =	vmul.f32 v8, v7  }
0x6f: {  	v17 =	vadd.s32 $0x7FFF, v17;
	v8 =	vmul.f32 v8, v8;
	v12 =	vmul.f32 v14, v12  }
0x70: {  	v17 =	vand.u32 $0xFFFF0000, v17;
	v19 =	vadd.f32 v21, v19;
	v18 =	vadd.f32 v18, v45  }
0x71: {  	v13 =	vmul.f32 v14, v13;
	v3 =	vadd.f32 v6, v3;
	v6 =	vadd.f32 v50, v49  }
0x72: {  	v53 =	vmul.f32 v14, v14;
	v4 =	vadd.f32 v7, v4;
	v5 =	vadd.f32 v8, v5  }
0x73: {  	v54 =	vmul.f32 v17, v15;
	v9 =	vadd.f32 v12, v9;
	v55 =	vadd.f32 v13, v10  }
0x74: {  	v59 =	vmul.f32 v17, v16;
	v57 =	vadd.f32 v53, v52;
	v6 =	vadd.f32 v6, v51  }
0x75: {  	[tilespmem:s21+$0x1DC00] =	vst v2;
	v61 =	vmul.f32 v17, v17;
	v19 =	vadd.f32 v19, v46;
	v3 =	vadd.f32 v9, v3  }
0x76: {  	[tilespmem:s21+$0x1E000] =	vst v63;
	v18 =	vmul.f32 $2.000000030e-01, v18;
	v4 =	vadd.f32 v55, v4;
	v60 =	vadd.f32 v6, v56  }
0x77: {  	[tilespmem:s21+$0x1E400] =	vst v1;
	v5 =	vadd.f32 v57, v5;
	v19 =	vmul.f32 $2.000000030e-01, v19;
	v58 =	vadd.f32 v3, v54  }
0x78: {  	p0 =	sne.s32 s20, $0x3F0;
	[tilespmem:s18+$0xFFFFF400] =	vst v18;
	v3 =	vadd.f32 v4, v59;
	v1 =	vmul.f32 $2.000000030e-01, v60  }
.Ltmp0:
0x79: {  	v2 =	vadd.f32 v5, v61;
	[tilespmem:s18+$0xFFFFF800] =	vst v19;
	v0 =	vmul.f32 $2.000000030e-01, v58;
	(pc) =	sbr.rel @p0 .LBB2_2-.Ltmp0, $4  }
0x7a: {  	v62 =	vmul.f32 $2.000000030e-01, v3;
	[tilespmem:s18+$0x0] =	vst v1  }
0x7b: {  	v63 =	vmul.f32 $2.000000030e-01, v2;
	[tilespmem:s18+$0xFFFFFC00] =	vst v0  }
0x7c: {  	s20 =	sadd.s32 $0x10, s20;
	[tilespmem:s18+$0x400] =	vst v62  }
0x7d: {  	s17 =	sadd.s32 $0x10, s17;
	s19 =	sadd.s32 $0x10, s19;
	[tilespmem:s18+$0x800] =	vst v63;
	s18 =	sadd.s32 $0x10, s18  }
0x7e: {  	[hbm4b:s7+s2] =	stream.linear.scatter [tilespmem:s14], [sflag:$0x1], $0x1800, $0x38;
	[tilespmem:$0x1E800] =	vst v63  }
0x7f: {  	s16 =	sadd.s32 $0x1, s16;
	_ =	swait.ge [sflag:s10], $0x1800  }
0x80: {  	p0 =	sne.s32 s16, s9;
	[sflag:s10] =	ssyncset.done $0x0  }
.Ltmp1:
0x81: {  	[sflag:s10] =	ssyncadd.s32 $0xFFFFE800;
	(pc) =	sbr.rel @p0 .LBB2_1-.Ltmp1, $4  }
0x82: {  	[hbm4b:s8+s2] =	stream.linear.scatter [tilespmem:s15], [sflag:$0x1], $0x3C00, $0x38;
	[tilespmem:$0x1E800] =	vst v63  }
0x83: {  	_ =	swait.ge [sflag:s10], $0x3C00  }
0x84: {  	[sflag:s10] =	ssyncset.done $0x0  }
0x85: {  	[sflag:s10] =	ssyncadd.s32 $0xFFFFC400  }
0x86: {  	_ =	sfence.sel $0x180000  }
0x87: {  	[bflag:$0x0] =	sbarrier.arrive $0xFFFF  }
0x88: {  	p0 =	sne.s32 s1, $0x0;
	_ =	strace $0x90000047  }
0x89: {  	s0 =	sadd.s32 @!p0 $0x100000, s0;
	[bflag:$0x2] =	sbarrier.arrive $0xFFFF  }
0x8a: {  	[sflag:s0] =	ssyncadd.tile.s32 @!p0 $0x1;
	_ =	shalt  }
.Lfunc_end2:
_tile_overlayer_lowered:
.L_overlay_start_2:
0x8b: {  	(tag) =	ssettag $0x2  }
0x8c: {  	s0 =	rddreg [dreg:$0x0];
	s2 =	stileid.u32  }
0x8d: {  	s1 =	rddreg [dreg:$0x1];
	p0 =	sne.s32 s2, $0x0  }
0x8e: {  	s3 =	rddreg [dreg:$0x2];
	[bflag:$0x3] =	sbarrier.arrive $0xFFFF;
	s2 =	simm.s32 @!p0 $0x1C01  }
0x8f: {  	[timem:s3], [sflag:s2] =	dma.local @!p0 [hbm:s0], s1  }
0x90: {  	s0 =	simm.s32 @!p0 $0x1  }
0x91: {  	_ =	swait.ge @!p0 [sflag:s0], s1  }
0x92: {  	s1 =	ssub.s32 @!p0 $0x0, s1;
	[sflag:s0] =	ssyncset.done @!p0 $0x0  }
0x93: {  	[sflag:s0] =	ssyncadd.s32 @!p0 s1  }
0x94: {  	[bflag:$0x3] =	sbarrier.arrive $0xFFFF  }
0x95: {  	_ =	shalt  }

// kernel: kernel.9.cloned.1.call-start
scs
__scs_entry_jumppad:
0x0: {  	(pc) =	sbr.rel $0x88, $3  }
0x1: {  	(tag) =	ssettag $0x0;
	lr =	simm.s32 $0x1  }
0x2: {  	[smem:$0x3FA0] =	sst lr;
	_ =	strace $0xD0000000  }
0x3: {  	_ = 	snop  }
0x4: {  	_ = 	snop  }
0x5: {  	_ = 	snop  }
0x6: {  	_ = 	snop  }
0x7: {  	_ = 	snop  }
__scs_overlays_trampoline_lowered:
0x8: {  	[smem:$0x3FAF] =	sst s0  }
0x9: {  	[smem:$0x3FB0] =	sst s1  }
0xa: {  	[smem:$0x3FB1] =	sst s2  }
0xb: {  	[smem:$0x3FB2] =	sst s3  }
0xc: {  	[smem:$0x3FB3] =	sst s4  }
0xd: {  	[smem:$0x3FB4] =	sst s5  }
0xe: {  	[smem:$0x3FB5] =	sst s6  }
0xf: {  	[smem:$0x3FB6] =	sst s7  }
0x10: {  	[smem:$0x3FB7] =	sst s8  }
0x11: {  	[smem:$0x3FB8] =	sst s9;
	s0 =	simm.s32 @!p0 $0x0  }
0x12: {  	s1 =	sld [smem:$0x3F9E];
	s0 =	simm.s32 @p0 $0x1  }
0x13: {  	[smem:$0x3FB9] =	sst s0;
	s0 =	simm.s32 @!p1 $0x0  }
0x14: {  	s2 =	sld [smem:$0x3F9D];
	s0 =	simm.s32 @p1 $0x1  }
0x15: {  	[smem:$0x3FBA] =	sst s0;
	s0 =	simm.s32 @!p2 $0x0  }
0x16: {  	s3 =	sld [smem:$0x3FDB];
	s0 =	simm.s32 @p2 $0x1  }
0x17: {  	s4 =	simm.s32 $0x1BF5;
	[smem:$0x3FBC] =	sst s0  }
0x18: {  	s0 =	sld [smem:$0x3F9F];
	_ =	swait.ge [sflag:s4], $0x0  }
0x19: {  	s7 =	sld [smem:$0x3FA0]  }
0x1a: {  	s8 =	sadd.s32 $0xFFFFE003, lr  }
0x1b: {  	s9 =	sadd.s32 $0xFFFFFEF7, lr;
	s5 =	simm.s32 $0xFFFFFFFF;
	p2 =	slt.u32 s8, $0xFFFFF086  }
0x1c: {  	p1 =	slt.u32 s9, $0xF7A;
	s5 =	simm.s32 @!p2 $0x0  }
0x1d: {  	s5 =	simm.s32 @p1 $0x1;
	p0 =	seq.s32 s7, s2  }
0x1e: {  	s7 =	smul.u32 @!p0 $0xF7A, s2;
	p2 =	seq.s32 @!p0 s5, $0x0  }
0x1f: {  	s9 =	smul.u32 $0xF7A, s1;
	s8 =	simm.s32 @!p0 $0x1BF5;
	p2 =	por !p2, p0  }
0x20: {  	[sflag:s8] =	ssyncset.s32 @!p0 $0xFFFFF086;
	s6 =	sadd.s32 @!p0 s3, s7;
	s7 =	simm.s32 @!p0 $0x108  }
0x21: {  	s3 =	sadd.s32 s3, s9;
	s6 =	sadd.s32 @!p0 $0x88, s6;
	s7 =	simm.s32 @p2 $0x1082  }
0x22: {  	[simem:s7], [sflag:s8] =	dma.local @!p0 [hbm:s6], $0xF7A  }
0x23: {  	s9 =	sor.u32 $0xD0000000, s2;
	s6 =	simm.s32 $0x108;
	_ =	swait.ge @!p0 [sflag:s8], $0x0  }
0x24: {  	s3 =	sadd.s32 $0x88, s3;
	s6 =	simm.s32 @!p1 $0x1082;
	[sflag:s4] =	ssyncset.s32 $0xFFFFF086  }
0x25: {  	[simem:s6], [sflag:s4] =	dma.local [hbm:s3], $0xF7A  }
0x26: {  	[smem:$0x3FA0] =	sst s1;
	(tag) =	ssettag s2;
	_ =	strace s9  }
0x27: {  	s1 =	sld [smem:$0x3FB0]  }
0x28: {  	s2 =	sld [smem:$0x3FB1]  }
0x29: {  	s4 =	sld [smem:$0x3FB3]  }
0x2a: {  	p0 =	seq.s32 s5, $0x0;
	s5 =	sld [smem:$0x3FB4]  }
0x2b: {  	s6 =	sld [smem:$0x3FB5]  }
0x2c: {  	s7 =	sld [smem:$0x3FB6]  }
0x2d: {  	s3 =	simm.s32 $0x108;
	s8 =	sld [smem:$0x3FB7]  }
0x2e: {  	s3 =	simm.s32 @!p0 $0x1082;
	s9 =	sld [smem:$0x3FB8]  }
0x2f: {  	lr =	sadd.s32 s0, s3;
	s0 =	sld [smem:$0x3FAF]  }
0x30: {  	s3 =	sld [smem:$0x3FB2]  }
0x31: {  	[smem:$0x3FBB] =	sst s10  }
0x32: {  	s10 =	sld [smem:$0x3FB9];
	_ =	sdelay $0x3  }
0x33: {  	p0 =	seq.s32 s10, $0x1;
	s10 =	sld [smem:$0x3FBB];
	_ =	sdelay $0x3  }
0x34: {  	[smem:$0x3FBB] =	sst s10  }
0x35: {  	s10 =	sld [smem:$0x3FBA];
	_ =	sdelay $0x3  }
0x36: {  	p1 =	seq.s32 s10, $0x1;
	s10 =	sld [smem:$0x3FBB];
	_ =	sdelay $0x3  }
0x37: {  	[smem:$0x3FBB] =	sst s10  }
0x38: {  	s10 =	sld [smem:$0x3FBC]  }
0x39: {  	_ = 	snop;
	(pc) =	sbr.ind lr, $3  }
0x3a: {  	_ = 	snop  }
0x3b: {  	_ = 	snop  }
0x3c: {  	p2 =	seq.s32 s10, $0x1;
	s10 =	sld [smem:$0x3FBB]  }
0x3d: {  	_ =	shalt  }
0x3e: {  	_ =	shalt  }
0x3f: {  	_ =	shalt  }
0x40: {  	_ =	shalt  }
0x41: {  	_ =	shalt  }
0x42: {  	_ =	shalt  }
0x43: {  	_ =	shalt  }
0x44: {  	_ =	shalt  }
0x45: {  	_ =	shalt  }
0x46: {  	_ =	shalt  }
0x47: {  	_ =	shalt  }
0x48: {  	_ =	shalt  }
0x49: {  	_ =	shalt  }
0x4a: {  	_ =	shalt  }
0x4b: {  	_ =	shalt  }
0x4c: {  	_ =	shalt  }
0x4d: {  	_ =	shalt  }
0x4e: {  	_ =	shalt  }
0x4f: {  	_ =	shalt  }
0x50: {  	_ =	shalt  }
0x51: {  	_ =	shalt  }
0x52: {  	_ =	shalt  }
0x53: {  	_ =	shalt  }
0x54: {  	_ =	shalt  }
0x55: {  	_ =	shalt  }
0x56: {  	_ =	shalt  }
0x57: {  	_ =	shalt  }
0x58: {  	_ =	shalt  }
0x59: {  	_ =	shalt  }
0x5a: {  	_ =	shalt  }
0x5b: {  	_ =	shalt  }
0x5c: {  	_ =	shalt  }
0x5d: {  	_ =	shalt  }
0x5e: {  	_ =	shalt  }
0x5f: {  	_ =	shalt  }
0x60: {  	_ =	shalt  }
0x61: {  	_ =	shalt  }
0x62: {  	_ =	shalt  }
0x63: {  	_ =	shalt  }
0x64: {  	_ =	shalt  }
0x65: {  	_ =	shalt  }
0x66: {  	_ =	shalt  }
0x67: {  	_ =	shalt  }
0x68: {  	_ =	shalt  }
0x69: {  	_ =	shalt  }
0x6a: {  	_ =	shalt  }
0x6b: {  	_ =	shalt  }
0x6c: {  	_ =	shalt  }
0x6d: {  	_ =	shalt  }
0x6e: {  	_ =	shalt  }
0x6f: {  	_ =	shalt  }
0x70: {  	_ =	shalt  }
0x71: {  	_ =	shalt  }
0x72: {  	_ =	shalt  }
0x73: {  	_ =	shalt  }
0x74: {  	_ =	shalt  }
0x75: {  	_ =	shalt  }
0x76: {  	_ =	shalt  }
0x77: {  	_ =	shalt  }
0x78: {  	_ =	shalt  }
0x79: {  	_ =	shalt  }
0x7a: {  	_ =	shalt  }
0x7b: {  	_ =	shalt  }
0x7c: {  	_ =	shalt  }
0x7d: {  	_ =	shalt  }
0x7e: {  	_ =	shalt  }
0x7f: {  	_ =	shalt  }
0x80: {  	_ =	shalt  }
0x81: {  	_ =	shalt  }
0x82: {  	_ =	shalt  }
0x83: {  	_ =	shalt  }
0x84: {  	_ =	shalt  }
0x85: {  	_ =	shalt  }
0x86: {  	_ =	shalt  }
0x87: {  	_ =	shalt  }
.Lfunc_end0:
.L_simem_size_0:
called_computation.1_lowered:
.L_overlay_start_0:
0x88: {  	s2 =	sld [smem:$0x3FD9]  }
0x89: {  	s3 =	sld [smem:$0x3FFE];
	_ =	sdelay $0x1  }
0x8a: {  	s1 =	srdreg.scid  }
0x8b: {  	s0 =	sand.u32 $0x1, s1  }
0x8c: {  	s17 =	sshll.u32 s0, $0xA;
	s2 =	sadd.s32 s3, s2  }
0x8d: {  	s2 =	sadd.s32 s2, s17  }
0x8e: {  	[smem:$0x3FC7] =	sst s2  }
0x8f: {  	_ = 	snop  }
0x90: {  	s2 =	sld [smem:$0x3FD0];
	(tm) =	ssettm $0x1  }
0x91: {  	s18 =	sld [smem:$0x3FFB];
	_ =	sdelay $0x3  }
0x92: {  	_ =	strace s18  }
0x93: {  	s3 =	sld [smem:$0x3FFC];
	_ =	sdelay $0x3  }
0x94: {  	_ =	strace s3  }
0x95: {  	s3 =	sld [smem:$0x3FFD];
	_ =	sdelay $0x3  }
0x96: {  	_ =	strace s3  }
0x97: {  	_ =	strace $0x8FFFFFFF  }
0x98: {  	s19 =	sld [smem:$0x3FDB];
	_ =	sdelay $0x1  }
0x99: {  	s4 =	simm.s32 $_scs_section_size  }
0x9a: {  	s5 =	simm.s32 $_size__tile_overlayer_lowered;
	s6 =	simm.s32 $_tile_overlayer_lowered  }
0x9b: {  	s22 =	simm.s32 $0x1BFF;
	s21 =	sshll.u32 s6, $0x1;
	s3 =	sadd.s32 s4, s19  }
0x9c: {  	s7 =	simm.s32 $0x0;
	s20 =	sshll.u32 s5, $0x1;
	s5 =	sadd.s32 s21, s3  }
0x9d: {  	[timem:s7], [sflag:s22] =	dma.local [hbm:s5], s20  }
0x9e: {  	_ =	swait.ge [sflag:s22], s20  }
0x9f: {  	s4 =	ssub.s32 $0x0, s20;
	[sflag:s22] =	ssyncset.done $0x0  }
0xa0: {  	[sflag:s22] =	ssyncadd.s32 s4;
	_ =	sdelay $0x1  }
0xa1: {  	s23 =	simm.s32 $0x1B8B  }
0xa2: {  	_ =	swait.ge [sflag:s23], $0x1  }
0xa3: {  	[sflag:s23] =	ssyncset.done $0x0  }
0xa4: {  	s25 =	simm.s32 $0x1B8E;
	s24 =	sld [smem:$0x3FFE];
	[sflag:s23] =	ssyncadd.s32 $0xFFFFFFFF  }
0xa5: {  	s26 =	simm.s32 $execute0_lowered;
	[smem:$0x3FD2] =	sst s25  }
0xa6: {  	s5 =	sshll.u32 s26, $0x1;
	_ =	strace $0x80000049;
	[dreg:$0x1] =	wrdreg $0xFFFFFFFF  }
0xa7: {  	s28 =	simm.s32 $_size_execute0_lowered;
	s3 =	sadd.s32 s3, s5;
	[dreg:$0x0] =	wrdreg $0x0  }
0xa8: {  	s5 =	sshll.u32 s28, $0x1;
	[dreg:$0x2] =	wrdreg s3  }
0xa9: {  	[dreg:$0x3] =	wrdreg s5  }
0xaa: {  	[dreg:$0x4] =	wrdreg $0xC0  }
0xab: {  	_ =	task [dreg:s7], $0x5FFFF  }
0xac: {  	[dreg:$0x1] =	wrdreg $0xFFFFFFFF  }
0xad: {  	[dreg:$0x0] =	wrdreg $0x60  }
0xae: {  	[dreg:$0x2] =	wrdreg s24  }
0xaf: {  	[dreg:$0x3] =	wrdreg s2  }
0xb0: {  	[dreg:$0x4] =	wrdreg $0x9  }
0xb1: {  	_ =	task.clear_ibuf [dreg:s7], $0x5FFFF;
	_ =	strace $0x90000049  }
0xb2: {  	s29 =	simm.s32 $0x9;
	_ =	strace $0x8000004B  }
0xb3: {  	_ =	swait.ge [sflag:s29], $0x1  }
0xb4: {  	[sflag:s29] =	ssyncadd.s32 $0xFFFFFFFF  }
0xb5: {  	_ =	strace $0x9000004B  }
0xb6: {  	_ =	sfence  }
0xb7: {  	s30 =	sld [smem:$0x0];
	_ =	sdelay $0x2  }
0xb8: {  	s31 =	sshll.u32 s1, $0xD;
	s1 =	sshrl.u32 s1, $0x2  }
0xb9: {  	s3 =	sand.u32 $0x4000, s31;
	s1 =	sadd.s32 s1, s30  }
0xba: {  	s0 =	sor.u32 s3, s0;
	s1 =	sshll.u32 s1, $0x11  }
0xbb: {  	s0 =	sor.u32 s1, s0  }
0xbc: {  	s0 =	sadd.s32 $0x8F2B, s0  }
0xbd: {  	[sflag:s0] =	ssyncadd.remote.s32 $0x1  }
0xbe: {  	_ =	sfence.sel $0xFFFF  }
0xbf: {  	[dreg:$0x0] =	wrdreg $0xFFFFFFFF;
	(pc) =	sbr.abs _section_cstart, $3  }
0xc0: {  	[dreg:$0x1] =	wrdreg $0xFFFFFFFF  }
0xc1: {  	_ =	task.clear_ibuf [dreg:s7], $0x2FFFF;
	_ =	strace $0x9FFFFFFF  }
0xc2: {  	(tm) =	ssettm $0x7FFFFFFF  }
0xc3: {  	_ =	shalt  }
tec
execute0_lowered:
.L_overlay_start_1:
0x0: {  	(tag) =	ssettag $0x1  }
0x1: {  	s5 =	rddreg [dreg:$0x0]  }
0x2: {  	s10 =	rddreg [dreg:$0x1]  }
0x3: {  	s0 =	rddreg [dreg:$0x2];
	s2 =	simm.s32 $0x0  }
0x4: {  	s3 =	srdreg.scid;
	[smem:$0x7FF] =	sst s2  }
0x5: {  	s1 =	stileid.u32;
	v0 =	vimm.f32 $2.000000000e+00;
	s14 =	simm.s32 $0x18000;
	_ =	strace $0x8000004A  }
0x6: {  	s8 =	sand.u32 $0x1, s3;
	s29 =	sshll.u32 s1, $0x1;
	s13 =	smul.u32 $0x5000, s1;
	(erf) = vrcp.f32 v0  }
0x7: {  	s15 =	simm.s32 $0x19400;
	s3 =	sor.u32 s8, s29;
	s31 =	smul.u32 $0x2800, s8  }
0x8: {  	s16 =	simm.s32 $0x1D000;
	s17 =	simm.s32 $0x1F400;
	s4 =	smul.u32 $0x780, s3  }
0x9: {  	s18 =	simm.s32 $0x0;
	s9 =	ssub.s32 $0x2, s8;
	s6 =	smul.u32 $0x280, s3  }
0xa: {  	s7 =	smul.u32 $0x480, s3;
	s30 =	sshrl.u32 s9, $0x1;
	s3 =	sadd.s32 $0xC00, s5  }
0xb: {  	s10 =	sadd.s32 s13, s10;
	s13 =	simm.s32 $0x10000;
	s9 =	ssub.s32 s9, s30  }
0xc: {  	s10 =	sadd.s32 s31, s10;
	s11 =	sadd.s32 s4, s5;
	s6 =	sadd.s32 s6, s5  }
0xd: {  	s12 =	sadd.s32 s7, s5;
	s4 =	sadd.s32 $0x1C00, s5;
	s5 =	sadd.s32 $0x2C00, s5  }
0xe: {  	v4 =	vlaneseq.u32;
	v2 =	vimm.s32 $0x0;
	s9 =	smax.u32 s9, $0x1;
	s6 =	sadd.s32 $0x3C00, s6;
	s7 =	sadd.s32 $0x8C00, s11  }
0xf: {  	v3 =	vimm.f32 $1.000000000e+00;
	v4 =	vmul.u32 $0x50, v4;
	v0 =	vimm.f32 $0.0e+00;
	s8 =	sadd.s32 $0x17C00, s12;
	s11 =	simm.s32 $0x1;
	s12 =	simm.s32 $0x8000;
	v1 =	vpop (erf)  }
.LBB2_1:
0x10: {  	[tilespmem:s2], [sflag:$0x1] =	stream.linear.gather [hbm4b:s3+s2], $0x8000, $0x38;
	[tilespmem:$0x1F900] =	vst v63  }
0x11: {  	_ =	swait.ge [sflag:s11], $0x8000  }
0x12: {  	[sflag:s11] =	ssyncset.done $0x0  }
0x13: {  	[sflag:s11] =	ssyncadd.s32 $0xFFFF8000  }
0x14: {  	[tilespmem:s12], [sflag:$0x1] =	stream.linear.gather [hbm4b:s4+s2], $0x8000, $0x38;
	[tilespmem:$0x1F900] =	vst v63  }
0x15: {  	_ =	swait.ge [sflag:s11], $0x8000  }
0x16: {  	[sflag:s11] =	ssyncset.done $0x0  }
0x17: {  	[sflag:s11] =	ssyncadd.s32 $0xFFFF8000  }
0x18: {  	[tilespmem:s13], [sflag:$0x1] =	stream.linear.gather [hbm4b:s5+s2], $0x8000, $0x38;
	[tilespmem:$0x1F900] =	vst v63  }
0x19: {  	_ =	swait.ge [sflag:s11], $0x8000  }
0x1a: {  	[sflag:s11] =	ssyncset.done $0x0  }
0x1b: {  	[sflag:s11] =	ssyncadd.s32 $0xFFFF8000  }
0x1c: {  	[tilespmem:s14], [sflag:$0x1] =	stream.linear.gather [hbm4b:s6+s2], $0x1400, $0x38;
	[tilespmem:$0x1F900] =	vst v63  }
0x1d: {  	_ =	swait.ge [sflag:s11], $0x1400  }
0x1e: {  	[sflag:s11] =	ssyncset.done $0x0  }
0x1f: {  	[sflag:s11] =	ssyncadd.s32 $0xFFFFEC00  }
0x20: {  	[tilespmem:s15], [sflag:$0x1] =	stream.linear.gather [hbm4b:s7+s2], $0x3C00, $0x38;
	[tilespmem:$0x1F900] =	vst v63  }
0x21: {  	_ =	swait.ge [sflag:s11], $0x3C00  }
0x22: {  	[sflag:s11] =	ssyncset.done $0x0  }
0x23: {  	[sflag:s11] =	ssyncadd.s32 $0xFFFFC400  }
0x24: {  	[tilespmem:s16], [sflag:$0x1] =	stream.linear.gather [hbm4b:s8+s2], $0x2400, $0x38;
	[tilespmem:$0x1F900] =	vst v63  }
0x25: {  	s19 =	simm.s32 $0x1E000;
	_ =	swait.ge [sflag:s11], $0x2400  }
0x26: {  	s20 =	simm.s32 $0x1A400;
	s21 =	simm.s32 $0x18800;
	[sflag:s11] =	ssyncset.done $0x0  }
0x27: {  	s22 =	smov.u32 s10;
	s23 =	simm.s32 $0x0;
	[sflag:s11] =	ssyncadd.s32 $0xFFFFDC00  }
.LBB2_2:
0x28: {  	[tilespmem:$0x1F400] =	vst v0  }
0x29: {  	[tilespmem:$0x1F410] =	vst v0  }
0x2a: {  	[tilespmem:$0x1F420] =	vst v0  }
0x2b: {  	[tilespmem:$0x1F430] =	vst v0  }
0x2c: {  	[tilespmem:$0x1F440] =	vst v0  }
0x2d: {  	[tilespmem:$0x1F450] =	vst v0  }
0x2e: {  	[tilespmem:$0x1F460] =	vst v0  }
0x2f: {  	[tilespmem:$0x1F470] =	vst v0  }
0x30: {  	[tilespmem:$0x1F480] =	vst v0  }
0x31: {  	[tilespmem:$0x1F490] =	vst v0  }
0x32: {  	[tilespmem:$0x1F4A0] =	vst v0  }
0x33: {  	[tilespmem:$0x1F4B0] =	vst v0  }
0x34: {  	[tilespmem:$0x1F4C0] =	vst v0  }
0x35: {  	[tilespmem:$0x1F4D0] =	vst v0  }
0x36: {  	[tilespmem:$0x1F4E0] =	vst v0  }
0x37: {  	[tilespmem:$0x1F4F0] =	vst v0  }
0x38: {  	[tilespmem:$0x1F500] =	vst v0  }
0x39: {  	[tilespmem:$0x1F510] =	vst v0  }
0x3a: {  	[tilespmem:$0x1F520] =	vst v0  }
0x3b: {  	[tilespmem:$0x1F530] =	vst v0  }
0x3c: {  	[tilespmem:$0x1F540] =	vst v0  }
0x3d: {  	[tilespmem:$0x1F550] =	vst v0  }
0x3e: {  	[tilespmem:$0x1F560] =	vst v0  }
0x3f: {  	[tilespmem:$0x1F570] =	vst v0  }
0x40: {  	[tilespmem:$0x1F580] =	vst v0  }
0x41: {  	[tilespmem:$0x1F590] =	vst v0  }
0x42: {  	[tilespmem:$0x1F5A0] =	vst v0  }
0x43: {  	[tilespmem:$0x1F5B0] =	vst v0  }
0x44: {  	[tilespmem:$0x1F5C0] =	vst v0  }
0x45: {  	[tilespmem:$0x1F5D0] =	vst v0  }
0x46: {  	[tilespmem:$0x1F5E0] =	vst v0  }
0x47: {  	[tilespmem:$0x1F5F0] =	vst v0  }
0x48: {  	[tilespmem:$0x1F600] =	vst v0  }
0x49: {  	[tilespmem:$0x1F610] =	vst v0  }
0x4a: {  	[tilespmem:$0x1F620] =	vst v0  }
0x4b: {  	[tilespmem:$0x1F630] =	vst v0  }
0x4c: {  	[tilespmem:$0x1F640] =	vst v0  }
0x4d: {  	[tilespmem:$0x1F650] =	vst v0  }
0x4e: {  	[tilespmem:$0x1F660] =	vst v0  }
0x4f: {  	[tilespmem:$0x1F670] =	vst v0  }
0x50: {  	[tilespmem:$0x1F680] =	vst v0  }
0x51: {  	[tilespmem:$0x1F690] =	vst v0  }
0x52: {  	[tilespmem:$0x1F6A0] =	vst v0  }
0x53: {  	[tilespmem:$0x1F6B0] =	vst v0  }
0x54: {  	[tilespmem:$0x1F6C0] =	vst v0  }
0x55: {  	[tilespmem:$0x1F6D0] =	vst v0  }
0x56: {  	[tilespmem:$0x1F6E0] =	vst v0  }
0x57: {  	[tilespmem:$0x1F6F0] =	vst v0  }
0x58: {  	[tilespmem:$0x1F700] =	vst v0  }
0x59: {  	[tilespmem:$0x1F710] =	vst v0  }
0x5a: {  	[tilespmem:$0x1F720] =	vst v0  }
0x5b: {  	[tilespmem:$0x1F730] =	vst v0  }
0x5c: {  	[tilespmem:$0x1F740] =	vst v0  }
0x5d: {  	[tilespmem:$0x1F750] =	vst v0  }
0x5e: {  	[tilespmem:$0x1F760] =	vst v0  }
0x5f: {  	[tilespmem:$0x1F770] =	vst v0  }
0x60: {  	[tilespmem:$0x1F780] =	vst v0  }
0x61: {  	[tilespmem:$0x1F790] =	vst v0  }
0x62: {  	[tilespmem:$0x1F7A0] =	vst v0  }
0x63: {  	[tilespmem:$0x1F7B0] =	vst v0  }
0x64: {  	[tilespmem:$0x1F7C0] =	vst v0  }
0x65: {  	[tilespmem:$0x1F7D0] =	vst v0  }
0x66: {  	[tilespmem:$0x1F7E0] =	vst v0  }
0x67: {  	[tilespmem:$0x1F7F0] =	vst v0  }
0x68: {  	[tilespmem:$0x1F800] =	vst v0  }
0x69: {  	[tilespmem:$0x1F810] =	vst v0  }
0x6a: {  	[tilespmem:$0x1F820] =	vst v0  }
0x6b: {  	[tilespmem:$0x1F830] =	vst v0  }
0x6c: {  	[tilespmem:$0x1F840] =	vst v0  }
0x6d: {  	[tilespmem:$0x1F850] =	vst v0  }
0x6e: {  	[tilespmem:$0x1F860] =	vst v0  }
0x6f: {  	[tilespmem:$0x1F870] =	vst v0  }
0x70: {  	[tilespmem:$0x1F880] =	vst v0  }
0x71: {  	[tilespmem:$0x1F890] =	vst v0  }
0x72: {  	[tilespmem:$0x1F8A0] =	vst v0  }
0x73: {  	[tilespmem:$0x1F8B0] =	vst v0  }
0x74: {  	[tilespmem:$0x1F8C0] =	vst v0  }
0x75: {  	[tilespmem:$0x1F8D0] =	vst v0  }
0x76: {  	[tilespmem:$0x1F8E0] =	vst v0  }
0x77: {  	[tilespmem:$0x1F8F0] =	vst v0  }
0x78: {  	v5 =	vld [tilespmem:s19+$0xFFFFF000]  }
0x79: {  	v6 =	vld [tilespmem:s19+$0xFFFFF400]  }
0x7a: {  	v10 =	vld [tilespmem:s19+$0xFFFFF800]  }
0x7b: {  	v7 =	vld [tilespmem:s19+$0xFFFFFC00]  }
0x7c: {  	v11 =	vld [tilespmem:s19+$0x0]  }
0x7d: {  	v13 =	vld [tilespmem:s19+$0x400]  }
0x7e: {  	v14 =	vld [tilespmem:s19+$0xC00]  }
0x7f: {  	v48 =	vld [tilespmem:s19+$0x1000]  }
0x80: {  	v18 =	vld [tilespmem:s20+$0xFFFFF000]  }
0x81: {  	v21 =	vld [tilespmem:s20+$0xFFFFF400]  }
0x82: {  	v52 =	vld [tilespmem:s20+$0xFFFFF800];
	_ =	sdelay $0x1  }
0x83: {  	v8 =	vshrl.u32 v5, $0x10;
	v9 =	vshrl.u32 v6, $0x10  }
0x84: {  	v12 =	vshrl.u32 v10, $0x10;
	v15 =	vshrl.u32 v7, $0x10;
	v17 =	vshrl.u32 v11, $0x10  }
0x85: {  	v49 =	vshrl.u32 v13, $0x10;
	v20 =	vshrl.u32 v14, $0x10;
	v23 =	vshrl.u32 v48, $0x10  }
0x86: {  	v16 =	vld [tilespmem:s21+$0xFFFFF800];
	v24 =	vshrl.u32 v18, $0x10;
	v25 =	vshrl.u32 v21, $0x10;
	v56 =	vshrl.u32 v52, $0x10  }
0x87: {  	v8 =	vand.u32 $0x1, v8;
	v9 =	vand.u32 $0x1, v9;
	v12 =	vand.u32 $0x1, v12  }
0x88: {  	v46 =	vand.u32 $0x1, v15;
	v47 =	vand.u32 $0x1, v17;
	v15 =	vand.u32 $0x1, v49  }
0x89: {  	v51 =	vand.u32 $0x1, v20;
	v23 =	vand.u32 $0x1, v23;
	v54 =	vand.u32 $0x1, v24  }
0x8a: {  	v55 =	vand.u32 $0x1, v25;
	v8 =	vadd.s32 v8, v5;
	v6 =	vadd.s32 v9, v6  }
0x8b: {  	v10 =	vadd.s32 v12, v10;
	v12 =	vadd.s32 v46, v7;
	v11 =	vadd.s32 v47, v11  }
0x8c: {  	v13 =	vadd.s32 v15, v13;
	v14 =	vadd.s32 v51, v14;
	v17 =	vadd.s32 v23, v48  }
0x8d: {  	v9 =	vld [tilespmem:s19+$0x800];
	v18 =	vadd.s32 v54, v18;
	v21 =	vadd.s32 v55, v21;
	v23 =	vand.u32 $0x1, v56  }
0x8e: {  	v8 =	vadd.s32 $0x7FFF, v8;
	v6 =	vadd.s32 $0x7FFF, v6;
	v10 =	vadd.s32 $0x7FFF, v10;
	v53 =	vld.idx.msk [tilespmem:v16+s2+$0x0], $0xffff  }
0x8f: {  	v12 =	vadd.s32 $0x7FFF, v12;
	v11 =	vadd.s32 $0x7FFF, v11;
	v13 =	vadd.s32 $0x7FFF, v13;
	v22 =	vld.idx.msk [tilespmem:v16+s12+$0x0], $0xffff  }
0x90: {  	v14 =	vadd.s32 $0x7FFF, v14;
	v17 =	vadd.s32 $0x7FFF, v17;
	v18 =	vadd.s32 $0x7FFF, v18  }
0x91: {  	v16 =	vld.idx.msk [tilespmem:v16+s13+$0x0], $0xffff;
	v21 =	vadd.s32 $0x7FFF, v21;
	v20 =	vadd.s32 v23, v52;
	v8 =	vand.u32 $0xFFFF0000, v8  }
0x92: {  	v6 =	vand.u32 $0xFFFF0000, v6;
	v10 =	vand.u32 $0xFFFF0000, v10;
	v12 =	vand.u32 $0xFFFF0000, v12  }
0x93: {  	v11 =	vand.u32 $0xFFFF0000, v11;
	v13 =	vand.u32 $0xFFFF0000, v13;
	v19 =	vshrl.u32 v9, $0x10  }
0x94: {  	v50 =	vand.u32 $0x1, v19;
	v19 =	vmul.f32 v53, v5;
	v22 =	vmul.f32 v22, v7  }
0x95: {  	v14 =	vand.u32 $0xFFFF0000, v14;
	v18 =	vand.u32 $0xFFFF0000, v18;
	v21 =	vand.u32 $0xFFFF0000, v21  }
0x96: {  	v20 =	vadd.s32 $0x7FFF, v20;
	v16 =	vmul.f32 v16, v9;
	v19 =	vadd.f32 v22, v19  }
0x97: {  	v20 =	vand.u32 $0xFFFF0000, v20;
	v57 =	vmul.f32 v18, v8;
	v58 =	vmul.f32 v21, v12  }
0x98: {  	v60 =	vmul.f32 v18, v6;
	v61 =	vmul.f32 v21, v11;
	v19 =	vadd.f32 v16, v19  }
0x99: {  	v18 =	vmul.f32 v18, v10;
	v21 =	vmul.f32 v21, v13;
	v15 =	vadd.s32 v50, v9  }
0x9a: {  	v63 =	vmul.f32 v20, v14;
	v15 =	vadd.s32 $0x7FFF, v15;
	v19 =	vadd.f32 $1.000000000e+00, v19  }
0x9b: {  	v62 =	vadd.f32 v61, v60;
	v15 =	vand.u32 $0xFFFF0000, v15;
	v16 =	vand.u32 $0xFFFF0000, v17  }
0x9c: {  	v59 =	vmul.f32 v20, v15;
	v17 =	vadd.f32 v58, v57;
	v19 =	vmul.f32 $1.000000000e+01, v19  }
0x9d: {  	v18 =	vadd.f32 v21, v18;
	v27 =	vadd.f32 v63, v62;
	v20 =	vmul.f32 v20, v16  }
0x9e: {  	v17 =	vadd.f32 v59, v17;
	v19 =	vmul.f32 v19, v1  }
0x9f: {  	vm9 =	vge.f32 v27, $0.0e+00;
	v18 =	vadd.f32 v20, v18  }
0xa0: {  	v28 =	vsel vm9, $0x2, v2;
	vm0 =	vge.f32 v17, $0.0e+00;
	v19 =	vtrunc.f32 v19  }
0xa1: {  	v17 =	vsel vm0, $0x4, v2;
	vm10 =	vge.f32 v18, $0.0e+00;
	v29 =	vcvt.f32.s32 v19  }
0xa2: {  	v30 =	vsel vm10, $0x1, v2;
	v17 =	vor.u32 v28, v17  }
0xa3: {  	v17 =	vor.u32 v30, v17;
	vm11 =	vgt.s32 v29, $0x0  }
0xa4: {  	v17 =	vmul.u32 $0xA, v17;
	v18 =	vnsel vm11, $0x0, v29  }
0xa5: {  	v18 =	vmin.u32 v18, $0x9  }
0xa6: {  	v17 =	vadd.s32 v18, v17  }
0xa7: {  	v17 =	vadd.s32 v4, v17;
	_ =	sdelay $0x4  }
0xa8: {  	[tilespmem:v17+s17+$0x0] =	vst.idx.add.f32.msk $0xffff, v3  }
0xa9: {  	v17 =	vld [tilespmem:s21+$0xFFFFFC00];
	_ =	sdelay $0x4  }
0xaa: {  	v31 =	vld [tilespmem:s20+$0xFFFFFC00]  }
0xab: {  	v32 =	vld [tilespmem:s20+$0x0]  }
0xac: {  	v33 =	vld [tilespmem:s20+$0x400]  }
0xad: {  	v34 =	vld.idx.msk [tilespmem:v17+s2+$0x0], $0xffff  }
0xae: {  	v35 =	vld.idx.msk [tilespmem:v17+s12+$0x0], $0xffff;
	_ =	sdelay $0x1  }
0xaf: {  	v36 =	vshrl.u32 v31, $0x10;
	v37 =	vshrl.u32 v32, $0x10;
	v17 =	vld.idx.msk [tilespmem:v17+s13+$0x0], $0xffff  }
0xb0: {  	v23 =	vand.u32 $0x1, v36;
	v24 =	vand.u32 $0x1, v37  }
0xb1: {  	v38 =	vshrl.u32 v33, $0x10;
	v18 =	vadd.s32 v23, v31;
	v19 =	vadd.s32 v24, v32  }
0xb2: {  	v23 =	vand.u32 $0x1, v38;
	v21 =	vmul.f32 v34, v5;
	v22 =	vmul.f32 v35, v7  }
0xb3: {  	v18 =	vadd.s32 $0x7FFF, v18;
	v19 =	vadd.s32 $0x7FFF, v19;
	v20 =	vadd.s32 v23, v33  }
0xb4: {  	v18 =	vand.u32 $0xFFFF0000, v18;
	v17 =	vmul.f32 v17, v9;
	v21 =	vadd.f32 v22, v21  }
0xb5: {  	v19 =	vand.u32 $0xFFFF0000, v19;
	v20 =	vadd.s32 $0x7FFF, v20;
	v39 =	vmul.f32 v18, v8  }
0xb6: {  	v40 =	vmul.f32 v19, v12;
	v42 =	vmul.f32 v18, v6;
	v17 =	vadd.f32 v17, v21  }
0xb7: {  	v20 =	vand.u32 $0xFFFF0000, v20;
	v43 =	vmul.f32 v19, v11;
	v18 =	vmul.f32 v18, v10  }
0xb8: {  	v19 =	vmul.f32 v19, v13;
	v41 =	vmul.f32 v20, v15;
	v17 =	vadd.f32 $1.000000000e+00, v17  }
0xb9: {  	v45 =	vmul.f32 v20, v14;
	v46 =	vmul.f32 v20, v16;
	v44 =	vadd.f32 v43, v42  }
0xba: {  	v18 =	vadd.f32 v19, v18;
	v21 =	vadd.f32 v40, v39;
	v17 =	vmul.f32 $1.000000000e+01, v17  }
0xbb: {  	v47 =	vadd.f32 v45, v44  }
0xbc: {  	v18 =	vadd.f32 v46, v18;
	v21 =	vadd.f32 v41, v21;
	v17 =	vmul.f32 v17, v1  }
0xbd: {  	vm13 =	vge.f32 v47, $0.0e+00  }
0xbe: {  	vm14 =	vge.f32 v18, $0.0e+00;
	vm12 =	vge.f32 v21, $0.0e+00;
	v17 =	vtrunc.f32 v17  }
0xbf: {  	v20 =	vsel vm13, $0x2, v2;
	v48 =	vsel vm12, $0x4, v2;
	v17 =	vcvt.f32.s32 v17  }
0xc0: {  	v18 =	vsel vm14, $0x1, v2;
	v19 =	vor.u32 v20, v48  }
0xc1: {  	v18 =	vor.u32 v18, v19;
	vm15 =	vgt.s32 v17, $0x0  }
0xc2: {  	v18 =	vmul.u32 $0xA, v18;
	v17 =	vnsel vm15, $0x0, v17  }
0xc3: {  	v17 =	vmin.u32 v17, $0x9  }
0xc4: {  	v17 =	vadd.s32 v17, v18  }
0xc5: {  	v17 =	vadd.s32 v4, v17;
	_ =	sdelay $0x4  }
0xc6: {  	[tilespmem:v17+s17+$0x0] =	vst.idx.add.f32.msk $0xffff, v3  }
0xc7: {  	v17 =	vld [tilespmem:s21+$0x0];
	_ =	sdelay $0x4  }
0xc8: {  	v49 =	vld [tilespmem:s20+$0x800]  }
0xc9: {  	v50 =	vld [tilespmem:s20+$0xC00]  }
0xca: {  	v51 =	vld [tilespmem:s20+$0x1000]  }
0xcb: {  	v52 =	vld.idx.msk [tilespmem:v17+s2+$0x0], $0xffff  }
0xcc: {  	v53 =	vld.idx.msk [tilespmem:v17+s12+$0x0], $0xffff;
	_ =	sdelay $0x1  }
0xcd: {  	v54 =	vshrl.u32 v49, $0x10;
	v55 =	vshrl.u32 v50, $0x10;
	v17 =	vld.idx.msk [tilespmem:v17+s13+$0x0], $0xffff  }
0xce: {  	v23 =	vand.u32 $0x1, v54;
	v24 =	vand.u32 $0x1, v55  }
0xcf: {  	v56 =	vshrl.u32 v51, $0x10;
	v18 =	vadd.s32 v23, v49;
	v19 =	vadd.s32 v24, v50  }
0xd0: {  	v23 =	vand.u32 $0x1, v56;
	v21 =	vmul.f32 v52, v5;
	v22 =	vmul.f32 v53, v7  }
0xd1: {  	v18 =	vadd.s32 $0x7FFF, v18;
	v19 =	vadd.s32 $0x7FFF, v19;
	v20 =	vadd.s32 v23, v51  }
0xd2: {  	v18 =	vand.u32 $0xFFFF0000, v18;
	v17 =	vmul.f32 v17, v9;
	v21 =	vadd.f32 v22, v21  }
0xd3: {  	v19 =	vand.u32 $0xFFFF0000, v19;
	v20 =	vadd.s32 $0x7FFF, v20;
	v57 =	vmul.f32 v18, v8  }
0xd4: {  	v58 =	vmul.f32 v19, v12;
	v60 =	vmul.f32 v18, v6;
	v17 =	vadd.f32 v17, v21  }
0xd5: {  	v20 =	vand.u32 $0xFFFF0000, v20;
	v61 =	vmul.f32 v19, v11;
	v18 =	vmul.f32 v18, v10  }
0xd6: {  	v19 =	vmul.f32 v19, v13;
	v59 =	vmul.f32 v20, v15;
	v17 =	vadd.f32 $1.000000000e+00, v17  }
0xd7: {  	v63 =	vmul.f32 v20, v14;
	v26 =	vmul.f32 v20, v16;
	v62 =	vadd.f32 v61, v60  }
0xd8: {  	v18 =	vadd.f32 v19, v18;
	v21 =	vadd.f32 v58, v57;
	v17 =	vmul.f32 $1.000000000e+01, v17  }
0xd9: {  	v27 =	vadd.f32 v63, v62  }
0xda: {  	v18 =	vadd.f32 v26, v18;
	v21 =	vadd.f32 v59, v21;
	v17 =	vmul.f32 v17, v1  }
0xdb: {  	vm5 =	vge.f32 v27, $0.0e+00  }
0xdc: {  	vm6 =	vge.f32 v18, $0.0e+00;
	vm4 =	vge.f32 v21, $0.0e+00;
	v17 =	vtrunc.f32 v17  }
0xdd: {  	v20 =	vsel vm5, $0x2, v2;
	v28 =	vsel vm4, $0x4, v2;
	v17 =	vcvt.f32.s32 v17  }
0xde: {  	v18 =	vsel vm6, $0x1, v2;
	v19 =	vor.u32 v20, v28  }
0xdf: {  	v18 =	vor.u32 v18, v19;
	vm7 =	vgt.s32 v17, $0x0  }
0xe0: {  	v18 =	vmul.u32 $0xA, v18;
	v17 =	vnsel vm7, $0x0, v17  }
0xe1: {  	v17 =	vmin.u32 v17, $0x9  }
0xe2: {  	v17 =	vadd.s32 v17, v18  }
0xe3: {  	v17 =	vadd.s32 v4, v17;
	_ =	sdelay $0x4  }
0xe4: {  	[tilespmem:v17+s17+$0x0] =	vst.idx.add.f32.msk $0xffff, v3  }
0xe5: {  	v17 =	vld [tilespmem:s21+$0x400];
	_ =	sdelay $0x3  }
0xe6: {  	s24 =	sand.u32 $0x3F0, s23  }
0xe7: {  	v29 =	vld [tilespmem:s24+$0x1B800]  }
0xe8: {  	v30 =	vld [tilespmem:s24+$0x1BC00]  }
0xe9: {  	v31 =	vld [tilespmem:s24+$0x1C000]  }
0xea: {  	v32 =	vld.idx.msk [tilespmem:v17+s2+$0x0], $0xffff  }
0xeb: {  	v33 =	vld.idx.msk [tilespmem:v17+s12+$0x0], $0xffff;
	_ =	sdelay $0x1  }
0xec: {  	v34 =	vshrl.u32 v29, $0x10;
	v35 =	vshrl.u32 v30, $0x10;
	v17 =	vld.idx.msk [tilespmem:v17+s13+$0x0], $0xffff  }
0xed: {  	v23 =	vand.u32 $0x1, v34;
	v24 =	vand.u32 $0x1, v35  }
0xee: {  	v36 =	vshrl.u32 v31, $0x10;
	v18 =	vadd.s32 v23, v29;
	v19 =	vadd.s32 v24, v30  }
0xef: {  	v23 =	vand.u32 $0x1, v36;
	v21 =	vmul.f32 v32, v5;
	v22 =	vmul.f32 v33, v7  }
0xf0: {  	v18 =	vadd.s32 $0x7FFF, v18;
	v19 =	vadd.s32 $0x7FFF, v19;
	v20 =	vadd.s32 v23, v31  }
0xf1: {  	v18 =	vand.u32 $0xFFFF0000, v18;
	v17 =	vmul.f32 v17, v9;
	v21 =	vadd.f32 v22, v21  }
0xf2: {  	v19 =	vand.u32 $0xFFFF0000, v19;
	v20 =	vadd.s32 $0x7FFF, v20;
	v37 =	vmul.f32 v18, v8  }
0xf3: {  	v38 =	vmul.f32 v19, v12;
	v40 =	vmul.f32 v18, v6;
	v17 =	vadd.f32 v17, v21  }
0xf4: {  	v20 =	vand.u32 $0xFFFF0000, v20;
	v41 =	vmul.f32 v19, v11;
	v18 =	vmul.f32 v18, v10  }
0xf5: {  	v19 =	vmul.f32 v19, v13;
	v39 =	vmul.f32 v20, v15;
	v17 =	vadd.f32 $1.000000000e+00, v17  }
0xf6: {  	v43 =	vmul.f32 v20, v14;
	v44 =	vmul.f32 v20, v16;
	v42 =	vadd.f32 v41, v40  }
0xf7: {  	v18 =	vadd.f32 v19, v18;
	v21 =	vadd.f32 v38, v37;
	v17 =	vmul.f32 $1.000000000e+01, v17  }
0xf8: {  	v45 =	vadd.f32 v43, v42  }
0xf9: {  	v18 =	vadd.f32 v44, v18;
	v21 =	vadd.f32 v39, v21;
	v17 =	vmul.f32 v17, v1  }
0xfa: {  	vm9 =	vge.f32 v45, $0.0e+00  }
0xfb: {  	vm10 =	vge.f32 v18, $0.0e+00;
	vm8 =	vge.f32 v21, $0.0e+00;
	v17 =	vtrunc.f32 v17  }
0xfc: {  	v20 =	vsel vm9, $0x2, v2;
	v46 =	vsel vm8, $0x4, v2;
	v17 =	vcvt.f32.s32 v17  }
0xfd: {  	v18 =	vsel vm10, $0x1, v2;
	v19 =	vor.u32 v20, v46  }
0xfe: {  	v18 =	vor.u32 v18, v19;
	vm11 =	vgt.s32 v17, $0x0  }
0xff: {  	v18 =	vmul.u32 $0xA, v18;
	v17 =	vnsel vm11, $0x0, v17  }
0x100: {  	v17 =	vmin.u32 v17, $0x9  }
0x101: {  	v17 =	vadd.s32 v17, v18  }
0x102: {  	v17 =	vadd.s32 v4, v17;
	_ =	sdelay $0x4  }
0x103: {  	[tilespmem:v17+s17+$0x0] =	vst.idx.add.f32.msk $0xffff, v3  }
0x104: {  	v17 =	vld [tilespmem:s21+$0x800];
	_ =	sdelay $0x4  }
0x105: {  	v47 =	vld [tilespmem:s24+$0x1C400]  }
0x106: {  	v48 =	vld [tilespmem:s24+$0x1C800]  }
0x107: {  	v49 =	vld [tilespmem:s24+$0x1CC00]  }
0x108: {  	v50 =	vld.idx.msk [tilespmem:v17+s2+$0x0], $0xffff  }
0x109: {  	v51 =	vld.idx.msk [tilespmem:v17+s12+$0x0], $0xffff;
	_ =	sdelay $0x1  }
0x10a: {  	v17 =	vld.idx.msk [tilespmem:v17+s13+$0x0], $0xffff  }
0x10b: {  	v52 =	vshrl.u32 v47, $0x10;
	v53 =	vshrl.u32 v48, $0x10  }
0x10c: {  	v54 =	vshrl.u32 v49, $0x10;
	v23 =	vand.u32 $0x1, v52;
	v24 =	vand.u32 $0x1, v53  }
0x10d: {  	v55 =	vand.u32 $0x1, v54;
	v5 =	vmul.f32 v50, v5;
	v7 =	vmul.f32 v51, v7  }
0x10e: {  	v18 =	vadd.s32 v23, v47;
	v19 =	vadd.s32 v24, v48;
	v20 =	vadd.s32 v55, v49  }
0x10f: {  	v18 =	vadd.s32 $0x7FFF, v18;
	v5 =	vadd.f32 v7, v5;
	v7 =	vmul.f32 v17, v9  }
0x110: {  	v19 =	vadd.s32 $0x7FFF, v19;
	v58 =	vadd.s32 $0x7FFF, v20;
	v56 =	vand.u32 $0xFFFF0000, v18  }
0x111: {  	v57 =	vand.u32 $0xFFFF0000, v19;
	v8 =	vmul.f32 v56, v8;
	v5 =	vadd.f32 v7, v5  }
0x112: {  	v18 =	vand.u32 $0xFFFF0000, v58;
	v6 =	vmul.f32 v56, v6;
	v11 =	vmul.f32 v57, v11  }
0x113: {  	v60 =	vmul.f32 v56, v10;
	v7 =	vmul.f32 v57, v12;
	v5 =	vadd.f32 $1.000000000e+00, v5  }
0x114: {  	v61 =	vmul.f32 v57, v13;
	v62 =	vmul.f32 v18, v14;
	v6 =	vadd.f32 v11, v6  }
0x115: {  	v59 =	vmul.f32 v18, v15;
	v7 =	vadd.f32 v7, v8;
	v5 =	vmul.f32 $1.000000000e+01, v5  }
0x116: {  	v63 =	vmul.f32 v18, v16;
	v6 =	vadd.f32 v62, v6;
	v8 =	vadd.f32 v61, v60  }
0x117: {  	v7 =	vadd.f32 v59, v7;
	v5 =	vmul.f32 v5, v1  }
0x118: {  	vm13 =	vge.f32 v6, $0.0e+00;
	v8 =	vadd.f32 v63, v8  }
0x119: {  	v6 =	vsel vm13, $0x2, v2;
	vm12 =	vge.f32 v7, $0.0e+00;
	v5 =	vtrunc.f32 v5  }
0x11a: {  	vm14 =	vge.f32 v8, $0.0e+00;
	v7 =	vsel vm12, $0x4, v2;
	v5 =	vcvt.f32.s32 v5  }
0x11b: {  	v8 =	vsel vm14, $0x1, v2;
	v6 =	vor.u32 v6, v7  }
0x11c: {  	v6 =	vor.u32 v8, v6;
	vm15 =	vgt.s32 v5, $0x0  }
0x11d: {  	v6 =	vmul.u32 $0xA, v6;
	v5 =	vnsel vm15, $0x0, v5  }
0x11e: {  	v5 =	vmin.u32 v5, $0x9  }
0x11f: {  	v5 =	vadd.s32 v5, v6  }
0x120: {  	v5 =	vadd.s32 v4, v5;
	_ =	sdelay $0x3  }
0x121: {  	p0 =	sne.s32 s23, $0x3F0  }
.Ltmp0:
0x122: {  	[tilespmem:v5+s17+$0x0] =	vst.idx.add.f32.msk $0xffff, v3;
	(pc) =	sbr.rel @p0 .LBB2_2-.Ltmp0, $4  }
0x123: {  	[hbm4b:s22+s2] =	stream.linear.scatter [tilespmem:s17], [sflag:$0x1], $0x500, $0x38;
	[tilespmem:$0x1F900] =	vst v63  }
0x124: {  	s23 =	sadd.s32 $0x10, s23;
	_ =	swait.ge [sflag:s11], $0x500  }
0x125: {  	s19 =	sadd.s32 $0x10, s19;
	s20 =	sadd.s32 $0x10, s20;
	[sflag:s11] =	ssyncset.done $0x0  }
0x126: {  	s21 =	sadd.s32 $0x10, s21;
	s22 =	sadd.s32 $0xA0, s22;
	[sflag:s11] =	ssyncadd.s32 $0xFFFFFB00  }
0x127: {  	s18 =	sadd.s32 $0x1, s18  }
0x128: {  	p0 =	sne.s32 s18, s9  }
.Ltmp1:
0x129: {  	_ = 	snop;
	(pc) =	sbr.rel @p0 .LBB2_1-.Ltmp1, $1  }
0x12a: {  	_ =	sdelay $0x3  }
0x12b: {  	_ =	sfence.sel $0x180000  }
0x12c: {  	[bflag:$0x0] =	sbarrier.arrive $0xFFFF  }
0x12d: {  	p0 =	sne.s32 s1, $0x0;
	_ =	strace $0x9000004A  }
0x12e: {  	s0 =	sadd.s32 @!p0 $0x100000, s0;
	[bflag:$0x2] =	sbarrier.arrive $0xFFFF  }
0x12f: {  	[sflag:s0] =	ssyncadd.tile.s32 @!p0 $0x1;
	_ =	shalt  }
.Lfunc_end2:
_tile_overlayer_lowered:
.L_overlay_start_2:
0x130: {  	(tag) =	ssettag $0x2  }
0x131: {  	s0 =	rddreg [dreg:$0x0];
	s2 =	stileid.u32  }
0x132: {  	s1 =	rddreg [dreg:$0x1];
	p0 =	sne.s32 s2, $0x0  }
0x133: {  	s3 =	rddreg [dreg:$0x2];
	[bflag:$0x3] =	sbarrier.arrive $0xFFFF;
	s2 =	simm.s32 @!p0 $0x1C01  }
0x134: {  	[timem:s3], [sflag:s2] =	dma.local @!p0 [hbm:s0], s1  }
0x135: {  	s0 =	simm.s32 @!p0 $0x1  }
0x136: {  	_ =	swait.ge @!p0 [sflag:s0], s1  }
0x137: {  	s1 =	ssub.s32 @!p0 $0x0, s1;
	[sflag:s0] =	ssyncset.done @!p0 $0x0  }
0x138: {  	[sflag:s0] =	ssyncadd.s32 @!p0 s1  }
0x139: {  	[bflag:$0x3] =	sbarrier.arrive $0xFFFF  }
0x13a: {  	_ =	shalt  }

</sc_bundles>
